<compile_context>
chip_gen: v7x
topology: tpu7x:2x2x1
jax: 0.10.2.dev20260603
libtpu: 0.0.44.dev20260713+nightly
codegen_flags: <defaults>
</compile_context>

<pallas_src>
import functools

import jax
import jax.numpy as jnp
from jax import lax
from jax.experimental import pallas as pl
from jax.experimental.pallas import tpu as pltpu
from jax.experimental.pallas import tpu_sc as plsc

_N = 10000
_E = 320000
_H = 128
_G = 256
_L = 64
_NW = 32
_EPW = _E // _NW
_C = 50
_NCH = _EPW // _C
_K = 10
_NBLK = _NCH // _K
_NB = 5
_RPT = 624
_REM = _N - 16 * _RPT


def _sc_aggregate(h, edges_r):
    mesh = plsc.VectorSubcoreMesh(core_axis_name="c", subcore_axis_name="s")

    @functools.partial(
        pl.kernel,
        mesh=mesh,
        out_type=jax.ShapeDtypeStruct((2, _N, _H), jnp.float32),
        scratch_types=[
            pltpu.VMEM((2, _K, _C), jnp.int32),
            pltpu.VMEM((2, _K, _C), jnp.int32),
            pltpu.VMEM((_NB, _C, _H), jnp.float32),
            pltpu.VMEM_SHARED((_N, _H), jnp.float32),
            pltpu.SemaphoreType.DMA,
            pltpu.SemaphoreType.DMA,
            pltpu.SemaphoreType.DMA,
            pltpu.SemaphoreType.DMA,
        ],
    )
    def agg_kernel(h_hbm, e_hbm, out_hbm, src_i, dst_i, rows, acc,
                   sem_g, sem_s, sem_i, sem_z):
        c = lax.axis_index("c")
        s = lax.axis_index("s")
        wid = s * 2 + c

        def zrow(i, carry):
            rows[0, i // 8, pl.ds((i % 8) * 16, 16)] = (
                jnp.zeros((16,), jnp.float32))
            return carry

        lax.fori_loop(0, _C * 8, zrow, 0)
        base = s * _RPT
        zq, zr = _RPT // _C, _RPT % _C
        for k in range(zq):
            pltpu.async_copy(rows.at[0], acc.at[pl.ds(base + k * _C, _C)], sem_z)
        if zr:
            pltpu.async_copy(rows.at[0, pl.ds(0, zr)],
                             acc.at[pl.ds(base + zq * _C, zr)], sem_z)

        @pl.when(s == 15)
        def _zero_rem():
            pltpu.async_copy(rows.at[0, pl.ds(0, _REM)],
                             acc.at[pl.ds(16 * _RPT, _REM)], sem_z)

        for k in range(zq):
            pltpu.make_async_copy(rows.at[0], acc.at[pl.ds(base, _C)], sem_z).wait()
        if zr:
            pltpu.make_async_copy(rows.at[0, pl.ds(0, zr)],
                                  acc.at[pl.ds(base, zr)], sem_z).wait()

        @pl.when(s == 15)
        def _zero_rem_wait():
            pltpu.make_async_copy(rows.at[0, pl.ds(0, _REM)],
                                  acc.at[pl.ds(0, _REM)], sem_z).wait()

        pltpu.sync_copy(e_hbm.at[0, wid, 0], src_i.at[0])
        pltpu.sync_copy(e_hbm.at[1, wid, 0], dst_i.at[0])
        pltpu.async_copy(e_hbm.at[0, wid, 1], src_i.at[1], sem_i)
        pltpu.async_copy(e_hbm.at[1, wid, 1], dst_i.at[1], sem_i)
        for q in range(_NB - 1):
            pltpu.async_copy(h_hbm.at[src_i.at[0, q]], rows.at[q], sem_g)

        plsc.subcore_barrier()

        def step(j, carry):
            p = j % _NB
            blk = j // _K
            pltpu.make_async_copy(h_hbm.at[src_i.at[blk % 2, j % _K]],
                                  rows.at[p], sem_g).wait()

            @pl.when(j >= 1)
            def _wait_prev_scatter():
                bj = (j - 1) // _K
                pltpu.make_async_copy(
                    rows.at[(j - 1) % _NB],
                    acc.at[dst_i.at[bj % 2, (j - 1) % _K]], sem_s).wait()

            @pl.when(jnp.logical_and(j % _K == _NB - 1,
                                     jnp.logical_and(blk >= 1,
                                                     blk + 1 < _NBLK)))
            def _prefetch_idx():
                pltpu.async_copy(e_hbm.at[0, wid, blk + 1],
                                 src_i.at[(blk + 1) % 2], sem_i)
                pltpu.async_copy(e_hbm.at[1, wid, blk + 1],
                                 dst_i.at[(blk + 1) % 2], sem_i)

            @pl.when(j + _NB - 1 < _NCH)
            def _issue_next_gather():
                jn = j + _NB - 1
                b2 = jn // _K

                @pl.when(jn % _K == 0)
                def _wait_idx():
                    pltpu.make_async_copy(e_hbm.at[0, wid, b2],
                                          src_i.at[b2 % 2], sem_i).wait()
                    pltpu.make_async_copy(e_hbm.at[1, wid, b2],
                                          dst_i.at[b2 % 2], sem_i).wait()

                pltpu.async_copy(h_hbm.at[src_i.at[b2 % 2, jn % _K]],
                                 rows.at[jn % _NB], sem_g)

            pltpu.async_copy(rows.at[p], acc.at[dst_i.at[blk % 2, j % _K]],
                             sem_s, add=True)
            return carry

        lax.fori_loop(0, _NCH, step, 0)
        pltpu.make_async_copy(
            rows.at[(_NCH - 1) % _NB],
            acc.at[dst_i.at[((_NCH - 1) // _K) % 2, (_NCH - 1) % _K]],
            sem_s).wait()

        plsc.subcore_barrier()
        sl = pl.ds(s * _RPT, _RPT)
        pltpu.sync_copy(acc.at[sl], out_hbm.at[c, sl])

        @pl.when(s == 15)
        def _copy_rem():
            rem = pl.ds(16 * _RPT, _REM)
            pltpu.sync_copy(acc.at[rem], out_hbm.at[c, rem])

    return agg_kernel(h, edges_r)


def _tc_layer(h, agg, W1, b1, W2, b2, gamma, beta):
    def body(h_ref, a_ref, w1, bb1, w2, bb2, g, be, out):
        z = h_ref[...] + a_ref[0] + a_ref[1]
        y = jnp.maximum(
            jnp.dot(z, w1[...], preferred_element_type=jnp.float32) + bb1[...], 0.0)
        y = jnp.dot(y, w2[...], preferred_element_type=jnp.float32) + bb2[...]
        mean = jnp.mean(y, axis=0, keepdims=True)
        d = y - mean
        var = jnp.mean(d * d, axis=0, keepdims=True)
        out[...] = jnp.maximum(
            d * lax.rsqrt(var + 1e-5) * g[...] + be[...], 0.0)

    return pl.pallas_call(
        body,
        out_shape=jax.ShapeDtypeStruct((_N, _H), jnp.float32),
    )(h, agg, W1, b1.reshape(1, _H), W2, b2.reshape(1, _H),
      gamma.reshape(1, _H), beta.reshape(1, _H))


def _tc_final(h, agg, W1, b1, W2, b2, gamma, beta, batch2d, W_mu, b_mu, W_lv, b_lv):
    def body(h_ref, a_ref, w1, bb1, w2, bb2, g, be, bat, wmu, bmu, wlv, blv,
             mu_out, lv_out):
        z = h_ref[...] + a_ref[0] + a_ref[1]
        y = jnp.maximum(
            jnp.dot(z, w1[...], preferred_element_type=jnp.float32) + bb1[...], 0.0)
        y = jnp.dot(y, w2[...], preferred_element_type=jnp.float32) + bb2[...]
        mean = jnp.mean(y, axis=0, keepdims=True)
        d = y - mean
        var = jnp.mean(d * d, axis=0, keepdims=True)
        h3 = jnp.maximum(d * lax.rsqrt(var + 1e-5) * g[...] + be[...], 0.0)
        onehot = (bat[...] == lax.broadcasted_iota(jnp.int32, (_G, _N), 0)
                  ).astype(jnp.float32)
        cnt = jnp.sum(onehot, axis=1, keepdims=True)
        sums = jnp.dot(onehot, h3, preferred_element_type=jnp.float32)
        pooled = sums / jnp.maximum(cnt, 1.0)
        mu_out[...] = jnp.dot(pooled, wmu[...],
                              preferred_element_type=jnp.float32) + bmu[...]
        lv_out[...] = jnp.dot(pooled, wlv[...],
                              preferred_element_type=jnp.float32) + blv[...]

    return pl.pallas_call(
        body,
        out_shape=(jax.ShapeDtypeStruct((_G, _L), jnp.float32),
                   jax.ShapeDtypeStruct((_G, _L), jnp.float32)),
    )(h, agg, W1, b1.reshape(1, _H), W2, b2.reshape(1, _H),
      gamma.reshape(1, _H), beta.reshape(1, _H), batch2d,
      W_mu, b_mu.reshape(1, _L), W_lv, b_lv.reshape(1, _L))


def kernel(x, edge_index, batch, W1_0, b1_0, W2_0, b2_0, gamma_0, beta_0,
           W1_1, b1_1, W2_1, b2_1, gamma_1, beta_1,
           W1_2, b1_2, W2_2, b2_2, gamma_2, beta_2,
           W_mu, b_mu, W_lv, b_lv):
    edges_r = edge_index.reshape(2, _NW, _NBLK, _K, _C)
    batch2d = batch.reshape(1, _N)

    h = x
    layers = [
        (W1_0, b1_0, W2_0, b2_0, gamma_0, beta_0),
        (W1_1, b1_1, W2_1, b2_1, gamma_1, beta_1),
        (W1_2, b1_2, W2_2, b2_2, gamma_2, beta_2),
    ]
    for i, (W1, b1, W2, b2, g, be) in enumerate(layers):
        agg = _sc_aggregate(h, edges_r)
        if i < 2:
            h = _tc_layer(h, agg, W1, b1, W2, b2, g, be)
        else:
            return _tc_final(h, agg, W1, b1, W2, b2, g, be, batch2d,
                             W_mu, b_mu, W_lv, b_lv)

# --- scband reference (transcript-rebuilt; emitter-appended) ---
"""Pipeline reference for scband-graph-encoder-35811437314143 (READ-ONLY COPY).

The authoritative reference and input builder live on the scoring server;
editing this copy changes nothing except your own understanding.
"""

import jax, jax.numpy as jnp
import numpy as np

N = 10000
E = 320000
D = 128
H = 128
L = 64
G = 256

def setup_inputs(seed: int = 0):
    key = jax.random.key(seed)
    ks = jax.random.split(key, 16)
    inp = {}
    inp["x"] = jax.random.normal(ks[0], (N, D), dtype=jnp.float32)
    inp["edge_index"] = jax.random.randint(ks[1], (2, E), 0, N, dtype=jnp.int32)
    inp["batch"] = jnp.sort(jax.random.randint(ks[2], (N,), 0, G, dtype=jnp.int32))
    k = 3
    for i in range(3):
        din = D if i == 0 else H
        inp[f"W1_{i}"] = jax.random.normal(ks[k], (din, H), dtype=jnp.float32) * 0.05; k += 1
        inp[f"b1_{i}"] = jnp.zeros((H,), dtype=jnp.float32)
        inp[f"W2_{i}"] = jax.random.normal(ks[k], (H, H), dtype=jnp.float32) * 0.05; k += 1
        inp[f"b2_{i}"] = jnp.zeros((H,), dtype=jnp.float32)
        inp[f"gamma_{i}"] = jnp.ones((H,), dtype=jnp.float32)
        inp[f"beta_{i}"] = jnp.zeros((H,), dtype=jnp.float32)
    inp["W_mu"] = jax.random.normal(ks[k], (H, L), dtype=jnp.float32) * 0.05; k += 1
    inp["b_mu"] = jnp.zeros((L,), dtype=jnp.float32)
    inp["W_lv"] = jax.random.normal(ks[k], (H, L), dtype=jnp.float32) * 0.05; k += 1
    inp["b_lv"] = jnp.zeros((L,), dtype=jnp.float32)
    return inp

def _gin_bn_relu(h, edge_index, W1, b1, W2, b2, gamma, beta):
    # GINConv with eps=0: MLP((1+eps)*x + sum_{j in N(i)} x_j)
    src = edge_index[0]
    dst = edge_index[1]
    agg = jnp.zeros_like(h).at[dst].add(h[src])
    z = h + agg
    z = jnp.maximum(z @ W1 + b1, 0.0) @ W2 + b2
    # BatchNorm1d (training-mode batch statistics, biased variance)
    mean = jnp.mean(z, axis=0)
    var = jnp.var(z, axis=0)
    z = (z - mean) / jnp.sqrt(var + 1e-5) * gamma + beta
    return jnp.maximum(z, 0.0)

def reference(x, edge_index, batch, W1_0, b1_0, W2_0, b2_0, gamma_0, beta_0, W1_1, b1_1, W2_1, b2_1, gamma_1, beta_1, W1_2, b1_2, W2_2, b2_2, gamma_2, beta_2, W_mu, b_mu, W_lv, b_lv):
    h = x
    layers = [
        (W1_0, b1_0, W2_0, b2_0, gamma_0, beta_0),
        (W1_1, b1_1, W2_1, b2_1, gamma_1, beta_1),
        (W1_2, b1_2, W2_2, b2_2, gamma_2, beta_2),
    ]
    for (W1, b1, W2, b2, g, be) in layers:
        h = _gin_bn_relu(h, edge_index, W1, b1, W2, b2, g, be)
    # global_mean_pool
    sums = jax.ops.segment_sum(h, batch, num_segments=G)
    cnts = jax.ops.segment_sum(jnp.ones((h.shape[0],), dtype=jnp.float32), batch, num_segments=G)
    pooled = sums / jnp.maximum(cnts, 1.0)[:, None]
    mu = pooled @ W_mu + b_mu
    logvar = pooled @ W_lv + b_lv
    return (mu, logvar)

if __name__ == "__main__":
    import jax
    _d = setup_inputs()
    print(jax.jit(kernel)(*tuple(_d.values())))

</pallas_src>

<mosaic_0001>
#map = affine_map<(d0, d1) -> (0, 0)>
#map1 = affine_map<(d0, d1) -> (0, 0, 0, 0, 0)>
#map2 = affine_map<(d0, d1) -> (0, 0, 0)>
module attributes {stable_mosaic.version = 14 : i64} {
  func.func @agg_kernel(%arg0: i32, %arg1: i32, %arg2: memref<10000x128xf32, #tpu.memory_space<hbm>>, %arg3: memref<2x32x20x10x50xi32, #tpu.memory_space<hbm>>, %arg4: memref<2x10000x128xf32, #tpu.memory_space<hbm>>, %arg5: memref<2x10x50xi32, #tpu.memory_space<vmem>>, %arg6: memref<2x10x50xi32, #tpu.memory_space<vmem>>, %arg7: memref<5x50x128xf32, #tpu.memory_space<vmem>>, %arg8: memref<10000x128xf32, #tpu.memory_space<vmem_shared>>, %arg9: memref<!tpu.dma_semaphore, #tpu.memory_space<semaphore_mem>>, %arg10: memref<!tpu.dma_semaphore, #tpu.memory_space<semaphore_mem>>, %arg11: memref<!tpu.dma_semaphore, #tpu.memory_space<semaphore_mem>>, %arg12: memref<!tpu.dma_semaphore, #tpu.memory_space<semaphore_mem>>) attributes {dimension_semantics = [#tpu.dimension_semantics<core_parallel>, #tpu.dimension_semantics<subcore_parallel>], iteration_bounds = array<i64: 2, 16>, scalar_prefetch = 0 : i64, scratch_operands = 8 : i64, tpu.core_type = #tpu.core_type<sc_vector_subcore>, window_params = [{transform_indices = #map}, {transform_indices = #map1}, {transform_indices = #map2}]} {
    %mul3A = arith.constant 2 : i32
    %mul3A_0 = arith.muli %arg1, %mul3A : i32
    %add3A = arith.addi %mul3A_0, %arg0 : i32
    %scan3A = arith.constant 0 : i32
    %scan3A_1 = arith.constant 0 : i32
    %scan3A_2 = arith.constant 400 : i32
    %scan3A_3 = arith.addi %scan3A_1, %scan3A_2 : i32
    %scan3A_4 = arith.constant 1 : i32
    scf.for %scan3A_499 = %scan3A_1 to %scan3A_3 step %scan3A_4  : i32 {
      %broadcast_in_dim3A = arith.constant 0.000000e+00 : f32
      %broadcast_in_dim3A_500 = vector.broadcast %broadcast_in_dim3A : f32 to vector<16xf32>
      %jit3A = arith.constant 8 : i32
      %div3A = arith.divsi %scan3A_499, %jit3A : i32
      %sign3A = arith.constant 0 : i32
      %sign3A_501 = arith.cmpi sgt, %scan3A_499, %sign3A : i32
      %sign3A_502 = arith.extui %sign3A_501 : i1 to i32
      %sign3A_503 = arith.constant 0 : i32
      %sign3A_504 = arith.cmpi slt, %scan3A_499, %sign3A_503 : i32
      %sign3A_505 = arith.extui %sign3A_504 : i1 to i32
      %sign3A_506 = arith.subi %sign3A_502, %sign3A_505 : i32
      %sign3A_507 = arith.constant 0 : i32
      %sign3A_508 = arith.cmpi sgt, %jit3A, %sign3A_507 : i32
      %sign3A_509 = arith.extui %sign3A_508 : i1 to i32
      %sign3A_510 = arith.constant 0 : i32
      %sign3A_511 = arith.cmpi slt, %jit3A, %sign3A_510 : i32
      %sign3A_512 = arith.extui %sign3A_511 : i1 to i32
      %sign3A_513 = arith.subi %sign3A_509, %sign3A_512 : i32
      %ne3A = arith.cmpi ne, %sign3A_506, %sign3A_513 : i32
      %rem3A = arith.remsi %scan3A_499, %jit3A : i32
      %ne3A_514 = arith.constant 0 : i32
      %ne3A_515 = arith.cmpi ne, %rem3A, %ne3A_514 : i32
      %and3A = arith.andi %ne3A, %ne3A_515 : i1
      %sub3A = arith.constant 1 : i32
      %sub3A_516 = arith.subi %div3A, %sub3A : i32
      %select_n3A = arith.select %and3A, %sub3A_516, %div3A : i32
      %jit3A_517 = arith.constant 8 : i32
      %eq3A_518 = arith.constant 0 : i32
      %eq3A_519 = arith.cmpi eq, %jit3A_517, %eq3A_518 : i32
      %jit3A_520 = arith.constant 1 : i32
      %select_n3A_521 = arith.select %eq3A_519, %jit3A_520, %jit3A_517 : i32
      %rem3A_522 = arith.remsi %scan3A_499, %select_n3A_521 : i32
      %ne3A_523 = arith.constant 0 : i32
      %ne3A_524 = arith.cmpi ne, %rem3A_522, %ne3A_523 : i32
      %lt3A = arith.constant 0 : i32
      %lt3A_525 = arith.cmpi slt, %rem3A_522, %lt3A : i32
      %lt3A_526 = arith.constant 0 : i32
      %lt3A_527 = arith.cmpi slt, %select_n3A_521, %lt3A_526 : i32
      %ne3A_528 = arith.xori %lt3A_525, %lt3A_527 : i1
      %and3A_529 = arith.andi %ne3A_528, %ne3A_524 : i1
      %add3A_530 = arith.addi %rem3A_522, %select_n3A_521 : i32
      %select_n3A_531 = arith.select %and3A_529, %add3A_530, %rem3A_522 : i32
      %mul3A_532 = arith.constant 16 : i32
      %mul3A_533 = arith.muli %select_n3A_531, %mul3A_532 : i32
      %swap3A = arith.constant 0 : i32
      %swap3A_534 = arith.index_cast %swap3A : i32 to index
      %swap3A_535 = arith.index_cast %select_n3A : i32 to index
      %swap3A_536 = arith.index_cast %mul3A_533 : i32 to index
      %swap3A_537 = tpu.vector_load %arg7[%swap3A_534, %swap3A_535, %swap3A_536] {strides = array<i32>} : memref<5x50x128xf32, #tpu.memory_space<vmem>>, vector<1x1x16xf32>,
      %swap3A_538 = vector.shape_cast %swap3A_537 : vector<1x1x16xf32> to vector<16xf32>
      %swap3A_539 = vector.shape_cast %broadcast_in_dim3A_500 : vector<16xf32> to vector<1x1x16xf32>
      tpu.vector_store %arg7[%swap3A_534, %swap3A_535, %swap3A_536], %swap3A_539 {strides = array<i32>} : memref<5x50x128xf32, #tpu.memory_space<vmem>>, vector<1x1x16xf32>,
    }
    %scan3A_5 = arith.constant 400 : i32
    %mul3A_6 = arith.constant 624 : i32
    %mul3A_7 = arith.muli %arg1, %mul3A_6 : i32
    %add3A_8 = arith.constant 0 : i32
    %add3A_9 = arith.addi %mul3A_7, %add3A_8 : i32
    %dma_start3A = arith.constant 0 : i32
    %dma_start3A_10 = arith.constant 0 : i32
    %dma_start3A_11 = arith.constant 0 : i32
    %dma_start3A_12 = tpu.memref_slice %arg7[%dma_start3A, %dma_start3A_10, %dma_start3A_11] : memref<5x50x128xf32, #tpu.memory_space<vmem>> -> memref<1x50x128xf32, #tpu.memory_space<vmem>>
    %dma_start3A_13 = tpu.memref_squeeze %dma_start3A_12 : memref<1x50x128xf32, #tpu.memory_space<vmem>> -> memref<50x128xf32, #tpu.memory_space<vmem>>
    %dma_start3A_14 = arith.constant 0 : i32
    %dma_start3A_15 = tpu.memref_slice %arg8[%add3A_9, %dma_start3A_14] : memref<10000x128xf32, #tpu.memory_space<vmem_shared>> -> memref<50x128xf32, #tpu.memory_space<vmem_shared>>
    %dma_start3A_16 = arith.constant 0 : i32
    %dma_start3A_17 = tpu.memref_slice %arg8[%add3A_9, %dma_start3A_16] : memref<10000x128xf32, #tpu.memory_space<vmem_shared>> -> memref<50x128xf32, #tpu.memory_space<vmem_shared>>
    %dma_start3A_18 = arith.constant 0 : i32
    %dma_start3A_19 = arith.constant 0 : i32
    %dma_start3A_20 = tpu.memref_slice %arg7[%dma_start3A, %dma_start3A_18, %dma_start3A_19] : memref<5x50x128xf32, #tpu.memory_space<vmem>> -> memref<1x50x128xf32, #tpu.memory_space<vmem>>
    %dma_start3A_21 = tpu.memref_squeeze %dma_start3A_20 : memref<1x50x128xf32, #tpu.memory_space<vmem>> -> memref<50x128xf32, #tpu.memory_space<vmem>>
    tpu.enqueue_dma source(%dma_start3A_21 : memref<50x128xf32, #tpu.memory_space<vmem>>) target(%dma_start3A_17 : memref<50x128xf32, #tpu.memory_space<vmem_shared>>) target_semaphore(%arg12 : memref<!tpu.dma_semaphore, #tpu.memory_space<semaphore_mem>>)
    %add3A_22 = arith.constant 50 : i32
    %add3A_23 = arith.addi %mul3A_7, %add3A_22 : i32
    %dma_start3A_24 = arith.constant 0 : i32
    %dma_start3A_25 = arith.constant 0 : i32
    %dma_start3A_26 = arith.constant 0 : i32
    %dma_start3A_27 = tpu.memref_slice %arg7[%dma_start3A_24, %dma_start3A_25, %dma_start3A_26] : memref<5x50x128xf32, #tpu.memory_space<vmem>> -> memref<1x50x128xf32, #tpu.memory_space<vmem>>
    %dma_start3A_28 = tpu.memref_squeeze %dma_start3A_27 : memref<1x50x128xf32, #tpu.memory_space<vmem>> -> memref<50x128xf32, #tpu.memory_space<vmem>>
    %dma_start3A_29 = arith.constant 0 : i32
    %dma_start3A_30 = tpu.memref_slice %arg8[%add3A_23, %dma_start3A_29] : memref<10000x128xf32, #tpu.memory_space<vmem_shared>> -> memref<50x128xf32, #tpu.memory_space<vmem_shared>>
    %dma_start3A_31 = arith.constant 0 : i32
    %dma_start3A_32 = tpu.memref_slice %arg8[%add3A_23, %dma_start3A_31] : memref<10000x128xf32, #tpu.memory_space<vmem_shared>> -> memref<50x128xf32, #tpu.memory_space<vmem_shared>>
    %dma_start3A_33 = arith.constant 0 : i32
    %dma_start3A_34 = arith.constant 0 : i32
    %dma_start3A_35 = tpu.memref_slice %arg7[%dma_start3A_24, %dma_start3A_33, %dma_start3A_34] : memref<5x50x128xf32, #tpu.memory_space<vmem>> -> memref<1x50x128xf32, #tpu.memory_space<vmem>>
    %dma_start3A_36 = tpu.memref_squeeze %dma_start3A_35 : memref<1x50x128xf32, #tpu.memory_space<vmem>> -> memref<50x128xf32, #tpu.memory_space<vmem>>
    tpu.enqueue_dma source(%dma_start3A_36 : memref<50x128xf32, #tpu.memory_space<vmem>>) target(%dma_start3A_32 : memref<50x128xf32, #tpu.memory_space<vmem_shared>>) target_semaphore(%arg12 : memref<!tpu.dma_semaphore, #tpu.memory_space<semaphore_mem>>)
    %add3A_37 = arith.constant 100 : i32
    %add3A_38 = arith.addi %mul3A_7, %add3A_37 : i32
    %dma_start3A_39 = arith.constant 0 : i32
    %dma_start3A_40 = arith.constant 0 : i32
    %dma_start3A_41 = arith.constant 0 : i32
    %dma_start3A_42 = tpu.memref_slice %arg7[%dma_start3A_39, %dma_start3A_40, %dma_start3A_41] : memref<5x50x128xf32, #tpu.memory_space<vmem>> -> memref<1x50x128xf32, #tpu.memory_space<vmem>>
    %dma_start3A_43 = tpu.memref_squeeze %dma_start3A_42 : memref<1x50x128xf32, #tpu.memory_space<vmem>> -> memref<50x128xf32, #tpu.memory_space<vmem>>
    %dma_start3A_44 = arith.constant 0 : i32
    %dma_start3A_45 = tpu.memref_slice %arg8[%add3A_38, %dma_start3A_44] : memref<10000x128xf32, #tpu.memory_space<vmem_shared>> -> memref<50x128xf32, #tpu.memory_space<vmem_shared>>
    %dma_start3A_46 = arith.constant 0 : i32
    %dma_start3A_47 = tpu.memref_slice %arg8[%add3A_38, %dma_start3A_46] : memref<10000x128xf32, #tpu.memory_space<vmem_shared>> -> memref<50x128xf32, #tpu.memory_space<vmem_shared>>
    %dma_start3A_48 = arith.constant 0 : i32
    %dma_start3A_49 = arith.constant 0 : i32
    %dma_start3A_50 = tpu.memref_slice %arg7[%dma_start3A_39, %dma_start3A_48, %dma_start3A_49] : memref<5x50x128xf32, #tpu.memory_space<vmem>> -> memref<1x50x128xf32, #tpu.memory_space<vmem>>
    %dma_start3A_51 = tpu.memref_squeeze %dma_start3A_50 : memref<1x50x128xf32, #tpu.memory_space<vmem>> -> memref<50x128xf32, #tpu.memory_space<vmem>>
    tpu.enqueue_dma source(%dma_start3A_51 : memref<50x128xf32, #tpu.memory_space<vmem>>) target(%dma_start3A_47 : memref<50x128xf32, #tpu.memory_space<vmem_shared>>) target_semaphore(%arg12 : memref<!tpu.dma_semaphore, #tpu.memory_space<semaphore_mem>>)
    %add3A_52 = arith.constant 150 : i32
    %add3A_53 = arith.addi %mul3A_7, %add3A_52 : i32
    %dma_start3A_54 = arith.constant 0 : i32
    %dma_start3A_55 = arith.constant 0 : i32
    %dma_start3A_56 = arith.constant 0 : i32
    %dma_start3A_57 = tpu.memref_slice %arg7[%dma_start3A_54, %dma_start3A_55, %dma_start3A_56] : memref<5x50x128xf32, #tpu.memory_space<vmem>> -> memref<1x50x128xf32, #tpu.memory_space<vmem>>
    %dma_start3A_58 = tpu.memref_squeeze %dma_start3A_57 : memref<1x50x128xf32, #tpu.memory_space<vmem>> -> memref<50x128xf32, #tpu.memory_space<vmem>>
    %dma_start3A_59 = arith.constant 0 : i32
    %dma_start3A_60 = tpu.memref_slice %arg8[%add3A_53, %dma_start3A_59] : memref<10000x128xf32, #tpu.memory_space<vmem_shared>> -> memref<50x128xf32, #tpu.memory_space<vmem_shared>>
    %dma_start3A_61 = arith.constant 0 : i32
    %dma_start3A_62 = tpu.memref_slice %arg8[%add3A_53, %dma_start3A_61] : memref<10000x128xf32, #tpu.memory_space<vmem_shared>> -> memref<50x128xf32, #tpu.memory_space<vmem_shared>>
    %dma_start3A_63 = arith.constant 0 : i32
    %dma_start3A_64 = arith.constant 0 : i32
    %dma_start3A_65 = tpu.memref_slice %arg7[%dma_start3A_54, %dma_start3A_63, %dma_start3A_64] : memref<5x50x128xf32, #tpu.memory_space<vmem>> -> memref<1x50x128xf32, #tpu.memory_space<vmem>>
    %dma_start3A_66 = tpu.memref_squeeze %dma_start3A_65 : memref<1x50x128xf32, #tpu.memory_space<vmem>> -> memref<50x128xf32, #tpu.memory_space<vmem>>
    tpu.enqueue_dma source(%dma_start3A_66 : memref<50x128xf32, #tpu.memory_space<vmem>>) target(%dma_start3A_62 : memref<50x128xf32, #tpu.memory_space<vmem_shared>>) target_semaphore(%arg12 : memref<!tpu.dma_semaphore, #tpu.memory_space<semaphore_mem>>)
    %add3A_67 = arith.constant 200 : i32
    %add3A_68 = arith.addi %mul3A_7, %add3A_67 : i32
    %dma_start3A_69 = arith.constant 0 : i32
    %dma_start3A_70 = arith.constant 0 : i32
    %dma_start3A_71 = arith.constant 0 : i32
    %dma_start3A_72 = tpu.memref_slice %arg7[%dma_start3A_69, %dma_start3A_70, %dma_start3A_71] : memref<5x50x128xf32, #tpu.memory_space<vmem>> -> memref<1x50x128xf32, #tpu.memory_space<vmem>>
    %dma_start3A_73 = tpu.memref_squeeze %dma_start3A_72 : memref<1x50x128xf32, #tpu.memory_space<vmem>> -> memref<50x128xf32, #tpu.memory_space<vmem>>
    %dma_start3A_74 = arith.constant 0 : i32
    %dma_start3A_75 = tpu.memref_slice %arg8[%add3A_68, %dma_start3A_74] : memref<10000x128xf32, #tpu.memory_space<vmem_shared>> -> memref<50x128xf32, #tpu.memory_space<vmem_shared>>
    %dma_start3A_76 = arith.constant 0 : i32
    %dma_start3A_77 = tpu.memref_slice %arg8[%add3A_68, %dma_start3A_76] : memref<10000x128xf32, #tpu.memory_space<vmem_shared>> -> memref<50x128xf32, #tpu.memory_space<vmem_shared>>
    %dma_start3A_78 = arith.constant 0 : i32
    %dma_start3A_79 = arith.constant 0 : i32
    %dma_start3A_80 = tpu.memref_slice %arg7[%dma_start3A_69, %dma_start3A_78, %dma_start3A_79] : memref<5x50x128xf32, #tpu.memory_space<vmem>> -> memref<1x50x128xf32, #tpu.memory_space<vmem>>
    %dma_start3A_81 = tpu.memref_squeeze %dma_start3A_80 : memref<1x50x128xf32, #tpu.memory_space<vmem>> -> memref<50x128xf32, #tpu.memory_space<vmem>>
    tpu.enqueue_dma source(%dma_start3A_81 : memref<50x128xf32, #tpu.memory_space<vmem>>) target(%dma_start3A_77 : memref<50x128xf32, #tpu.memory_space<vmem_shared>>) target_semaphore(%arg12 : memref<!tpu.dma_semaphore, #tpu.memory_space<semaphore_mem>>)
    %add3A_82 = arith.constant 250 : i32
    %add3A_83 = arith.addi %mul3A_7, %add3A_82 : i32
    %dma_start3A_84 = arith.constant 0 : i32
    %dma_start3A_85 = arith.constant 0 : i32
    %dma_start3A_86 = arith.constant 0 : i32
    %dma_start3A_87 = tpu.memref_slice %arg7[%dma_start3A_84, %dma_start3A_85, %dma_start3A_86] : memref<5x50x128xf32, #tpu.memory_space<vmem>> -> memref<1x50x128xf32, #tpu.memory_space<vmem>>
    %dma_start3A_88 = tpu.memref_squeeze %dma_start3A_87 : memref<1x50x128xf32, #tpu.memory_space<vmem>> -> memref<50x128xf32, #tpu.memory_space<vmem>>
    %dma_start3A_89 = arith.constant 0 : i32
    %dma_start3A_90 = tpu.memref_slice %arg8[%add3A_83, %dma_start3A_89] : memref<10000x128xf32, #tpu.memory_space<vmem_shared>> -> memref<50x128xf32, #tpu.memory_space<vmem_shared>>
    %dma_start3A_91 = arith.constant 0 : i32
    %dma_start3A_92 = tpu.memref_slice %arg8[%add3A_83, %dma_start3A_91] : memref<10000x128xf32, #tpu.memory_space<vmem_shared>> -> memref<50x128xf32, #tpu.memory_space<vmem_shared>>
    %dma_start3A_93 = arith.constant 0 : i32
    %dma_start3A_94 = arith.constant 0 : i32
    %dma_start3A_95 = tpu.memref_slice %arg7[%dma_start3A_84, %dma_start3A_93, %dma_start3A_94] : memref<5x50x128xf32, #tpu.memory_space<vmem>> -> memref<1x50x128xf32, #tpu.memory_space<vmem>>
    %dma_start3A_96 = tpu.memref_squeeze %dma_start3A_95 : memref<1x50x128xf32, #tpu.memory_space<vmem>> -> memref<50x128xf32, #tpu.memory_space<vmem>>
    tpu.enqueue_dma source(%dma_start3A_96 : memref<50x128xf32, #tpu.memory_space<vmem>>) target(%dma_start3A_92 : memref<50x128xf32, #tpu.memory_space<vmem_shared>>) target_semaphore(%arg12 : memref<!tpu.dma_semaphore, #tpu.memory_space<semaphore_mem>>)
    %add3A_97 = arith.constant 300 : i32
    %add3A_98 = arith.addi %mul3A_7, %add3A_97 : i32
    %dma_start3A_99 = arith.constant 0 : i32
    %dma_start3A_100 = arith.constant 0 : i32
    %dma_start3A_101 = arith.constant 0 : i32
    %dma_start3A_102 = tpu.memref_slice %arg7[%dma_start3A_99, %dma_start3A_100, %dma_start3A_101] : memref<5x50x128xf32, #tpu.memory_space<vmem>> -> memref<1x50x128xf32, #tpu.memory_space<vmem>>
    %dma_start3A_103 = tpu.memref_squeeze %dma_start3A_102 : memref<1x50x128xf32, #tpu.memory_space<vmem>> -> memref<50x128xf32, #tpu.memory_space<vmem>>
    %dma_start3A_104 = arith.constant 0 : i32
    %dma_start3A_105 = tpu.memref_slice %arg8[%add3A_98, %dma_start3A_104] : memref<10000x128xf32, #tpu.memory_space<vmem_shared>> -> memref<50x128xf32, #tpu.memory_space<vmem_shared>>
    %dma_start3A_106 = arith.constant 0 : i32
    %dma_start3A_107 = tpu.memref_slice %arg8[%add3A_98, %dma_start3A_106] : memref<10000x128xf32, #tpu.memory_space<vmem_shared>> -> memref<50x128xf32, #tpu.memory_space<vmem_shared>>
    %dma_start3A_108 = arith.constant 0 : i32
    %dma_start3A_109 = arith.constant 0 : i32
    %dma_start3A_110 = tpu.memref_slice %arg7[%dma_start3A_99, %dma_start3A_108, %dma_start3A_109] : memref<5x50x128xf32, #tpu.memory_space<vmem>> -> memref<1x50x128xf32, #tpu.memory_space<vmem>>
    %dma_start3A_111 = tpu.memref_squeeze %dma_start3A_110 : memref<1x50x128xf32, #tpu.memory_space<vmem>> -> memref<50x128xf32, #tpu.memory_space<vmem>>
    tpu.enqueue_dma source(%dma_start3A_111 : memref<50x128xf32, #tpu.memory_space<vmem>>) target(%dma_start3A_107 : memref<50x128xf32, #tpu.memory_space<vmem_shared>>) target_semaphore(%arg12 : memref<!tpu.dma_semaphore, #tpu.memory_space<semaphore_mem>>)
    %add3A_112 = arith.constant 350 : i32
    %add3A_113 = arith.addi %mul3A_7, %add3A_112 : i32
    %dma_start3A_114 = arith.constant 0 : i32
    %dma_start3A_115 = arith.constant 0 : i32
    %dma_start3A_116 = arith.constant 0 : i32
    %dma_start3A_117 = tpu.memref_slice %arg7[%dma_start3A_114, %dma_start3A_115, %dma_start3A_116] : memref<5x50x128xf32, #tpu.memory_space<vmem>> -> memref<1x50x128xf32, #tpu.memory_space<vmem>>
    %dma_start3A_118 = tpu.memref_squeeze %dma_start3A_117 : memref<1x50x128xf32, #tpu.memory_space<vmem>> -> memref<50x128xf32, #tpu.memory_space<vmem>>
    %dma_start3A_119 = arith.constant 0 : i32
    %dma_start3A_120 = tpu.memref_slice %arg8[%add3A_113, %dma_start3A_119] : memref<10000x128xf32, #tpu.memory_space<vmem_shared>> -> memref<50x128xf32, #tpu.memory_space<vmem_shared>>
    %dma_start3A_121 = arith.constant 0 : i32
    %dma_start3A_122 = tpu.memref_slice %arg8[%add3A_113, %dma_start3A_121] : memref<10000x128xf32, #tpu.memory_space<vmem_shared>> -> memref<50x128xf32, #tpu.memory_space<vmem_shared>>
    %dma_start3A_123 = arith.constant 0 : i32
    %dma_start3A_124 = arith.constant 0 : i32
    %dma_start3A_125 = tpu.memref_slice %arg7[%dma_start3A_114, %dma_start3A_123, %dma_start3A_124] : memref<5x50x128xf32, #tpu.memory_space<vmem>> -> memref<1x50x128xf32, #tpu.memory_space<vmem>>
    %dma_start3A_126 = tpu.memref_squeeze %dma_start3A_125 : memref<1x50x128xf32, #tpu.memory_space<vmem>> -> memref<50x128xf32, #tpu.memory_space<vmem>>
    tpu.enqueue_dma source(%dma_start3A_126 : memref<50x128xf32, #tpu.memory_space<vmem>>) target(%dma_start3A_122 : memref<50x128xf32, #tpu.memory_space<vmem_shared>>) target_semaphore(%arg12 : memref<!tpu.dma_semaphore, #tpu.memory_space<semaphore_mem>>)
    %add3A_127 = arith.constant 400 : i32
    %add3A_128 = arith.addi %mul3A_7, %add3A_127 : i32
    %dma_start3A_129 = arith.constant 0 : i32
    %dma_start3A_130 = arith.constant 0 : i32
    %dma_start3A_131 = arith.constant 0 : i32
    %dma_start3A_132 = tpu.memref_slice %arg7[%dma_start3A_129, %dma_start3A_130, %dma_start3A_131] : memref<5x50x128xf32, #tpu.memory_space<vmem>> -> memref<1x50x128xf32, #tpu.memory_space<vmem>>
    %dma_start3A_133 = tpu.memref_squeeze %dma_start3A_132 : memref<1x50x128xf32, #tpu.memory_space<vmem>> -> memref<50x128xf32, #tpu.memory_space<vmem>>
    %dma_start3A_134 = arith.constant 0 : i32
    %dma_start3A_135 = tpu.memref_slice %arg8[%add3A_128, %dma_start3A_134] : memref<10000x128xf32, #tpu.memory_space<vmem_shared>> -> memref<50x128xf32, #tpu.memory_space<vmem_shared>>
    %dma_start3A_136 = arith.constant 0 : i32
    %dma_start3A_137 = tpu.memref_slice %arg8[%add3A_128, %dma_start3A_136] : memref<10000x128xf32, #tpu.memory_space<vmem_shared>> -> memref<50x128xf32, #tpu.memory_space<vmem_shared>>
    %dma_start3A_138 = arith.constant 0 : i32
    %dma_start3A_139 = arith.constant 0 : i32
    %dma_start3A_140 = tpu.memref_slice %arg7[%dma_start3A_129, %dma_start3A_138, %dma_start3A_139] : memref<5x50x128xf32, #tpu.memory_space<vmem>> -> memref<1x50x128xf32, #tpu.memory_space<vmem>>
    %dma_start3A_141 = tpu.memref_squeeze %dma_start3A_140 : memref<1x50x128xf32, #tpu.memory_space<vmem>> -> memref<50x128xf32, #tpu.memory_space<vmem>>
    tpu.enqueue_dma source(%dma_start3A_141 : memref<50x128xf32, #tpu.memory_space<vmem>>) target(%dma_start3A_137 : memref<50x128xf32, #tpu.memory_space<vmem_shared>>) target_semaphore(%arg12 : memref<!tpu.dma_semaphore, #tpu.memory_space<semaphore_mem>>)
    %add3A_142 = arith.constant 450 : i32
    %add3A_143 = arith.addi %mul3A_7, %add3A_142 : i32
    %dma_start3A_144 = arith.constant 0 : i32
    %dma_start3A_145 = arith.constant 0 : i32
    %dma_start3A_146 = arith.constant 0 : i32
    %dma_start3A_147 = tpu.memref_slice %arg7[%dma_start3A_144, %dma_start3A_145, %dma_start3A_146] : memref<5x50x128xf32, #tpu.memory_space<vmem>> -> memref<1x50x128xf32, #tpu.memory_space<vmem>>
    %dma_start3A_148 = tpu.memref_squeeze %dma_start3A_147 : memref<1x50x128xf32, #tpu.memory_space<vmem>> -> memref<50x128xf32, #tpu.memory_space<vmem>>
    %dma_start3A_149 = arith.constant 0 : i32
    %dma_start3A_150 = tpu.memref_slice %arg8[%add3A_143, %dma_start3A_149] : memref<10000x128xf32, #tpu.memory_space<vmem_shared>> -> memref<50x128xf32, #tpu.memory_space<vmem_shared>>
    %dma_start3A_151 = arith.constant 0 : i32
    %dma_start3A_152 = tpu.memref_slice %arg8[%add3A_143, %dma_start3A_151] : memref<10000x128xf32, #tpu.memory_space<vmem_shared>> -> memref<50x128xf32, #tpu.memory_space<vmem_shared>>
    %dma_start3A_153 = arith.constant 0 : i32
    %dma_start3A_154 = arith.constant 0 : i32
    %dma_start3A_155 = tpu.memref_slice %arg7[%dma_start3A_144, %dma_start3A_153, %dma_start3A_154] : memref<5x50x128xf32, #tpu.memory_space<vmem>> -> memref<1x50x128xf32, #tpu.memory_space<vmem>>
    %dma_start3A_156 = tpu.memref_squeeze %dma_start3A_155 : memref<1x50x128xf32, #tpu.memory_space<vmem>> -> memref<50x128xf32, #tpu.memory_space<vmem>>
    tpu.enqueue_dma source(%dma_start3A_156 : memref<50x128xf32, #tpu.memory_space<vmem>>) target(%dma_start3A_152 : memref<50x128xf32, #tpu.memory_space<vmem_shared>>) target_semaphore(%arg12 : memref<!tpu.dma_semaphore, #tpu.memory_space<semaphore_mem>>)
    %add3A_157 = arith.constant 500 : i32
    %add3A_158 = arith.addi %mul3A_7, %add3A_157 : i32
    %dma_start3A_159 = arith.constant 0 : i32
    %dma_start3A_160 = arith.constant 0 : i32
    %dma_start3A_161 = arith.constant 0 : i32
    %dma_start3A_162 = tpu.memref_slice %arg7[%dma_start3A_159, %dma_start3A_160, %dma_start3A_161] : memref<5x50x128xf32, #tpu.memory_space<vmem>> -> memref<1x50x128xf32, #tpu.memory_space<vmem>>
    %dma_start3A_163 = tpu.memref_squeeze %dma_start3A_162 : memref<1x50x128xf32, #tpu.memory_space<vmem>> -> memref<50x128xf32, #tpu.memory_space<vmem>>
    %dma_start3A_164 = arith.constant 0 : i32
    %dma_start3A_165 = tpu.memref_slice %arg8[%add3A_158, %dma_start3A_164] : memref<10000x128xf32, #tpu.memory_space<vmem_shared>> -> memref<50x128xf32, #tpu.memory_space<vmem_shared>>
    %dma_start3A_166 = arith.constant 0 : i32
    %dma_start3A_167 = tpu.memref_slice %arg8[%add3A_158, %dma_start3A_166] : memref<10000x128xf32, #tpu.memory_space<vmem_shared>> -> memref<50x128xf32, #tpu.memory_space<vmem_shared>>
    %dma_start3A_168 = arith.constant 0 : i32
    %dma_start3A_169 = arith.constant 0 : i32
    %dma_start3A_170 = tpu.memref_slice %arg7[%dma_start3A_159, %dma_start3A_168, %dma_start3A_169] : memref<5x50x128xf32, #tpu.memory_space<vmem>> -> memref<1x50x128xf32, #tpu.memory_space<vmem>>
    %dma_start3A_171 = tpu.memref_squeeze %dma_start3A_170 : memref<1x50x128xf32, #tpu.memory_space<vmem>> -> memref<50x128xf32, #tpu.memory_space<vmem>>
    tpu.enqueue_dma source(%dma_start3A_171 : memref<50x128xf32, #tpu.memory_space<vmem>>) target(%dma_start3A_167 : memref<50x128xf32, #tpu.memory_space<vmem_shared>>) target_semaphore(%arg12 : memref<!tpu.dma_semaphore, #tpu.memory_space<semaphore_mem>>)
    %add3A_172 = arith.constant 550 : i32
    %add3A_173 = arith.addi %mul3A_7, %add3A_172 : i32
    %dma_start3A_174 = arith.constant 0 : i32
    %dma_start3A_175 = arith.constant 0 : i32
    %dma_start3A_176 = arith.constant 0 : i32
    %dma_start3A_177 = tpu.memref_slice %arg7[%dma_start3A_174, %dma_start3A_175, %dma_start3A_176] : memref<5x50x128xf32, #tpu.memory_space<vmem>> -> memref<1x50x128xf32, #tpu.memory_space<vmem>>
    %dma_start3A_178 = tpu.memref_squeeze %dma_start3A_177 : memref<1x50x128xf32, #tpu.memory_space<vmem>> -> memref<50x128xf32, #tpu.memory_space<vmem>>
    %dma_start3A_179 = arith.constant 0 : i32
    %dma_start3A_180 = tpu.memref_slice %arg8[%add3A_173, %dma_start3A_179] : memref<10000x128xf32, #tpu.memory_space<vmem_shared>> -> memref<50x128xf32, #tpu.memory_space<vmem_shared>>
    %dma_start3A_181 = arith.constant 0 : i32
    %dma_start3A_182 = tpu.memref_slice %arg8[%add3A_173, %dma_start3A_181] : memref<10000x128xf32, #tpu.memory_space<vmem_shared>> -> memref<50x128xf32, #tpu.memory_space<vmem_shared>>
    %dma_start3A_183 = arith.constant 0 : i32
    %dma_start3A_184 = arith.constant 0 : i32
    %dma_start3A_185 = tpu.memref_slice %arg7[%dma_start3A_174, %dma_start3A_183, %dma_start3A_184] : memref<5x50x128xf32, #tpu.memory_space<vmem>> -> memref<1x50x128xf32, #tpu.memory_space<vmem>>
    %dma_start3A_186 = tpu.memref_squeeze %dma_start3A_185 : memref<1x50x128xf32, #tpu.memory_space<vmem>> -> memref<50x128xf32, #tpu.memory_space<vmem>>
    tpu.enqueue_dma source(%dma_start3A_186 : memref<50x128xf32, #tpu.memory_space<vmem>>) target(%dma_start3A_182 : memref<50x128xf32, #tpu.memory_space<vmem_shared>>) target_semaphore(%arg12 : memref<!tpu.dma_semaphore, #tpu.memory_space<semaphore_mem>>)
    %add3A_187 = arith.constant 600 : i32
    %add3A_188 = arith.addi %mul3A_7, %add3A_187 : i32
    %dma_start3A_189 = arith.constant 0 : i32
    %dma_start3A_190 = arith.constant 0 : i32
    %dma_start3A_191 = arith.constant 0 : i32
    %dma_start3A_192 = tpu.memref_slice %arg7[%dma_start3A_189, %dma_start3A_190, %dma_start3A_191] : memref<5x50x128xf32, #tpu.memory_space<vmem>> -> memref<1x24x128xf32, #tpu.memory_space<vmem>>
    %dma_start3A_193 = tpu.memref_squeeze %dma_start3A_192 : memref<1x24x128xf32, #tpu.memory_space<vmem>> -> memref<24x128xf32, #tpu.memory_space<vmem>>
    %dma_start3A_194 = arith.constant 0 : i32
    %dma_start3A_195 = tpu.memref_slice %arg8[%add3A_188, %dma_start3A_194] : memref<10000x128xf32, #tpu.memory_space<vmem_shared>> -> memref<24x128xf32, #tpu.memory_space<vmem_shared>>
    %dma_start3A_196 = arith.constant 0 : i32
    %dma_start3A_197 = tpu.memref_slice %arg8[%add3A_188, %dma_start3A_196] : memref<10000x128xf32, #tpu.memory_space<vmem_shared>> -> memref<24x128xf32, #tpu.memory_space<vmem_shared>>
    %dma_start3A_198 = arith.constant 0 : i32
    %dma_start3A_199 = arith.constant 0 : i32
    %dma_start3A_200 = tpu.memref_slice %arg7[%dma_start3A_189, %dma_start3A_198, %dma_start3A_199] : memref<5x50x128xf32, #tpu.memory_space<vmem>> -> memref<1x24x128xf32, #tpu.memory_space<vmem>>
    %dma_start3A_201 = tpu.memref_squeeze %dma_start3A_200 : memref<1x24x128xf32, #tpu.memory_space<vmem>> -> memref<24x128xf32, #tpu.memory_space<vmem>>
    tpu.enqueue_dma source(%dma_start3A_201 : memref<24x128xf32, #tpu.memory_space<vmem>>) target(%dma_start3A_197 : memref<24x128xf32, #tpu.memory_space<vmem_shared>>) target_semaphore(%arg12 : memref<!tpu.dma_semaphore, #tpu.memory_space<semaphore_mem>>)
    %eq3A = arith.constant 15 : i32
    %eq3A_202 = arith.cmpi eq, %arg1, %eq3A : i32
    %convert_element_type3A = arith.extui %eq3A_202 : i1 to i32
    %cond3A = arith.constant 0 : i32
    %cond3A_203 = arith.cmpi ne, %convert_element_type3A, %cond3A : i32
    scf.if %cond3A_203 {
      %dma_start3A_499 = arith.constant 0 : i32
      %dma_start3A_500 = arith.constant 0 : i32
      %dma_start3A_501 = arith.constant 0 : i32
      %dma_start3A_502 = tpu.memref_slice %arg7[%dma_start3A_499, %dma_start3A_500, %dma_start3A_501] : memref<5x50x128xf32, #tpu.memory_space<vmem>> -> memref<1x16x128xf32, #tpu.memory_space<vmem>>
      %dma_start3A_503 = tpu.memref_squeeze %dma_start3A_502 : memref<1x16x128xf32, #tpu.memory_space<vmem>> -> memref<16x128xf32, #tpu.memory_space<vmem>>
      %dma_start3A_504 = arith.constant 9984 : i32
      %dma_start3A_505 = arith.constant 0 : i32
      %dma_start3A_506 = tpu.memref_slice %arg8[%dma_start3A_504, %dma_start3A_505] : memref<10000x128xf32, #tpu.memory_space<vmem_shared>> -> memref<16x128xf32, #tpu.memory_space<vmem_shared>>
      %dma_start3A_507 = arith.constant 9984 : i32
      %dma_start3A_508 = arith.constant 0 : i32
      %dma_start3A_509 = tpu.memref_slice %arg8[%dma_start3A_507, %dma_start3A_508] : memref<10000x128xf32, #tpu.memory_space<vmem_shared>> -> memref<16x128xf32, #tpu.memory_space<vmem_shared>>
      %dma_start3A_510 = arith.constant 0 : i32
      %dma_start3A_511 = arith.constant 0 : i32
      %dma_start3A_512 = tpu.memref_slice %arg7[%dma_start3A_499, %dma_start3A_510, %dma_start3A_511] : memref<5x50x128xf32, #tpu.memory_space<vmem>> -> memref<1x16x128xf32, #tpu.memory_space<vmem>>
      %dma_start3A_513 = tpu.memref_squeeze %dma_start3A_512 : memref<1x16x128xf32, #tpu.memory_space<vmem>> -> memref<16x128xf32, #tpu.memory_space<vmem>>
      tpu.enqueue_dma source(%dma_start3A_513 : memref<16x128xf32, #tpu.memory_space<vmem>>) target(%dma_start3A_509 : memref<16x128xf32, #tpu.memory_space<vmem_shared>>) target_semaphore(%arg12 : memref<!tpu.dma_semaphore, #tpu.memory_space<semaphore_mem>>)
    } else {
    }
    %dma_wait3A = arith.constant 0 : i32
    %dma_wait3A_204 = arith.constant 0 : i32
    %dma_wait3A_205 = arith.constant 0 : i32
    %dma_wait3A_206 = tpu.memref_slice %arg7[%dma_wait3A, %dma_wait3A_204, %dma_wait3A_205] : memref<5x50x128xf32, #tpu.memory_space<vmem>> -> memref<1x50x128xf32, #tpu.memory_space<vmem>>
    %dma_wait3A_207 = tpu.memref_squeeze %dma_wait3A_206 : memref<1x50x128xf32, #tpu.memory_space<vmem>> -> memref<50x128xf32, #tpu.memory_space<vmem>>
    %dma_wait3A_208 = arith.constant 0 : i32
    %dma_wait3A_209 = tpu.memref_slice %arg8[%mul3A_7, %dma_wait3A_208] : memref<10000x128xf32, #tpu.memory_space<vmem_shared>> -> memref<50x128xf32, #tpu.memory_space<vmem_shared>>
    %dma_wait3A_210 = arith.constant 0 : i32
    %dma_wait3A_211 = tpu.memref_slice %arg8[%mul3A_7, %dma_wait3A_210] : memref<10000x128xf32, #tpu.memory_space<vmem_shared>> -> memref<50x128xf32, #tpu.memory_space<vmem_shared>>
    %dma_wait3A_212 = arith.constant 0 : i32
    %dma_wait3A_213 = arith.constant 0 : i32
    %dma_wait3A_214 = tpu.memref_slice %arg7[%dma_wait3A, %dma_wait3A_212, %dma_wait3A_213] : memref<5x50x128xf32, #tpu.memory_space<vmem>> -> memref<1x50x128xf32, #tpu.memory_space<vmem>>
    %dma_wait3A_215 = tpu.memref_squeeze %dma_wait3A_214 : memref<1x50x128xf32, #tpu.memory_space<vmem>> -> memref<50x128xf32, #tpu.memory_space<vmem>>
    tpu.wait_dma2 semaphore(%arg12 : memref<!tpu.dma_semaphore, #tpu.memory_space<semaphore_mem>>) src(%dma_wait3A_215 : memref<50x128xf32, #tpu.memory_space<vmem>>) dst(%dma_wait3A_211 : memref<50x128xf32, #tpu.memory_space<vmem_shared>>)
    %dma_wait3A_216 = arith.constant 0 : i32
    %dma_wait3A_217 = arith.constant 0 : i32
    %dma_wait3A_218 = arith.constant 0 : i32
    %dma_wait3A_219 = tpu.memref_slice %arg7[%dma_wait3A_216, %dma_wait3A_217, %dma_wait3A_218] : memref<5x50x128xf32, #tpu.memory_space<vmem>> -> memref<1x50x128xf32, #tpu.memory_space<vmem>>
    %dma_wait3A_220 = tpu.memref_squeeze %dma_wait3A_219 : memref<1x50x128xf32, #tpu.memory_space<vmem>> -> memref<50x128xf32, #tpu.memory_space<vmem>>
    %dma_wait3A_221 = arith.constant 0 : i32
    %dma_wait3A_222 = tpu.memref_slice %arg8[%mul3A_7, %dma_wait3A_221] : memref<10000x128xf32, #tpu.memory_space<vmem_shared>> -> memref<50x128xf32, #tpu.memory_space<vmem_shared>>
    %dma_wait3A_223 = arith.constant 0 : i32
    %dma_wait3A_224 = tpu.memref_slice %arg8[%mul3A_7, %dma_wait3A_223] : memref<10000x128xf32, #tpu.memory_space<vmem_shared>> -> memref<50x128xf32, #tpu.memory_space<vmem_shared>>
    %dma_wait3A_225 = arith.constant 0 : i32
    %dma_wait3A_226 = arith.constant 0 : i32
    %dma_wait3A_227 = tpu.memref_slice %arg7[%dma_wait3A_216, %dma_wait3A_225, %dma_wait3A_226] : memref<5x50x128xf32, #tpu.memory_space<vmem>> -> memref<1x50x128xf32, #tpu.memory_space<vmem>>
    %dma_wait3A_228 = tpu.memref_squeeze %dma_wait3A_227 : memref<1x50x128xf32, #tpu.memory_space<vmem>> -> memref<50x128xf32, #tpu.memory_space<vmem>>
    tpu.wait_dma2 semaphore(%arg12 : memref<!tpu.dma_semaphore, #tpu.memory_space<semaphore_mem>>) src(%dma_wait3A_228 : memref<50x128xf32, #tpu.memory_space<vmem>>) dst(%dma_wait3A_224 : memref<50x128xf32, #tpu.memory_space<vmem_shared>>)
    %dma_wait3A_229 = arith.constant 0 : i32
    %dma_wait3A_230 = arith.constant 0 : i32
    %dma_wait3A_231 = arith.constant 0 : i32
    %dma_wait3A_232 = tpu.memref_slice %arg7[%dma_wait3A_229, %dma_wait3A_230, %dma_wait3A_231] : memref<5x50x128xf32, #tpu.memory_space<vmem>> -> memref<1x50x128xf32, #tpu.memory_space<vmem>>
    %dma_wait3A_233 = tpu.memref_squeeze %dma_wait3A_232 : memref<1x50x128xf32, #tpu.memory_space<vmem>> -> memref<50x128xf32, #tpu.memory_space<vmem>>
    %dma_wait3A_234 = arith.constant 0 : i32
    %dma_wait3A_235 = tpu.memref_slice %arg8[%mul3A_7, %dma_wait3A_234] : memref<10000x128xf32, #tpu.memory_space<vmem_shared>> -> memref<50x128xf32, #tpu.memory_space<vmem_shared>>
    %dma_wait3A_236 = arith.constant 0 : i32
    %dma_wait3A_237 = tpu.memref_slice %arg8[%mul3A_7, %dma_wait3A_236] : memref<10000x128xf32, #tpu.memory_space<vmem_shared>> -> memref<50x128xf32, #tpu.memory_space<vmem_shared>>
    %dma_wait3A_238 = arith.constant 0 : i32
    %dma_wait3A_239 = arith.constant 0 : i32
    %dma_wait3A_240 = tpu.memref_slice %arg7[%dma_wait3A_229, %dma_wait3A_238, %dma_wait3A_239] : memref<5x50x128xf32, #tpu.memory_space<vmem>> -> memref<1x50x128xf32, #tpu.memory_space<vmem>>
    %dma_wait3A_241 = tpu.memref_squeeze %dma_wait3A_240 : memref<1x50x128xf32, #tpu.memory_space<vmem>> -> memref<50x128xf32, #tpu.memory_space<vmem>>
    tpu.wait_dma2 semaphore(%arg12 : memref<!tpu.dma_semaphore, #tpu.memory_space<semaphore_mem>>) src(%dma_wait3A_241 : memref<50x128xf32, #tpu.memory_space<vmem>>) dst(%dma_wait3A_237 : memref<50x128xf32, #tpu.memory_space<vmem_shared>>)
    %dma_wait3A_242 = arith.constant 0 : i32
    %dma_wait3A_243 = arith.constant 0 : i32
    %dma_wait3A_244 = arith.constant 0 : i32
    %dma_wait3A_245 = tpu.memref_slice %arg7[%dma_wait3A_242, %dma_wait3A_243, %dma_wait3A_244] : memref<5x50x128xf32, #tpu.memory_space<vmem>> -> memref<1x50x128xf32, #tpu.memory_space<vmem>>
    %dma_wait3A_246 = tpu.memref_squeeze %dma_wait3A_245 : memref<1x50x128xf32, #tpu.memory_space<vmem>> -> memref<50x128xf32, #tpu.memory_space<vmem>>
    %dma_wait3A_247 = arith.constant 0 : i32
    %dma_wait3A_248 = tpu.memref_slice %arg8[%mul3A_7, %dma_wait3A_247] : memref<10000x128xf32, #tpu.memory_space<vmem_shared>> -> memref<50x128xf32, #tpu.memory_space<vmem_shared>>
    %dma_wait3A_249 = arith.constant 0 : i32
    %dma_wait3A_250 = tpu.memref_slice %arg8[%mul3A_7, %dma_wait3A_249] : memref<10000x128xf32, #tpu.memory_space<vmem_shared>> -> memref<50x128xf32, #tpu.memory_space<vmem_shared>>
    %dma_wait3A_251 = arith.constant 0 : i32
    %dma_wait3A_252 = arith.constant 0 : i32
    %dma_wait3A_253 = tpu.memref_slice %arg7[%dma_wait3A_242, %dma_wait3A_251, %dma_wait3A_252] : memref<5x50x128xf32, #tpu.memory_space<vmem>> -> memref<1x50x128xf32, #tpu.memory_space<vmem>>
    %dma_wait3A_254 = tpu.memref_squeeze %dma_wait3A_253 : memref<1x50x128xf32, #tpu.memory_space<vmem>> -> memref<50x128xf32, #tpu.memory_space<vmem>>
    tpu.wait_dma2 semaphore(%arg12 : memref<!tpu.dma_semaphore, #tpu.memory_space<semaphore_mem>>) src(%dma_wait3A_254 : memref<50x128xf32, #tpu.memory_space<vmem>>) dst(%dma_wait3A_250 : memref<50x128xf32, #tpu.memory_space<vmem_shared>>)
    %dma_wait3A_255 = arith.constant 0 : i32
    %dma_wait3A_256 = arith.constant 0 : i32
    %dma_wait3A_257 = arith.constant 0 : i32
    %dma_wait3A_258 = tpu.memref_slice %arg7[%dma_wait3A_255, %dma_wait3A_256, %dma_wait3A_257] : memref<5x50x128xf32, #tpu.memory_space<vmem>> -> memref<1x50x128xf32, #tpu.memory_space<vmem>>
    %dma_wait3A_259 = tpu.memref_squeeze %dma_wait3A_258 : memref<1x50x128xf32, #tpu.memory_space<vmem>> -> memref<50x128xf32, #tpu.memory_space<vmem>>
    %dma_wait3A_260 = arith.constant 0 : i32
    %dma_wait3A_261 = tpu.memref_slice %arg8[%mul3A_7, %dma_wait3A_260] : memref<10000x128xf32, #tpu.memory_space<vmem_shared>> -> memref<50x128xf32, #tpu.memory_space<vmem_shared>>
    %dma_wait3A_262 = arith.constant 0 : i32
    %dma_wait3A_263 = tpu.memref_slice %arg8[%mul3A_7, %dma_wait3A_262] : memref<10000x128xf32, #tpu.memory_space<vmem_shared>> -> memref<50x128xf32, #tpu.memory_space<vmem_shared>>
    %dma_wait3A_264 = arith.constant 0 : i32
    %dma_wait3A_265 = arith.constant 0 : i32
    %dma_wait3A_266 = tpu.memref_slice %arg7[%dma_wait3A_255, %dma_wait3A_264, %dma_wait3A_265] : memref<5x50x128xf32, #tpu.memory_space<vmem>> -> memref<1x50x128xf32, #tpu.memory_space<vmem>>
    %dma_wait3A_267 = tpu.memref_squeeze %dma_wait3A_266 : memref<1x50x128xf32, #tpu.memory_space<vmem>> -> memref<50x128xf32, #tpu.memory_space<vmem>>
    tpu.wait_dma2 semaphore(%arg12 : memref<!tpu.dma_semaphore, #tpu.memory_space<semaphore_mem>>) src(%dma_wait3A_267 : memref<50x128xf32, #tpu.memory_space<vmem>>) dst(%dma_wait3A_263 : memref<50x128xf32, #tpu.memory_space<vmem_shared>>)
    %dma_wait3A_268 = arith.constant 0 : i32
    %dma_wait3A_269 = arith.constant 0 : i32
    %dma_wait3A_270 = arith.constant 0 : i32
    %dma_wait3A_271 = tpu.memref_slice %arg7[%dma_wait3A_268, %dma_wait3A_269, %dma_wait3A_270] : memref<5x50x128xf32, #tpu.memory_space<vmem>> -> memref<1x50x128xf32, #tpu.memory_space<vmem>>
    %dma_wait3A_272 = tpu.memref_squeeze %dma_wait3A_271 : memref<1x50x128xf32, #tpu.memory_space<vmem>> -> memref<50x128xf32, #tpu.memory_space<vmem>>
    %dma_wait3A_273 = arith.constant 0 : i32
    %dma_wait3A_274 = tpu.memref_slice %arg8[%mul3A_7, %dma_wait3A_273] : memref<10000x128xf32, #tpu.memory_space<vmem_shared>> -> memref<50x128xf32, #tpu.memory_space<vmem_shared>>
    %dma_wait3A_275 = arith.constant 0 : i32
    %dma_wait3A_276 = tpu.memref_slice %arg8[%mul3A_7, %dma_wait3A_275] : memref<10000x128xf32, #tpu.memory_space<vmem_shared>> -> memref<50x128xf32, #tpu.memory_space<vmem_shared>>
    %dma_wait3A_277 = arith.constant 0 : i32
    %dma_wait3A_278 = arith.constant 0 : i32
    %dma_wait3A_279 = tpu.memref_slice %arg7[%dma_wait3A_268, %dma_wait3A_277, %dma_wait3A_278] : memref<5x50x128xf32, #tpu.memory_space<vmem>> -> memref<1x50x128xf32, #tpu.memory_space<vmem>>
    %dma_wait3A_280 = tpu.memref_squeeze %dma_wait3A_279 : memref<1x50x128xf32, #tpu.memory_space<vmem>> -> memref<50x128xf32, #tpu.memory_space<vmem>>
    tpu.wait_dma2 semaphore(%arg12 : memref<!tpu.dma_semaphore, #tpu.memory_space<semaphore_mem>>) src(%dma_wait3A_280 : memref<50x128xf32, #tpu.memory_space<vmem>>) dst(%dma_wait3A_276 : memref<50x128xf32, #tpu.memory_space<vmem_shared>>)
    %dma_wait3A_281 = arith.constant 0 : i32
    %dma_wait3A_282 = arith.constant 0 : i32
    %dma_wait3A_283 = arith.constant 0 : i32
    %dma_wait3A_284 = tpu.memref_slice %arg7[%dma_wait3A_281, %dma_wait3A_282, %dma_wait3A_283] : memref<5x50x128xf32, #tpu.memory_space<vmem>> -> memref<1x50x128xf32, #tpu.memory_space<vmem>>
    %dma_wait3A_285 = tpu.memref_squeeze %dma_wait3A_284 : memref<1x50x128xf32, #tpu.memory_space<vmem>> -> memref<50x128xf32, #tpu.memory_space<vmem>>
    %dma_wait3A_286 = arith.constant 0 : i32
    %dma_wait3A_287 = tpu.memref_slice %arg8[%mul3A_7, %dma_wait3A_286] : memref<10000x128xf32, #tpu.memory_space<vmem_shared>> -> memref<50x128xf32, #tpu.memory_space<vmem_shared>>
    %dma_wait3A_288 = arith.constant 0 : i32
    %dma_wait3A_289 = tpu.memref_slice %arg8[%mul3A_7, %dma_wait3A_288] : memref<10000x128xf32, #tpu.memory_space<vmem_shared>> -> memref<50x128xf32, #tpu.memory_space<vmem_shared>>
    %dma_wait3A_290 = arith.constant 0 : i32
    %dma_wait3A_291 = arith.constant 0 : i32
    %dma_wait3A_292 = tpu.memref_slice %arg7[%dma_wait3A_281, %dma_wait3A_290, %dma_wait3A_291] : memref<5x50x128xf32, #tpu.memory_space<vmem>> -> memref<1x50x128xf32, #tpu.memory_space<vmem>>
    %dma_wait3A_293 = tpu.memref_squeeze %dma_wait3A_292 : memref<1x50x128xf32, #tpu.memory_space<vmem>> -> memref<50x128xf32, #tpu.memory_space<vmem>>
    tpu.wait_dma2 semaphore(%arg12 : memref<!tpu.dma_semaphore, #tpu.memory_space<semaphore_mem>>) src(%dma_wait3A_293 : memref<50x128xf32, #tpu.memory_space<vmem>>) dst(%dma_wait3A_289 : memref<50x128xf32, #tpu.memory_space<vmem_shared>>)
    %dma_wait3A_294 = arith.constant 0 : i32
    %dma_wait3A_295 = arith.constant 0 : i32
    %dma_wait3A_296 = arith.constant 0 : i32
    %dma_wait3A_297 = tpu.memref_slice %arg7[%dma_wait3A_294, %dma_wait3A_295, %dma_wait3A_296] : memref<5x50x128xf32, #tpu.memory_space<vmem>> -> memref<1x50x128xf32, #tpu.memory_space<vmem>>
    %dma_wait3A_298 = tpu.memref_squeeze %dma_wait3A_297 : memref<1x50x128xf32, #tpu.memory_space<vmem>> -> memref<50x128xf32, #tpu.memory_space<vmem>>
    %dma_wait3A_299 = arith.constant 0 : i32
    %dma_wait3A_300 = tpu.memref_slice %arg8[%mul3A_7, %dma_wait3A_299] : memref<10000x128xf32, #tpu.memory_space<vmem_shared>> -> memref<50x128xf32, #tpu.memory_space<vmem_shared>>
    %dma_wait3A_301 = arith.constant 0 : i32
    %dma_wait3A_302 = tpu.memref_slice %arg8[%mul3A_7, %dma_wait3A_301] : memref<10000x128xf32, #tpu.memory_space<vmem_shared>> -> memref<50x128xf32, #tpu.memory_space<vmem_shared>>
    %dma_wait3A_303 = arith.constant 0 : i32
    %dma_wait3A_304 = arith.constant 0 : i32
    %dma_wait3A_305 = tpu.memref_slice %arg7[%dma_wait3A_294, %dma_wait3A_303, %dma_wait3A_304] : memref<5x50x128xf32, #tpu.memory_space<vmem>> -> memref<1x50x128xf32, #tpu.memory_space<vmem>>
    %dma_wait3A_306 = tpu.memref_squeeze %dma_wait3A_305 : memref<1x50x128xf32, #tpu.memory_space<vmem>> -> memref<50x128xf32, #tpu.memory_space<vmem>>
    tpu.wait_dma2 semaphore(%arg12 : memref<!tpu.dma_semaphore, #tpu.memory_space<semaphore_mem>>) src(%dma_wait3A_306 : memref<50x128xf32, #tpu.memory_space<vmem>>) dst(%dma_wait3A_302 : memref<50x128xf32, #tpu.memory_space<vmem_shared>>)
    %dma_wait3A_307 = arith.constant 0 : i32
    %dma_wait3A_308 = arith.constant 0 : i32
    %dma_wait3A_309 = arith.constant 0 : i32
    %dma_wait3A_310 = tpu.memref_slice %arg7[%dma_wait3A_307, %dma_wait3A_308, %dma_wait3A_309] : memref<5x50x128xf32, #tpu.memory_space<vmem>> -> memref<1x50x128xf32, #tpu.memory_space<vmem>>
    %dma_wait3A_311 = tpu.memref_squeeze %dma_wait3A_310 : memref<1x50x128xf32, #tpu.memory_space<vmem>> -> memref<50x128xf32, #tpu.memory_space<vmem>>
    %dma_wait3A_312 = arith.constant 0 : i32
    %dma_wait3A_313 = tpu.memref_slice %arg8[%mul3A_7, %dma_wait3A_312] : memref<10000x128xf32, #tpu.memory_space<vmem_shared>> -> memref<50x128xf32, #tpu.memory_space<vmem_shared>>
    %dma_wait3A_314 = arith.constant 0 : i32
    %dma_wait3A_315 = tpu.memref_slice %arg8[%mul3A_7, %dma_wait3A_314] : memref<10000x128xf32, #tpu.memory_space<vmem_shared>> -> memref<50x128xf32, #tpu.memory_space<vmem_shared>>
    %dma_wait3A_316 = arith.constant 0 : i32
    %dma_wait3A_317 = arith.constant 0 : i32
    %dma_wait3A_318 = tpu.memref_slice %arg7[%dma_wait3A_307, %dma_wait3A_316, %dma_wait3A_317] : memref<5x50x128xf32, #tpu.memory_space<vmem>> -> memref<1x50x128xf32, #tpu.memory_space<vmem>>
    %dma_wait3A_319 = tpu.memref_squeeze %dma_wait3A_318 : memref<1x50x128xf32, #tpu.memory_space<vmem>> -> memref<50x128xf32, #tpu.memory_space<vmem>>
    tpu.wait_dma2 semaphore(%arg12 : memref<!tpu.dma_semaphore, #tpu.memory_space<semaphore_mem>>) src(%dma_wait3A_319 : memref<50x128xf32, #tpu.memory_space<vmem>>) dst(%dma_wait3A_315 : memref<50x128xf32, #tpu.memory_space<vmem_shared>>)
    %dma_wait3A_320 = arith.constant 0 : i32
    %dma_wait3A_321 = arith.constant 0 : i32
    %dma_wait3A_322 = arith.constant 0 : i32
    %dma_wait3A_323 = tpu.memref_slice %arg7[%dma_wait3A_320, %dma_wait3A_321, %dma_wait3A_322] : memref<5x50x128xf32, #tpu.memory_space<vmem>> -> memref<1x50x128xf32, #tpu.memory_space<vmem>>
    %dma_wait3A_324 = tpu.memref_squeeze %dma_wait3A_323 : memref<1x50x128xf32, #tpu.memory_space<vmem>> -> memref<50x128xf32, #tpu.memory_space<vmem>>
    %dma_wait3A_325 = arith.constant 0 : i32
    %dma_wait3A_326 = tpu.memref_slice %arg8[%mul3A_7, %dma_wait3A_325] : memref<10000x128xf32, #tpu.memory_space<vmem_shared>> -> memref<50x128xf32, #tpu.memory_space<vmem_shared>>
    %dma_wait3A_327 = arith.constant 0 : i32
    %dma_wait3A_328 = tpu.memref_slice %arg8[%mul3A_7, %dma_wait3A_327] : memref<10000x128xf32, #tpu.memory_space<vmem_shared>> -> memref<50x128xf32, #tpu.memory_space<vmem_shared>>
    %dma_wait3A_329 = arith.constant 0 : i32
    %dma_wait3A_330 = arith.constant 0 : i32
    %dma_wait3A_331 = tpu.memref_slice %arg7[%dma_wait3A_320, %dma_wait3A_329, %dma_wait3A_330] : memref<5x50x128xf32, #tpu.memory_space<vmem>> -> memref<1x50x128xf32, #tpu.memory_space<vmem>>
    %dma_wait3A_332 = tpu.memref_squeeze %dma_wait3A_331 : memref<1x50x128xf32, #tpu.memory_space<vmem>> -> memref<50x128xf32, #tpu.memory_space<vmem>>
    tpu.wait_dma2 semaphore(%arg12 : memref<!tpu.dma_semaphore, #tpu.memory_space<semaphore_mem>>) src(%dma_wait3A_332 : memref<50x128xf32, #tpu.memory_space<vmem>>) dst(%dma_wait3A_328 : memref<50x128xf32, #tpu.memory_space<vmem_shared>>)
    %dma_wait3A_333 = arith.constant 0 : i32
    %dma_wait3A_334 = arith.constant 0 : i32
    %dma_wait3A_335 = arith.constant 0 : i32
    %dma_wait3A_336 = tpu.memref_slice %arg7[%dma_wait3A_333, %dma_wait3A_334, %dma_wait3A_335] : memref<5x50x128xf32, #tpu.memory_space<vmem>> -> memref<1x50x128xf32, #tpu.memory_space<vmem>>
    %dma_wait3A_337 = tpu.memref_squeeze %dma_wait3A_336 : memref<1x50x128xf32, #tpu.memory_space<vmem>> -> memref<50x128xf32, #tpu.memory_space<vmem>>
    %dma_wait3A_338 = arith.constant 0 : i32
    %dma_wait3A_339 = tpu.memref_slice %arg8[%mul3A_7, %dma_wait3A_338] : memref<10000x128xf32, #tpu.memory_space<vmem_shared>> -> memref<50x128xf32, #tpu.memory_space<vmem_shared>>
    %dma_wait3A_340 = arith.constant 0 : i32
    %dma_wait3A_341 = tpu.memref_slice %arg8[%mul3A_7, %dma_wait3A_340] : memref<10000x128xf32, #tpu.memory_space<vmem_shared>> -> memref<50x128xf32, #tpu.memory_space<vmem_shared>>
    %dma_wait3A_342 = arith.constant 0 : i32
    %dma_wait3A_343 = arith.constant 0 : i32
    %dma_wait3A_344 = tpu.memref_slice %arg7[%dma_wait3A_333, %dma_wait3A_342, %dma_wait3A_343] : memref<5x50x128xf32, #tpu.memory_space<vmem>> -> memref<1x50x128xf32, #tpu.memory_space<vmem>>
    %dma_wait3A_345 = tpu.memref_squeeze %dma_wait3A_344 : memref<1x50x128xf32, #tpu.memory_space<vmem>> -> memref<50x128xf32, #tpu.memory_space<vmem>>
    tpu.wait_dma2 semaphore(%arg12 : memref<!tpu.dma_semaphore, #tpu.memory_space<semaphore_mem>>) src(%dma_wait3A_345 : memref<50x128xf32, #tpu.memory_space<vmem>>) dst(%dma_wait3A_341 : memref<50x128xf32, #tpu.memory_space<vmem_shared>>)
    %dma_wait3A_346 = arith.constant 0 : i32
    %dma_wait3A_347 = arith.constant 0 : i32
    %dma_wait3A_348 = arith.constant 0 : i32
    %dma_wait3A_349 = tpu.memref_slice %arg7[%dma_wait3A_346, %dma_wait3A_347, %dma_wait3A_348] : memref<5x50x128xf32, #tpu.memory_space<vmem>> -> memref<1x50x128xf32, #tpu.memory_space<vmem>>
    %dma_wait3A_350 = tpu.memref_squeeze %dma_wait3A_349 : memref<1x50x128xf32, #tpu.memory_space<vmem>> -> memref<50x128xf32, #tpu.memory_space<vmem>>
    %dma_wait3A_351 = arith.constant 0 : i32
    %dma_wait3A_352 = tpu.memref_slice %arg8[%mul3A_7, %dma_wait3A_351] : memref<10000x128xf32, #tpu.memory_space<vmem_shared>> -> memref<50x128xf32, #tpu.memory_space<vmem_shared>>
    %dma_wait3A_353 = arith.constant 0 : i32
    %dma_wait3A_354 = tpu.memref_slice %arg8[%mul3A_7, %dma_wait3A_353] : memref<10000x128xf32, #tpu.memory_space<vmem_shared>> -> memref<50x128xf32, #tpu.memory_space<vmem_shared>>
    %dma_wait3A_355 = arith.constant 0 : i32
    %dma_wait3A_356 = arith.constant 0 : i32
    %dma_wait3A_357 = tpu.memref_slice %arg7[%dma_wait3A_346, %dma_wait3A_355, %dma_wait3A_356] : memref<5x50x128xf32, #tpu.memory_space<vmem>> -> memref<1x50x128xf32, #tpu.memory_space<vmem>>
    %dma_wait3A_358 = tpu.memref_squeeze %dma_wait3A_357 : memref<1x50x128xf32, #tpu.memory_space<vmem>> -> memref<50x128xf32, #tpu.memory_space<vmem>>
    tpu.wait_dma2 semaphore(%arg12 : memref<!tpu.dma_semaphore, #tpu.memory_space<semaphore_mem>>) src(%dma_wait3A_358 : memref<50x128xf32, #tpu.memory_space<vmem>>) dst(%dma_wait3A_354 : memref<50x128xf32, #tpu.memory_space<vmem_shared>>)
    %dma_wait3A_359 = arith.constant 0 : i32
    %dma_wait3A_360 = arith.constant 0 : i32
    %dma_wait3A_361 = arith.constant 0 : i32
    %dma_wait3A_362 = tpu.memref_slice %arg7[%dma_wait3A_359, %dma_wait3A_360, %dma_wait3A_361] : memref<5x50x128xf32, #tpu.memory_space<vmem>> -> memref<1x24x128xf32, #tpu.memory_space<vmem>>
    %dma_wait3A_363 = tpu.memref_squeeze %dma_wait3A_362 : memref<1x24x128xf32, #tpu.memory_space<vmem>> -> memref<24x128xf32, #tpu.memory_space<vmem>>
    %dma_wait3A_364 = arith.constant 0 : i32
    %dma_wait3A_365 = tpu.memref_slice %arg8[%mul3A_7, %dma_wait3A_364] : memref<10000x128xf32, #tpu.memory_space<vmem_shared>> -> memref<24x128xf32, #tpu.memory_space<vmem_shared>>
    %dma_wait3A_366 = arith.constant 0 : i32
    %dma_wait3A_367 = tpu.memref_slice %arg8[%mul3A_7, %dma_wait3A_366] : memref<10000x128xf32, #tpu.memory_space<vmem_shared>> -> memref<24x128xf32, #tpu.memory_space<vmem_shared>>
    %dma_wait3A_368 = arith.constant 0 : i32
    %dma_wait3A_369 = arith.constant 0 : i32
    %dma_wait3A_370 = tpu.memref_slice %arg7[%dma_wait3A_359, %dma_wait3A_368, %dma_wait3A_369] : memref<5x50x128xf32, #tpu.memory_space<vmem>> -> memref<1x24x128xf32, #tpu.memory_space<vmem>>
    %dma_wait3A_371 = tpu.memref_squeeze %dma_wait3A_370 : memref<1x24x128xf32, #tpu.memory_space<vmem>> -> memref<24x128xf32, #tpu.memory_space<vmem>>
    tpu.wait_dma2 semaphore(%arg12 : memref<!tpu.dma_semaphore, #tpu.memory_space<semaphore_mem>>) src(%dma_wait3A_371 : memref<24x128xf32, #tpu.memory_space<vmem>>) dst(%dma_wait3A_367 : memref<24x128xf32, #tpu.memory_space<vmem_shared>>)
    %eq3A_372 = arith.constant 15 : i32
    %eq3A_373 = arith.cmpi eq, %arg1, %eq3A_372 : i32
    %convert_element_type3A_374 = arith.extui %eq3A_373 : i1 to i32
    %cond3A_375 = arith.constant 0 : i32
    %cond3A_376 = arith.cmpi ne, %convert_element_type3A_374, %cond3A_375 : i32
    scf.if %cond3A_376 {
      %dma_wait3A_499 = arith.constant 0 : i32
      %dma_wait3A_500 = arith.constant 0 : i32
      %dma_wait3A_501 = arith.constant 0 : i32
      %dma_wait3A_502 = tpu.memref_slice %arg7[%dma_wait3A_499, %dma_wait3A_500, %dma_wait3A_501] : memref<5x50x128xf32, #tpu.memory_space<vmem>> -> memref<1x16x128xf32, #tpu.memory_space<vmem>>
      %dma_wait3A_503 = tpu.memref_squeeze %dma_wait3A_502 : memref<1x16x128xf32, #tpu.memory_space<vmem>> -> memref<16x128xf32, #tpu.memory_space<vmem>>
      %dma_wait3A_504 = arith.constant 0 : i32
      %dma_wait3A_505 = arith.constant 0 : i32
      %dma_wait3A_506 = tpu.memref_slice %arg8[%dma_wait3A_504, %dma_wait3A_505] : memref<10000x128xf32, #tpu.memory_space<vmem_shared>> -> memref<16x128xf32, #tpu.memory_space<vmem_shared>>
      %dma_wait3A_507 = arith.constant 0 : i32
      %dma_wait3A_508 = arith.constant 0 : i32
      %dma_wait3A_509 = tpu.memref_slice %arg8[%dma_wait3A_507, %dma_wait3A_508] : memref<10000x128xf32, #tpu.memory_space<vmem_shared>> -> memref<16x128xf32, #tpu.memory_space<vmem_shared>>
      %dma_wait3A_510 = arith.constant 0 : i32
      %dma_wait3A_511 = arith.constant 0 : i32
      %dma_wait3A_512 = tpu.memref_slice %arg7[%dma_wait3A_499, %dma_wait3A_510, %dma_wait3A_511] : memref<5x50x128xf32, #tpu.memory_space<vmem>> -> memref<1x16x128xf32, #tpu.memory_space<vmem>>
      %dma_wait3A_513 = tpu.memref_squeeze %dma_wait3A_512 : memref<1x16x128xf32, #tpu.memory_space<vmem>> -> memref<16x128xf32, #tpu.memory_space<vmem>>
      tpu.wait_dma2 semaphore(%arg12 : memref<!tpu.dma_semaphore, #tpu.memory_space<semaphore_mem>>) src(%dma_wait3A_513 : memref<16x128xf32, #tpu.memory_space<vmem>>) dst(%dma_wait3A_509 : memref<16x128xf32, #tpu.memory_space<vmem_shared>>)
    } else {
    }
    %run_scoped3A = arith.constant 0 : i32
    %run_scoped3A_377 = arith.constant 0 : i32
    %run_scoped3A_378 = arith.constant 0 : i32
    "tpu.region"() ({
      %run_scoped3A_499 = tpu.sem_alloc : memref<!tpu.dma_semaphore, #tpu.memory_space<semaphore_mem>>
      %dma_start3A_500 = arith.constant 0 : i32
      %dma_start3A_501 = arith.constant 0 : i32
      %dma_start3A_502 = tpu.memref_slice %arg5[%run_scoped3A_378, %dma_start3A_500, %dma_start3A_501] : memref<2x10x50xi32, #tpu.memory_space<vmem>> -> memref<1x10x50xi32, #tpu.memory_space<vmem>>
      %dma_start3A_503 = tpu.memref_squeeze %dma_start3A_502 : memref<1x10x50xi32, #tpu.memory_space<vmem>> -> memref<10x50xi32, #tpu.memory_space<vmem>>
      %dma_start3A_504 = arith.constant 0 : i32
      %dma_start3A_505 = arith.constant 0 : i32
      %dma_start3A_506 = tpu.memref_slice %arg3[%run_scoped3A, %add3A, %run_scoped3A_377, %dma_start3A_504, %dma_start3A_505] : memref<2x32x20x10x50xi32, #tpu.memory_space<hbm>> -> memref<1x1x1x10x50xi32, #tpu.memory_space<hbm>>
      %dma_start3A_507 = tpu.memref_squeeze %dma_start3A_506 : memref<1x1x1x10x50xi32, #tpu.memory_space<hbm>> -> memref<10x50xi32, #tpu.memory_space<hbm>>
      %dma_start3A_508 = arith.constant 0 : i32
      %dma_start3A_509 = arith.constant 0 : i32
      %dma_start3A_510 = tpu.memref_slice %arg5[%run_scoped3A_378, %dma_start3A_508, %dma_start3A_509] : memref<2x10x50xi32, #tpu.memory_space<vmem>> -> memref<1x10x50xi32, #tpu.memory_space<vmem>>
      %dma_start3A_511 = tpu.memref_squeeze %dma_start3A_510 : memref<1x10x50xi32, #tpu.memory_space<vmem>> -> memref<10x50xi32, #tpu.memory_space<vmem>>
      %dma_start3A_512 = arith.constant 0 : i32
      %dma_start3A_513 = arith.constant 0 : i32
      %dma_start3A_514 = tpu.memref_slice %arg3[%run_scoped3A, %add3A, %run_scoped3A_377, %dma_start3A_512, %dma_start3A_513] : memref<2x32x20x10x50xi32, #tpu.memory_space<hbm>> -> memref<1x1x1x10x50xi32, #tpu.memory_space<hbm>>
      %dma_start3A_515 = tpu.memref_squeeze %dma_start3A_514 : memref<1x1x1x10x50xi32, #tpu.memory_space<hbm>> -> memref<10x50xi32, #tpu.memory_space<hbm>>
      tpu.enqueue_dma source(%dma_start3A_515 : memref<10x50xi32, #tpu.memory_space<hbm>>) target(%dma_start3A_511 : memref<10x50xi32, #tpu.memory_space<vmem>>) target_semaphore(%run_scoped3A_499 : memref<!tpu.dma_semaphore, #tpu.memory_space<semaphore_mem>>)
      %dma_wait3A_516 = arith.constant 0 : i32
      %dma_wait3A_517 = arith.constant 0 : i32
      %dma_wait3A_518 = tpu.memref_slice %arg5[%run_scoped3A_378, %dma_wait3A_516, %dma_wait3A_517] : memref<2x10x50xi32, #tpu.memory_space<vmem>> -> memref<1x10x50xi32, #tpu.memory_space<vmem>>
      %dma_wait3A_519 = tpu.memref_squeeze %dma_wait3A_518 : memref<1x10x50xi32, #tpu.memory_space<vmem>> -> memref<10x50xi32, #tpu.memory_space<vmem>>
      %dma_wait3A_520 = arith.constant 0 : i32
      %dma_wait3A_521 = arith.constant 0 : i32
      %dma_wait3A_522 = tpu.memref_slice %arg3[%run_scoped3A, %add3A, %run_scoped3A_377, %dma_wait3A_520, %dma_wait3A_521] : memref<2x32x20x10x50xi32, #tpu.memory_space<hbm>> -> memref<1x1x1x10x50xi32, #tpu.memory_space<hbm>>
      %dma_wait3A_523 = tpu.memref_squeeze %dma_wait3A_522 : memref<1x1x1x10x50xi32, #tpu.memory_space<hbm>> -> memref<10x50xi32, #tpu.memory_space<hbm>>
      %dma_wait3A_524 = arith.constant 0 : i32
      %dma_wait3A_525 = arith.constant 0 : i32
      %dma_wait3A_526 = tpu.memref_slice %arg5[%run_scoped3A_378, %dma_wait3A_524, %dma_wait3A_525] : memref<2x10x50xi32, #tpu.memory_space<vmem>> -> memref<1x10x50xi32, #tpu.memory_space<vmem>>
      %dma_wait3A_527 = tpu.memref_squeeze %dma_wait3A_526 : memref<1x10x50xi32, #tpu.memory_space<vmem>> -> memref<10x50xi32, #tpu.memory_space<vmem>>
      %dma_wait3A_528 = arith.constant 0 : i32
      %dma_wait3A_529 = arith.constant 0 : i32
      %dma_wait3A_530 = tpu.memref_slice %arg3[%run_scoped3A, %add3A, %run_scoped3A_377, %dma_wait3A_528, %dma_wait3A_529] : memref<2x32x20x10x50xi32, #tpu.memory_space<hbm>> -> memref<1x1x1x10x50xi32, #tpu.memory_space<hbm>>
      %dma_wait3A_531 = tpu.memref_squeeze %dma_wait3A_530 : memref<1x1x1x10x50xi32, #tpu.memory_space<hbm>> -> memref<10x50xi32, #tpu.memory_space<hbm>>
      tpu.wait_dma2 semaphore(%run_scoped3A_499 : memref<!tpu.dma_semaphore, #tpu.memory_space<semaphore_mem>>) src(%dma_wait3A_531 : memref<10x50xi32, #tpu.memory_space<hbm>>) dst(%dma_wait3A_527 : memref<10x50xi32, #tpu.memory_space<vmem>>)
      tpu.yield
    }) : () -> ()
    %run_scoped3A_379 = arith.constant 1 : i32
    %run_scoped3A_380 = arith.constant 0 : i32
    %run_scoped3A_381 = arith.constant 0 : i32
    "tpu.region"() ({
      %run_scoped3A_499 = tpu.sem_alloc : memref<!tpu.dma_semaphore, #tpu.memory_space<semaphore_mem>>
      %dma_start3A_500 = arith.constant 0 : i32
      %dma_start3A_501 = arith.constant 0 : i32
      %dma_start3A_502 = tpu.memref_slice %arg6[%run_scoped3A_381, %dma_start3A_500, %dma_start3A_501] : memref<2x10x50xi32, #tpu.memory_space<vmem>> -> memref<1x10x50xi32, #tpu.memory_space<vmem>>
      %dma_start3A_503 = tpu.memref_squeeze %dma_start3A_502 : memref<1x10x50xi32, #tpu.memory_space<vmem>> -> memref<10x50xi32, #tpu.memory_space<vmem>>
      %dma_start3A_504 = arith.constant 0 : i32
      %dma_start3A_505 = arith.constant 0 : i32
      %dma_start3A_506 = tpu.memref_slice %arg3[%run_scoped3A_379, %add3A, %run_scoped3A_380, %dma_start3A_504, %dma_start3A_505] : memref<2x32x20x10x50xi32, #tpu.memory_space<hbm>> -> memref<1x1x1x10x50xi32, #tpu.memory_space<hbm>>
      %dma_start3A_507 = tpu.memref_squeeze %dma_start3A_506 : memref<1x1x1x10x50xi32, #tpu.memory_space<hbm>> -> memref<10x50xi32, #tpu.memory_space<hbm>>
      %dma_start3A_508 = arith.constant 0 : i32
      %dma_start3A_509 = arith.constant 0 : i32
      %dma_start3A_510 = tpu.memref_slice %arg6[%run_scoped3A_381, %dma_start3A_508, %dma_start3A_509] : memref<2x10x50xi32, #tpu.memory_space<vmem>> -> memref<1x10x50xi32, #tpu.memory_space<vmem>>
      %dma_start3A_511 = tpu.memref_squeeze %dma_start3A_510 : memref<1x10x50xi32, #tpu.memory_space<vmem>> -> memref<10x50xi32, #tpu.memory_space<vmem>>
      %dma_start3A_512 = arith.constant 0 : i32
      %dma_start3A_513 = arith.constant 0 : i32
      %dma_start3A_514 = tpu.memref_slice %arg3[%run_scoped3A_379, %add3A, %run_scoped3A_380, %dma_start3A_512, %dma_start3A_513] : memref<2x32x20x10x50xi32, #tpu.memory_space<hbm>> -> memref<1x1x1x10x50xi32, #tpu.memory_space<hbm>>
      %dma_start3A_515 = tpu.memref_squeeze %dma_start3A_514 : memref<1x1x1x10x50xi32, #tpu.memory_space<hbm>> -> memref<10x50xi32, #tpu.memory_space<hbm>>
      tpu.enqueue_dma source(%dma_start3A_515 : memref<10x50xi32, #tpu.memory_space<hbm>>) target(%dma_start3A_511 : memref<10x50xi32, #tpu.memory_space<vmem>>) target_semaphore(%run_scoped3A_499 : memref<!tpu.dma_semaphore, #tpu.memory_space<semaphore_mem>>)
      %dma_wait3A_516 = arith.constant 0 : i32
      %dma_wait3A_517 = arith.constant 0 : i32
      %dma_wait3A_518 = tpu.memref_slice %arg6[%run_scoped3A_381, %dma_wait3A_516, %dma_wait3A_517] : memref<2x10x50xi32, #tpu.memory_space<vmem>> -> memref<1x10x50xi32, #tpu.memory_space<vmem>>
      %dma_wait3A_519 = tpu.memref_squeeze %dma_wait3A_518 : memref<1x10x50xi32, #tpu.memory_space<vmem>> -> memref<10x50xi32, #tpu.memory_space<vmem>>
      %dma_wait3A_520 = arith.constant 0 : i32
      %dma_wait3A_521 = arith.constant 0 : i32
      %dma_wait3A_522 = tpu.memref_slice %arg3[%run_scoped3A_379, %add3A, %run_scoped3A_380, %dma_wait3A_520, %dma_wait3A_521] : memref<2x32x20x10x50xi32, #tpu.memory_space<hbm>> -> memref<1x1x1x10x50xi32, #tpu.memory_space<hbm>>
      %dma_wait3A_523 = tpu.memref_squeeze %dma_wait3A_522 : memref<1x1x1x10x50xi32, #tpu.memory_space<hbm>> -> memref<10x50xi32, #tpu.memory_space<hbm>>
      %dma_wait3A_524 = arith.constant 0 : i32
      %dma_wait3A_525 = arith.constant 0 : i32
      %dma_wait3A_526 = tpu.memref_slice %arg6[%run_scoped3A_381, %dma_wait3A_524, %dma_wait3A_525] : memref<2x10x50xi32, #tpu.memory_space<vmem>> -> memref<1x10x50xi32, #tpu.memory_space<vmem>>
      %dma_wait3A_527 = tpu.memref_squeeze %dma_wait3A_526 : memref<1x10x50xi32, #tpu.memory_space<vmem>> -> memref<10x50xi32, #tpu.memory_space<vmem>>
      %dma_wait3A_528 = arith.constant 0 : i32
      %dma_wait3A_529 = arith.constant 0 : i32
      %dma_wait3A_530 = tpu.memref_slice %arg3[%run_scoped3A_379, %add3A, %run_scoped3A_380, %dma_wait3A_528, %dma_wait3A_529] : memref<2x32x20x10x50xi32, #tpu.memory_space<hbm>> -> memref<1x1x1x10x50xi32, #tpu.memory_space<hbm>>
      %dma_wait3A_531 = tpu.memref_squeeze %dma_wait3A_530 : memref<1x1x1x10x50xi32, #tpu.memory_space<hbm>> -> memref<10x50xi32, #tpu.memory_space<hbm>>
      tpu.wait_dma2 semaphore(%run_scoped3A_499 : memref<!tpu.dma_semaphore, #tpu.memory_space<semaphore_mem>>) src(%dma_wait3A_531 : memref<10x50xi32, #tpu.memory_space<hbm>>) dst(%dma_wait3A_527 : memref<10x50xi32, #tpu.memory_space<vmem>>)
      tpu.yield
    }) : () -> ()
    %dma_start3A_382 = arith.constant 0 : i32
    %dma_start3A_383 = arith.constant 1 : i32
    %dma_start3A_384 = arith.constant 1 : i32
    %dma_start3A_385 = arith.constant 0 : i32
    %dma_start3A_386 = arith.constant 0 : i32
    %dma_start3A_387 = tpu.memref_slice %arg5[%dma_start3A_384, %dma_start3A_385, %dma_start3A_386] : memref<2x10x50xi32, #tpu.memory_space<vmem>> -> memref<1x10x50xi32, #tpu.memory_space<vmem>>
    %dma_start3A_388 = tpu.memref_squeeze %dma_start3A_387 : memref<1x10x50xi32, #tpu.memory_space<vmem>> -> memref<10x50xi32, #tpu.memory_space<vmem>>
    %dma_start3A_389 = arith.constant 0 : i32
    %dma_start3A_390 = arith.constant 0 : i32
    %dma_start3A_391 = tpu.memref_slice %arg3[%dma_start3A_382, %add3A, %dma_start3A_383, %dma_start3A_389, %dma_start3A_390] : memref<2x32x20x10x50xi32, #tpu.memory_space<hbm>> -> memref<1x1x1x10x50xi32, #tpu.memory_space<hbm>>
    %dma_start3A_392 = tpu.memref_squeeze %dma_start3A_391 : memref<1x1x1x10x50xi32, #tpu.memory_space<hbm>> -> memref<10x50xi32, #tpu.memory_space<hbm>>
    %dma_start3A_393 = arith.constant 0 : i32
    %dma_start3A_394 = arith.constant 0 : i32
    %dma_start3A_395 = tpu.memref_slice %arg5[%dma_start3A_384, %dma_start3A_393, %dma_start3A_394] : memref<2x10x50xi32, #tpu.memory_space<vmem>> -> memref<1x10x50xi32, #tpu.memory_space<vmem>>
    %dma_start3A_396 = tpu.memref_squeeze %dma_start3A_395 : memref<1x10x50xi32, #tpu.memory_space<vmem>> -> memref<10x50xi32, #tpu.memory_space<vmem>>
    %dma_start3A_397 = arith.constant 0 : i32
    %dma_start3A_398 = arith.constant 0 : i32
    %dma_start3A_399 = tpu.memref_slice %arg3[%dma_start3A_382, %add3A, %dma_start3A_383, %dma_start3A_397, %dma_start3A_398] : memref<2x32x20x10x50xi32, #tpu.memory_space<hbm>> -> memref<1x1x1x10x50xi32, #tpu.memory_space<hbm>>
    %dma_start3A_400 = tpu.memref_squeeze %dma_start3A_399 : memref<1x1x1x10x50xi32, #tpu.memory_space<hbm>> -> memref<10x50xi32, #tpu.memory_space<hbm>>
    tpu.enqueue_dma source(%dma_start3A_400 : memref<10x50xi32, #tpu.memory_space<hbm>>) target(%dma_start3A_396 : memref<10x50xi32, #tpu.memory_space<vmem>>) target_semaphore(%arg11 : memref<!tpu.dma_semaphore, #tpu.memory_space<semaphore_mem>>)
    %dma_start3A_401 = arith.constant 1 : i32
    %dma_start3A_402 = arith.constant 1 : i32
    %dma_start3A_403 = arith.constant 1 : i32
    %dma_start3A_404 = arith.constant 0 : i32
    %dma_start3A_405 = arith.constant 0 : i32
    %dma_start3A_406 = tpu.memref_slice %arg6[%dma_start3A_403, %dma_start3A_404, %dma_start3A_405] : memref<2x10x50xi32, #tpu.memory_space<vmem>> -> memref<1x10x50xi32, #tpu.memory_space<vmem>>
    %dma_start3A_407 = tpu.memref_squeeze %dma_start3A_406 : memref<1x10x50xi32, #tpu.memory_space<vmem>> -> memref<10x50xi32, #tpu.memory_space<vmem>>
    %dma_start3A_408 = arith.constant 0 : i32
    %dma_start3A_409 = arith.constant 0 : i32
    %dma_start3A_410 = tpu.memref_slice %arg3[%dma_start3A_401, %add3A, %dma_start3A_402, %dma_start3A_408, %dma_start3A_409] : memref<2x32x20x10x50xi32, #tpu.memory_space<hbm>> -> memref<1x1x1x10x50xi32, #tpu.memory_space<hbm>>
    %dma_start3A_411 = tpu.memref_squeeze %dma_start3A_410 : memref<1x1x1x10x50xi32, #tpu.memory_space<hbm>> -> memref<10x50xi32, #tpu.memory_space<hbm>>
    %dma_start3A_412 = arith.constant 0 : i32
    %dma_start3A_413 = arith.constant 0 : i32
    %dma_start3A_414 = tpu.memref_slice %arg6[%dma_start3A_403, %dma_start3A_412, %dma_start3A_413] : memref<2x10x50xi32, #tpu.memory_space<vmem>> -> memref<1x10x50xi32, #tpu.memory_space<vmem>>
    %dma_start3A_415 = tpu.memref_squeeze %dma_start3A_414 : memref<1x10x50xi32, #tpu.memory_space<vmem>> -> memref<10x50xi32, #tpu.memory_space<vmem>>
    %dma_start3A_416 = arith.constant 0 : i32
    %dma_start3A_417 = arith.constant 0 : i32
    %dma_start3A_418 = tpu.memref_slice %arg3[%dma_start3A_401, %add3A, %dma_start3A_402, %dma_start3A_416, %dma_start3A_417] : memref<2x32x20x10x50xi32, #tpu.memory_space<hbm>> -> memref<1x1x1x10x50xi32, #tpu.memory_space<hbm>>
    %dma_start3A_419 = tpu.memref_squeeze %dma_start3A_418 : memref<1x1x1x10x50xi32, #tpu.memory_space<hbm>> -> memref<10x50xi32, #tpu.memory_space<hbm>>
    tpu.enqueue_dma source(%dma_start3A_419 : memref<10x50xi32, #tpu.memory_space<hbm>>) target(%dma_start3A_415 : memref<10x50xi32, #tpu.memory_space<vmem>>) target_semaphore(%arg11 : memref<!tpu.dma_semaphore, #tpu.memory_space<semaphore_mem>>)
    %dma_start3A_420 = arith.constant 0 : i32
    %dma_start3A_421 = arith.constant 0 : i32
    %dma_start3A_422 = arith.constant 0 : i32
    %dma_start3A_423 = arith.constant 0 : i32
    %dma_start3A_424 = arith.constant 0 : i32
    %dma_start3A_425 = tpu.memref_slice %arg7[%dma_start3A_422, %dma_start3A_423, %dma_start3A_424] : memref<5x50x128xf32, #tpu.memory_space<vmem>> -> memref<1x50x128xf32, #tpu.memory_space<vmem>>
    %dma_start3A_426 = tpu.memref_squeeze %dma_start3A_425 : memref<1x50x128xf32, #tpu.memory_space<vmem>> -> memref<50x128xf32, #tpu.memory_space<vmem>>
    %dma_start3A_427 = arith.constant 0 : i32
    %dma_start3A_428 = tpu.memref_slice %arg5[%dma_start3A_420, %dma_start3A_421, %dma_start3A_427] : memref<2x10x50xi32, #tpu.memory_space<vmem>> -> memref<1x1x50xi32, #tpu.memory_space<vmem>>
    %dma_start3A_429 = tpu.memref_squeeze %dma_start3A_428 : memref<1x1x50xi32, #tpu.memory_space<vmem>> -> memref<50xi32, #tpu.memory_space<vmem>>
    %dma_start3A_430 = arith.constant 0 : i32
    %dma_start3A_431 = arith.constant 0 : i32
    %dma_start3A_432 = tpu.memref_slice %arg2[%dma_start3A_430, %dma_start3A_431] : memref<10000x128xf32, #tpu.memory_space<hbm>> -> memref<10000x128xf32, #tpu.memory_space<hbm>>
    tpu.enqueue_indirect_dma source(%dma_start3A_432 : memref<10000x128xf32, #tpu.memory_space<hbm>>) target(%dma_start3A_426 : memref<50x128xf32, #tpu.memory_space<vmem>>) offsets(%dma_start3A_429 : memref<50xi32, #tpu.memory_space<vmem>>) semaphore(%arg9 : memref<!tpu.dma_semaphore, #tpu.memory_space<semaphore_mem>>)
    %dma_start3A_433 = arith.constant 0 : i32
    %dma_start3A_434 = arith.constant 1 : i32
    %dma_start3A_435 = arith.constant 1 : i32
    %dma_start3A_436 = arith.constant 0 : i32
    %dma_start3A_437 = arith.constant 0 : i32
    %dma_start3A_438 = tpu.memref_slice %arg7[%dma_start3A_435, %dma_start3A_436, %dma_start3A_437] : memref<5x50x128xf32, #tpu.memory_space<vmem>> -> memref<1x50x128xf32, #tpu.memory_space<vmem>>
    %dma_start3A_439 = tpu.memref_squeeze %dma_start3A_438 : memref<1x50x128xf32, #tpu.memory_space<vmem>> -> memref<50x128xf32, #tpu.memory_space<vmem>>
    %dma_start3A_440 = arith.constant 0 : i32
    %dma_start3A_441 = tpu.memref_slice %arg5[%dma_start3A_433, %dma_start3A_434, %dma_start3A_440] : memref<2x10x50xi32, #tpu.memory_space<vmem>> -> memref<1x1x50xi32, #tpu.memory_space<vmem>>
    %dma_start3A_442 = tpu.memref_squeeze %dma_start3A_441 : memref<1x1x50xi32, #tpu.memory_space<vmem>> -> memref<50xi32, #tpu.memory_space<vmem>>
    %dma_start3A_443 = arith.constant 0 : i32
    %dma_start3A_444 = arith.constant 0 : i32
    %dma_start3A_445 = tpu.memref_slice %arg2[%dma_start3A_443, %dma_start3A_444] : memref<10000x128xf32, #tpu.memory_space<hbm>> -> memref<10000x128xf32, #tpu.memory_space<hbm>>
    tpu.enqueue_indirect_dma source(%dma_start3A_445 : memref<10000x128xf32, #tpu.memory_space<hbm>>) target(%dma_start3A_439 : memref<50x128xf32, #tpu.memory_space<vmem>>) offsets(%dma_start3A_442 : memref<50xi32, #tpu.memory_space<vmem>>) semaphore(%arg9 : memref<!tpu.dma_semaphore, #tpu.memory_space<semaphore_mem>>)
    %dma_start3A_446 = arith.constant 0 : i32
    %dma_start3A_447 = arith.constant 2 : i32
    %dma_start3A_448 = arith.constant 2 : i32
    %dma_start3A_449 = arith.constant 0 : i32
    %dma_start3A_450 = arith.constant 0 : i32
    %dma_start3A_451 = tpu.memref_slice %arg7[%dma_start3A_448, %dma_start3A_449, %dma_start3A_450] : memref<5x50x128xf32, #tpu.memory_space<vmem>> -> memref<1x50x128xf32, #tpu.memory_space<vmem>>
    %dma_start3A_452 = tpu.memref_squeeze %dma_start3A_451 : memref<1x50x128xf32, #tpu.memory_space<vmem>> -> memref<50x128xf32, #tpu.memory_space<vmem>>
    %dma_start3A_453 = arith.constant 0 : i32
    %dma_start3A_454 = tpu.memref_slice %arg5[%dma_start3A_446, %dma_start3A_447, %dma_start3A_453] : memref<2x10x50xi32, #tpu.memory_space<vmem>> -> memref<1x1x50xi32, #tpu.memory_space<vmem>>
    %dma_start3A_455 = tpu.memref_squeeze %dma_start3A_454 : memref<1x1x50xi32, #tpu.memory_space<vmem>> -> memref<50xi32, #tpu.memory_space<vmem>>
    %dma_start3A_456 = arith.constant 0 : i32
    %dma_start3A_457 = arith.constant 0 : i32
    %dma_start3A_458 = tpu.memref_slice %arg2[%dma_start3A_456, %dma_start3A_457] : memref<10000x128xf32, #tpu.memory_space<hbm>> -> memref<10000x128xf32, #tpu.memory_space<hbm>>
    tpu.enqueue_indirect_dma source(%dma_start3A_458 : memref<10000x128xf32, #tpu.memory_space<hbm>>) target(%dma_start3A_452 : memref<50x128xf32, #tpu.memory_space<vmem>>) offsets(%dma_start3A_455 : memref<50xi32, #tpu.memory_space<vmem>>) semaphore(%arg9 : memref<!tpu.dma_semaphore, #tpu.memory_space<semaphore_mem>>)
    %dma_start3A_459 = arith.constant 0 : i32
    %dma_start3A_460 = arith.constant 3 : i32
    %dma_start3A_461 = arith.constant 3 : i32
    %dma_start3A_462 = arith.constant 0 : i32
    %dma_start3A_463 = arith.constant 0 : i32
    %dma_start3A_464 = tpu.memref_slice %arg7[%dma_start3A_461, %dma_start3A_462, %dma_start3A_463] : memref<5x50x128xf32, #tpu.memory_space<vmem>> -> memref<1x50x128xf32, #tpu.memory_space<vmem>>
    %dma_start3A_465 = tpu.memref_squeeze %dma_start3A_464 : memref<1x50x128xf32, #tpu.memory_space<vmem>> -> memref<50x128xf32, #tpu.memory_space<vmem>>
    %dma_start3A_466 = arith.constant 0 : i32
    %dma_start3A_467 = tpu.memref_slice %arg5[%dma_start3A_459, %dma_start3A_460, %dma_start3A_466] : memref<2x10x50xi32, #tpu.memory_space<vmem>> -> memref<1x1x50xi32, #tpu.memory_space<vmem>>
    %dma_start3A_468 = tpu.memref_squeeze %dma_start3A_467 : memref<1x1x50xi32, #tpu.memory_space<vmem>> -> memref<50xi32, #tpu.memory_space<vmem>>
    %dma_start3A_469 = arith.constant 0 : i32
    %dma_start3A_470 = arith.constant 0 : i32
    %dma_start3A_471 = tpu.memref_slice %arg2[%dma_start3A_469, %dma_start3A_470] : memref<10000x128xf32, #tpu.memory_space<hbm>> -> memref<10000x128xf32, #tpu.memory_space<hbm>>
    tpu.enqueue_indirect_dma source(%dma_start3A_471 : memref<10000x128xf32, #tpu.memory_space<hbm>>) target(%dma_start3A_465 : memref<50x128xf32, #tpu.memory_space<vmem>>) offsets(%dma_start3A_468 : memref<50xi32, #tpu.memory_space<vmem>>) semaphore(%arg9 : memref<!tpu.dma_semaphore, #tpu.memory_space<semaphore_mem>>)
    %barrier3A = arith.constant 0 : index
    tpu.barrier barrier_id(%barrier3A)
    %scan3A_472 = arith.constant 0 : i32
    %scan3A_473 = arith.constant 0 : i32
    %scan3A_474 = arith.constant 200 : i32
    %scan3A_475 = arith.addi %scan3A_473, %scan3A_474 : i32
    %scan3A_476 = arith.constant 1 : i32
    scf.for %scan3A_499 = %scan3A_473 to %scan3A_475 step %scan3A_476  : i32 {
      %jit3A = arith.constant 5 : i32
      %eq3A_500 = arith.constant 0 : i32
      %eq3A_501 = arith.cmpi eq, %jit3A, %eq3A_500 : i32
      %jit3A_502 = arith.constant 1 : i32
      %select_n3A = arith.select %eq3A_501, %jit3A_502, %jit3A : i32
      %rem3A = arith.remsi %scan3A_499, %select_n3A : i32
      %ne3A = arith.constant 0 : i32
      %ne3A_503 = arith.cmpi ne, %rem3A, %ne3A : i32
      %lt3A = arith.constant 0 : i32
      %lt3A_504 = arith.cmpi slt, %rem3A, %lt3A : i32
      %lt3A_505 = arith.constant 0 : i32
      %lt3A_506 = arith.cmpi slt, %select_n3A, %lt3A_505 : i32
      %ne3A_507 = arith.xori %lt3A_504, %lt3A_506 : i1
      %and3A = arith.andi %ne3A_507, %ne3A_503 : i1
      %add3A_508 = arith.addi %rem3A, %select_n3A : i32
      %select_n3A_509 = arith.select %and3A, %add3A_508, %rem3A : i32
      %jit3A_510 = arith.constant 10 : i32
      %div3A = arith.divsi %scan3A_499, %jit3A_510 : i32
      %sign3A = arith.constant 0 : i32
      %sign3A_511 = arith.cmpi sgt, %scan3A_499, %sign3A : i32
      %sign3A_512 = arith.extui %sign3A_511 : i1 to i32
      %sign3A_513 = arith.constant 0 : i32
      %sign3A_514 = arith.cmpi slt, %scan3A_499, %sign3A_513 : i32
      %sign3A_515 = arith.extui %sign3A_514 : i1 to i32
      %sign3A_516 = arith.subi %sign3A_512, %sign3A_515 : i32
      %sign3A_517 = arith.constant 0 : i32
      %sign3A_518 = arith.cmpi sgt, %jit3A_510, %sign3A_517 : i32
      %sign3A_519 = arith.extui %sign3A_518 : i1 to i32
      %sign3A_520 = arith.constant 0 : i32
      %sign3A_521 = arith.cmpi slt, %jit3A_510, %sign3A_520 : i32
      %sign3A_522 = arith.extui %sign3A_521 : i1 to i32
      %sign3A_523 = arith.subi %sign3A_519, %sign3A_522 : i32
      %ne3A_524 = arith.cmpi ne, %sign3A_516, %sign3A_523 : i32
      %rem3A_525 = arith.remsi %scan3A_499, %jit3A_510 : i32
      %ne3A_526 = arith.constant 0 : i32
      %ne3A_527 = arith.cmpi ne, %rem3A_525, %ne3A_526 : i32
      %and3A_528 = arith.andi %ne3A_524, %ne3A_527 : i1
      %sub3A = arith.constant 1 : i32
      %sub3A_529 = arith.subi %div3A, %sub3A : i32
      %select_n3A_530 = arith.select %and3A_528, %sub3A_529, %div3A : i32
      %jit3A_531 = arith.constant 2 : i32
      %eq3A_532 = arith.constant 0 : i32
      %eq3A_533 = arith.cmpi eq, %jit3A_531, %eq3A_532 : i32
      %jit3A_534 = arith.constant 1 : i32
      %select_n3A_535 = arith.select %eq3A_533, %jit3A_534, %jit3A_531 : i32
      %rem3A_536 = arith.remsi %select_n3A_530, %select_n3A_535 : i32
      %ne3A_537 = arith.constant 0 : i32
      %ne3A_538 = arith.cmpi ne, %rem3A_536, %ne3A_537 : i32
      %lt3A_539 = arith.constant 0 : i32
      %lt3A_540 = arith.cmpi slt, %rem3A_536, %lt3A_539 : i32
      %lt3A_541 = arith.constant 0 : i32
      %lt3A_542 = arith.cmpi slt, %select_n3A_535, %lt3A_541 : i32
      %ne3A_543 = arith.xori %lt3A_540, %lt3A_542 : i1
      %and3A_544 = arith.andi %ne3A_543, %ne3A_538 : i1
      %add3A_545 = arith.addi %rem3A_536, %select_n3A_535 : i32
      %select_n3A_546 = arith.select %and3A_544, %add3A_545, %rem3A_536 : i32
      %jit3A_547 = arith.constant 10 : i32
      %eq3A_548 = arith.constant 0 : i32
      %eq3A_549 = arith.cmpi eq, %jit3A_547, %eq3A_548 : i32
      %jit3A_550 = arith.constant 1 : i32
      %select_n3A_551 = arith.select %eq3A_549, %jit3A_550, %jit3A_547 : i32
      %rem3A_552 = arith.remsi %scan3A_499, %select_n3A_551 : i32
      %ne3A_553 = arith.constant 0 : i32
      %ne3A_554 = arith.cmpi ne, %rem3A_552, %ne3A_553 : i32
      %lt3A_555 = arith.constant 0 : i32
      %lt3A_556 = arith.cmpi slt, %rem3A_552, %lt3A_555 : i32
      %lt3A_557 = arith.constant 0 : i32
      %lt3A_558 = arith.cmpi slt, %select_n3A_551, %lt3A_557 : i32
      %ne3A_559 = arith.xori %lt3A_556, %lt3A_558 : i1
      %and3A_560 = arith.andi %ne3A_559, %ne3A_554 : i1
      %add3A_561 = arith.addi %rem3A_552, %select_n3A_551 : i32
      %select_n3A_562 = arith.select %and3A_560, %add3A_561, %rem3A_552 : i32
      %dma_wait3A_563 = arith.constant 0 : i32
      %dma_wait3A_564 = arith.constant 0 : i32
      %dma_wait3A_565 = tpu.memref_slice %arg7[%select_n3A_509, %dma_wait3A_563, %dma_wait3A_564] : memref<5x50x128xf32, #tpu.memory_space<vmem>> -> memref<1x50x128xf32, #tpu.memory_space<vmem>>
      %dma_wait3A_566 = tpu.memref_squeeze %dma_wait3A_565 : memref<1x50x128xf32, #tpu.memory_space<vmem>> -> memref<50x128xf32, #tpu.memory_space<vmem>>
      %dma_wait3A_567 = arith.constant 0 : i32
      %dma_wait3A_568 = tpu.memref_slice %arg5[%select_n3A_546, %select_n3A_562, %dma_wait3A_567] : memref<2x10x50xi32, #tpu.memory_space<vmem>> -> memref<1x1x50xi32, #tpu.memory_space<vmem>>
      %dma_wait3A_569 = tpu.memref_squeeze %dma_wait3A_568 : memref<1x1x50xi32, #tpu.memory_space<vmem>> -> memref<50xi32, #tpu.memory_space<vmem>>
      %dma_wait3A_570 = arith.constant 0 : i32
      %dma_wait3A_571 = arith.constant 0 : i32
      %dma_wait3A_572 = tpu.memref_slice %arg2[%dma_wait3A_570, %dma_wait3A_571] : memref<10000x128xf32, #tpu.memory_space<hbm>> -> memref<10000x128xf32, #tpu.memory_space<hbm>>
      tpu.wait_indirect_dma semaphore(%arg9 : memref<!tpu.dma_semaphore, #tpu.memory_space<semaphore_mem>>) src(%dma_wait3A_572 : memref<10000x128xf32, #tpu.memory_space<hbm>>) dst(%dma_wait3A_566 : memref<50x128xf32, #tpu.memory_space<vmem>>)
      %ge3A = arith.constant 1 : i32
      %ge3A_573 = arith.cmpi sge, %scan3A_499, %ge3A : i32
      %convert_element_type3A_574 = arith.extui %ge3A_573 : i1 to i32
      %cond3A_575 = arith.constant 0 : i32
      %cond3A_576 = arith.cmpi ne, %convert_element_type3A_574, %cond3A_575 : i32
      scf.if %cond3A_576 {
        %sub3A_657 = arith.constant 1 : i32
        %sub3A_658 = arith.subi %scan3A_499, %sub3A_657 : i32
        %jit3A_659 = arith.constant 10 : i32
        %div3A_660 = arith.divsi %sub3A_658, %jit3A_659 : i32
        %sign3A_661 = arith.constant 0 : i32
        %sign3A_662 = arith.cmpi sgt, %sub3A_658, %sign3A_661 : i32
        %sign3A_663 = arith.extui %sign3A_662 : i1 to i32
        %sign3A_664 = arith.constant 0 : i32
        %sign3A_665 = arith.cmpi slt, %sub3A_658, %sign3A_664 : i32
        %sign3A_666 = arith.extui %sign3A_665 : i1 to i32
        %sign3A_667 = arith.subi %sign3A_663, %sign3A_666 : i32
        %sign3A_668 = arith.constant 0 : i32
        %sign3A_669 = arith.cmpi sgt, %jit3A_659, %sign3A_668 : i32
        %sign3A_670 = arith.extui %sign3A_669 : i1 to i32
        %sign3A_671 = arith.constant 0 : i32
        %sign3A_672 = arith.cmpi slt, %jit3A_659, %sign3A_671 : i32
        %sign3A_673 = arith.extui %sign3A_672 : i1 to i32
        %sign3A_674 = arith.subi %sign3A_670, %sign3A_673 : i32
        %ne3A_675 = arith.cmpi ne, %sign3A_667, %sign3A_674 : i32
        %rem3A_676 = arith.remsi %sub3A_658, %jit3A_659 : i32
        %ne3A_677 = arith.constant 0 : i32
        %ne3A_678 = arith.cmpi ne, %rem3A_676, %ne3A_677 : i32
        %and3A_679 = arith.andi %ne3A_675, %ne3A_678 : i1
        %sub3A_680 = arith.constant 1 : i32
        %sub3A_681 = arith.subi %div3A_660, %sub3A_680 : i32
        %select_n3A_682 = arith.select %and3A_679, %sub3A_681, %div3A_660 : i32
        %sub3A_683 = arith.constant 1 : i32
        %sub3A_684 = arith.subi %scan3A_499, %sub3A_683 : i32
        %jit3A_685 = arith.constant 5 : i32
        %eq3A_686 = arith.constant 0 : i32
        %eq3A_687 = arith.cmpi eq, %jit3A_685, %eq3A_686 : i32
        %jit3A_688 = arith.constant 1 : i32
        %select_n3A_689 = arith.select %eq3A_687, %jit3A_688, %jit3A_685 : i32
        %rem3A_690 = arith.remsi %sub3A_684, %select_n3A_689 : i32
        %ne3A_691 = arith.constant 0 : i32
        %ne3A_692 = arith.cmpi ne, %rem3A_690, %ne3A_691 : i32
        %lt3A_693 = arith.constant 0 : i32
        %lt3A_694 = arith.cmpi slt, %rem3A_690, %lt3A_693 : i32
        %lt3A_695 = arith.constant 0 : i32
        %lt3A_696 = arith.cmpi slt, %select_n3A_689, %lt3A_695 : i32
        %ne3A_697 = arith.xori %lt3A_694, %lt3A_696 : i1
        %and3A_698 = arith.andi %ne3A_697, %ne3A_692 : i1
        %add3A_699 = arith.addi %rem3A_690, %select_n3A_689 : i32
        %select_n3A_700 = arith.select %and3A_698, %add3A_699, %rem3A_690 : i32
        %jit3A_701 = arith.constant 2 : i32
        %eq3A_702 = arith.constant 0 : i32
        %eq3A_703 = arith.cmpi eq, %jit3A_701, %eq3A_702 : i32
        %jit3A_704 = arith.constant 1 : i32
        %select_n3A_705 = arith.select %eq3A_703, %jit3A_704, %jit3A_701 : i32
        %rem3A_706 = arith.remsi %select_n3A_682, %select_n3A_705 : i32
        %ne3A_707 = arith.constant 0 : i32
        %ne3A_708 = arith.cmpi ne, %rem3A_706, %ne3A_707 : i32
        %lt3A_709 = arith.constant 0 : i32
        %lt3A_710 = arith.cmpi slt, %rem3A_706, %lt3A_709 : i32
        %lt3A_711 = arith.constant 0 : i32
        %lt3A_712 = arith.cmpi slt, %select_n3A_705, %lt3A_711 : i32
        %ne3A_713 = arith.xori %lt3A_710, %lt3A_712 : i1
        %and3A_714 = arith.andi %ne3A_713, %ne3A_708 : i1
        %add3A_715 = arith.addi %rem3A_706, %select_n3A_705 : i32
        %select_n3A_716 = arith.select %and3A_714, %add3A_715, %rem3A_706 : i32
        %sub3A_717 = arith.constant 1 : i32
        %sub3A_718 = arith.subi %scan3A_499, %sub3A_717 : i32
        %jit3A_719 = arith.constant 10 : i32
        %eq3A_720 = arith.constant 0 : i32
        %eq3A_721 = arith.cmpi eq, %jit3A_719, %eq3A_720 : i32
        %jit3A_722 = arith.constant 1 : i32
        %select_n3A_723 = arith.select %eq3A_721, %jit3A_722, %jit3A_719 : i32
        %rem3A_724 = arith.remsi %sub3A_718, %select_n3A_723 : i32
        %ne3A_725 = arith.constant 0 : i32
        %ne3A_726 = arith.cmpi ne, %rem3A_724, %ne3A_725 : i32
        %lt3A_727 = arith.constant 0 : i32
        %lt3A_728 = arith.cmpi slt, %rem3A_724, %lt3A_727 : i32
        %lt3A_729 = arith.constant 0 : i32
        %lt3A_730 = arith.cmpi slt, %select_n3A_723, %lt3A_729 : i32
        %ne3A_731 = arith.xori %lt3A_728, %lt3A_730 : i1
        %and3A_732 = arith.andi %ne3A_731, %ne3A_726 : i1
        %add3A_733 = arith.addi %rem3A_724, %select_n3A_723 : i32
        %select_n3A_734 = arith.select %and3A_732, %add3A_733, %rem3A_724 : i32
        %dma_wait3A_735 = arith.constant 0 : i32
        %dma_wait3A_736 = arith.constant 0 : i32
        %dma_wait3A_737 = tpu.memref_slice %arg7[%select_n3A_700, %dma_wait3A_735, %dma_wait3A_736] : memref<5x50x128xf32, #tpu.memory_space<vmem>> -> memref<1x50x128xf32, #tpu.memory_space<vmem>>
        %dma_wait3A_738 = tpu.memref_squeeze %dma_wait3A_737 : memref<1x50x128xf32, #tpu.memory_space<vmem>> -> memref<50x128xf32, #tpu.memory_space<vmem>>
        %dma_wait3A_739 = arith.constant 0 : i32
        %dma_wait3A_740 = tpu.memref_slice %arg6[%select_n3A_716, %select_n3A_734, %dma_wait3A_739] : memref<2x10x50xi32, #tpu.memory_space<vmem>> -> memref<1x1x50xi32, #tpu.memory_space<vmem>>
        %dma_wait3A_741 = tpu.memref_squeeze %dma_wait3A_740 : memref<1x1x50xi32, #tpu.memory_space<vmem>> -> memref<50xi32, #tpu.memory_space<vmem>>
        %dma_wait3A_742 = arith.constant 0 : i32
        %dma_wait3A_743 = arith.constant 0 : i32
        %dma_wait3A_744 = tpu.memref_slice %arg8[%dma_wait3A_742, %dma_wait3A_743] : memref<10000x128xf32, #tpu.memory_space<vmem_shared>> -> memref<10000x128xf32, #tpu.memory_space<vmem_shared>>
        tpu.wait_indirect_dma semaphore(%arg10 : memref<!tpu.dma_semaphore, #tpu.memory_space<semaphore_mem>>) src(%dma_wait3A_738 : memref<50x128xf32, #tpu.memory_space<vmem>>) dst(%dma_wait3A_744 : memref<10000x128xf32, #tpu.memory_space<vmem_shared>>)
      } else {
      }
      %jit3A_577 = arith.constant 10 : i32
      %eq3A_578 = arith.constant 0 : i32
      %eq3A_579 = arith.cmpi eq, %jit3A_577, %eq3A_578 : i32
      %jit3A_580 = arith.constant 1 : i32
      %select_n3A_581 = arith.select %eq3A_579, %jit3A_580, %jit3A_577 : i32
      %rem3A_582 = arith.remsi %scan3A_499, %select_n3A_581 : i32
      %ne3A_583 = arith.constant 0 : i32
      %ne3A_584 = arith.cmpi ne, %rem3A_582, %ne3A_583 : i32
      %lt3A_585 = arith.constant 0 : i32
      %lt3A_586 = arith.cmpi slt, %rem3A_582, %lt3A_585 : i32
      %lt3A_587 = arith.constant 0 : i32
      %lt3A_588 = arith.cmpi slt, %select_n3A_581, %lt3A_587 : i32
      %ne3A_589 = arith.xori %lt3A_586, %lt3A_588 : i1
      %and3A_590 = arith.andi %ne3A_589, %ne3A_584 : i1
      %add3A_591 = arith.addi %rem3A_582, %select_n3A_581 : i32
      %select_n3A_592 = arith.select %and3A_590, %add3A_591, %rem3A_582 : i32
      %eq3A_593 = arith.constant 4 : i32
      %eq3A_594 = arith.cmpi eq, %select_n3A_592, %eq3A_593 : i32
      %ge3A_595 = arith.constant 1 : i32
      %ge3A_596 = arith.cmpi sge, %select_n3A_530, %ge3A_595 : i32
      %add3A_597 = arith.constant 1 : i32
      %add3A_598 = arith.addi %select_n3A_530, %add3A_597 : i32
      %lt3A_599 = arith.constant 20 : i32
      %lt3A_600 = arith.cmpi slt, %add3A_598, %lt3A_599 : i32
      %and3A_601 = arith.andi %ge3A_596, %lt3A_600 : i1
      %and3A_602 = arith.andi %eq3A_594, %and3A_601 : i1
      %convert_element_type3A_603 = arith.extui %and3A_602 : i1 to i32
      %cond3A_604 = arith.constant 0 : i32
      %cond3A_605 = arith.cmpi ne, %convert_element_type3A_603, %cond3A_604 : i32
      scf.if %cond3A_605 {
        %add3A_657 = arith.constant 1 : i32
        %add3A_658 = arith.addi %select_n3A_530, %add3A_657 : i32
        %add3A_659 = arith.constant 1 : i32
        %add3A_660 = arith.addi %select_n3A_530, %add3A_659 : i32
        %jit3A_661 = arith.constant 2 : i32
        %eq3A_662 = arith.constant 0 : i32
        %eq3A_663 = arith.cmpi eq, %jit3A_661, %eq3A_662 : i32
        %jit3A_664 = arith.constant 1 : i32
        %select_n3A_665 = arith.select %eq3A_663, %jit3A_664, %jit3A_661 : i32
        %rem3A_666 = arith.remsi %add3A_660, %select_n3A_665 : i32
        %ne3A_667 = arith.constant 0 : i32
        %ne3A_668 = arith.cmpi ne, %rem3A_666, %ne3A_667 : i32
        %lt3A_669 = arith.constant 0 : i32
        %lt3A_670 = arith.cmpi slt, %rem3A_666, %lt3A_669 : i32
        %lt3A_671 = arith.constant 0 : i32
        %lt3A_672 = arith.cmpi slt, %select_n3A_665, %lt3A_671 : i32
        %ne3A_673 = arith.xori %lt3A_670, %lt3A_672 : i1
        %and3A_674 = arith.andi %ne3A_673, %ne3A_668 : i1
        %add3A_675 = arith.addi %rem3A_666, %select_n3A_665 : i32
        %select_n3A_676 = arith.select %and3A_674, %add3A_675, %rem3A_666 : i32
        %dma_start3A_677 = arith.constant 0 : i32
        %dma_start3A_678 = arith.constant 0 : i32
        %dma_start3A_679 = arith.constant 0 : i32
        %dma_start3A_680 = tpu.memref_slice %arg5[%select_n3A_676, %dma_start3A_678, %dma_start3A_679] : memref<2x10x50xi32, #tpu.memory_space<vmem>> -> memref<1x10x50xi32, #tpu.memory_space<vmem>>
        %dma_start3A_681 = tpu.memref_squeeze %dma_start3A_680 : memref<1x10x50xi32, #tpu.memory_space<vmem>> -> memref<10x50xi32, #tpu.memory_space<vmem>>
        %dma_start3A_682 = arith.constant 0 : i32
        %dma_start3A_683 = arith.constant 0 : i32
        %dma_start3A_684 = tpu.memref_slice %arg3[%dma_start3A_677, %add3A, %add3A_658, %dma_start3A_682, %dma_start3A_683] : memref<2x32x20x10x50xi32, #tpu.memory_space<hbm>> -> memref<1x1x1x10x50xi32, #tpu.memory_space<hbm>>
        %dma_start3A_685 = tpu.memref_squeeze %dma_start3A_684 : memref<1x1x1x10x50xi32, #tpu.memory_space<hbm>> -> memref<10x50xi32, #tpu.memory_space<hbm>>
        %dma_start3A_686 = arith.constant 0 : i32
        %dma_start3A_687 = arith.constant 0 : i32
        %dma_start3A_688 = tpu.memref_slice %arg5[%select_n3A_676, %dma_start3A_686, %dma_start3A_687] : memref<2x10x50xi32, #tpu.memory_space<vmem>> -> memref<1x10x50xi32, #tpu.memory_space<vmem>>
        %dma_start3A_689 = tpu.memref_squeeze %dma_start3A_688 : memref<1x10x50xi32, #tpu.memory_space<vmem>> -> memref<10x50xi32, #tpu.memory_space<vmem>>
        %dma_start3A_690 = arith.constant 0 : i32
        %dma_start3A_691 = arith.constant 0 : i32
        %dma_start3A_692 = tpu.memref_slice %arg3[%dma_start3A_677, %add3A, %add3A_658, %dma_start3A_690, %dma_start3A_691] : memref<2x32x20x10x50xi32, #tpu.memory_space<hbm>> -> memref<1x1x1x10x50xi32, #tpu.memory_space<hbm>>
        %dma_start3A_693 = tpu.memref_squeeze %dma_start3A_692 : memref<1x1x1x10x50xi32, #tpu.memory_space<hbm>> -> memref<10x50xi32, #tpu.memory_space<hbm>>
        tpu.enqueue_dma source(%dma_start3A_693 : memref<10x50xi32, #tpu.memory_space<hbm>>) target(%dma_start3A_689 : memref<10x50xi32, #tpu.memory_space<vmem>>) target_semaphore(%arg11 : memref<!tpu.dma_semaphore, #tpu.memory_space<semaphore_mem>>)
        %add3A_694 = arith.constant 1 : i32
        %add3A_695 = arith.addi %select_n3A_530, %add3A_694 : i32
        %add3A_696 = arith.constant 1 : i32
        %add3A_697 = arith.addi %select_n3A_530, %add3A_696 : i32
        %jit3A_698 = arith.constant 2 : i32
        %eq3A_699 = arith.constant 0 : i32
        %eq3A_700 = arith.cmpi eq, %jit3A_698, %eq3A_699 : i32
        %jit3A_701 = arith.constant 1 : i32
        %select_n3A_702 = arith.select %eq3A_700, %jit3A_701, %jit3A_698 : i32
        %rem3A_703 = arith.remsi %add3A_697, %select_n3A_702 : i32
        %ne3A_704 = arith.constant 0 : i32
        %ne3A_705 = arith.cmpi ne, %rem3A_703, %ne3A_704 : i32
        %lt3A_706 = arith.constant 0 : i32
        %lt3A_707 = arith.cmpi slt, %rem3A_703, %lt3A_706 : i32
        %lt3A_708 = arith.constant 0 : i32
        %lt3A_709 = arith.cmpi slt, %select_n3A_702, %lt3A_708 : i32
        %ne3A_710 = arith.xori %lt3A_707, %lt3A_709 : i1
        %and3A_711 = arith.andi %ne3A_710, %ne3A_705 : i1
        %add3A_712 = arith.addi %rem3A_703, %select_n3A_702 : i32
        %select_n3A_713 = arith.select %and3A_711, %add3A_712, %rem3A_703 : i32
        %dma_start3A_714 = arith.constant 1 : i32
        %dma_start3A_715 = arith.constant 0 : i32
        %dma_start3A_716 = arith.constant 0 : i32
        %dma_start3A_717 = tpu.memref_slice %arg6[%select_n3A_713, %dma_start3A_715, %dma_start3A_716] : memref<2x10x50xi32, #tpu.memory_space<vmem>> -> memref<1x10x50xi32, #tpu.memory_space<vmem>>
        %dma_start3A_718 = tpu.memref_squeeze %dma_start3A_717 : memref<1x10x50xi32, #tpu.memory_space<vmem>> -> memref<10x50xi32, #tpu.memory_space<vmem>>
        %dma_start3A_719 = arith.constant 0 : i32
        %dma_start3A_720 = arith.constant 0 : i32
        %dma_start3A_721 = tpu.memref_slice %arg3[%dma_start3A_714, %add3A, %add3A_695, %dma_start3A_719, %dma_start3A_720] : memref<2x32x20x10x50xi32, #tpu.memory_space<hbm>> -> memref<1x1x1x10x50xi32, #tpu.memory_space<hbm>>
        %dma_start3A_722 = tpu.memref_squeeze %dma_start3A_721 : memref<1x1x1x10x50xi32, #tpu.memory_space<hbm>> -> memref<10x50xi32, #tpu.memory_space<hbm>>
        %dma_start3A_723 = arith.constant 0 : i32
        %dma_start3A_724 = arith.constant 0 : i32
        %dma_start3A_725 = tpu.memref_slice %arg6[%select_n3A_713, %dma_start3A_723, %dma_start3A_724] : memref<2x10x50xi32, #tpu.memory_space<vmem>> -> memref<1x10x50xi32, #tpu.memory_space<vmem>>
        %dma_start3A_726 = tpu.memref_squeeze %dma_start3A_725 : memref<1x10x50xi32, #tpu.memory_space<vmem>> -> memref<10x50xi32, #tpu.memory_space<vmem>>
        %dma_start3A_727 = arith.constant 0 : i32
        %dma_start3A_728 = arith.constant 0 : i32
        %dma_start3A_729 = tpu.memref_slice %arg3[%dma_start3A_714, %add3A, %add3A_695, %dma_start3A_727, %dma_start3A_728] : memref<2x32x20x10x50xi32, #tpu.memory_space<hbm>> -> memref<1x1x1x10x50xi32, #tpu.memory_space<hbm>>
        %dma_start3A_730 = tpu.memref_squeeze %dma_start3A_729 : memref<1x1x1x10x50xi32, #tpu.memory_space<hbm>> -> memref<10x50xi32, #tpu.memory_space<hbm>>
        tpu.enqueue_dma source(%dma_start3A_730 : memref<10x50xi32, #tpu.memory_space<hbm>>) target(%dma_start3A_726 : memref<10x50xi32, #tpu.memory_space<vmem>>) target_semaphore(%arg11 : memref<!tpu.dma_semaphore, #tpu.memory_space<semaphore_mem>>)
      } else {
      }
      %add3A_606 = arith.constant 5 : i32
      %add3A_607 = arith.addi %scan3A_499, %add3A_606 : i32
      %sub3A_608 = arith.constant 1 : i32
      %sub3A_609 = arith.subi %add3A_607, %sub3A_608 : i32
      %lt3A_610 = arith.constant 200 : i32
      %lt3A_611 = arith.cmpi slt, %sub3A_609, %lt3A_610 : i32
      %convert_element_type3A_612 = arith.extui %lt3A_611 : i1 to i32
      %cond3A_613 = arith.constant 0 : i32
      %cond3A_614 = arith.cmpi ne, %convert_element_type3A_612, %cond3A_613 : i32
      scf.if %cond3A_614 {
        %add3A_657 = arith.constant 5 : i32
        %add3A_658 = arith.addi %scan3A_499, %add3A_657 : i32
        %sub3A_659 = arith.constant 1 : i32
        %sub3A_660 = arith.subi %add3A_658, %sub3A_659 : i32
        %jit3A_661 = arith.constant 10 : i32
        %div3A_662 = arith.divsi %sub3A_660, %jit3A_661 : i32
        %sign3A_663 = arith.constant 0 : i32
        %sign3A_664 = arith.cmpi sgt, %sub3A_660, %sign3A_663 : i32
        %sign3A_665 = arith.extui %sign3A_664 : i1 to i32
        %sign3A_666 = arith.constant 0 : i32
        %sign3A_667 = arith.cmpi slt, %sub3A_660, %sign3A_666 : i32
        %sign3A_668 = arith.extui %sign3A_667 : i1 to i32
        %sign3A_669 = arith.subi %sign3A_665, %sign3A_668 : i32
        %sign3A_670 = arith.constant 0 : i32
        %sign3A_671 = arith.cmpi sgt, %jit3A_661, %sign3A_670 : i32
        %sign3A_672 = arith.extui %sign3A_671 : i1 to i32
        %sign3A_673 = arith.constant 0 : i32
        %sign3A_674 = arith.cmpi slt, %jit3A_661, %sign3A_673 : i32
        %sign3A_675 = arith.extui %sign3A_674 : i1 to i32
        %sign3A_676 = arith.subi %sign3A_672, %sign3A_675 : i32
        %ne3A_677 = arith.cmpi ne, %sign3A_669, %sign3A_676 : i32
        %rem3A_678 = arith.remsi %sub3A_660, %jit3A_661 : i32
        %ne3A_679 = arith.constant 0 : i32
        %ne3A_680 = arith.cmpi ne, %rem3A_678, %ne3A_679 : i32
        %and3A_681 = arith.andi %ne3A_677, %ne3A_680 : i1
        %sub3A_682 = arith.constant 1 : i32
        %sub3A_683 = arith.subi %div3A_662, %sub3A_682 : i32
        %select_n3A_684 = arith.select %and3A_681, %sub3A_683, %div3A_662 : i32
        %jit3A_685 = arith.constant 10 : i32
        %eq3A_686 = arith.constant 0 : i32
        %eq3A_687 = arith.cmpi eq, %jit3A_685, %eq3A_686 : i32
        %jit3A_688 = arith.constant 1 : i32
        %select_n3A_689 = arith.select %eq3A_687, %jit3A_688, %jit3A_685 : i32
        %rem3A_690 = arith.remsi %sub3A_660, %select_n3A_689 : i32
        %ne3A_691 = arith.constant 0 : i32
        %ne3A_692 = arith.cmpi ne, %rem3A_690, %ne3A_691 : i32
        %lt3A_693 = arith.constant 0 : i32
        %lt3A_694 = arith.cmpi slt, %rem3A_690, %lt3A_693 : i32
        %lt3A_695 = arith.constant 0 : i32
        %lt3A_696 = arith.cmpi slt, %select_n3A_689, %lt3A_695 : i32
        %ne3A_697 = arith.xori %lt3A_694, %lt3A_696 : i1
        %and3A_698 = arith.andi %ne3A_697, %ne3A_692 : i1
        %add3A_699 = arith.addi %rem3A_690, %select_n3A_689 : i32
        %select_n3A_700 = arith.select %and3A_698, %add3A_699, %rem3A_690 : i32
        %eq3A_701 = arith.constant 0 : i32
        %eq3A_702 = arith.cmpi eq, %select_n3A_700, %eq3A_701 : i32
        %convert_element_type3A_703 = arith.extui %eq3A_702 : i1 to i32
        %cond3A_704 = arith.constant 0 : i32
        %cond3A_705 = arith.cmpi ne, %convert_element_type3A_703, %cond3A_704 : i32
        scf.if %cond3A_705 {
          %jit3A_764 = arith.constant 2 : i32
          %eq3A_765 = arith.constant 0 : i32
          %eq3A_766 = arith.cmpi eq, %jit3A_764, %eq3A_765 : i32
          %jit3A_767 = arith.constant 1 : i32
          %select_n3A_768 = arith.select %eq3A_766, %jit3A_767, %jit3A_764 : i32
          %rem3A_769 = arith.remsi %select_n3A_684, %select_n3A_768 : i32
          %ne3A_770 = arith.constant 0 : i32
          %ne3A_771 = arith.cmpi ne, %rem3A_769, %ne3A_770 : i32
          %lt3A_772 = arith.constant 0 : i32
          %lt3A_773 = arith.cmpi slt, %rem3A_769, %lt3A_772 : i32
          %lt3A_774 = arith.constant 0 : i32
          %lt3A_775 = arith.cmpi slt, %select_n3A_768, %lt3A_774 : i32
          %ne3A_776 = arith.xori %lt3A_773, %lt3A_775 : i1
          %and3A_777 = arith.andi %ne3A_776, %ne3A_771 : i1
          %add3A_778 = arith.addi %rem3A_769, %select_n3A_768 : i32
          %select_n3A_779 = arith.select %and3A_777, %add3A_778, %rem3A_769 : i32
          %dma_wait3A_780 = arith.constant 0 : i32
          %dma_wait3A_781 = arith.constant 0 : i32
          %dma_wait3A_782 = arith.constant 0 : i32
          %dma_wait3A_783 = tpu.memref_slice %arg5[%select_n3A_779, %dma_wait3A_781, %dma_wait3A_782] : memref<2x10x50xi32, #tpu.memory_space<vmem>> -> memref<1x10x50xi32, #tpu.memory_space<vmem>>
          %dma_wait3A_784 = tpu.memref_squeeze %dma_wait3A_783 : memref<1x10x50xi32, #tpu.memory_space<vmem>> -> memref<10x50xi32, #tpu.memory_space<vmem>>
          %dma_wait3A_785 = arith.constant 0 : i32
          %dma_wait3A_786 = arith.constant 0 : i32
          %dma_wait3A_787 = tpu.memref_slice %arg3[%dma_wait3A_780, %add3A, %select_n3A_684, %dma_wait3A_785, %dma_wait3A_786] : memref<2x32x20x10x50xi32, #tpu.memory_space<hbm>> -> memref<1x1x1x10x50xi32, #tpu.memory_space<hbm>>
          %dma_wait3A_788 = tpu.memref_squeeze %dma_wait3A_787 : memref<1x1x1x10x50xi32, #tpu.memory_space<hbm>> -> memref<10x50xi32, #tpu.memory_space<hbm>>
          %dma_wait3A_789 = arith.constant 0 : i32
          %dma_wait3A_790 = arith.constant 0 : i32
          %dma_wait3A_791 = tpu.memref_slice %arg5[%select_n3A_779, %dma_wait3A_789, %dma_wait3A_790] : memref<2x10x50xi32, #tpu.memory_space<vmem>> -> memref<1x10x50xi32, #tpu.memory_space<vmem>>
          %dma_wait3A_792 = tpu.memref_squeeze %dma_wait3A_791 : memref<1x10x50xi32, #tpu.memory_space<vmem>> -> memref<10x50xi32, #tpu.memory_space<vmem>>
          %dma_wait3A_793 = arith.constant 0 : i32
          %dma_wait3A_794 = arith.constant 0 : i32
          %dma_wait3A_795 = tpu.memref_slice %arg3[%dma_wait3A_780, %add3A, %select_n3A_684, %dma_wait3A_793, %dma_wait3A_794] : memref<2x32x20x10x50xi32, #tpu.memory_space<hbm>> -> memref<1x1x1x10x50xi32, #tpu.memory_space<hbm>>
          %dma_wait3A_796 = tpu.memref_squeeze %dma_wait3A_795 : memref<1x1x1x10x50xi32, #tpu.memory_space<hbm>> -> memref<10x50xi32, #tpu.memory_space<hbm>>
          tpu.wait_dma2 semaphore(%arg11 : memref<!tpu.dma_semaphore, #tpu.memory_space<semaphore_mem>>) src(%dma_wait3A_796 : memref<10x50xi32, #tpu.memory_space<hbm>>) dst(%dma_wait3A_792 : memref<10x50xi32, #tpu.memory_space<vmem>>)
          %jit3A_797 = arith.constant 2 : i32
          %eq3A_798 = arith.constant 0 : i32
          %eq3A_799 = arith.cmpi eq, %jit3A_797, %eq3A_798 : i32
          %jit3A_800 = arith.constant 1 : i32
          %select_n3A_801 = arith.select %eq3A_799, %jit3A_800, %jit3A_797 : i32
          %rem3A_802 = arith.remsi %select_n3A_684, %select_n3A_801 : i32
          %ne3A_803 = arith.constant 0 : i32
          %ne3A_804 = arith.cmpi ne, %rem3A_802, %ne3A_803 : i32
          %lt3A_805 = arith.constant 0 : i32
          %lt3A_806 = arith.cmpi slt, %rem3A_802, %lt3A_805 : i32
          %lt3A_807 = arith.constant 0 : i32
          %lt3A_808 = arith.cmpi slt, %select_n3A_801, %lt3A_807 : i32
          %ne3A_809 = arith.xori %lt3A_806, %lt3A_808 : i1
          %and3A_810 = arith.andi %ne3A_809, %ne3A_804 : i1
          %add3A_811 = arith.addi %rem3A_802, %select_n3A_801 : i32
          %select_n3A_812 = arith.select %and3A_810, %add3A_811, %rem3A_802 : i32
          %dma_wait3A_813 = arith.constant 1 : i32
          %dma_wait3A_814 = arith.constant 0 : i32
          %dma_wait3A_815 = arith.constant 0 : i32
          %dma_wait3A_816 = tpu.memref_slice %arg6[%select_n3A_812, %dma_wait3A_814, %dma_wait3A_815] : memref<2x10x50xi32, #tpu.memory_space<vmem>> -> memref<1x10x50xi32, #tpu.memory_space<vmem>>
          %dma_wait3A_817 = tpu.memref_squeeze %dma_wait3A_816 : memref<1x10x50xi32, #tpu.memory_space<vmem>> -> memref<10x50xi32, #tpu.memory_space<vmem>>
          %dma_wait3A_818 = arith.constant 0 : i32
          %dma_wait3A_819 = arith.constant 0 : i32
          %dma_wait3A_820 = tpu.memref_slice %arg3[%dma_wait3A_813, %add3A, %select_n3A_684, %dma_wait3A_818, %dma_wait3A_819] : memref<2x32x20x10x50xi32, #tpu.memory_space<hbm>> -> memref<1x1x1x10x50xi32, #tpu.memory_space<hbm>>
          %dma_wait3A_821 = tpu.memref_squeeze %dma_wait3A_820 : memref<1x1x1x10x50xi32, #tpu.memory_space<hbm>> -> memref<10x50xi32, #tpu.memory_space<hbm>>
          %dma_wait3A_822 = arith.constant 0 : i32
          %dma_wait3A_823 = arith.constant 0 : i32
          %dma_wait3A_824 = tpu.memref_slice %arg6[%select_n3A_812, %dma_wait3A_822, %dma_wait3A_823] : memref<2x10x50xi32, #tpu.memory_space<vmem>> -> memref<1x10x50xi32, #tpu.memory_space<vmem>>
          %dma_wait3A_825 = tpu.memref_squeeze %dma_wait3A_824 : memref<1x10x50xi32, #tpu.memory_space<vmem>> -> memref<10x50xi32, #tpu.memory_space<vmem>>
          %dma_wait3A_826 = arith.constant 0 : i32
          %dma_wait3A_827 = arith.constant 0 : i32
          %dma_wait3A_828 = tpu.memref_slice %arg3[%dma_wait3A_813, %add3A, %select_n3A_684, %dma_wait3A_826, %dma_wait3A_827] : memref<2x32x20x10x50xi32, #tpu.memory_space<hbm>> -> memref<1x1x1x10x50xi32, #tpu.memory_space<hbm>>
          %dma_wait3A_829 = tpu.memref_squeeze %dma_wait3A_828 : memref<1x1x1x10x50xi32, #tpu.memory_space<hbm>> -> memref<10x50xi32, #tpu.memory_space<hbm>>
          tpu.wait_dma2 semaphore(%arg11 : memref<!tpu.dma_semaphore, #tpu.memory_space<semaphore_mem>>) src(%dma_wait3A_829 : memref<10x50xi32, #tpu.memory_space<hbm>>) dst(%dma_wait3A_825 : memref<10x50xi32, #tpu.memory_space<vmem>>)
        } else {
        }
        %jit3A_706 = arith.constant 2 : i32
        %eq3A_707 = arith.constant 0 : i32
        %eq3A_708 = arith.cmpi eq, %jit3A_706, %eq3A_707 : i32
        %jit3A_709 = arith.constant 1 : i32
        %select_n3A_710 = arith.select %eq3A_708, %jit3A_709, %jit3A_706 : i32
        %rem3A_711 = arith.remsi %select_n3A_684, %select_n3A_710 : i32
        %ne3A_712 = arith.constant 0 : i32
        %ne3A_713 = arith.cmpi ne, %rem3A_711, %ne3A_712 : i32
        %lt3A_714 = arith.constant 0 : i32
        %lt3A_715 = arith.cmpi slt, %rem3A_711, %lt3A_714 : i32
        %lt3A_716 = arith.constant 0 : i32
        %lt3A_717 = arith.cmpi slt, %select_n3A_710, %lt3A_716 : i32
        %ne3A_718 = arith.xori %lt3A_715, %lt3A_717 : i1
        %and3A_719 = arith.andi %ne3A_718, %ne3A_713 : i1
        %add3A_720 = arith.addi %rem3A_711, %select_n3A_710 : i32
        %select_n3A_721 = arith.select %and3A_719, %add3A_720, %rem3A_711 : i32
        %jit3A_722 = arith.constant 10 : i32
        %eq3A_723 = arith.constant 0 : i32
        %eq3A_724 = arith.cmpi eq, %jit3A_722, %eq3A_723 : i32
        %jit3A_725 = arith.constant 1 : i32
        %select_n3A_726 = arith.select %eq3A_724, %jit3A_725, %jit3A_722 : i32
        %rem3A_727 = arith.remsi %sub3A_660, %select_n3A_726 : i32
        %ne3A_728 = arith.constant 0 : i32
        %ne3A_729 = arith.cmpi ne, %rem3A_727, %ne3A_728 : i32
        %lt3A_730 = arith.constant 0 : i32
        %lt3A_731 = arith.cmpi slt, %rem3A_727, %lt3A_730 : i32
        %lt3A_732 = arith.constant 0 : i32
        %lt3A_733 = arith.cmpi slt, %select_n3A_726, %lt3A_732 : i32
        %ne3A_734 = arith.xori %lt3A_731, %lt3A_733 : i1
        %and3A_735 = arith.andi %ne3A_734, %ne3A_729 : i1
        %add3A_736 = arith.addi %rem3A_727, %select_n3A_726 : i32
        %select_n3A_737 = arith.select %and3A_735, %add3A_736, %rem3A_727 : i32
        %jit3A_738 = arith.constant 5 : i32
        %eq3A_739 = arith.constant 0 : i32
        %eq3A_740 = arith.cmpi eq, %jit3A_738, %eq3A_739 : i32
        %jit3A_741 = arith.constant 1 : i32
        %select_n3A_742 = arith.select %eq3A_740, %jit3A_741, %jit3A_738 : i32
        %rem3A_743 = arith.remsi %sub3A_660, %select_n3A_742 : i32
        %ne3A_744 = arith.constant 0 : i32
        %ne3A_745 = arith.cmpi ne, %rem3A_743, %ne3A_744 : i32
        %lt3A_746 = arith.constant 0 : i32
        %lt3A_747 = arith.cmpi slt, %rem3A_743, %lt3A_746 : i32
        %lt3A_748 = arith.constant 0 : i32
        %lt3A_749 = arith.cmpi slt, %select_n3A_742, %lt3A_748 : i32
        %ne3A_750 = arith.xori %lt3A_747, %lt3A_749 : i1
        %and3A_751 = arith.andi %ne3A_750, %ne3A_745 : i1
        %add3A_752 = arith.addi %rem3A_743, %select_n3A_742 : i32
        %select_n3A_753 = arith.select %and3A_751, %add3A_752, %rem3A_743 : i32
        %dma_start3A_754 = arith.constant 0 : i32
        %dma_start3A_755 = arith.constant 0 : i32
        %dma_start3A_756 = tpu.memref_slice %arg7[%select_n3A_753, %dma_start3A_754, %dma_start3A_755] : memref<5x50x128xf32, #tpu.memory_space<vmem>> -> memref<1x50x128xf32, #tpu.memory_space<vmem>>
        %dma_start3A_757 = tpu.memref_squeeze %dma_start3A_756 : memref<1x50x128xf32, #tpu.memory_space<vmem>> -> memref<50x128xf32, #tpu.memory_space<vmem>>
        %dma_start3A_758 = arith.constant 0 : i32
        %dma_start3A_759 = tpu.memref_slice %arg5[%select_n3A_721, %select_n3A_737, %dma_start3A_758] : memref<2x10x50xi32, #tpu.memory_space<vmem>> -> memref<1x1x50xi32, #tpu.memory_space<vmem>>
        %dma_start3A_760 = tpu.memref_squeeze %dma_start3A_759 : memref<1x1x50xi32, #tpu.memory_space<vmem>> -> memref<50xi32, #tpu.memory_space<vmem>>
        %dma_start3A_761 = arith.constant 0 : i32
        %dma_start3A_762 = arith.constant 0 : i32
        %dma_start3A_763 = tpu.memref_slice %arg2[%dma_start3A_761, %dma_start3A_762] : memref<10000x128xf32, #tpu.memory_space<hbm>> -> memref<10000x128xf32, #tpu.memory_space<hbm>>
        tpu.enqueue_indirect_dma source(%dma_start3A_763 : memref<10000x128xf32, #tpu.memory_space<hbm>>) target(%dma_start3A_757 : memref<50x128xf32, #tpu.memory_space<vmem>>) offsets(%dma_start3A_760 : memref<50xi32, #tpu.memory_space<vmem>>) semaphore(%arg9 : memref<!tpu.dma_semaphore, #tpu.memory_space<semaphore_mem>>)
      } else {
      }
      %jit3A_615 = arith.constant 2 : i32
      %eq3A_616 = arith.constant 0 : i32
      %eq3A_617 = arith.cmpi eq, %jit3A_615, %eq3A_616 : i32
      %jit3A_618 = arith.constant 1 : i32
      %select_n3A_619 = arith.select %eq3A_617, %jit3A_618, %jit3A_615 : i32
      %rem3A_620 = arith.remsi %select_n3A_530, %select_n3A_619 : i32
      %ne3A_621 = arith.constant 0 : i32
      %ne3A_622 = arith.cmpi ne, %rem3A_620, %ne3A_621 : i32
      %lt3A_623 = arith.constant 0 : i32
      %lt3A_624 = arith.cmpi slt, %rem3A_620, %lt3A_623 : i32
      %lt3A_625 = arith.constant 0 : i32
      %lt3A_626 = arith.cmpi slt, %select_n3A_619, %lt3A_625 : i32
      %ne3A_627 = arith.xori %lt3A_624, %lt3A_626 : i1
      %and3A_628 = arith.andi %ne3A_627, %ne3A_622 : i1
      %add3A_629 = arith.addi %rem3A_620, %select_n3A_619 : i32
      %select_n3A_630 = arith.select %and3A_628, %add3A_629, %rem3A_620 : i32
      %jit3A_631 = arith.constant 10 : i32
      %eq3A_632 = arith.constant 0 : i32
      %eq3A_633 = arith.cmpi eq, %jit3A_631, %eq3A_632 : i32
      %jit3A_634 = arith.constant 1 : i32
      %select_n3A_635 = arith.select %eq3A_633, %jit3A_634, %jit3A_631 : i32
      %rem3A_636 = arith.remsi %scan3A_499, %select_n3A_635 : i32
      %ne3A_637 = arith.constant 0 : i32
      %ne3A_638 = arith.cmpi ne, %rem3A_636, %ne3A_637 : i32
      %lt3A_639 = arith.constant 0 : i32
      %lt3A_640 = arith.cmpi slt, %rem3A_636, %lt3A_639 : i32
      %lt3A_641 = arith.constant 0 : i32
      %lt3A_642 = arith.cmpi slt, %select_n3A_635, %lt3A_641 : i32
      %ne3A_643 = arith.xori %lt3A_640, %lt3A_642 : i1
      %and3A_644 = arith.andi %ne3A_643, %ne3A_638 : i1
      %add3A_645 = arith.addi %rem3A_636, %select_n3A_635 : i32
      %select_n3A_646 = arith.select %and3A_644, %add3A_645, %rem3A_636 : i32
      %dma_start3A_647 = arith.constant 0 : i32
      %dma_start3A_648 = arith.constant 0 : i32
      %dma_start3A_649 = tpu.memref_slice %arg7[%select_n3A_509, %dma_start3A_647, %dma_start3A_648] : memref<5x50x128xf32, #tpu.memory_space<vmem>> -> memref<1x50x128xf32, #tpu.memory_space<vmem>>
      %dma_start3A_650 = tpu.memref_squeeze %dma_start3A_649 : memref<1x50x128xf32, #tpu.memory_space<vmem>> -> memref<50x128xf32, #tpu.memory_space<vmem>>
      %dma_start3A_651 = arith.constant 0 : i32
      %dma_start3A_652 = tpu.memref_slice %arg6[%select_n3A_630, %select_n3A_646, %dma_start3A_651] : memref<2x10x50xi32, #tpu.memory_space<vmem>> -> memref<1x1x50xi32, #tpu.memory_space<vmem>>
      %dma_start3A_653 = tpu.memref_squeeze %dma_start3A_652 : memref<1x1x50xi32, #tpu.memory_space<vmem>> -> memref<50xi32, #tpu.memory_space<vmem>>
      %dma_start3A_654 = arith.constant 0 : i32
      %dma_start3A_655 = arith.constant 0 : i32
      %dma_start3A_656 = tpu.memref_slice %arg8[%dma_start3A_654, %dma_start3A_655] : memref<10000x128xf32, #tpu.memory_space<vmem_shared>> -> memref<10000x128xf32, #tpu.memory_space<vmem_shared>>
      tpu.enqueue_indirect_dma source(%dma_start3A_650 : memref<50x128xf32, #tpu.memory_space<vmem>>) target(%dma_start3A_656 : memref<10000x128xf32, #tpu.memory_space<vmem_shared>>) offsets(%dma_start3A_653 : memref<50xi32, #tpu.memory_space<vmem>>) semaphore(%arg10 : memref<!tpu.dma_semaphore, #tpu.memory_space<semaphore_mem>>) {add = true}
    }
    %scan3A_477 = arith.constant 200 : i32
    %dma_wait3A_478 = arith.constant 4 : i32
    %dma_wait3A_479 = arith.constant 1 : i32
    %dma_wait3A_480 = arith.constant 9 : i32
    %dma_wait3A_481 = arith.constant 0 : i32
    %dma_wait3A_482 = arith.constant 0 : i32
    %dma_wait3A_483 = tpu.memref_slice %arg7[%dma_wait3A_478, %dma_wait3A_481, %dma_wait3A_482] : memref<5x50x128xf32, #tpu.memory_space<vmem>> -> memref<1x50x128xf32, #tpu.memory_space<vmem>>
    %dma_wait3A_484 = tpu.memref_squeeze %dma_wait3A_483 : memref<1x50x128xf32, #tpu.memory_space<vmem>> -> memref<50x128xf32, #tpu.memory_space<vmem>>
    %dma_wait3A_485 = arith.constant 0 : i32
    %dma_wait3A_486 = tpu.memref_slice %arg6[%dma_wait3A_479, %dma_wait3A_480, %dma_wait3A_485] : memref<2x10x50xi32, #tpu.memory_space<vmem>> -> memref<1x1x50xi32, #tpu.memory_space<vmem>>
    %dma_wait3A_487 = tpu.memref_squeeze %dma_wait3A_486 : memref<1x1x50xi32, #tpu.memory_space<vmem>> -> memref<50xi32, #tpu.memory_space<vmem>>
    %dma_wait3A_488 = arith.constant 0 : i32
    %dma_wait3A_489 = arith.constant 0 : i32
    %dma_wait3A_490 = tpu.memref_slice %arg8[%dma_wait3A_488, %dma_wait3A_489] : memref<10000x128xf32, #tpu.memory_space<vmem_shared>> -> memref<10000x128xf32, #tpu.memory_space<vmem_shared>>
    tpu.wait_indirect_dma semaphore(%arg10 : memref<!tpu.dma_semaphore, #tpu.memory_space<semaphore_mem>>) src(%dma_wait3A_484 : memref<50x128xf32, #tpu.memory_space<vmem>>) dst(%dma_wait3A_490 : memref<10000x128xf32, #tpu.memory_space<vmem_shared>>)
    %barrier3A_491 = arith.constant 0 : index
    tpu.barrier barrier_id(%barrier3A_491)
    %mul3A_492 = arith.constant 624 : i32
    %mul3A_493 = arith.muli %arg1, %mul3A_492 : i32
    "tpu.region"() ({
      %run_scoped3A_499 = tpu.sem_alloc : memref<!tpu.dma_semaphore, #tpu.memory_space<semaphore_mem>>
      %dma_start3A_500 = arith.constant 0 : i32
      %dma_start3A_501 = tpu.memref_slice %arg4[%arg0, %mul3A_493, %dma_start3A_500] : memref<2x10000x128xf32, #tpu.memory_space<hbm>> -> memref<1x624x128xf32, #tpu.memory_space<hbm>>
      %dma_start3A_502 = tpu.memref_squeeze %dma_start3A_501 : memref<1x624x128xf32, #tpu.memory_space<hbm>> -> memref<624x128xf32, #tpu.memory_space<hbm>>
      %dma_start3A_503 = arith.constant 0 : i32
      %dma_start3A_504 = tpu.memref_slice %arg8[%mul3A_493, %dma_start3A_503] : memref<10000x128xf32, #tpu.memory_space<vmem_shared>> -> memref<624x128xf32, #tpu.memory_space<vmem_shared>>
      tpu.enqueue_dma source(%dma_start3A_504 : memref<624x128xf32, #tpu.memory_space<vmem_shared>>) target(%dma_start3A_502 : memref<624x128xf32, #tpu.memory_space<hbm>>) target_semaphore(%run_scoped3A_499 : memref<!tpu.dma_semaphore, #tpu.memory_space<semaphore_mem>>)
      %dma_wait3A_505 = arith.constant 0 : i32
      %dma_wait3A_506 = tpu.memref_slice %arg4[%arg0, %mul3A_493, %dma_wait3A_505] : memref<2x10000x128xf32, #tpu.memory_space<hbm>> -> memref<1x624x128xf32, #tpu.memory_space<hbm>>
      %dma_wait3A_507 = tpu.memref_squeeze %dma_wait3A_506 : memref<1x624x128xf32, #tpu.memory_space<hbm>> -> memref<624x128xf32, #tpu.memory_space<hbm>>
      %dma_wait3A_508 = arith.constant 0 : i32
      %dma_wait3A_509 = tpu.memref_slice %arg8[%mul3A_493, %dma_wait3A_508] : memref<10000x128xf32, #tpu.memory_space<vmem_shared>> -> memref<624x128xf32, #tpu.memory_space<vmem_shared>>
      tpu.wait_dma2 semaphore(%run_scoped3A_499 : memref<!tpu.dma_semaphore, #tpu.memory_space<semaphore_mem>>) src(%dma_wait3A_509 : memref<624x128xf32, #tpu.memory_space<vmem_shared>>) dst(%dma_wait3A_507 : memref<624x128xf32, #tpu.memory_space<hbm>>)
      tpu.yield
    }) : () -> ()
    %eq3A_494 = arith.constant 15 : i32
    %eq3A_495 = arith.cmpi eq, %arg1, %eq3A_494 : i32
    %convert_element_type3A_496 = arith.extui %eq3A_495 : i1 to i32
    %cond3A_497 = arith.constant 0 : i32
    %cond3A_498 = arith.cmpi ne, %convert_element_type3A_496, %cond3A_497 : i32
    scf.if %cond3A_498 {
      "tpu.region"() ({
        %run_scoped3A_499 = tpu.sem_alloc : memref<!tpu.dma_semaphore, #tpu.memory_space<semaphore_mem>>
        %dma_start3A_500 = arith.constant 9984 : i32
        %dma_start3A_501 = arith.constant 0 : i32
        %dma_start3A_502 = tpu.memref_slice %arg4[%arg0, %dma_start3A_500, %dma_start3A_501] : memref<2x10000x128xf32, #tpu.memory_space<hbm>> -> memref<1x16x128xf32, #tpu.memory_space<hbm>>
        %dma_start3A_503 = tpu.memref_squeeze %dma_start3A_502 : memref<1x16x128xf32, #tpu.memory_space<hbm>> -> memref<16x128xf32, #tpu.memory_space<hbm>>
        %dma_start3A_504 = arith.constant 9984 : i32
        %dma_start3A_505 = arith.constant 0 : i32
        %dma_start3A_506 = tpu.memref_slice %arg8[%dma_start3A_504, %dma_start3A_505] : memref<10000x128xf32, #tpu.memory_space<vmem_shared>> -> memref<16x128xf32, #tpu.memory_space<vmem_shared>>
        tpu.enqueue_dma source(%dma_start3A_506 : memref<16x128xf32, #tpu.memory_space<vmem_shared>>) target(%dma_start3A_503 : memref<16x128xf32, #tpu.memory_space<hbm>>) target_semaphore(%run_scoped3A_499 : memref<!tpu.dma_semaphore, #tpu.memory_space<semaphore_mem>>)
        %dma_wait3A_507 = arith.constant 9984 : i32
        %dma_wait3A_508 = arith.constant 0 : i32
        %dma_wait3A_509 = tpu.memref_slice %arg4[%arg0, %dma_wait3A_507, %dma_wait3A_508] : memref<2x10000x128xf32, #tpu.memory_space<hbm>> -> memref<1x16x128xf32, #tpu.memory_space<hbm>>
        %dma_wait3A_510 = tpu.memref_squeeze %dma_wait3A_509 : memref<1x16x128xf32, #tpu.memory_space<hbm>> -> memref<16x128xf32, #tpu.memory_space<hbm>>
        %dma_wait3A_511 = arith.constant 9984 : i32
        %dma_wait3A_512 = arith.constant 0 : i32
        %dma_wait3A_513 = tpu.memref_slice %arg8[%dma_wait3A_511, %dma_wait3A_512] : memref<10000x128xf32, #tpu.memory_space<vmem_shared>> -> memref<16x128xf32, #tpu.memory_space<vmem_shared>>
        tpu.wait_dma2 semaphore(%run_scoped3A_499 : memref<!tpu.dma_semaphore, #tpu.memory_space<semaphore_mem>>) src(%dma_wait3A_513 : memref<16x128xf32, #tpu.memory_space<vmem_shared>>) dst(%dma_wait3A_510 : memref<16x128xf32, #tpu.memory_space<hbm>>)
        tpu.yield
      }) : () -> ()
    } else {
    }
    return
  }
}

#map = affine_map<(d0, d1) -> (0, 0)>
#map1 = affine_map<(d0, d1) -> (0, 0, 0, 0, 0)>
#map2 = affine_map<(d0, d1) -> (0, 0, 0)>
module attributes {stable_mosaic.version = 14 : i64} {
  func.func @agg_kernel(%arg0: i32, %arg1: i32, %arg2: memref<10000x128xf32, #tpu.memory_space<hbm>>, %arg3: memref<2x32x20x10x50xi32, #tpu.memory_space<hbm>>, %arg4: memref<2x10000x128xf32, #tpu.memory_space<hbm>>, %arg5: memref<2x10x50xi32, #tpu.memory_space<vmem>>, %arg6: memref<2x10x50xi32, #tpu.memory_space<vmem>>, %arg7: memref<5x50x128xf32, #tpu.memory_space<vmem>>, %arg8: memref<10000x128xf32, #tpu.memory_space<vmem_shared>>, %arg9: memref<!tpu.dma_semaphore, #tpu.memory_space<semaphore_mem>>, %arg10: memref<!tpu.dma_semaphore, #tpu.memory_space<semaphore_mem>>, %arg11: memref<!tpu.dma_semaphore, #tpu.memory_space<semaphore_mem>>, %arg12: memref<!tpu.dma_semaphore, #tpu.memory_space<semaphore_mem>>) attributes {dimension_semantics = [#tpu.dimension_semantics<core_parallel>, #tpu.dimension_semantics<subcore_parallel>], iteration_bounds = array<i64: 2, 16>, scalar_prefetch = 0 : i64, scratch_operands = 8 : i64, tpu.core_type = #tpu.core_type<sc_vector_subcore>, window_params = [{transform_indices = #map}, {transform_indices = #map1}, {transform_indices = #map2}]} {
    %mul3A = arith.constant 2 : i32
    %mul3A_0 = arith.muli %arg1, %mul3A : i32
    %add3A = arith.addi %mul3A_0, %arg0 : i32
    %scan3A = arith.constant 0 : i32
    %scan3A_1 = arith.constant 0 : i32
    %scan3A_2 = arith.constant 400 : i32
    %scan3A_3 = arith.addi %scan3A_1, %scan3A_2 : i32
    %scan3A_4 = arith.constant 1 : i32
    scf.for %scan3A_499 = %scan3A_1 to %scan3A_3 step %scan3A_4  : i32 {
      %broadcast_in_dim3A = arith.constant 0.000000e+00 : f32
      %broadcast_in_dim3A_500 = vector.broadcast %broadcast_in_dim3A : f32 to vector<16xf32>
      %jit3A = arith.constant 8 : i32
      %div3A = arith.divsi %scan3A_499, %jit3A : i32
      %sign3A = arith.constant 0 : i32
      %sign3A_501 = arith.cmpi sgt, %scan3A_499, %sign3A : i32
      %sign3A_502 = arith.extui %sign3A_501 : i1 to i32
      %sign3A_503 = arith.constant 0 : i32
      %sign3A_504 = arith.cmpi slt, %scan3A_499, %sign3A_503 : i32
      %sign3A_505 = arith.extui %sign3A_504 : i1 to i32
      %sign3A_506 = arith.subi %sign3A_502, %sign3A_505 : i32
      %sign3A_507 = arith.constant 0 : i32
      %sign3A_508 = arith.cmpi sgt, %jit3A, %sign3A_507 : i32
      %sign3A_509 = arith.extui %sign3A_508 : i1 to i32
      %sign3A_510 = arith.constant 0 : i32
      %sign3A_511 = arith.cmpi slt, %jit3A, %sign3A_510 : i32
      %sign3A_512 = arith.extui %sign3A_511 : i1 to i32
      %sign3A_513 = arith.subi %sign3A_509, %sign3A_512 : i32
      %ne3A = arith.cmpi ne, %sign3A_506, %sign3A_513 : i32
      %rem3A = arith.remsi %scan3A_499, %jit3A : i32
      %ne3A_514 = arith.constant 0 : i32
      %ne3A_515 = arith.cmpi ne, %rem3A, %ne3A_514 : i32
      %and3A = arith.andi %ne3A, %ne3A_515 : i1
      %sub3A = arith.constant 1 : i32
      %sub3A_516 = arith.subi %div3A, %sub3A : i32
      %select_n3A = arith.select %and3A, %sub3A_516, %div3A : i32
      %jit3A_517 = arith.constant 8 : i32
      %eq3A_518 = arith.constant 0 : i32
      %eq3A_519 = arith.cmpi eq, %jit3A_517, %eq3A_518 : i32
      %jit3A_520 = arith.constant 1 : i32
      %select_n3A_521 = arith.select %eq3A_519, %jit3A_520, %jit3A_517 : i32
      %rem3A_522 = arith.remsi %scan3A_499, %select_n3A_521 : i32
      %ne3A_523 = arith.constant 0 : i32
      %ne3A_524 = arith.cmpi ne, %rem3A_522, %ne3A_523 : i32
      %lt3A = arith.constant 0 : i32
      %lt3A_525 = arith.cmpi slt, %rem3A_522, %lt3A : i32
      %lt3A_526 = arith.constant 0 : i32
      %lt3A_527 = arith.cmpi slt, %select_n3A_521, %lt3A_526 : i32
      %ne3A_528 = arith.xori %lt3A_525, %lt3A_527 : i1
      %and3A_529 = arith.andi %ne3A_528, %ne3A_524 : i1
      %add3A_530 = arith.addi %rem3A_522, %select_n3A_521 : i32
      %select_n3A_531 = arith.select %and3A_529, %add3A_530, %rem3A_522 : i32
      %mul3A_532 = arith.constant 16 : i32
      %mul3A_533 = arith.muli %select_n3A_531, %mul3A_532 : i32
      %swap3A = arith.constant 0 : i32
      %swap3A_534 = arith.index_cast %swap3A : i32 to index
      %swap3A_535 = arith.index_cast %select_n3A : i32 to index
      %swap3A_536 = arith.index_cast %mul3A_533 : i32 to index
      %swap3A_537 = tpu.vector_load %arg7[%swap3A_534, %swap3A_535, %swap3A_536] {strides = array<i32>} : memref<5x50x128xf32, #tpu.memory_space<vmem>>, vector<1x1x16xf32>,
      %swap3A_538 = vector.shape_cast %swap3A_537 : vector<1x1x16xf32> to vector<16xf32>
      %swap3A_539 = vector.shape_cast %broadcast_in_dim3A_500 : vector<16xf32> to vector<1x1x16xf32>
      tpu.vector_store %arg7[%swap3A_534, %swap3A_535, %swap3A_536], %swap3A_539 {strides = array<i32>} : memref<5x50x128xf32, #tpu.memory_space<vmem>>, vector<1x1x16xf32>,
    }
    %scan3A_5 = arith.constant 400 : i32
    %mul3A_6 = arith.constant 624 : i32
    %mul3A_7 = arith.muli %arg1, %mul3A_6 : i32
    %add3A_8 = arith.constant 0 : i32
    %add3A_9 = arith.addi %mul3A_7, %add3A_8 : i32
    %dma_start3A = arith.constant 0 : i32
    %dma_start3A_10 = arith.constant 0 : i32
    %dma_start3A_11 = arith.constant 0 : i32
    %dma_start3A_12 = tpu.memref_slice %arg7[%dma_start3A, %dma_start3A_10, %dma_start3A_11] : memref<5x50x128xf32, #tpu.memory_space<vmem>> -> memref<1x50x128xf32, #tpu.memory_space<vmem>>
    %dma_start3A_13 = tpu.memref_squeeze %dma_start3A_12 : memref<1x50x128xf32, #tpu.memory_space<vmem>> -> memref<50x128xf32, #tpu.memory_space<vmem>>
    %dma_start3A_14 = arith.constant 0 : i32
    %dma_start3A_15 = tpu.memref_slice %arg8[%add3A_9, %dma_start3A_14] : memref<10000x128xf32, #tpu.memory_space<vmem_shared>> -> memref<50x128xf32, #tpu.memory_space<vmem_shared>>
    %dma_start3A_16 = arith.constant 0 : i32
    %dma_start3A_17 = tpu.memref_slice %arg8[%add3A_9, %dma_start3A_16] : memref<10000x128xf32, #tpu.memory_space<vmem_shared>> -> memref<50x128xf32, #tpu.memory_space<vmem_shared>>
    %dma_start3A_18 = arith.constant 0 : i32
    %dma_start3A_19 = arith.constant 0 : i32
    %dma_start3A_20 = tpu.memref_slice %arg7[%dma_start3A, %dma_start3A_18, %dma_start3A_19] : memref<5x50x128xf32, #tpu.memory_space<vmem>> -> memref<1x50x128xf32, #tpu.memory_space<vmem>>
    %dma_start3A_21 = tpu.memref_squeeze %dma_start3A_20 : memref<1x50x128xf32, #tpu.memory_space<vmem>> -> memref<50x128xf32, #tpu.memory_space<vmem>>
    tpu.enqueue_dma source(%dma_start3A_21 : memref<50x128xf32, #tpu.memory_space<vmem>>) target(%dma_start3A_17 : memref<50x128xf32, #tpu.memory_space<vmem_shared>>) target_semaphore(%arg12 : memref<!tpu.dma_semaphore, #tpu.memory_space<semaphore_mem>>)
    %add3A_22 = arith.constant 50 : i32
    %add3A_23 = arith.addi %mul3A_7, %add3A_22 : i32
    %dma_start3A_24 = arith.constant 0 : i32
    %dma_start3A_25 = arith.constant 0 : i32
    %dma_start3A_26 = arith.constant 0 : i32
    %dma_start3A_27 = tpu.memref_slice %arg7[%dma_start3A_24, %dma_start3A_25, %dma_start3A_26] : memref<5x50x128xf32, #tpu.memory_space<vmem>> -> memref<1x50x128xf32, #tpu.memory_space<vmem>>
    %dma_start3A_28 = tpu.memref_squeeze %dma_start3A_27 : memref<1x50x128xf32, #tpu.memory_space<vmem>> -> memref<50x128xf32, #tpu.memory_space<vmem>>
    %dma_start3A_29 = arith.constant 0 : i32
    %dma_start3A_30 = tpu.memref_slice %arg8[%add3A_23, %dma_start3A_29] : memref<10000x128xf32, #tpu.memory_space<vmem_shared>> -> memref<50x128xf32, #tpu.memory_space<vmem_shared>>
    %dma_start3A_31 = arith.constant 0 : i32
    %dma_start3A_32 = tpu.memref_slice %arg8[%add3A_23, %dma_start3A_31] : memref<10000x128xf32, #tpu.memory_space<vmem_shared>> -> memref<50x128xf32, #tpu.memory_space<vmem_shared>>
    %dma_start3A_33 = arith.constant 0 : i32
    %dma_start3A_34 = arith.constant 0 : i32
    %dma_start3A_35 = tpu.memref_slice %arg7[%dma_start3A_24, %dma_start3A_33, %dma_start3A_34] : memref<5x50x128xf32, #tpu.memory_space<vmem>> -> memref<1x50x128xf32, #tpu.memory_space<vmem>>
    %dma_start3A_36 = tpu.memref_squeeze %dma_start3A_35 : memref<1x50x128xf32, #tpu.memory_space<vmem>> -> memref<50x128xf32, #tpu.memory_space<vmem>>
    tpu.enqueue_dma source(%dma_start3A_36 : memref<50x128xf32, #tpu.memory_space<vmem>>) target(%dma_start3A_32 : memref<50x128xf32, #tpu.memory_space<vmem_shared>>) target_semaphore(%arg12 : memref<!tpu.dma_semaphore, #tpu.memory_space<semaphore_mem>>)
    %add3A_37 = arith.constant 100 : i32
    %add3A_38 = arith.addi %mul3A_7, %add3A_37 : i32
    %dma_start3A_39 = arith.constant 0 : i32
    %dma_start3A_40 = arith.constant 0 : i32
    %dma_start3A_41 = arith.constant 0 : i32
    %dma_start3A_42 = tpu.memref_slice %arg7[%dma_start3A_39, %dma_start3A_40, %dma_start3A_41] : memref<5x50x128xf32, #tpu.memory_space<vmem>> -> memref<1x50x128xf32, #tpu.memory_space<vmem>>
    %dma_start3A_43 = tpu.memref_squeeze %dma_start3A_42 : memref<1x50x128xf32, #tpu.memory_space<vmem>> -> memref<50x128xf32, #tpu.memory_space<vmem>>
    %dma_start3A_44 = arith.constant 0 : i32
    %dma_start3A_45 = tpu.memref_slice %arg8[%add3A_38, %dma_start3A_44] : memref<10000x128xf32, #tpu.memory_space<vmem_shared>> -> memref<50x128xf32, #tpu.memory_space<vmem_shared>>
    %dma_start3A_46 = arith.constant 0 : i32
    %dma_start3A_47 = tpu.memref_slice %arg8[%add3A_38, %dma_start3A_46] : memref<10000x128xf32, #tpu.memory_space<vmem_shared>> -> memref<50x128xf32, #tpu.memory_space<vmem_shared>>
    %dma_start3A_48 = arith.constant 0 : i32
    %dma_start3A_49 = arith.constant 0 : i32
    %dma_start3A_50 = tpu.memref_slice %arg7[%dma_start3A_39, %dma_start3A_48, %dma_start3A_49] : memref<5x50x128xf32, #tpu.memory_space<vmem>> -> memref<1x50x128xf32, #tpu.memory_space<vmem>>
    %dma_start3A_51 = tpu.memref_squeeze %dma_start3A_50 : memref<1x50x128xf32, #tpu.memory_space<vmem>> -> memref<50x128xf32, #tpu.memory_space<vmem>>
    tpu.enqueue_dma source(%dma_start3A_51 : memref<50x128xf32, #tpu.memory_space<vmem>>) target(%dma_start3A_47 : memref<50x128xf32, #tpu.memory_space<vmem_shared>>) target_semaphore(%arg12 : memref<!tpu.dma_semaphore, #tpu.memory_space<semaphore_mem>>)
    %add3A_52 = arith.constant 150 : i32
    %add3A_53 = arith.addi %mul3A_7, %add3A_52 : i32
    %dma_start3A_54 = arith.constant 0 : i32
    %dma_start3A_55 = arith.constant 0 : i32
    %dma_start3A_56 = arith.constant 0 : i32
    %dma_start3A_57 = tpu.memref_slice %arg7[%dma_start3A_54, %dma_start3A_55, %dma_start3A_56] : memref<5x50x128xf32, #tpu.memory_space<vmem>> -> memref<1x50x128xf32, #tpu.memory_space<vmem>>
    %dma_start3A_58 = tpu.memref_squeeze %dma_start3A_57 : memref<1x50x128xf32, #tpu.memory_space<vmem>> -> memref<50x128xf32, #tpu.memory_space<vmem>>
    %dma_start3A_59 = arith.constant 0 : i32
    %dma_start3A_60 = tpu.memref_slice %arg8[%add3A_53, %dma_start3A_59] : memref<10000x128xf32, #tpu.memory_space<vmem_shared>> -> memref<50x128xf32, #tpu.memory_space<vmem_shared>>
    %dma_start3A_61 = arith.constant 0 : i32
    %dma_start3A_62 = tpu.memref_slice %arg8[%add3A_53, %dma_start3A_61] : memref<10000x128xf32, #tpu.memory_space<vmem_shared>> -> memref<50x128xf32, #tpu.memory_space<vmem_shared>>
    %dma_start3A_63 = arith.constant 0 : i32
    %dma_start3A_64 = arith.constant 0 : i32
    %dma_start3A_65 = tpu.memref_slice %arg7[%dma_start3A_54, %dma_start3A_63, %dma_start3A_64] : memref<5x50x128xf32, #tpu.memory_space<vmem>> -> memref<1x50x128xf32, #tpu.memory_space<vmem>>
    %dma_start3A_66 = tpu.memref_squeeze %dma_start3A_65 : memref<1x50x128xf32, #tpu.memory_space<vmem>> -> memref<50x128xf32, #tpu.memory_space<vmem>>
    tpu.enqueue_dma source(%dma_start3A_66 : memref<50x128xf32, #tpu.memory_space<vmem>>) target(%dma_start3A_62 : memref<50x128xf32, #tpu.memory_space<vmem_shared>>) target_semaphore(%arg12 : memref<!tpu.dma_semaphore, #tpu.memory_space<semaphore_mem>>)
    %add3A_67 = arith.constant 200 : i32
    %add3A_68 = arith.addi %mul3A_7, %add3A_67 : i32
    %dma_start3A_69 = arith.constant 0 : i32
    %dma_start3A_70 = arith.constant 0 : i32
    %dma_start3A_71 = arith.constant 0 : i32
    %dma_start3A_72 = tpu.memref_slice %arg7[%dma_start3A_69, %dma_start3A_70, %dma_start3A_71] : memref<5x50x128xf32, #tpu.memory_space<vmem>> -> memref<1x50x128xf32, #tpu.memory_space<vmem>>
    %dma_start3A_73 = tpu.memref_squeeze %dma_start3A_72 : memref<1x50x128xf32, #tpu.memory_space<vmem>> -> memref<50x128xf32, #tpu.memory_space<vmem>>
    %dma_start3A_74 = arith.constant 0 : i32
    %dma_start3A_75 = tpu.memref_slice %arg8[%add3A_68, %dma_start3A_74] : memref<10000x128xf32, #tpu.memory_space<vmem_shared>> -> memref<50x128xf32, #tpu.memory_space<vmem_shared>>
    %dma_start3A_76 = arith.constant 0 : i32
    %dma_start3A_77 = tpu.memref_slice %arg8[%add3A_68, %dma_start3A_76] : memref<10000x128xf32, #tpu.memory_space<vmem_shared>> -> memref<50x128xf32, #tpu.memory_space<vmem_shared>>
    %dma_start3A_78 = arith.constant 0 : i32
    %dma_start3A_79 = arith.constant 0 : i32
    %dma_start3A_80 = tpu.memref_slice %arg7[%dma_start3A_69, %dma_start3A_78, %dma_start3A_79] : memref<5x50x128xf32, #tpu.memory_space<vmem>> -> memref<1x50x128xf32, #tpu.memory_space<vmem>>
    %dma_start3A_81 = tpu.memref_squeeze %dma_start3A_80 : memref<1x50x128xf32, #tpu.memory_space<vmem>> -> memref<50x128xf32, #tpu.memory_space<vmem>>
    tpu.enqueue_dma source(%dma_start3A_81 : memref<50x128xf32, #tpu.memory_space<vmem>>) target(%dma_start3A_77 : memref<50x128xf32, #tpu.memory_space<vmem_shared>>) target_semaphore(%arg12 : memref<!tpu.dma_semaphore, #tpu.memory_space<semaphore_mem>>)
    %add3A_82 = arith.constant 250 : i32
    %add3A_83 = arith.addi %mul3A_7, %add3A_82 : i32
    %dma_start3A_84 = arith.constant 0 : i32
    %dma_start3A_85 = arith.constant 0 : i32
    %dma_start3A_86 = arith.constant 0 : i32
    %dma_start3A_87 = tpu.memref_slice %arg7[%dma_start3A_84, %dma_start3A_85, %dma_start3A_86] : memref<5x50x128xf32, #tpu.memory_space<vmem>> -> memref<1x50x128xf32, #tpu.memory_space<vmem>>
    %dma_start3A_88 = tpu.memref_squeeze %dma_start3A_87 : memref<1x50x128xf32, #tpu.memory_space<vmem>> -> memref<50x128xf32, #tpu.memory_space<vmem>>
    %dma_start3A_89 = arith.constant 0 : i32
    %dma_start3A_90 = tpu.memref_slice %arg8[%add3A_83, %dma_start3A_89] : memref<10000x128xf32, #tpu.memory_space<vmem_shared>> -> memref<50x128xf32, #tpu.memory_space<vmem_shared>>
    %dma_start3A_91 = arith.constant 0 : i32
    %dma_start3A_92 = tpu.memref_slice %arg8[%add3A_83, %dma_start3A_91] : memref<10000x128xf32, #tpu.memory_space<vmem_shared>> -> memref<50x128xf32, #tpu.memory_space<vmem_shared>>
    %dma_start3A_93 = arith.constant 0 : i32
    %dma_start3A_94 = arith.constant 0 : i32
    %dma_start3A_95 = tpu.memref_slice %arg7[%dma_start3A_84, %dma_start3A_93, %dma_start3A_94] : memref<5x50x128xf32, #tpu.memory_space<vmem>> -> memref<1x50x128xf32, #tpu.memory_space<vmem>>
    %dma_start3A_96 = tpu.memref_squeeze %dma_start3A_95 : memref<1x50x128xf32, #tpu.memory_space<vmem>> -> memref<50x128xf32, #tpu.memory_space<vmem>>
    tpu.enqueue_dma source(%dma_start3A_96 : memref<50x128xf32, #tpu.memory_space<vmem>>) target(%dma_start3A_92 : memref<50x128xf32, #tpu.memory_space<vmem_shared>>) target_semaphore(%arg12 : memref<!tpu.dma_semaphore, #tpu.memory_space<semaphore_mem>>)
    %add3A_97 = arith.constant 300 : i32
    %add3A_98 = arith.addi %mul3A_7, %add3A_97 : i32
    %dma_start3A_99 = arith.constant 0 : i32
    %dma_start3A_100 = arith.constant 0 : i32
    %dma_start3A_101 = arith.constant 0 : i32
    %dma_start3A_102 = tpu.memref_slice %arg7[%dma_start3A_99, %dma_start3A_100, %dma_start3A_101] : memref<5x50x128xf32, #tpu.memory_space<vmem>> -> memref<1x50x128xf32, #tpu.memory_space<vmem>>
    %dma_start3A_103 = tpu.memref_squeeze %dma_start3A_102 : memref<1x50x128xf32, #tpu.memory_space<vmem>> -> memref<50x128xf32, #tpu.memory_space<vmem>>
    %dma_start3A_104 = arith.constant 0 : i32
    %dma_start3A_105 = tpu.memref_slice %arg8[%add3A_98, %dma_start3A_104] : memref<10000x128xf32, #tpu.memory_space<vmem_shared>> -> memref<50x128xf32, #tpu.memory_space<vmem_shared>>
    %dma_start3A_106 = arith.constant 0 : i32
    %dma_start3A_107 = tpu.memref_slice %arg8[%add3A_98, %dma_start3A_106] : memref<10000x128xf32, #tpu.memory_space<vmem_shared>> -> memref<50x128xf32, #tpu.memory_space<vmem_shared>>
    %dma_start3A_108 = arith.constant 0 : i32
    %dma_start3A_109 = arith.constant 0 : i32
    %dma_start3A_110 = tpu.memref_slice %arg7[%dma_start3A_99, %dma_start3A_108, %dma_start3A_109] : memref<5x50x128xf32, #tpu.memory_space<vmem>> -> memref<1x50x128xf32, #tpu.memory_space<vmem>>
    %dma_start3A_111 = tpu.memref_squeeze %dma_start3A_110 : memref<1x50x128xf32, #tpu.memory_space<vmem>> -> memref<50x128xf32, #tpu.memory_space<vmem>>
    tpu.enqueue_dma source(%dma_start3A_111 : memref<50x128xf32, #tpu.memory_space<vmem>>) target(%dma_start3A_107 : memref<50x128xf32, #tpu.memory_space<vmem_shared>>) target_semaphore(%arg12 : memref<!tpu.dma_semaphore, #tpu.memory_space<semaphore_mem>>)
    %add3A_112 = arith.constant 350 : i32
    %add3A_113 = arith.addi %mul3A_7, %add3A_112 : i32
    %dma_start3A_114 = arith.constant 0 : i32
    %dma_start3A_115 = arith.constant 0 : i32
    %dma_start3A_116 = arith.constant 0 : i32
    %dma_start3A_117 = tpu.memref_slice %arg7[%dma_start3A_114, %dma_start3A_115, %dma_start3A_116] : memref<5x50x128xf32, #tpu.memory_space<vmem>> -> memref<1x50x128xf32, #tpu.memory_space<vmem>>
    %dma_start3A_118 = tpu.memref_squeeze %dma_start3A_117 : memref<1x50x128xf32, #tpu.memory_space<vmem>> -> memref<50x128xf32, #tpu.memory_space<vmem>>
    %dma_start3A_119 = arith.constant 0 : i32
    %dma_start3A_120 = tpu.memref_slice %arg8[%add3A_113, %dma_start3A_119] : memref<10000x128xf32, #tpu.memory_space<vmem_shared>> -> memref<50x128xf32, #tpu.memory_space<vmem_shared>>
    %dma_start3A_121 = arith.constant 0 : i32
    %dma_start3A_122 = tpu.memref_slice %arg8[%add3A_113, %dma_start3A_121] : memref<10000x128xf32, #tpu.memory_space<vmem_shared>> -> memref<50x128xf32, #tpu.memory_space<vmem_shared>>
    %dma_start3A_123 = arith.constant 0 : i32
    %dma_start3A_124 = arith.constant 0 : i32
    %dma_start3A_125 = tpu.memref_slice %arg7[%dma_start3A_114, %dma_start3A_123, %dma_start3A_124] : memref<5x50x128xf32, #tpu.memory_space<vmem>> -> memref<1x50x128xf32, #tpu.memory_space<vmem>>
    %dma_start3A_126 = tpu.memref_squeeze %dma_start3A_125 : memref<1x50x128xf32, #tpu.memory_space<vmem>> -> memref<50x128xf32, #tpu.memory_space<vmem>>
    tpu.enqueue_dma source(%dma_start3A_126 : memref<50x128xf32, #tpu.memory_space<vmem>>) target(%dma_start3A_122 : memref<50x128xf32, #tpu.memory_space<vmem_shared>>) target_semaphore(%arg12 : memref<!tpu.dma_semaphore, #tpu.memory_space<semaphore_mem>>)
    %add3A_127 = arith.constant 400 : i32
    %add3A_128 = arith.addi %mul3A_7, %add3A_127 : i32
    %dma_start3A_129 = arith.constant 0 : i32
    %dma_start3A_130 = arith.constant 0 : i32
    %dma_start3A_131 = arith.constant 0 : i32
    %dma_start3A_132 = tpu.memref_slice %arg7[%dma_start3A_129, %dma_start3A_130, %dma_start3A_131] : memref<5x50x128xf32, #tpu.memory_space<vmem>> -> memref<1x50x128xf32, #tpu.memory_space<vmem>>
    %dma_start3A_133 = tpu.memref_squeeze %dma_start3A_132 : memref<1x50x128xf32, #tpu.memory_space<vmem>> -> memref<50x128xf32, #tpu.memory_space<vmem>>
    %dma_start3A_134 = arith.constant 0 : i32
    %dma_start3A_135 = tpu.memref_slice %arg8[%add3A_128, %dma_start3A_134] : memref<10000x128xf32, #tpu.memory_space<vmem_shared>> -> memref<50x128xf32, #tpu.memory_space<vmem_shared>>
    %dma_start3A_136 = arith.constant 0 : i32
    %dma_start3A_137 = tpu.memref_slice %arg8[%add3A_128, %dma_start3A_136] : memref<10000x128xf32, #tpu.memory_space<vmem_shared>> -> memref<50x128xf32, #tpu.memory_space<vmem_shared>>
    %dma_start3A_138 = arith.constant 0 : i32
    %dma_start3A_139 = arith.constant 0 : i32
    %dma_start3A_140 = tpu.memref_slice %arg7[%dma_start3A_129, %dma_start3A_138, %dma_start3A_139] : memref<5x50x128xf32, #tpu.memory_space<vmem>> -> memref<1x50x128xf32, #tpu.memory_space<vmem>>
    %dma_start3A_141 = tpu.memref_squeeze %dma_start3A_140 : memref<1x50x128xf32, #tpu.memory_space<vmem>> -> memref<50x128xf32, #tpu.memory_space<vmem>>
    tpu.enqueue_dma source(%dma_start3A_141 : memref<50x128xf32, #tpu.memory_space<vmem>>) target(%dma_start3A_137 : memref<50x128xf32, #tpu.memory_space<vmem_shared>>) target_semaphore(%arg12 : memref<!tpu.dma_semaphore, #tpu.memory_space<semaphore_mem>>)
    %add3A_142 = arith.constant 450 : i32
    %add3A_143 = arith.addi %mul3A_7, %add3A_142 : i32
    %dma_start3A_144 = arith.constant 0 : i32
    %dma_start3A_145 = arith.constant 0 : i32
    %dma_start3A_146 = arith.constant 0 : i32
    %dma_start3A_147 = tpu.memref_slice %arg7[%dma_start3A_144, %dma_start3A_145, %dma_start3A_146] : memref<5x50x128xf32, #tpu.memory_space<vmem>> -> memref<1x50x128xf32, #tpu.memory_space<vmem>>
    %dma_start3A_148 = tpu.memref_squeeze %dma_start3A_147 : memref<1x50x128xf32, #tpu.memory_space<vmem>> -> memref<50x128xf32, #tpu.memory_space<vmem>>
    %dma_start3A_149 = arith.constant 0 : i32
    %dma_start3A_150 = tpu.memref_slice %arg8[%add3A_143, %dma_start3A_149] : memref<10000x128xf32, #tpu.memory_space<vmem_shared>> -> memref<50x128xf32, #tpu.memory_space<vmem_shared>>
    %dma_start3A_151 = arith.constant 0 : i32
    %dma_start3A_152 = tpu.memref_slice %arg8[%add3A_143, %dma_start3A_151] : memref<10000x128xf32, #tpu.memory_space<vmem_shared>> -> memref<50x128xf32, #tpu.memory_space<vmem_shared>>
    %dma_start3A_153 = arith.constant 0 : i32
    %dma_start3A_154 = arith.constant 0 : i32
    %dma_start3A_155 = tpu.memref_slice %arg7[%dma_start3A_144, %dma_start3A_153, %dma_start3A_154] : memref<5x50x128xf32, #tpu.memory_space<vmem>> -> memref<1x50x128xf32, #tpu.memory_space<vmem>>
    %dma_start3A_156 = tpu.memref_squeeze %dma_start3A_155 : memref<1x50x128xf32, #tpu.memory_space<vmem>> -> memref<50x128xf32, #tpu.memory_space<vmem>>
    tpu.enqueue_dma source(%dma_start3A_156 : memref<50x128xf32, #tpu.memory_space<vmem>>) target(%dma_start3A_152 : memref<50x128xf32, #tpu.memory_space<vmem_shared>>) target_semaphore(%arg12 : memref<!tpu.dma_semaphore, #tpu.memory_space<semaphore_mem>>)
    %add3A_157 = arith.constant 500 : i32
    %add3A_158 = arith.addi %mul3A_7, %add3A_157 : i32
    %dma_start3A_159 = arith.constant 0 : i32
    %dma_start3A_160 = arith.constant 0 : i32
    %dma_start3A_161 = arith.constant 0 : i32
    %dma_start3A_162 = tpu.memref_slice %arg7[%dma_start3A_159, %dma_start3A_160, %dma_start3A_161] : memref<5x50x128xf32, #tpu.memory_space<vmem>> -> memref<1x50x128xf32, #tpu.memory_space<vmem>>
    %dma_start3A_163 = tpu.memref_squeeze %dma_start3A_162 : memref<1x50x128xf32, #tpu.memory_space<vmem>> -> memref<50x128xf32, #tpu.memory_space<vmem>>
    %dma_start3A_164 = arith.constant 0 : i32
    %dma_start3A_165 = tpu.memref_slice %arg8[%add3A_158, %dma_start3A_164] : memref<10000x128xf32, #tpu.memory_space<vmem_shared>> -> memref<50x128xf32, #tpu.memory_space<vmem_shared>>
    %dma_start3A_166 = arith.constant 0 : i32
    %dma_start3A_167 = tpu.memref_slice %arg8[%add3A_158, %dma_start3A_166] : memref<10000x128xf32, #tpu.memory_space<vmem_shared>> -> memref<50x128xf32, #tpu.memory_space<vmem_shared>>
    %dma_start3A_168 = arith.constant 0 : i32
    %dma_start3A_169 = arith.constant 0 : i32
    %dma_start3A_170 = tpu.memref_slice %arg7[%dma_start3A_159, %dma_start3A_168, %dma_start3A_169] : memref<5x50x128xf32, #tpu.memory_space<vmem>> -> memref<1x50x128xf32, #tpu.memory_space<vmem>>
    %dma_start3A_171 = tpu.memref_squeeze %dma_start3A_170 : memref<1x50x128xf32, #tpu.memory_space<vmem>> -> memref<50x128xf32, #tpu.memory_space<vmem>>
    tpu.enqueue_dma source(%dma_start3A_171 : memref<50x128xf32, #tpu.memory_space<vmem>>) target(%dma_start3A_167 : memref<50x128xf32, #tpu.memory_space<vmem_shared>>) target_semaphore(%arg12 : memref<!tpu.dma_semaphore, #tpu.memory_space<semaphore_mem>>)
    %add3A_172 = arith.constant 550 : i32
    %add3A_173 = arith.addi %mul3A_7, %add3A_172 : i32
    %dma_start3A_174 = arith.constant 0 : i32
    %dma_start3A_175 = arith.constant 0 : i32
    %dma_start3A_176 = arith.constant 0 : i32
    %dma_start3A_177 = tpu.memref_slice %arg7[%dma_start3A_174, %dma_start3A_175, %dma_start3A_176] : memref<5x50x128xf32, #tpu.memory_space<vmem>> -> memref<1x50x128xf32, #tpu.memory_space<vmem>>
    %dma_start3A_178 = tpu.memref_squeeze %dma_start3A_177 : memref<1x50x128xf32, #tpu.memory_space<vmem>> -> memref<50x128xf32, #tpu.memory_space<vmem>>
    %dma_start3A_179 = arith.constant 0 : i32
    %dma_start3A_180 = tpu.memref_slice %arg8[%add3A_173, %dma_start3A_179] : memref<10000x128xf32, #tpu.memory_space<vmem_shared>> -> memref<50x128xf32, #tpu.memory_space<vmem_shared>>
    %dma_start3A_181 = arith.constant 0 : i32
    %dma_start3A_182 = tpu.memref_slice %arg8[%add3A_173, %dma_start3A_181] : memref<10000x128xf32, #tpu.memory_space<vmem_shared>> -> memref<50x128xf32, #tpu.memory_space<vmem_shared>>
    %dma_start3A_183 = arith.constant 0 : i32
    %dma_start3A_184 = arith.constant 0 : i32
    %dma_start3A_185 = tpu.memref_slice %arg7[%dma_start3A_174, %dma_start3A_183, %dma_start3A_184] : memref<5x50x128xf32, #tpu.memory_space<vmem>> -> memref<1x50x128xf32, #tpu.memory_space<vmem>>
    %dma_start3A_186 = tpu.memref_squeeze %dma_start3A_185 : memref<1x50x128xf32, #tpu.memory_space<vmem>> -> memref<50x128xf32, #tpu.memory_space<vmem>>
    tpu.enqueue_dma source(%dma_start3A_186 : memref<50x128xf32, #tpu.memory_space<vmem>>) target(%dma_start3A_182 : memref<50x128xf32, #tpu.memory_space<vmem_shared>>) target_semaphore(%arg12 : memref<!tpu.dma_semaphore, #tpu.memory_space<semaphore_mem>>)
    %add3A_187 = arith.constant 600 : i32
    %add3A_188 = arith.addi %mul3A_7, %add3A_187 : i32
    %dma_start3A_189 = arith.constant 0 : i32
    %dma_start3A_190 = arith.constant 0 : i32
    %dma_start3A_191 = arith.constant 0 : i32
    %dma_start3A_192 = tpu.memref_slice %arg7[%dma_start3A_189, %dma_start3A_190, %dma_start3A_191] : memref<5x50x128xf32, #tpu.memory_space<vmem>> -> memref<1x24x128xf32, #tpu.memory_space<vmem>>
    %dma_start3A_193 = tpu.memref_squeeze %dma_start3A_192 : memref<1x24x128xf32, #tpu.memory_space<vmem>> -> memref<24x128xf32, #tpu.memory_space<vmem>>
    %dma_start3A_194 = arith.constant 0 : i32
    %dma_start3A_195 = tpu.memref_slice %arg8[%add3A_188, %dma_start3A_194] : memref<10000x128xf32, #tpu.memory_space<vmem_shared>> -> memref<24x128xf32, #tpu.memory_space<vmem_shared>>
    %dma_start3A_196 = arith.constant 0 : i32
    %dma_start3A_197 = tpu.memref_slice %arg8[%add3A_188, %dma_start3A_196] : memref<10000x128xf32, #tpu.memory_space<vmem_shared>> -> memref<24x128xf32, #tpu.memory_space<vmem_shared>>
    %dma_start3A_198 = arith.constant 0 : i32
    %dma_start3A_199 = arith.constant 0 : i32
    %dma_start3A_200 = tpu.memref_slice %arg7[%dma_start3A_189, %dma_start3A_198, %dma_start3A_199] : memref<5x50x128xf32, #tpu.memory_space<vmem>> -> memref<1x24x128xf32, #tpu.memory_space<vmem>>
    %dma_start3A_201 = tpu.memref_squeeze %dma_start3A_200 : memref<1x24x128xf32, #tpu.memory_space<vmem>> -> memref<24x128xf32, #tpu.memory_space<vmem>>
    tpu.enqueue_dma source(%dma_start3A_201 : memref<24x128xf32, #tpu.memory_space<vmem>>) target(%dma_start3A_197 : memref<24x128xf32, #tpu.memory_space<vmem_shared>>) target_semaphore(%arg12 : memref<!tpu.dma_semaphore, #tpu.memory_space<semaphore_mem>>)
    %eq3A = arith.constant 15 : i32
    %eq3A_202 = arith.cmpi eq, %arg1, %eq3A : i32
    %convert_element_type3A = arith.extui %eq3A_202 : i1 to i32
    %cond3A = arith.constant 0 : i32
    %cond3A_203 = arith.cmpi ne, %convert_element_type3A, %cond3A : i32
    scf.if %cond3A_203 {
      %dma_start3A_499 = arith.constant 0 : i32
      %dma_start3A_500 = arith.constant 0 : i32
      %dma_start3A_501 = arith.constant 0 : i32
      %dma_start3A_502 = tpu.memref_slice %arg7[%dma_start3A_499, %dma_start3A_500, %dma_start3A_501] : memref<5x50x128xf32, #tpu.memory_space<vmem>> -> memref<1x16x128xf32, #tpu.memory_space<vmem>>
      %dma_start3A_503 = tpu.memref_squeeze %dma_start3A_502 : memref<1x16x128xf32, #tpu.memory_space<vmem>> -> memref<16x128xf32, #tpu.memory_space<vmem>>
      %dma_start3A_504 = arith.constant 9984 : i32
      %dma_start3A_505 = arith.constant 0 : i32
      %dma_start3A_506 = tpu.memref_slice %arg8[%dma_start3A_504, %dma_start3A_505] : memref<10000x128xf32, #tpu.memory_space<vmem_shared>> -> memref<16x128xf32, #tpu.memory_space<vmem_shared>>
      %dma_start3A_507 = arith.constant 9984 : i32
      %dma_start3A_508 = arith.constant 0 : i32
      %dma_start3A_509 = tpu.memref_slice %arg8[%dma_start3A_507, %dma_start3A_508] : memref<10000x128xf32, #tpu.memory_space<vmem_shared>> -> memref<16x128xf32, #tpu.memory_space<vmem_shared>>
      %dma_start3A_510 = arith.constant 0 : i32
      %dma_start3A_511 = arith.constant 0 : i32
      %dma_start3A_512 = tpu.memref_slice %arg7[%dma_start3A_499, %dma_start3A_510, %dma_start3A_511] : memref<5x50x128xf32, #tpu.memory_space<vmem>> -> memref<1x16x128xf32, #tpu.memory_space<vmem>>
      %dma_start3A_513 = tpu.memref_squeeze %dma_start3A_512 : memref<1x16x128xf32, #tpu.memory_space<vmem>> -> memref<16x128xf32, #tpu.memory_space<vmem>>
      tpu.enqueue_dma source(%dma_start3A_513 : memref<16x128xf32, #tpu.memory_space<vmem>>) target(%dma_start3A_509 : memref<16x128xf32, #tpu.memory_space<vmem_shared>>) target_semaphore(%arg12 : memref<!tpu.dma_semaphore, #tpu.memory_space<semaphore_mem>>)
    } else {
    }
    %dma_wait3A = arith.constant 0 : i32
    %dma_wait3A_204 = arith.constant 0 : i32
    %dma_wait3A_205 = arith.constant 0 : i32
    %dma_wait3A_206 = tpu.memref_slice %arg7[%dma_wait3A, %dma_wait3A_204, %dma_wait3A_205] : memref<5x50x128xf32, #tpu.memory_space<vmem>> -> memref<1x50x128xf32, #tpu.memory_space<vmem>>
    %dma_wait3A_207 = tpu.memref_squeeze %dma_wait3A_206 : memref<1x50x128xf32, #tpu.memory_space<vmem>> -> memref<50x128xf32, #tpu.memory_space<vmem>>
    %dma_wait3A_208 = arith.constant 0 : i32
    %dma_wait3A_209 = tpu.memref_slice %arg8[%mul3A_7, %dma_wait3A_208] : memref<10000x128xf32, #tpu.memory_space<vmem_shared>> -> memref<50x128xf32, #tpu.memory_space<vmem_shared>>
    %dma_wait3A_210 = arith.constant 0 : i32
    %dma_wait3A_211 = tpu.memref_slice %arg8[%mul3A_7, %dma_wait3A_210] : memref<10000x128xf32, #tpu.memory_space<vmem_shared>> -> memref<50x128xf32, #tpu.memory_space<vmem_shared>>
    %dma_wait3A_212 = arith.constant 0 : i32
    %dma_wait3A_213 = arith.constant 0 : i32
    %dma_wait3A_214 = tpu.memref_slice %arg7[%dma_wait3A, %dma_wait3A_212, %dma_wait3A_213] : memref<5x50x128xf32, #tpu.memory_space<vmem>> -> memref<1x50x128xf32, #tpu.memory_space<vmem>>
    %dma_wait3A_215 = tpu.memref_squeeze %dma_wait3A_214 : memref<1x50x128xf32, #tpu.memory_space<vmem>> -> memref<50x128xf32, #tpu.memory_space<vmem>>
    tpu.wait_dma2 semaphore(%arg12 : memref<!tpu.dma_semaphore, #tpu.memory_space<semaphore_mem>>) src(%dma_wait3A_215 : memref<50x128xf32, #tpu.memory_space<vmem>>) dst(%dma_wait3A_211 : memref<50x128xf32, #tpu.memory_space<vmem_shared>>)
    %dma_wait3A_216 = arith.constant 0 : i32
    %dma_wait3A_217 = arith.constant 0 : i32
    %dma_wait3A_218 = arith.constant 0 : i32
    %dma_wait3A_219 = tpu.memref_slice %arg7[%dma_wait3A_216, %dma_wait3A_217, %dma_wait3A_218] : memref<5x50x128xf32, #tpu.memory_space<vmem>> -> memref<1x50x128xf32, #tpu.memory_space<vmem>>
    %dma_wait3A_220 = tpu.memref_squeeze %dma_wait3A_219 : memref<1x50x128xf32, #tpu.memory_space<vmem>> -> memref<50x128xf32, #tpu.memory_space<vmem>>
    %dma_wait3A_221 = arith.constant 0 : i32
    %dma_wait3A_222 = tpu.memref_slice %arg8[%mul3A_7, %dma_wait3A_221] : memref<10000x128xf32, #tpu.memory_space<vmem_shared>> -> memref<50x128xf32, #tpu.memory_space<vmem_shared>>
    %dma_wait3A_223 = arith.constant 0 : i32
    %dma_wait3A_224 = tpu.memref_slice %arg8[%mul3A_7, %dma_wait3A_223] : memref<10000x128xf32, #tpu.memory_space<vmem_shared>> -> memref<50x128xf32, #tpu.memory_space<vmem_shared>>
    %dma_wait3A_225 = arith.constant 0 : i32
    %dma_wait3A_226 = arith.constant 0 : i32
    %dma_wait3A_227 = tpu.memref_slice %arg7[%dma_wait3A_216, %dma_wait3A_225, %dma_wait3A_226] : memref<5x50x128xf32, #tpu.memory_space<vmem>> -> memref<1x50x128xf32, #tpu.memory_space<vmem>>
    %dma_wait3A_228 = tpu.memref_squeeze %dma_wait3A_227 : memref<1x50x128xf32, #tpu.memory_space<vmem>> -> memref<50x128xf32, #tpu.memory_space<vmem>>
    tpu.wait_dma2 semaphore(%arg12 : memref<!tpu.dma_semaphore, #tpu.memory_space<semaphore_mem>>) src(%dma_wait3A_228 : memref<50x128xf32, #tpu.memory_space<vmem>>) dst(%dma_wait3A_224 : memref<50x128xf32, #tpu.memory_space<vmem_shared>>)
    %dma_wait3A_229 = arith.constant 0 : i32
    %dma_wait3A_230 = arith.constant 0 : i32
    %dma_wait3A_231 = arith.constant 0 : i32
    %dma_wait3A_232 = tpu.memref_slice %arg7[%dma_wait3A_229, %dma_wait3A_230, %dma_wait3A_231] : memref<5x50x128xf32, #tpu.memory_space<vmem>> -> memref<1x50x128xf32, #tpu.memory_space<vmem>>
    %dma_wait3A_233 = tpu.memref_squeeze %dma_wait3A_232 : memref<1x50x128xf32, #tpu.memory_space<vmem>> -> memref<50x128xf32, #tpu.memory_space<vmem>>
    %dma_wait3A_234 = arith.constant 0 : i32
    %dma_wait3A_235 = tpu.memref_slice %arg8[%mul3A_7, %dma_wait3A_234] : memref<10000x128xf32, #tpu.memory_space<vmem_shared>> -> memref<50x128xf32, #tpu.memory_space<vmem_shared>>
    %dma_wait3A_236 = arith.constant 0 : i32
    %dma_wait3A_237 = tpu.memref_slice %arg8[%mul3A_7, %dma_wait3A_236] : memref<10000x128xf32, #tpu.memory_space<vmem_shared>> -> memref<50x128xf32, #tpu.memory_space<vmem_shared>>
    %dma_wait3A_238 = arith.constant 0 : i32
    %dma_wait3A_239 = arith.constant 0 : i32
    %dma_wait3A_240 = tpu.memref_slice %arg7[%dma_wait3A_229, %dma_wait3A_238, %dma_wait3A_239] : memref<5x50x128xf32, #tpu.memory_space<vmem>> -> memref<1x50x128xf32, #tpu.memory_space<vmem>>
    %dma_wait3A_241 = tpu.memref_squeeze %dma_wait3A_240 : memref<1x50x128xf32, #tpu.memory_space<vmem>> -> memref<50x128xf32, #tpu.memory_space<vmem>>
    tpu.wait_dma2 semaphore(%arg12 : memref<!tpu.dma_semaphore, #tpu.memory_space<semaphore_mem>>) src(%dma_wait3A_241 : memref<50x128xf32, #tpu.memory_space<vmem>>) dst(%dma_wait3A_237 : memref<50x128xf32, #tpu.memory_space<vmem_shared>>)
    %dma_wait3A_242 = arith.constant 0 : i32
    %dma_wait3A_243 = arith.constant 0 : i32
    %dma_wait3A_244 = arith.constant 0 : i32
    %dma_wait3A_245 = tpu.memref_slice %arg7[%dma_wait3A_242, %dma_wait3A_243, %dma_wait3A_244] : memref<5x50x128xf32, #tpu.memory_space<vmem>> -> memref<1x50x128xf32, #tpu.memory_space<vmem>>
    %dma_wait3A_246 = tpu.memref_squeeze %dma_wait3A_245 : memref<1x50x128xf32, #tpu.memory_space<vmem>> -> memref<50x128xf32, #tpu.memory_space<vmem>>
    %dma_wait3A_247 = arith.constant 0 : i32
    %dma_wait3A_248 = tpu.memref_slice %arg8[%mul3A_7, %dma_wait3A_247] : memref<10000x128xf32, #tpu.memory_space<vmem_shared>> -> memref<50x128xf32, #tpu.memory_space<vmem_shared>>
    %dma_wait3A_249 = arith.constant 0 : i32
    %dma_wait3A_250 = tpu.memref_slice %arg8[%mul3A_7, %dma_wait3A_249] : memref<10000x128xf32, #tpu.memory_space<vmem_shared>> -> memref<50x128xf32, #tpu.memory_space<vmem_shared>>
    %dma_wait3A_251 = arith.constant 0 : i32
    %dma_wait3A_252 = arith.constant 0 : i32
    %dma_wait3A_253 = tpu.memref_slice %arg7[%dma_wait3A_242, %dma_wait3A_251, %dma_wait3A_252] : memref<5x50x128xf32, #tpu.memory_space<vmem>> -> memref<1x50x128xf32, #tpu.memory_space<vmem>>
    %dma_wait3A_254 = tpu.memref_squeeze %dma_wait3A_253 : memref<1x50x128xf32, #tpu.memory_space<vmem>> -> memref<50x128xf32, #tpu.memory_space<vmem>>
    tpu.wait_dma2 semaphore(%arg12 : memref<!tpu.dma_semaphore, #tpu.memory_space<semaphore_mem>>) src(%dma_wait3A_254 : memref<50x128xf32, #tpu.memory_space<vmem>>) dst(%dma_wait3A_250 : memref<50x128xf32, #tpu.memory_space<vmem_shared>>)
    %dma_wait3A_255 = arith.constant 0 : i32
    %dma_wait3A_256 = arith.constant 0 : i32
    %dma_wait3A_257 = arith.constant 0 : i32
    %dma_wait3A_258 = tpu.memref_slice %arg7[%dma_wait3A_255, %dma_wait3A_256, %dma_wait3A_257] : memref<5x50x128xf32, #tpu.memory_space<vmem>> -> memref<1x50x128xf32, #tpu.memory_space<vmem>>
    %dma_wait3A_259 = tpu.memref_squeeze %dma_wait3A_258 : memref<1x50x128xf32, #tpu.memory_space<vmem>> -> memref<50x128xf32, #tpu.memory_space<vmem>>
    %dma_wait3A_260 = arith.constant 0 : i32
    %dma_wait3A_261 = tpu.memref_slice %arg8[%mul3A_7, %dma_wait3A_260] : memref<10000x128xf32, #tpu.memory_space<vmem_shared>> -> memref<50x128xf32, #tpu.memory_space<vmem_shared>>
    %dma_wait3A_262 = arith.constant 0 : i32
    %dma_wait3A_263 = tpu.memref_slice %arg8[%mul3A_7, %dma_wait3A_262] : memref<10000x128xf32, #tpu.memory_space<vmem_shared>> -> memref<50x128xf32, #tpu.memory_space<vmem_shared>>
    %dma_wait3A_264 = arith.constant 0 : i32
    %dma_wait3A_265 = arith.constant 0 : i32
    %dma_wait3A_266 = tpu.memref_slice %arg7[%dma_wait3A_255, %dma_wait3A_264, %dma_wait3A_265] : memref<5x50x128xf32, #tpu.memory_space<vmem>> -> memref<1x50x128xf32, #tpu.memory_space<vmem>>
    %dma_wait3A_267 = tpu.memref_squeeze %dma_wait3A_266 : memref<1x50x128xf32, #tpu.memory_space<vmem>> -> memref<50x128xf32, #tpu.memory_space<vmem>>
    tpu.wait_dma2 semaphore(%arg12 : memref<!tpu.dma_semaphore, #tpu.memory_space<semaphore_mem>>) src(%dma_wait3A_267 : memref<50x128xf32, #tpu.memory_space<vmem>>) dst(%dma_wait3A_263 : memref<50x128xf32, #tpu.memory_space<vmem_shared>>)
    %dma_wait3A_268 = arith.constant 0 : i32
    %dma_wait3A_269 = arith.constant 0 : i32
    %dma_wait3A_270 = arith.constant 0 : i32
    %dma_wait3A_271 = tpu.memref_slice %arg7[%dma_wait3A_268, %dma_wait3A_269, %dma_wait3A_270] : memref<5x50x128xf32, #tpu.memory_space<vmem>> -> memref<1x50x128xf32, #tpu.memory_space<vmem>>
    %dma_wait3A_272 = tpu.memref_squeeze %dma_wait3A_271 : memref<1x50x128xf32, #tpu.memory_space<vmem>> -> memref<50x128xf32, #tpu.memory_space<vmem>>
    %dma_wait3A_273 = arith.constant 0 : i32
    %dma_wait3A_274 = tpu.memref_slice %arg8[%mul3A_7, %dma_wait3A_273] : memref<10000x128xf32, #tpu.memory_space<vmem_shared>> -> memref<50x128xf32, #tpu.memory_space<vmem_shared>>
    %dma_wait3A_275 = arith.constant 0 : i32
    %dma_wait3A_276 = tpu.memref_slice %arg8[%mul3A_7, %dma_wait3A_275] : memref<10000x128xf32, #tpu.memory_space<vmem_shared>> -> memref<50x128xf32, #tpu.memory_space<vmem_shared>>
    %dma_wait3A_277 = arith.constant 0 : i32
    %dma_wait3A_278 = arith.constant 0 : i32
    %dma_wait3A_279 = tpu.memref_slice %arg7[%dma_wait3A_268, %dma_wait3A_277, %dma_wait3A_278] : memref<5x50x128xf32, #tpu.memory_space<vmem>> -> memref<1x50x128xf32, #tpu.memory_space<vmem>>
    %dma_wait3A_280 = tpu.memref_squeeze %dma_wait3A_279 : memref<1x50x128xf32, #tpu.memory_space<vmem>> -> memref<50x128xf32, #tpu.memory_space<vmem>>
    tpu.wait_dma2 semaphore(%arg12 : memref<!tpu.dma_semaphore, #tpu.memory_space<semaphore_mem>>) src(%dma_wait3A_280 : memref<50x128xf32, #tpu.memory_space<vmem>>) dst(%dma_wait3A_276 : memref<50x128xf32, #tpu.memory_space<vmem_shared>>)
    %dma_wait3A_281 = arith.constant 0 : i32
    %dma_wait3A_282 = arith.constant 0 : i32
    %dma_wait3A_283 = arith.constant 0 : i32
    %dma_wait3A_284 = tpu.memref_slice %arg7[%dma_wait3A_281, %dma_wait3A_282, %dma_wait3A_283] : memref<5x50x128xf32, #tpu.memory_space<vmem>> -> memref<1x50x128xf32, #tpu.memory_space<vmem>>
    %dma_wait3A_285 = tpu.memref_squeeze %dma_wait3A_284 : memref<1x50x128xf32, #tpu.memory_space<vmem>> -> memref<50x128xf32, #tpu.memory_space<vmem>>
    %dma_wait3A_286 = arith.constant 0 : i32
    %dma_wait3A_287 = tpu.memref_slice %arg8[%mul3A_7, %dma_wait3A_286] : memref<10000x128xf32, #tpu.memory_space<vmem_shared>> -> memref<50x128xf32, #tpu.memory_space<vmem_shared>>
    %dma_wait3A_288 = arith.constant 0 : i32
    %dma_wait3A_289 = tpu.memref_slice %arg8[%mul3A_7, %dma_wait3A_288] : memref<10000x128xf32, #tpu.memory_space<vmem_shared>> -> memref<50x128xf32, #tpu.memory_space<vmem_shared>>
    %dma_wait3A_290 = arith.constant 0 : i32
    %dma_wait3A_291 = arith.constant 0 : i32
    %dma_wait3A_292 = tpu.memref_slice %arg7[%dma_wait3A_281, %dma_wait3A_290, %dma_wait3A_291] : memref<5x50x128xf32, #tpu.memory_space<vmem>> -> memref<1x50x128xf32, #tpu.memory_space<vmem>>
    %dma_wait3A_293 = tpu.memref_squeeze %dma_wait3A_292 : memref<1x50x128xf32, #tpu.memory_space<vmem>> -> memref<50x128xf32, #tpu.memory_space<vmem>>
    tpu.wait_dma2 semaphore(%arg12 : memref<!tpu.dma_semaphore, #tpu.memory_space<semaphore_mem>>) src(%dma_wait3A_293 : memref<50x128xf32, #tpu.memory_space<vmem>>) dst(%dma_wait3A_289 : memref<50x128xf32, #tpu.memory_space<vmem_shared>>)
    %dma_wait3A_294 = arith.constant 0 : i32
    %dma_wait3A_295 = arith.constant 0 : i32
    %dma_wait3A_296 = arith.constant 0 : i32
    %dma_wait3A_297 = tpu.memref_slice %arg7[%dma_wait3A_294, %dma_wait3A_295, %dma_wait3A_296] : memref<5x50x128xf32, #tpu.memory_space<vmem>> -> memref<1x50x128xf32, #tpu.memory_space<vmem>>
    %dma_wait3A_298 = tpu.memref_squeeze %dma_wait3A_297 : memref<1x50x128xf32, #tpu.memory_space<vmem>> -> memref<50x128xf32, #tpu.memory_space<vmem>>
    %dma_wait3A_299 = arith.constant 0 : i32
    %dma_wait3A_300 = tpu.memref_slice %arg8[%mul3A_7, %dma_wait3A_299] : memref<10000x128xf32, #tpu.memory_space<vmem_shared>> -> memref<50x128xf32, #tpu.memory_space<vmem_shared>>
    %dma_wait3A_301 = arith.constant 0 : i32
    %dma_wait3A_302 = tpu.memref_slice %arg8[%mul3A_7, %dma_wait3A_301] : memref<10000x128xf32, #tpu.memory_space<vmem_shared>> -> memref<50x128xf32, #tpu.memory_space<vmem_shared>>
    %dma_wait3A_303 = arith.constant 0 : i32
    %dma_wait3A_304 = arith.constant 0 : i32
    %dma_wait3A_305 = tpu.memref_slice %arg7[%dma_wait3A_294, %dma_wait3A_303, %dma_wait3A_304] : memref<5x50x128xf32, #tpu.memory_space<vmem>> -> memref<1x50x128xf32, #tpu.memory_space<vmem>>
    %dma_wait3A_306 = tpu.memref_squeeze %dma_wait3A_305 : memref<1x50x128xf32, #tpu.memory_space<vmem>> -> memref<50x128xf32, #tpu.memory_space<vmem>>
    tpu.wait_dma2 semaphore(%arg12 : memref<!tpu.dma_semaphore, #tpu.memory_space<semaphore_mem>>) src(%dma_wait3A_306 : memref<50x128xf32, #tpu.memory_space<vmem>>) dst(%dma_wait3A_302 : memref<50x128xf32, #tpu.memory_space<vmem_shared>>)
    %dma_wait3A_307 = arith.constant 0 : i32
    %dma_wait3A_308 = arith.constant 0 : i32
    %dma_wait3A_309 = arith.constant 0 : i32
    %dma_wait3A_310 = tpu.memref_slice %arg7[%dma_wait3A_307, %dma_wait3A_308, %dma_wait3A_309] : memref<5x50x128xf32, #tpu.memory_space<vmem>> -> memref<1x50x128xf32, #tpu.memory_space<vmem>>
    %dma_wait3A_311 = tpu.memref_squeeze %dma_wait3A_310 : memref<1x50x128xf32, #tpu.memory_space<vmem>> -> memref<50x128xf32, #tpu.memory_space<vmem>>
    %dma_wait3A_312 = arith.constant 0 : i32
    %dma_wait3A_313 = tpu.memref_slice %arg8[%mul3A_7, %dma_wait3A_312] : memref<10000x128xf32, #tpu.memory_space<vmem_shared>> -> memref<50x128xf32, #tpu.memory_space<vmem_shared>>
    %dma_wait3A_314 = arith.constant 0 : i32
    %dma_wait3A_315 = tpu.memref_slice %arg8[%mul3A_7, %dma_wait3A_314] : memref<10000x128xf32, #tpu.memory_space<vmem_shared>> -> memref<50x128xf32, #tpu.memory_space<vmem_shared>>
    %dma_wait3A_316 = arith.constant 0 : i32
    %dma_wait3A_317 = arith.constant 0 : i32
    %dma_wait3A_318 = tpu.memref_slice %arg7[%dma_wait3A_307, %dma_wait3A_316, %dma_wait3A_317] : memref<5x50x128xf32, #tpu.memory_space<vmem>> -> memref<1x50x128xf32, #tpu.memory_space<vmem>>
    %dma_wait3A_319 = tpu.memref_squeeze %dma_wait3A_318 : memref<1x50x128xf32, #tpu.memory_space<vmem>> -> memref<50x128xf32, #tpu.memory_space<vmem>>
    tpu.wait_dma2 semaphore(%arg12 : memref<!tpu.dma_semaphore, #tpu.memory_space<semaphore_mem>>) src(%dma_wait3A_319 : memref<50x128xf32, #tpu.memory_space<vmem>>) dst(%dma_wait3A_315 : memref<50x128xf32, #tpu.memory_space<vmem_shared>>)
    %dma_wait3A_320 = arith.constant 0 : i32
    %dma_wait3A_321 = arith.constant 0 : i32
    %dma_wait3A_322 = arith.constant 0 : i32
    %dma_wait3A_323 = tpu.memref_slice %arg7[%dma_wait3A_320, %dma_wait3A_321, %dma_wait3A_322] : memref<5x50x128xf32, #tpu.memory_space<vmem>> -> memref<1x50x128xf32, #tpu.memory_space<vmem>>
    %dma_wait3A_324 = tpu.memref_squeeze %dma_wait3A_323 : memref<1x50x128xf32, #tpu.memory_space<vmem>> -> memref<50x128xf32, #tpu.memory_space<vmem>>
    %dma_wait3A_325 = arith.constant 0 : i32
    %dma_wait3A_326 = tpu.memref_slice %arg8[%mul3A_7, %dma_wait3A_325] : memref<10000x128xf32, #tpu.memory_space<vmem_shared>> -> memref<50x128xf32, #tpu.memory_space<vmem_shared>>
    %dma_wait3A_327 = arith.constant 0 : i32
    %dma_wait3A_328 = tpu.memref_slice %arg8[%mul3A_7, %dma_wait3A_327] : memref<10000x128xf32, #tpu.memory_space<vmem_shared>> -> memref<50x128xf32, #tpu.memory_space<vmem_shared>>
    %dma_wait3A_329 = arith.constant 0 : i32
    %dma_wait3A_330 = arith.constant 0 : i32
    %dma_wait3A_331 = tpu.memref_slice %arg7[%dma_wait3A_320, %dma_wait3A_329, %dma_wait3A_330] : memref<5x50x128xf32, #tpu.memory_space<vmem>> -> memref<1x50x128xf32, #tpu.memory_space<vmem>>
    %dma_wait3A_332 = tpu.memref_squeeze %dma_wait3A_331 : memref<1x50x128xf32, #tpu.memory_space<vmem>> -> memref<50x128xf32, #tpu.memory_space<vmem>>
    tpu.wait_dma2 semaphore(%arg12 : memref<!tpu.dma_semaphore, #tpu.memory_space<semaphore_mem>>) src(%dma_wait3A_332 : memref<50x128xf32, #tpu.memory_space<vmem>>) dst(%dma_wait3A_328 : memref<50x128xf32, #tpu.memory_space<vmem_shared>>)
    %dma_wait3A_333 = arith.constant 0 : i32
    %dma_wait3A_334 = arith.constant 0 : i32
    %dma_wait3A_335 = arith.constant 0 : i32
    %dma_wait3A_336 = tpu.memref_slice %arg7[%dma_wait3A_333, %dma_wait3A_334, %dma_wait3A_335] : memref<5x50x128xf32, #tpu.memory_space<vmem>> -> memref<1x50x128xf32, #tpu.memory_space<vmem>>
    %dma_wait3A_337 = tpu.memref_squeeze %dma_wait3A_336 : memref<1x50x128xf32, #tpu.memory_space<vmem>> -> memref<50x128xf32, #tpu.memory_space<vmem>>
    %dma_wait3A_338 = arith.constant 0 : i32
    %dma_wait3A_339 = tpu.memref_slice %arg8[%mul3A_7, %dma_wait3A_338] : memref<10000x128xf32, #tpu.memory_space<vmem_shared>> -> memref<50x128xf32, #tpu.memory_space<vmem_shared>>
    %dma_wait3A_340 = arith.constant 0 : i32
    %dma_wait3A_341 = tpu.memref_slice %arg8[%mul3A_7, %dma_wait3A_340] : memref<10000x128xf32, #tpu.memory_space<vmem_shared>> -> memref<50x128xf32, #tpu.memory_space<vmem_shared>>
    %dma_wait3A_342 = arith.constant 0 : i32
    %dma_wait3A_343 = arith.constant 0 : i32
    %dma_wait3A_344 = tpu.memref_slice %arg7[%dma_wait3A_333, %dma_wait3A_342, %dma_wait3A_343] : memref<5x50x128xf32, #tpu.memory_space<vmem>> -> memref<1x50x128xf32, #tpu.memory_space<vmem>>
    %dma_wait3A_345 = tpu.memref_squeeze %dma_wait3A_344 : memref<1x50x128xf32, #tpu.memory_space<vmem>> -> memref<50x128xf32, #tpu.memory_space<vmem>>
    tpu.wait_dma2 semaphore(%arg12 : memref<!tpu.dma_semaphore, #tpu.memory_space<semaphore_mem>>) src(%dma_wait3A_345 : memref<50x128xf32, #tpu.memory_space<vmem>>) dst(%dma_wait3A_341 : memref<50x128xf32, #tpu.memory_space<vmem_shared>>)
    %dma_wait3A_346 = arith.constant 0 : i32
    %dma_wait3A_347 = arith.constant 0 : i32
    %dma_wait3A_348 = arith.constant 0 : i32
    %dma_wait3A_349 = tpu.memref_slice %arg7[%dma_wait3A_346, %dma_wait3A_347, %dma_wait3A_348] : memref<5x50x128xf32, #tpu.memory_space<vmem>> -> memref<1x50x128xf32, #tpu.memory_space<vmem>>
    %dma_wait3A_350 = tpu.memref_squeeze %dma_wait3A_349 : memref<1x50x128xf32, #tpu.memory_space<vmem>> -> memref<50x128xf32, #tpu.memory_space<vmem>>
    %dma_wait3A_351 = arith.constant 0 : i32
    %dma_wait3A_352 = tpu.memref_slice %arg8[%mul3A_7, %dma_wait3A_351] : memref<10000x128xf32, #tpu.memory_space<vmem_shared>> -> memref<50x128xf32, #tpu.memory_space<vmem_shared>>
    %dma_wait3A_353 = arith.constant 0 : i32
    %dma_wait3A_354 = tpu.memref_slice %arg8[%mul3A_7, %dma_wait3A_353] : memref<10000x128xf32, #tpu.memory_space<vmem_shared>> -> memref<50x128xf32, #tpu.memory_space<vmem_shared>>
    %dma_wait3A_355 = arith.constant 0 : i32
    %dma_wait3A_356 = arith.constant 0 : i32
    %dma_wait3A_357 = tpu.memref_slice %arg7[%dma_wait3A_346, %dma_wait3A_355, %dma_wait3A_356] : memref<5x50x128xf32, #tpu.memory_space<vmem>> -> memref<1x50x128xf32, #tpu.memory_space<vmem>>
    %dma_wait3A_358 = tpu.memref_squeeze %dma_wait3A_357 : memref<1x50x128xf32, #tpu.memory_space<vmem>> -> memref<50x128xf32, #tpu.memory_space<vmem>>
    tpu.wait_dma2 semaphore(%arg12 : memref<!tpu.dma_semaphore, #tpu.memory_space<semaphore_mem>>) src(%dma_wait3A_358 : memref<50x128xf32, #tpu.memory_space<vmem>>) dst(%dma_wait3A_354 : memref<50x128xf32, #tpu.memory_space<vmem_shared>>)
    %dma_wait3A_359 = arith.constant 0 : i32
    %dma_wait3A_360 = arith.constant 0 : i32
    %dma_wait3A_361 = arith.constant 0 : i32
    %dma_wait3A_362 = tpu.memref_slice %arg7[%dma_wait3A_359, %dma_wait3A_360, %dma_wait3A_361] : memref<5x50x128xf32, #tpu.memory_space<vmem>> -> memref<1x24x128xf32, #tpu.memory_space<vmem>>
    %dma_wait3A_363 = tpu.memref_squeeze %dma_wait3A_362 : memref<1x24x128xf32, #tpu.memory_space<vmem>> -> memref<24x128xf32, #tpu.memory_space<vmem>>
    %dma_wait3A_364 = arith.constant 0 : i32
    %dma_wait3A_365 = tpu.memref_slice %arg8[%mul3A_7, %dma_wait3A_364] : memref<10000x128xf32, #tpu.memory_space<vmem_shared>> -> memref<24x128xf32, #tpu.memory_space<vmem_shared>>
    %dma_wait3A_366 = arith.constant 0 : i32
    %dma_wait3A_367 = tpu.memref_slice %arg8[%mul3A_7, %dma_wait3A_366] : memref<10000x128xf32, #tpu.memory_space<vmem_shared>> -> memref<24x128xf32, #tpu.memory_space<vmem_shared>>
    %dma_wait3A_368 = arith.constant 0 : i32
    %dma_wait3A_369 = arith.constant 0 : i32
    %dma_wait3A_370 = tpu.memref_slice %arg7[%dma_wait3A_359, %dma_wait3A_368, %dma_wait3A_369] : memref<5x50x128xf32, #tpu.memory_space<vmem>> -> memref<1x24x128xf32, #tpu.memory_space<vmem>>
    %dma_wait3A_371 = tpu.memref_squeeze %dma_wait3A_370 : memref<1x24x128xf32, #tpu.memory_space<vmem>> -> memref<24x128xf32, #tpu.memory_space<vmem>>
    tpu.wait_dma2 semaphore(%arg12 : memref<!tpu.dma_semaphore, #tpu.memory_space<semaphore_mem>>) src(%dma_wait3A_371 : memref<24x128xf32, #tpu.memory_space<vmem>>) dst(%dma_wait3A_367 : memref<24x128xf32, #tpu.memory_space<vmem_shared>>)
    %eq3A_372 = arith.constant 15 : i32
    %eq3A_373 = arith.cmpi eq, %arg1, %eq3A_372 : i32
    %convert_element_type3A_374 = arith.extui %eq3A_373 : i1 to i32
    %cond3A_375 = arith.constant 0 : i32
    %cond3A_376 = arith.cmpi ne, %convert_element_type3A_374, %cond3A_375 : i32
    scf.if %cond3A_376 {
      %dma_wait3A_499 = arith.constant 0 : i32
      %dma_wait3A_500 = arith.constant 0 : i32
      %dma_wait3A_501 = arith.constant 0 : i32
      %dma_wait3A_502 = tpu.memref_slice %arg7[%dma_wait3A_499, %dma_wait3A_500, %dma_wait3A_501] : memref<5x50x128xf32, #tpu.memory_space<vmem>> -> memref<1x16x128xf32, #tpu.memory_space<vmem>>
      %dma_wait3A_503 = tpu.memref_squeeze %dma_wait3A_502 : memref<1x16x128xf32, #tpu.memory_space<vmem>> -> memref<16x128xf32, #tpu.memory_space<vmem>>
      %dma_wait3A_504 = arith.constant 0 : i32
      %dma_wait3A_505 = arith.constant 0 : i32
      %dma_wait3A_506 = tpu.memref_slice %arg8[%dma_wait3A_504, %dma_wait3A_505] : memref<10000x128xf32, #tpu.memory_space<vmem_shared>> -> memref<16x128xf32, #tpu.memory_space<vmem_shared>>
      %dma_wait3A_507 = arith.constant 0 : i32
      %dma_wait3A_508 = arith.constant 0 : i32
      %dma_wait3A_509 = tpu.memref_slice %arg8[%dma_wait3A_507, %dma_wait3A_508] : memref<10000x128xf32, #tpu.memory_space<vmem_shared>> -> memref<16x128xf32, #tpu.memory_space<vmem_shared>>
      %dma_wait3A_510 = arith.constant 0 : i32
      %dma_wait3A_511 = arith.constant 0 : i32
      %dma_wait3A_512 = tpu.memref_slice %arg7[%dma_wait3A_499, %dma_wait3A_510, %dma_wait3A_511] : memref<5x50x128xf32, #tpu.memory_space<vmem>> -> memref<1x16x128xf32, #tpu.memory_space<vmem>>
      %dma_wait3A_513 = tpu.memref_squeeze %dma_wait3A_512 : memref<1x16x128xf32, #tpu.memory_space<vmem>> -> memref<16x128xf32, #tpu.memory_space<vmem>>
      tpu.wait_dma2 semaphore(%arg12 : memref<!tpu.dma_semaphore, #tpu.memory_space<semaphore_mem>>) src(%dma_wait3A_513 : memref<16x128xf32, #tpu.memory_space<vmem>>) dst(%dma_wait3A_509 : memref<16x128xf32, #tpu.memory_space<vmem_shared>>)
    } else {
    }
    %run_scoped3A = arith.constant 0 : i32
    %run_scoped3A_377 = arith.constant 0 : i32
    %run_scoped3A_378 = arith.constant 0 : i32
    "tpu.region"() ({
      %run_scoped3A_499 = tpu.sem_alloc : memref<!tpu.dma_semaphore, #tpu.memory_space<semaphore_mem>>
      %dma_start3A_500 = arith.constant 0 : i32
      %dma_start3A_501 = arith.constant 0 : i32
      %dma_start3A_502 = tpu.memref_slice %arg5[%run_scoped3A_378, %dma_start3A_500, %dma_start3A_501] : memref<2x10x50xi32, #tpu.memory_space<vmem>> -> memref<1x10x50xi32, #tpu.memory_space<vmem>>
      %dma_start3A_503 = tpu.memref_squeeze %dma_start3A_502 : memref<1x10x50xi32, #tpu.memory_space<vmem>> -> memref<10x50xi32, #tpu.memory_space<vmem>>
      %dma_start3A_504 = arith.constant 0 : i32
      %dma_start3A_505 = arith.constant 0 : i32
      %dma_start3A_506 = tpu.memref_slice %arg3[%run_scoped3A, %add3A, %run_scoped3A_377, %dma_start3A_504, %dma_start3A_505] : memref<2x32x20x10x50xi32, #tpu.memory_space<hbm>> -> memref<1x1x1x10x50xi32, #tpu.memory_space<hbm>>
      %dma_start3A_507 = tpu.memref_squeeze %dma_start3A_506 : memref<1x1x1x10x50xi32, #tpu.memory_space<hbm>> -> memref<10x50xi32, #tpu.memory_space<hbm>>
      %dma_start3A_508 = arith.constant 0 : i32
      %dma_start3A_509 = arith.constant 0 : i32
      %dma_start3A_510 = tpu.memref_slice %arg5[%run_scoped3A_378, %dma_start3A_508, %dma_start3A_509] : memref<2x10x50xi32, #tpu.memory_space<vmem>> -> memref<1x10x50xi32, #tpu.memory_space<vmem>>
      %dma_start3A_511 = tpu.memref_squeeze %dma_start3A_510 : memref<1x10x50xi32, #tpu.memory_space<vmem>> -> memref<10x50xi32, #tpu.memory_space<vmem>>
      %dma_start3A_512 = arith.constant 0 : i32
      %dma_start3A_513 = arith.constant 0 : i32
      %dma_start3A_514 = tpu.memref_slice %arg3[%run_scoped3A, %add3A, %run_scoped3A_377, %dma_start3A_512, %dma_start3A_513] : memref<2x32x20x10x50xi32, #tpu.memory_space<hbm>> -> memref<1x1x1x10x50xi32, #tpu.memory_space<hbm>>
      %dma_start3A_515 = tpu.memref_squeeze %dma_start3A_514 : memref<1x1x1x10x50xi32, #tpu.memory_space<hbm>> -> memref<10x50xi32, #tpu.memory_space<hbm>>
      tpu.enqueue_dma source(%dma_start3A_515 : memref<10x50xi32, #tpu.memory_space<hbm>>) target(%dma_start3A_511 : memref<10x50xi32, #tpu.memory_space<vmem>>) target_semaphore(%run_scoped3A_499 : memref<!tpu.dma_semaphore, #tpu.memory_space<semaphore_mem>>)
      %dma_wait3A_516 = arith.constant 0 : i32
      %dma_wait3A_517 = arith.constant 0 : i32
      %dma_wait3A_518 = tpu.memref_slice %arg5[%run_scoped3A_378, %dma_wait3A_516, %dma_wait3A_517] : memref<2x10x50xi32, #tpu.memory_space<vmem>> -> memref<1x10x50xi32, #tpu.memory_space<vmem>>
      %dma_wait3A_519 = tpu.memref_squeeze %dma_wait3A_518 : memref<1x10x50xi32, #tpu.memory_space<vmem>> -> memref<10x50xi32, #tpu.memory_space<vmem>>
      %dma_wait3A_520 = arith.constant 0 : i32
      %dma_wait3A_521 = arith.constant 0 : i32
      %dma_wait3A_522 = tpu.memref_slice %arg3[%run_scoped3A, %add3A, %run_scoped3A_377, %dma_wait3A_520, %dma_wait3A_521] : memref<2x32x20x10x50xi32, #tpu.memory_space<hbm>> -> memref<1x1x1x10x50xi32, #tpu.memory_space<hbm>>
      %dma_wait3A_523 = tpu.memref_squeeze %dma_wait3A_522 : memref<1x1x1x10x50xi32, #tpu.memory_space<hbm>> -> memref<10x50xi32, #tpu.memory_space<hbm>>
      %dma_wait3A_524 = arith.constant 0 : i32
      %dma_wait3A_525 = arith.constant 0 : i32
      %dma_wait3A_526 = tpu.memref_slice %arg5[%run_scoped3A_378, %dma_wait3A_524, %dma_wait3A_525] : memref<2x10x50xi32, #tpu.memory_space<vmem>> -> memref<1x10x50xi32, #tpu.memory_space<vmem>>
      %dma_wait3A_527 = tpu.memref_squeeze %dma_wait3A_526 : memref<1x10x50xi32, #tpu.memory_space<vmem>> -> memref<10x50xi32, #tpu.memory_space<vmem>>
      %dma_wait3A_528 = arith.constant 0 : i32
      %dma_wait3A_529 = arith.constant 0 : i32
      %dma_wait3A_530 = tpu.memref_slice %arg3[%run_scoped3A, %add3A, %run_scoped3A_377, %dma_wait3A_528, %dma_wait3A_529] : memref<2x32x20x10x50xi32, #tpu.memory_space<hbm>> -> memref<1x1x1x10x50xi32, #tpu.memory_space<hbm>>
      %dma_wait3A_531 = tpu.memref_squeeze %dma_wait3A_530 : memref<1x1x1x10x50xi32, #tpu.memory_space<hbm>> -> memref<10x50xi32, #tpu.memory_space<hbm>>
      tpu.wait_dma2 semaphore(%run_scoped3A_499 : memref<!tpu.dma_semaphore, #tpu.memory_space<semaphore_mem>>) src(%dma_wait3A_531 : memref<10x50xi32, #tpu.memory_space<hbm>>) dst(%dma_wait3A_527 : memref<10x50xi32, #tpu.memory_space<vmem>>)
      tpu.yield
    }) : () -> ()
    %run_scoped3A_379 = arith.constant 1 : i32
    %run_scoped3A_380 = arith.constant 0 : i32
    %run_scoped3A_381 = arith.constant 0 : i32
    "tpu.region"() ({
      %run_scoped3A_499 = tpu.sem_alloc : memref<!tpu.dma_semaphore, #tpu.memory_space<semaphore_mem>>
      %dma_start3A_500 = arith.constant 0 : i32
      %dma_start3A_501 = arith.constant 0 : i32
      %dma_start3A_502 = tpu.memref_slice %arg6[%run_scoped3A_381, %dma_start3A_500, %dma_start3A_501] : memref<2x10x50xi32, #tpu.memory_space<vmem>> -> memref<1x10x50xi32, #tpu.memory_space<vmem>>
      %dma_start3A_503 = tpu.memref_squeeze %dma_start3A_502 : memref<1x10x50xi32, #tpu.memory_space<vmem>> -> memref<10x50xi32, #tpu.memory_space<vmem>>
      %dma_start3A_504 = arith.constant 0 : i32
      %dma_start3A_505 = arith.constant 0 : i32
      %dma_start3A_506 = tpu.memref_slice %arg3[%run_scoped3A_379, %add3A, %run_scoped3A_380, %dma_start3A_504, %dma_start3A_505] : memref<2x32x20x10x50xi32, #tpu.memory_space<hbm>> -> memref<1x1x1x10x50xi32, #tpu.memory_space<hbm>>
      %dma_start3A_507 = tpu.memref_squeeze %dma_start3A_506 : memref<1x1x1x10x50xi32, #tpu.memory_space<hbm>> -> memref<10x50xi32, #tpu.memory_space<hbm>>
      %dma_start3A_508 = arith.constant 0 : i32
      %dma_start3A_509 = arith.constant 0 : i32
      %dma_start3A_510 = tpu.memref_slice %arg6[%run_scoped3A_381, %dma_start3A_508, %dma_start3A_509] : memref<2x10x50xi32, #tpu.memory_space<vmem>> -> memref<1x10x50xi32, #tpu.memory_space<vmem>>
      %dma_start3A_511 = tpu.memref_squeeze %dma_start3A_510 : memref<1x10x50xi32, #tpu.memory_space<vmem>> -> memref<10x50xi32, #tpu.memory_space<vmem>>
      %dma_start3A_512 = arith.constant 0 : i32
      %dma_start3A_513 = arith.constant 0 : i32
      %dma_start3A_514 = tpu.memref_slice %arg3[%run_scoped3A_379, %add3A, %run_scoped3A_380, %dma_start3A_512, %dma_start3A_513] : memref<2x32x20x10x50xi32, #tpu.memory_space<hbm>> -> memref<1x1x1x10x50xi32, #tpu.memory_space<hbm>>
      %dma_start3A_515 = tpu.memref_squeeze %dma_start3A_514 : memref<1x1x1x10x50xi32, #tpu.memory_space<hbm>> -> memref<10x50xi32, #tpu.memory_space<hbm>>
      tpu.enqueue_dma source(%dma_start3A_515 : memref<10x50xi32, #tpu.memory_space<hbm>>) target(%dma_start3A_511 : memref<10x50xi32, #tpu.memory_space<vmem>>) target_semaphore(%run_scoped3A_499 : memref<!tpu.dma_semaphore, #tpu.memory_space<semaphore_mem>>)
      %dma_wait3A_516 = arith.constant 0 : i32
      %dma_wait3A_517 = arith.constant 0 : i32
      %dma_wait3A_518 = tpu.memref_slice %arg6[%run_scoped3A_381, %dma_wait3A_516, %dma_wait3A_517] : memref<2x10x50xi32, #tpu.memory_space<vmem>> -> memref<1x10x50xi32, #tpu.memory_space<vmem>>
      %dma_wait3A_519 = tpu.memref_squeeze %dma_wait3A_518 : memref<1x10x50xi32, #tpu.memory_space<vmem>> -> memref<10x50xi32, #tpu.memory_space<vmem>>
      %dma_wait3A_520 = arith.constant 0 : i32
      %dma_wait3A_521 = arith.constant 0 : i32
      %dma_wait3A_522 = tpu.memref_slice %arg3[%run_scoped3A_379, %add3A, %run_scoped3A_380, %dma_wait3A_520, %dma_wait3A_521] : memref<2x32x20x10x50xi32, #tpu.memory_space<hbm>> -> memref<1x1x1x10x50xi32, #tpu.memory_space<hbm>>
      %dma_wait3A_523 = tpu.memref_squeeze %dma_wait3A_522 : memref<1x1x1x10x50xi32, #tpu.memory_space<hbm>> -> memref<10x50xi32, #tpu.memory_space<hbm>>
      %dma_wait3A_524 = arith.constant 0 : i32
      %dma_wait3A_525 = arith.constant 0 : i32
      %dma_wait3A_526 = tpu.memref_slice %arg6[%run_scoped3A_381, %dma_wait3A_524, %dma_wait3A_525] : memref<2x10x50xi32, #tpu.memory_space<vmem>> -> memref<1x10x50xi32, #tpu.memory_space<vmem>>
      %dma_wait3A_527 = tpu.memref_squeeze %dma_wait3A_526 : memref<1x10x50xi32, #tpu.memory_space<vmem>> -> memref<10x50xi32, #tpu.memory_space<vmem>>
      %dma_wait3A_528 = arith.constant 0 : i32
      %dma_wait3A_529 = arith.constant 0 : i32
      %dma_wait3A_530 = tpu.memref_slice %arg3[%run_scoped3A_379, %add3A, %run_scoped3A_380, %dma_wait3A_528, %dma_wait3A_529] : memref<2x32x20x10x50xi32, #tpu.memory_space<hbm>> -> memref<1x1x1x10x50xi32, #tpu.memory_space<hbm>>
      %dma_wait3A_531 = tpu.memref_squeeze %dma_wait3A_530 : memref<1x1x1x10x50xi32, #tpu.memory_space<hbm>> -> memref<10x50xi32, #tpu.memory_space<hbm>>
      tpu.wait_dma2 semaphore(%run_scoped3A_499 : memref<!tpu.dma_semaphore, #tpu.memory_space<semaphore_mem>>) src(%dma_wait3A_531 : memref<10x50xi32, #tpu.memory_space<hbm>>) dst(%dma_wait3A_527 : memref<10x50xi32, #tpu.memory_space<vmem>>)
      tpu.yield
    }) : () -> ()
    %dma_start3A_382 = arith.constant 0 : i32
    %dma_start3A_383 = arith.constant 1 : i32
    %dma_start3A_384 = arith.constant 1 : i32
    %dma_start3A_385 = arith.constant 0 : i32
    %dma_start3A_386 = arith.constant 0 : i32
    %dma_start3A_387 = tpu.memref_slice %arg5[%dma_start3A_384, %dma_start3A_385, %dma_start3A_386] : memref<2x10x50xi32, #tpu.memory_space<vmem>> -> memref<1x10x50xi32, #tpu.memory_space<vmem>>
    %dma_start3A_388 = tpu.memref_squeeze %dma_start3A_387 : memref<1x10x50xi32, #tpu.memory_space<vmem>> -> memref<10x50xi32, #tpu.memory_space<vmem>>
    %dma_start3A_389 = arith.constant 0 : i32
    %dma_start3A_390 = arith.constant 0 : i32
    %dma_start3A_391 = tpu.memref_slice %arg3[%dma_start3A_382, %add3A, %dma_start3A_383, %dma_start3A_389, %dma_start3A_390] : memref<2x32x20x10x50xi32, #tpu.memory_space<hbm>> -> memref<1x1x1x10x50xi32, #tpu.memory_space<hbm>>
    %dma_start3A_392 = tpu.memref_squeeze %dma_start3A_391 : memref<1x1x1x10x50xi32, #tpu.memory_space<hbm>> -> memref<10x50xi32, #tpu.memory_space<hbm>>
    %dma_start3A_393 = arith.constant 0 : i32
    %dma_start3A_394 = arith.constant 0 : i32
    %dma_start3A_395 = tpu.memref_slice %arg5[%dma_start3A_384, %dma_start3A_393, %dma_start3A_394] : memref<2x10x50xi32, #tpu.memory_space<vmem>> -> memref<1x10x50xi32, #tpu.memory_space<vmem>>
    %dma_start3A_396 = tpu.memref_squeeze %dma_start3A_395 : memref<1x10x50xi32, #tpu.memory_space<vmem>> -> memref<10x50xi32, #tpu.memory_space<vmem>>
    %dma_start3A_397 = arith.constant 0 : i32
    %dma_start3A_398 = arith.constant 0 : i32
    %dma_start3A_399 = tpu.memref_slice %arg3[%dma_start3A_382, %add3A, %dma_start3A_383, %dma_start3A_397, %dma_start3A_398] : memref<2x32x20x10x50xi32, #tpu.memory_space<hbm>> -> memref<1x1x1x10x50xi32, #tpu.memory_space<hbm>>
    %dma_start3A_400 = tpu.memref_squeeze %dma_start3A_399 : memref<1x1x1x10x50xi32, #tpu.memory_space<hbm>> -> memref<10x50xi32, #tpu.memory_space<hbm>>
    tpu.enqueue_dma source(%dma_start3A_400 : memref<10x50xi32, #tpu.memory_space<hbm>>) target(%dma_start3A_396 : memref<10x50xi32, #tpu.memory_space<vmem>>) target_semaphore(%arg11 : memref<!tpu.dma_semaphore, #tpu.memory_space<semaphore_mem>>)
    %dma_start3A_401 = arith.constant 1 : i32
    %dma_start3A_402 = arith.constant 1 : i32
    %dma_start3A_403 = arith.constant 1 : i32
    %dma_start3A_404 = arith.constant 0 : i32
    %dma_start3A_405 = arith.constant 0 : i32
    %dma_start3A_406 = tpu.memref_slice %arg6[%dma_start3A_403, %dma_start3A_404, %dma_start3A_405] : memref<2x10x50xi32, #tpu.memory_space<vmem>> -> memref<1x10x50xi32, #tpu.memory_space<vmem>>
    %dma_start3A_407 = tpu.memref_squeeze %dma_start3A_406 : memref<1x10x50xi32, #tpu.memory_space<vmem>> -> memref<10x50xi32, #tpu.memory_space<vmem>>
    %dma_start3A_408 = arith.constant 0 : i32
    %dma_start3A_409 = arith.constant 0 : i32
    %dma_start3A_410 = tpu.memref_slice %arg3[%dma_start3A_401, %add3A, %dma_start3A_402, %dma_start3A_408, %dma_start3A_409] : memref<2x32x20x10x50xi32, #tpu.memory_space<hbm>> -> memref<1x1x1x10x50xi32, #tpu.memory_space<hbm>>
    %dma_start3A_411 = tpu.memref_squeeze %dma_start3A_410 : memref<1x1x1x10x50xi32, #tpu.memory_space<hbm>> -> memref<10x50xi32, #tpu.memory_space<hbm>>
    %dma_start3A_412 = arith.constant 0 : i32
    %dma_start3A_413 = arith.constant 0 : i32
    %dma_start3A_414 = tpu.memref_slice %arg6[%dma_start3A_403, %dma_start3A_412, %dma_start3A_413] : memref<2x10x50xi32, #tpu.memory_space<vmem>> -> memref<1x10x50xi32, #tpu.memory_space<vmem>>
    %dma_start3A_415 = tpu.memref_squeeze %dma_start3A_414 : memref<1x10x50xi32, #tpu.memory_space<vmem>> -> memref<10x50xi32, #tpu.memory_space<vmem>>
    %dma_start3A_416 = arith.constant 0 : i32
    %dma_start3A_417 = arith.constant 0 : i32
    %dma_start3A_418 = tpu.memref_slice %arg3[%dma_start3A_401, %add3A, %dma_start3A_402, %dma_start3A_416, %dma_start3A_417] : memref<2x32x20x10x50xi32, #tpu.memory_space<hbm>> -> memref<1x1x1x10x50xi32, #tpu.memory_space<hbm>>
    %dma_start3A_419 = tpu.memref_squeeze %dma_start3A_418 : memref<1x1x1x10x50xi32, #tpu.memory_space<hbm>> -> memref<10x50xi32, #tpu.memory_space<hbm>>
    tpu.enqueue_dma source(%dma_start3A_419 : memref<10x50xi32, #tpu.memory_space<hbm>>) target(%dma_start3A_415 : memref<10x50xi32, #tpu.memory_space<vmem>>) target_semaphore(%arg11 : memref<!tpu.dma_semaphore, #tpu.memory_space<semaphore_mem>>)
    %dma_start3A_420 = arith.constant 0 : i32
    %dma_start3A_421 = arith.constant 0 : i32
    %dma_start3A_422 = arith.constant 0 : i32
    %dma_start3A_423 = arith.constant 0 : i32
    %dma_start3A_424 = arith.constant 0 : i32
    %dma_start3A_425 = tpu.memref_slice %arg7[%dma_start3A_422, %dma_start3A_423, %dma_start3A_424] : memref<5x50x128xf32, #tpu.memory_space<vmem>> -> memref<1x50x128xf32, #tpu.memory_space<vmem>>
    %dma_start3A_426 = tpu.memref_squeeze %dma_start3A_425 : memref<1x50x128xf32, #tpu.memory_space<vmem>> -> memref<50x128xf32, #tpu.memory_space<vmem>>
    %dma_start3A_427 = arith.constant 0 : i32
    %dma_start3A_428 = tpu.memref_slice %arg5[%dma_start3A_420, %dma_start3A_421, %dma_start3A_427] : memref<2x10x50xi32, #tpu.memory_space<vmem>> -> memref<1x1x50xi32, #tpu.memory_space<vmem>>
    %dma_start3A_429 = tpu.memref_squeeze %dma_start3A_428 : memref<1x1x50xi32, #tpu.memory_space<vmem>> -> memref<50xi32, #tpu.memory_space<vmem>>
    %dma_start3A_430 = arith.constant 0 : i32
    %dma_start3A_431 = arith.constant 0 : i32
    %dma_start3A_432 = tpu.memref_slice %arg2[%dma_start3A_430, %dma_start3A_431] : memref<10000x128xf32, #tpu.memory_space<hbm>> -> memref<10000x128xf32, #tpu.memory_space<hbm>>
    tpu.enqueue_indirect_dma source(%dma_start3A_432 : memref<10000x128xf32, #tpu.memory_space<hbm>>) target(%dma_start3A_426 : memref<50x128xf32, #tpu.memory_space<vmem>>) offsets(%dma_start3A_429 : memref<50xi32, #tpu.memory_space<vmem>>) semaphore(%arg9 : memref<!tpu.dma_semaphore, #tpu.memory_space<semaphore_mem>>)
    %dma_start3A_433 = arith.constant 0 : i32
    %dma_start3A_434 = arith.constant 1 : i32
    %dma_start3A_435 = arith.constant 1 : i32
    %dma_start3A_436 = arith.constant 0 : i32
    %dma_start3A_437 = arith.constant 0 : i32
    %dma_start3A_438 = tpu.memref_slice %arg7[%dma_start3A_435, %dma_start3A_436, %dma_start3A_437] : memref<5x50x128xf32, #tpu.memory_space<vmem>> -> memref<1x50x128xf32, #tpu.memory_space<vmem>>
    %dma_start3A_439 = tpu.memref_squeeze %dma_start3A_438 : memref<1x50x128xf32, #tpu.memory_space<vmem>> -> memref<50x128xf32, #tpu.memory_space<vmem>>
    %dma_start3A_440 = arith.constant 0 : i32
    %dma_start3A_441 = tpu.memref_slice %arg5[%dma_start3A_433, %dma_start3A_434, %dma_start3A_440] : memref<2x10x50xi32, #tpu.memory_space<vmem>> -> memref<1x1x50xi32, #tpu.memory_space<vmem>>
    %dma_start3A_442 = tpu.memref_squeeze %dma_start3A_441 : memref<1x1x50xi32, #tpu.memory_space<vmem>> -> memref<50xi32, #tpu.memory_space<vmem>>
    %dma_start3A_443 = arith.constant 0 : i32
    %dma_start3A_444 = arith.constant 0 : i32
    %dma_start3A_445 = tpu.memref_slice %arg2[%dma_start3A_443, %dma_start3A_444] : memref<10000x128xf32, #tpu.memory_space<hbm>> -> memref<10000x128xf32, #tpu.memory_space<hbm>>
    tpu.enqueue_indirect_dma source(%dma_start3A_445 : memref<10000x128xf32, #tpu.memory_space<hbm>>) target(%dma_start3A_439 : memref<50x128xf32, #tpu.memory_space<vmem>>) offsets(%dma_start3A_442 : memref<50xi32, #tpu.memory_space<vmem>>) semaphore(%arg9 : memref<!tpu.dma_semaphore, #tpu.memory_space<semaphore_mem>>)
    %dma_start3A_446 = arith.constant 0 : i32
    %dma_start3A_447 = arith.constant 2 : i32
    %dma_start3A_448 = arith.constant 2 : i32
    %dma_start3A_449 = arith.constant 0 : i32
    %dma_start3A_450 = arith.constant 0 : i32
    %dma_start3A_451 = tpu.memref_slice %arg7[%dma_start3A_448, %dma_start3A_449, %dma_start3A_450] : memref<5x50x128xf32, #tpu.memory_space<vmem>> -> memref<1x50x128xf32, #tpu.memory_space<vmem>>
    %dma_start3A_452 = tpu.memref_squeeze %dma_start3A_451 : memref<1x50x128xf32, #tpu.memory_space<vmem>> -> memref<50x128xf32, #tpu.memory_space<vmem>>
    %dma_start3A_453 = arith.constant 0 : i32
    %dma_start3A_454 = tpu.memref_slice %arg5[%dma_start3A_446, %dma_start3A_447, %dma_start3A_453] : memref<2x10x50xi32, #tpu.memory_space<vmem>> -> memref<1x1x50xi32, #tpu.memory_space<vmem>>
    %dma_start3A_455 = tpu.memref_squeeze %dma_start3A_454 : memref<1x1x50xi32, #tpu.memory_space<vmem>> -> memref<50xi32, #tpu.memory_space<vmem>>
    %dma_start3A_456 = arith.constant 0 : i32
    %dma_start3A_457 = arith.constant 0 : i32
    %dma_start3A_458 = tpu.memref_slice %arg2[%dma_start3A_456, %dma_start3A_457] : memref<10000x128xf32, #tpu.memory_space<hbm>> -> memref<10000x128xf32, #tpu.memory_space<hbm>>
    tpu.enqueue_indirect_dma source(%dma_start3A_458 : memref<10000x128xf32, #tpu.memory_space<hbm>>) target(%dma_start3A_452 : memref<50x128xf32, #tpu.memory_space<vmem>>) offsets(%dma_start3A_455 : memref<50xi32, #tpu.memory_space<vmem>>) semaphore(%arg9 : memref<!tpu.dma_semaphore, #tpu.memory_space<semaphore_mem>>)
    %dma_start3A_459 = arith.constant 0 : i32
    %dma_start3A_460 = arith.constant 3 : i32
    %dma_start3A_461 = arith.constant 3 : i32
    %dma_start3A_462 = arith.constant 0 : i32
    %dma_start3A_463 = arith.constant 0 : i32
    %dma_start3A_464 = tpu.memref_slice %arg7[%dma_start3A_461, %dma_start3A_462, %dma_start3A_463] : memref<5x50x128xf32, #tpu.memory_space<vmem>> -> memref<1x50x128xf32, #tpu.memory_space<vmem>>
    %dma_start3A_465 = tpu.memref_squeeze %dma_start3A_464 : memref<1x50x128xf32, #tpu.memory_space<vmem>> -> memref<50x128xf32, #tpu.memory_space<vmem>>
    %dma_start3A_466 = arith.constant 0 : i32
    %dma_start3A_467 = tpu.memref_slice %arg5[%dma_start3A_459, %dma_start3A_460, %dma_start3A_466] : memref<2x10x50xi32, #tpu.memory_space<vmem>> -> memref<1x1x50xi32, #tpu.memory_space<vmem>>
    %dma_start3A_468 = tpu.memref_squeeze %dma_start3A_467 : memref<1x1x50xi32, #tpu.memory_space<vmem>> -> memref<50xi32, #tpu.memory_space<vmem>>
    %dma_start3A_469 = arith.constant 0 : i32
    %dma_start3A_470 = arith.constant 0 : i32
    %dma_start3A_471 = tpu.memref_slice %arg2[%dma_start3A_469, %dma_start3A_470] : memref<10000x128xf32, #tpu.memory_space<hbm>> -> memref<10000x128xf32, #tpu.memory_space<hbm>>
    tpu.enqueue_indirect_dma source(%dma_start3A_471 : memref<10000x128xf32, #tpu.memory_space<hbm>>) target(%dma_start3A_465 : memref<50x128xf32, #tpu.memory_space<vmem>>) offsets(%dma_start3A_468 : memref<50xi32, #tpu.memory_space<vmem>>) semaphore(%arg9 : memref<!tpu.dma_semaphore, #tpu.memory_space<semaphore_mem>>)
    %barrier3A = arith.constant 0 : index
    tpu.barrier barrier_id(%barrier3A)
    %scan3A_472 = arith.constant 0 : i32
    %scan3A_473 = arith.constant 0 : i32
    %scan3A_474 = arith.constant 200 : i32
    %scan3A_475 = arith.addi %scan3A_473, %scan3A_474 : i32
    %scan3A_476 = arith.constant 1 : i32
    scf.for %scan3A_499 = %scan3A_473 to %scan3A_475 step %scan3A_476  : i32 {
      %jit3A = arith.constant 5 : i32
      %eq3A_500 = arith.constant 0 : i32
      %eq3A_501 = arith.cmpi eq, %jit3A, %eq3A_500 : i32
      %jit3A_502 = arith.constant 1 : i32
      %select_n3A = arith.select %eq3A_501, %jit3A_502, %jit3A : i32
      %rem3A = arith.remsi %scan3A_499, %select_n3A : i32
      %ne3A = arith.constant 0 : i32
      %ne3A_503 = arith.cmpi ne, %rem3A, %ne3A : i32
      %lt3A = arith.constant 0 : i32
      %lt3A_504 = arith.cmpi slt, %rem3A, %lt3A : i32
      %lt3A_505 = arith.constant 0 : i32
      %lt3A_506 = arith.cmpi slt, %select_n3A, %lt3A_505 : i32
      %ne3A_507 = arith.xori %lt3A_504, %lt3A_506 : i1
      %and3A = arith.andi %ne3A_507, %ne3A_503 : i1
      %add3A_508 = arith.addi %rem3A, %select_n3A : i32
      %select_n3A_509 = arith.select %and3A, %add3A_508, %rem3A : i32
      %jit3A_510 = arith.constant 10 : i32
      %div3A = arith.divsi %scan3A_499, %jit3A_510 : i32
      %sign3A = arith.constant 0 : i32
      %sign3A_511 = arith.cmpi sgt, %scan3A_499, %sign3A : i32
      %sign3A_512 = arith.extui %sign3A_511 : i1 to i32
      %sign3A_513 = arith.constant 0 : i32
      %sign3A_514 = arith.cmpi slt, %scan3A_499, %sign3A_513 : i32
      %sign3A_515 = arith.extui %sign3A_514 : i1 to i32
      %sign3A_516 = arith.subi %sign3A_512, %sign3A_515 : i32
      %sign3A_517 = arith.constant 0 : i32
      %sign3A_518 = arith.cmpi sgt, %jit3A_510, %sign3A_517 : i32
      %sign3A_519 = arith.extui %sign3A_518 : i1 to i32
      %sign3A_520 = arith.constant 0 : i32
      %sign3A_521 = arith.cmpi slt, %jit3A_510, %sign3A_520 : i32
      %sign3A_522 = arith.extui %sign3A_521 : i1 to i32
      %sign3A_523 = arith.subi %sign3A_519, %sign3A_522 : i32
      %ne3A_524 = arith.cmpi ne, %sign3A_516, %sign3A_523 : i32
      %rem3A_525 = arith.remsi %scan3A_499, %jit3A_510 : i32
      %ne3A_526 = arith.constant 0 : i32
      %ne3A_527 = arith.cmpi ne, %rem3A_525, %ne3A_526 : i32
      %and3A_528 = arith.andi %ne3A_524, %ne3A_527 : i1
      %sub3A = arith.constant 1 : i32
      %sub3A_529 = arith.subi %div3A, %sub3A : i32
      %select_n3A_530 = arith.select %and3A_528, %sub3A_529, %div3A : i32
      %jit3A_531 = arith.constant 2 : i32
      %eq3A_532 = arith.constant 0 : i32
      %eq3A_533 = arith.cmpi eq, %jit3A_531, %eq3A_532 : i32
      %jit3A_534 = arith.constant 1 : i32
      %select_n3A_535 = arith.select %eq3A_533, %jit3A_534, %jit3A_531 : i32
      %rem3A_536 = arith.remsi %select_n3A_530, %select_n3A_535 : i32
      %ne3A_537 = arith.constant 0 : i32
      %ne3A_538 = arith.cmpi ne, %rem3A_536, %ne3A_537 : i32
      %lt3A_539 = arith.constant 0 : i32
      %lt3A_540 = arith.cmpi slt, %rem3A_536, %lt3A_539 : i32
      %lt3A_541 = arith.constant 0 : i32
      %lt3A_542 = arith.cmpi slt, %select_n3A_535, %lt3A_541 : i32
      %ne3A_543 = arith.xori %lt3A_540, %lt3A_542 : i1
      %and3A_544 = arith.andi %ne3A_543, %ne3A_538 : i1
      %add3A_545 = arith.addi %rem3A_536, %select_n3A_535 : i32
      %select_n3A_546 = arith.select %and3A_544, %add3A_545, %rem3A_536 : i32
      %jit3A_547 = arith.constant 10 : i32
      %eq3A_548 = arith.constant 0 : i32
      %eq3A_549 = arith.cmpi eq, %jit3A_547, %eq3A_548 : i32
      %jit3A_550 = arith.constant 1 : i32
      %select_n3A_551 = arith.select %eq3A_549, %jit3A_550, %jit3A_547 : i32
      %rem3A_552 = arith.remsi %scan3A_499, %select_n3A_551 : i32
      %ne3A_553 = arith.constant 0 : i32
      %ne3A_554 = arith.cmpi ne, %rem3A_552, %ne3A_553 : i32
      %lt3A_555 = arith.constant 0 : i32
      %lt3A_556 = arith.cmpi slt, %rem3A_552, %lt3A_555 : i32
      %lt3A_557 = arith.constant 0 : i32
      %lt3A_558 = arith.cmpi slt, %select_n3A_551, %lt3A_557 : i32
      %ne3A_559 = arith.xori %lt3A_556, %lt3A_558 : i1
      %and3A_560 = arith.andi %ne3A_559, %ne3A_554 : i1
      %add3A_561 = arith.addi %rem3A_552, %select_n3A_551 : i32
      %select_n3A_562 = arith.select %and3A_560, %add3A_561, %rem3A_552 : i32
      %dma_wait3A_563 = arith.constant 0 : i32
      %dma_wait3A_564 = arith.constant 0 : i32
      %dma_wait3A_565 = tpu.memref_slice %arg7[%select_n3A_509, %dma_wait3A_563, %dma_wait3A_564] : memref<5x50x128xf32, #tpu.memory_space<vmem>> -> memref<1x50x128xf32, #tpu.memory_space<vmem>>
      %dma_wait3A_566 = tpu.memref_squeeze %dma_wait3A_565 : memref<1x50x128xf32, #tpu.memory_space<vmem>> -> memref<50x128xf32, #tpu.memory_space<vmem>>
      %dma_wait3A_567 = arith.constant 0 : i32
      %dma_wait3A_568 = tpu.memref_slice %arg5[%select_n3A_546, %select_n3A_562, %dma_wait3A_567] : memref<2x10x50xi32, #tpu.memory_space<vmem>> -> memref<1x1x50xi32, #tpu.memory_space<vmem>>
      %dma_wait3A_569 = tpu.memref_squeeze %dma_wait3A_568 : memref<1x1x50xi32, #tpu.memory_space<vmem>> -> memref<50xi32, #tpu.memory_space<vmem>>
      %dma_wait3A_570 = arith.constant 0 : i32
      %dma_wait3A_571 = arith.constant 0 : i32
      %dma_wait3A_572 = tpu.memref_slice %arg2[%dma_wait3A_570, %dma_wait3A_571] : memref<10000x128xf32, #tpu.memory_space<hbm>> -> memref<10000x128xf32, #tpu.memory_space<hbm>>
      tpu.wait_indirect_dma semaphore(%arg9 : memref<!tpu.dma_semaphore, #tpu.memory_space<semaphore_mem>>) src(%dma_wait3A_572 : memref<10000x128xf32, #tpu.memory_space<hbm>>) dst(%dma_wait3A_566 : memref<50x128xf32, #tpu.memory_space<vmem>>)
      %ge3A = arith.constant 1 : i32
      %ge3A_573 = arith.cmpi sge, %scan3A_499, %ge3A : i32
      %convert_element_type3A_574 = arith.extui %ge3A_573 : i1 to i32
      %cond3A_575 = arith.constant 0 : i32
      %cond3A_576 = arith.cmpi ne, %convert_element_type3A_574, %cond3A_575 : i32
      scf.if %cond3A_576 {
        %sub3A_657 = arith.constant 1 : i32
        %sub3A_658 = arith.subi %scan3A_499, %sub3A_657 : i32
        %jit3A_659 = arith.constant 10 : i32
        %div3A_660 = arith.divsi %sub3A_658, %jit3A_659 : i32
        %sign3A_661 = arith.constant 0 : i32
        %sign3A_662 = arith.cmpi sgt, %sub3A_658, %sign3A_661 : i32
        %sign3A_663 = arith.extui %sign3A_662 : i1 to i32
        %sign3A_664 = arith.constant 0 : i32
        %sign3A_665 = arith.cmpi slt, %sub3A_658, %sign3A_664 : i32
        %sign3A_666 = arith.extui %sign3A_665 : i1 to i32
        %sign3A_667 = arith.subi %sign3A_663, %sign3A_666 : i32
        %sign3A_668 = arith.constant 0 : i32
        %sign3A_669 = arith.cmpi sgt, %jit3A_659, %sign3A_668 : i32
        %sign3A_670 = arith.extui %sign3A_669 : i1 to i32
        %sign3A_671 = arith.constant 0 : i32
        %sign3A_672 = arith.cmpi slt, %jit3A_659, %sign3A_671 : i32
        %sign3A_673 = arith.extui %sign3A_672 : i1 to i32
        %sign3A_674 = arith.subi %sign3A_670, %sign3A_673 : i32
        %ne3A_675 = arith.cmpi ne, %sign3A_667, %sign3A_674 : i32
        %rem3A_676 = arith.remsi %sub3A_658, %jit3A_659 : i32
        %ne3A_677 = arith.constant 0 : i32
        %ne3A_678 = arith.cmpi ne, %rem3A_676, %ne3A_677 : i32
        %and3A_679 = arith.andi %ne3A_675, %ne3A_678 : i1
        %sub3A_680 = arith.constant 1 : i32
        %sub3A_681 = arith.subi %div3A_660, %sub3A_680 : i32
        %select_n3A_682 = arith.select %and3A_679, %sub3A_681, %div3A_660 : i32
        %sub3A_683 = arith.constant 1 : i32
        %sub3A_684 = arith.subi %scan3A_499, %sub3A_683 : i32
        %jit3A_685 = arith.constant 5 : i32
        %eq3A_686 = arith.constant 0 : i32
        %eq3A_687 = arith.cmpi eq, %jit3A_685, %eq3A_686 : i32
        %jit3A_688 = arith.constant 1 : i32
        %select_n3A_689 = arith.select %eq3A_687, %jit3A_688, %jit3A_685 : i32
        %rem3A_690 = arith.remsi %sub3A_684, %select_n3A_689 : i32
        %ne3A_691 = arith.constant 0 : i32
        %ne3A_692 = arith.cmpi ne, %rem3A_690, %ne3A_691 : i32
        %lt3A_693 = arith.constant 0 : i32
        %lt3A_694 = arith.cmpi slt, %rem3A_690, %lt3A_693 : i32
        %lt3A_695 = arith.constant 0 : i32
        %lt3A_696 = arith.cmpi slt, %select_n3A_689, %lt3A_695 : i32
        %ne3A_697 = arith.xori %lt3A_694, %lt3A_696 : i1
        %and3A_698 = arith.andi %ne3A_697, %ne3A_692 : i1
        %add3A_699 = arith.addi %rem3A_690, %select_n3A_689 : i32
        %select_n3A_700 = arith.select %and3A_698, %add3A_699, %rem3A_690 : i32
        %jit3A_701 = arith.constant 2 : i32
        %eq3A_702 = arith.constant 0 : i32
        %eq3A_703 = arith.cmpi eq, %jit3A_701, %eq3A_702 : i32
        %jit3A_704 = arith.constant 1 : i32
        %select_n3A_705 = arith.select %eq3A_703, %jit3A_704, %jit3A_701 : i32
        %rem3A_706 = arith.remsi %select_n3A_682, %select_n3A_705 : i32
        %ne3A_707 = arith.constant 0 : i32
        %ne3A_708 = arith.cmpi ne, %rem3A_706, %ne3A_707 : i32
        %lt3A_709 = arith.constant 0 : i32
        %lt3A_710 = arith.cmpi slt, %rem3A_706, %lt3A_709 : i32
        %lt3A_711 = arith.constant 0 : i32
        %lt3A_712 = arith.cmpi slt, %select_n3A_705, %lt3A_711 : i32
        %ne3A_713 = arith.xori %lt3A_710, %lt3A_712 : i1
        %and3A_714 = arith.andi %ne3A_713, %ne3A_708 : i1
        %add3A_715 = arith.addi %rem3A_706, %select_n3A_705 : i32
        %select_n3A_716 = arith.select %and3A_714, %add3A_715, %rem3A_706 : i32
        %sub3A_717 = arith.constant 1 : i32
        %sub3A_718 = arith.subi %scan3A_499, %sub3A_717 : i32
        %jit3A_719 = arith.constant 10 : i32
        %eq3A_720 = arith.constant 0 : i32
        %eq3A_721 = arith.cmpi eq, %jit3A_719, %eq3A_720 : i32
        %jit3A_722 = arith.constant 1 : i32
        %select_n3A_723 = arith.select %eq3A_721, %jit3A_722, %jit3A_719 : i32
        %rem3A_724 = arith.remsi %sub3A_718, %select_n3A_723 : i32
        %ne3A_725 = arith.constant 0 : i32
        %ne3A_726 = arith.cmpi ne, %rem3A_724, %ne3A_725 : i32
        %lt3A_727 = arith.constant 0 : i32
        %lt3A_728 = arith.cmpi slt, %rem3A_724, %lt3A_727 : i32
        %lt3A_729 = arith.constant 0 : i32
        %lt3A_730 = arith.cmpi slt, %select_n3A_723, %lt3A_729 : i32
        %ne3A_731 = arith.xori %lt3A_728, %lt3A_730 : i1
        %and3A_732 = arith.andi %ne3A_731, %ne3A_726 : i1
        %add3A_733 = arith.addi %rem3A_724, %select_n3A_723 : i32
        %select_n3A_734 = arith.select %and3A_732, %add3A_733, %rem3A_724 : i32
        %dma_wait3A_735 = arith.constant 0 : i32
        %dma_wait3A_736 = arith.constant 0 : i32
        %dma_wait3A_737 = tpu.memref_slice %arg7[%select_n3A_700, %dma_wait3A_735, %dma_wait3A_736] : memref<5x50x128xf32, #tpu.memory_space<vmem>> -> memref<1x50x128xf32, #tpu.memory_space<vmem>>
        %dma_wait3A_738 = tpu.memref_squeeze %dma_wait3A_737 : memref<1x50x128xf32, #tpu.memory_space<vmem>> -> memref<50x128xf32, #tpu.memory_space<vmem>>
        %dma_wait3A_739 = arith.constant 0 : i32
        %dma_wait3A_740 = tpu.memref_slice %arg6[%select_n3A_716, %select_n3A_734, %dma_wait3A_739] : memref<2x10x50xi32, #tpu.memory_space<vmem>> -> memref<1x1x50xi32, #tpu.memory_space<vmem>>
        %dma_wait3A_741 = tpu.memref_squeeze %dma_wait3A_740 : memref<1x1x50xi32, #tpu.memory_space<vmem>> -> memref<50xi32, #tpu.memory_space<vmem>>
        %dma_wait3A_742 = arith.constant 0 : i32
        %dma_wait3A_743 = arith.constant 0 : i32
        %dma_wait3A_744 = tpu.memref_slice %arg8[%dma_wait3A_742, %dma_wait3A_743] : memref<10000x128xf32, #tpu.memory_space<vmem_shared>> -> memref<10000x128xf32, #tpu.memory_space<vmem_shared>>
        tpu.wait_indirect_dma semaphore(%arg10 : memref<!tpu.dma_semaphore, #tpu.memory_space<semaphore_mem>>) src(%dma_wait3A_738 : memref<50x128xf32, #tpu.memory_space<vmem>>) dst(%dma_wait3A_744 : memref<10000x128xf32, #tpu.memory_space<vmem_shared>>)
      } else {
      }
      %jit3A_577 = arith.constant 10 : i32
      %eq3A_578 = arith.constant 0 : i32
      %eq3A_579 = arith.cmpi eq, %jit3A_577, %eq3A_578 : i32
      %jit3A_580 = arith.constant 1 : i32
      %select_n3A_581 = arith.select %eq3A_579, %jit3A_580, %jit3A_577 : i32
      %rem3A_582 = arith.remsi %scan3A_499, %select_n3A_581 : i32
      %ne3A_583 = arith.constant 0 : i32
      %ne3A_584 = arith.cmpi ne, %rem3A_582, %ne3A_583 : i32
      %lt3A_585 = arith.constant 0 : i32
      %lt3A_586 = arith.cmpi slt, %rem3A_582, %lt3A_585 : i32
      %lt3A_587 = arith.constant 0 : i32
      %lt3A_588 = arith.cmpi slt, %select_n3A_581, %lt3A_587 : i32
      %ne3A_589 = arith.xori %lt3A_586, %lt3A_588 : i1
      %and3A_590 = arith.andi %ne3A_589, %ne3A_584 : i1
      %add3A_591 = arith.addi %rem3A_582, %select_n3A_581 : i32
      %select_n3A_592 = arith.select %and3A_590, %add3A_591, %rem3A_582 : i32
      %eq3A_593 = arith.constant 4 : i32
      %eq3A_594 = arith.cmpi eq, %select_n3A_592, %eq3A_593 : i32
      %ge3A_595 = arith.constant 1 : i32
      %ge3A_596 = arith.cmpi sge, %select_n3A_530, %ge3A_595 : i32
      %add3A_597 = arith.constant 1 : i32
      %add3A_598 = arith.addi %select_n3A_530, %add3A_597 : i32
      %lt3A_599 = arith.constant 20 : i32
      %lt3A_600 = arith.cmpi slt, %add3A_598, %lt3A_599 : i32
      %and3A_601 = arith.andi %ge3A_596, %lt3A_600 : i1
      %and3A_602 = arith.andi %eq3A_594, %and3A_601 : i1
      %convert_element_type3A_603 = arith.extui %and3A_602 : i1 to i32
      %cond3A_604 = arith.constant 0 : i32
      %cond3A_605 = arith.cmpi ne, %convert_element_type3A_603, %cond3A_604 : i32
      scf.if %cond3A_605 {
        %add3A_657 = arith.constant 1 : i32
        %add3A_658 = arith.addi %select_n3A_530, %add3A_657 : i32
        %add3A_659 = arith.constant 1 : i32
        %add3A_660 = arith.addi %select_n3A_530, %add3A_659 : i32
        %jit3A_661 = arith.constant 2 : i32
        %eq3A_662 = arith.constant 0 : i32
        %eq3A_663 = arith.cmpi eq, %jit3A_661, %eq3A_662 : i32
        %jit3A_664 = arith.constant 1 : i32
        %select_n3A_665 = arith.select %eq3A_663, %jit3A_664, %jit3A_661 : i32
        %rem3A_666 = arith.remsi %add3A_660, %select_n3A_665 : i32
        %ne3A_667 = arith.constant 0 : i32
        %ne3A_668 = arith.cmpi ne, %rem3A_666, %ne3A_667 : i32
        %lt3A_669 = arith.constant 0 : i32
        %lt3A_670 = arith.cmpi slt, %rem3A_666, %lt3A_669 : i32
        %lt3A_671 = arith.constant 0 : i32
        %lt3A_672 = arith.cmpi slt, %select_n3A_665, %lt3A_671 : i32
        %ne3A_673 = arith.xori %lt3A_670, %lt3A_672 : i1
        %and3A_674 = arith.andi %ne3A_673, %ne3A_668 : i1
        %add3A_675 = arith.addi %rem3A_666, %select_n3A_665 : i32
        %select_n3A_676 = arith.select %and3A_674, %add3A_675, %rem3A_666 : i32
        %dma_start3A_677 = arith.constant 0 : i32
        %dma_start3A_678 = arith.constant 0 : i32
        %dma_start3A_679 = arith.constant 0 : i32
        %dma_start3A_680 = tpu.memref_slice %arg5[%select_n3A_676, %dma_start3A_678, %dma_start3A_679] : memref<2x10x50xi32, #tpu.memory_space<vmem>> -> memref<1x10x50xi32, #tpu.memory_space<vmem>>
        %dma_start3A_681 = tpu.memref_squeeze %dma_start3A_680 : memref<1x10x50xi32, #tpu.memory_space<vmem>> -> memref<10x50xi32, #tpu.memory_space<vmem>>
        %dma_start3A_682 = arith.constant 0 : i32
        %dma_start3A_683 = arith.constant 0 : i32
        %dma_start3A_684 = tpu.memref_slice %arg3[%dma_start3A_677, %add3A, %add3A_658, %dma_start3A_682, %dma_start3A_683] : memref<2x32x20x10x50xi32, #tpu.memory_space<hbm>> -> memref<1x1x1x10x50xi32, #tpu.memory_space<hbm>>
        %dma_start3A_685 = tpu.memref_squeeze %dma_start3A_684 : memref<1x1x1x10x50xi32, #tpu.memory_space<hbm>> -> memref<10x50xi32, #tpu.memory_space<hbm>>
        %dma_start3A_686 = arith.constant 0 : i32
        %dma_start3A_687 = arith.constant 0 : i32
        %dma_start3A_688 = tpu.memref_slice %arg5[%select_n3A_676, %dma_start3A_686, %dma_start3A_687] : memref<2x10x50xi32, #tpu.memory_space<vmem>> -> memref<1x10x50xi32, #tpu.memory_space<vmem>>
        %dma_start3A_689 = tpu.memref_squeeze %dma_start3A_688 : memref<1x10x50xi32, #tpu.memory_space<vmem>> -> memref<10x50xi32, #tpu.memory_space<vmem>>
        %dma_start3A_690 = arith.constant 0 : i32
        %dma_start3A_691 = arith.constant 0 : i32
        %dma_start3A_692 = tpu.memref_slice %arg3[%dma_start3A_677, %add3A, %add3A_658, %dma_start3A_690, %dma_start3A_691] : memref<2x32x20x10x50xi32, #tpu.memory_space<hbm>> -> memref<1x1x1x10x50xi32, #tpu.memory_space<hbm>>
        %dma_start3A_693 = tpu.memref_squeeze %dma_start3A_692 : memref<1x1x1x10x50xi32, #tpu.memory_space<hbm>> -> memref<10x50xi32, #tpu.memory_space<hbm>>
        tpu.enqueue_dma source(%dma_start3A_693 : memref<10x50xi32, #tpu.memory_space<hbm>>) target(%dma_start3A_689 : memref<10x50xi32, #tpu.memory_space<vmem>>) target_semaphore(%arg11 : memref<!tpu.dma_semaphore, #tpu.memory_space<semaphore_mem>>)
        %add3A_694 = arith.constant 1 : i32
        %add3A_695 = arith.addi %select_n3A_530, %add3A_694 : i32
        %add3A_696 = arith.constant 1 : i32
        %add3A_697 = arith.addi %select_n3A_530, %add3A_696 : i32
        %jit3A_698 = arith.constant 2 : i32
        %eq3A_699 = arith.constant 0 : i32
        %eq3A_700 = arith.cmpi eq, %jit3A_698, %eq3A_699 : i32
        %jit3A_701 = arith.constant 1 : i32
        %select_n3A_702 = arith.select %eq3A_700, %jit3A_701, %jit3A_698 : i32
        %rem3A_703 = arith.remsi %add3A_697, %select_n3A_702 : i32
        %ne3A_704 = arith.constant 0 : i32
        %ne3A_705 = arith.cmpi ne, %rem3A_703, %ne3A_704 : i32
        %lt3A_706 = arith.constant 0 : i32
        %lt3A_707 = arith.cmpi slt, %rem3A_703, %lt3A_706 : i32
        %lt3A_708 = arith.constant 0 : i32
        %lt3A_709 = arith.cmpi slt, %select_n3A_702, %lt3A_708 : i32
        %ne3A_710 = arith.xori %lt3A_707, %lt3A_709 : i1
        %and3A_711 = arith.andi %ne3A_710, %ne3A_705 : i1
        %add3A_712 = arith.addi %rem3A_703, %select_n3A_702 : i32
        %select_n3A_713 = arith.select %and3A_711, %add3A_712, %rem3A_703 : i32
        %dma_start3A_714 = arith.constant 1 : i32
        %dma_start3A_715 = arith.constant 0 : i32
        %dma_start3A_716 = arith.constant 0 : i32
        %dma_start3A_717 = tpu.memref_slice %arg6[%select_n3A_713, %dma_start3A_715, %dma_start3A_716] : memref<2x10x50xi32, #tpu.memory_space<vmem>> -> memref<1x10x50xi32, #tpu.memory_space<vmem>>
        %dma_start3A_718 = tpu.memref_squeeze %dma_start3A_717 : memref<1x10x50xi32, #tpu.memory_space<vmem>> -> memref<10x50xi32, #tpu.memory_space<vmem>>
        %dma_start3A_719 = arith.constant 0 : i32
        %dma_start3A_720 = arith.constant 0 : i32
        %dma_start3A_721 = tpu.memref_slice %arg3[%dma_start3A_714, %add3A, %add3A_695, %dma_start3A_719, %dma_start3A_720] : memref<2x32x20x10x50xi32, #tpu.memory_space<hbm>> -> memref<1x1x1x10x50xi32, #tpu.memory_space<hbm>>
        %dma_start3A_722 = tpu.memref_squeeze %dma_start3A_721 : memref<1x1x1x10x50xi32, #tpu.memory_space<hbm>> -> memref<10x50xi32, #tpu.memory_space<hbm>>
        %dma_start3A_723 = arith.constant 0 : i32
        %dma_start3A_724 = arith.constant 0 : i32
        %dma_start3A_725 = tpu.memref_slice %arg6[%select_n3A_713, %dma_start3A_723, %dma_start3A_724] : memref<2x10x50xi32, #tpu.memory_space<vmem>> -> memref<1x10x50xi32, #tpu.memory_space<vmem>>
        %dma_start3A_726 = tpu.memref_squeeze %dma_start3A_725 : memref<1x10x50xi32, #tpu.memory_space<vmem>> -> memref<10x50xi32, #tpu.memory_space<vmem>>
        %dma_start3A_727 = arith.constant 0 : i32
        %dma_start3A_728 = arith.constant 0 : i32
        %dma_start3A_729 = tpu.memref_slice %arg3[%dma_start3A_714, %add3A, %add3A_695, %dma_start3A_727, %dma_start3A_728] : memref<2x32x20x10x50xi32, #tpu.memory_space<hbm>> -> memref<1x1x1x10x50xi32, #tpu.memory_space<hbm>>
        %dma_start3A_730 = tpu.memref_squeeze %dma_start3A_729 : memref<1x1x1x10x50xi32, #tpu.memory_space<hbm>> -> memref<10x50xi32, #tpu.memory_space<hbm>>
        tpu.enqueue_dma source(%dma_start3A_730 : memref<10x50xi32, #tpu.memory_space<hbm>>) target(%dma_start3A_726 : memref<10x50xi32, #tpu.memory_space<vmem>>) target_semaphore(%arg11 : memref<!tpu.dma_semaphore, #tpu.memory_space<semaphore_mem>>)
      } else {
      }
      %add3A_606 = arith.constant 5 : i32
      %add3A_607 = arith.addi %scan3A_499, %add3A_606 : i32
      %sub3A_608 = arith.constant 1 : i32
      %sub3A_609 = arith.subi %add3A_607, %sub3A_608 : i32
      %lt3A_610 = arith.constant 200 : i32
      %lt3A_611 = arith.cmpi slt, %sub3A_609, %lt3A_610 : i32
      %convert_element_type3A_612 = arith.extui %lt3A_611 : i1 to i32
      %cond3A_613 = arith.constant 0 : i32
      %cond3A_614 = arith.cmpi ne, %convert_element_type3A_612, %cond3A_613 : i32
      scf.if %cond3A_614 {
        %add3A_657 = arith.constant 5 : i32
        %add3A_658 = arith.addi %scan3A_499, %add3A_657 : i32
        %sub3A_659 = arith.constant 1 : i32
        %sub3A_660 = arith.subi %add3A_658, %sub3A_659 : i32
        %jit3A_661 = arith.constant 10 : i32
        %div3A_662 = arith.divsi %sub3A_660, %jit3A_661 : i32
        %sign3A_663 = arith.constant 0 : i32
        %sign3A_664 = arith.cmpi sgt, %sub3A_660, %sign3A_663 : i32
        %sign3A_665 = arith.extui %sign3A_664 : i1 to i32
        %sign3A_666 = arith.constant 0 : i32
        %sign3A_667 = arith.cmpi slt, %sub3A_660, %sign3A_666 : i32
        %sign3A_668 = arith.extui %sign3A_667 : i1 to i32
        %sign3A_669 = arith.subi %sign3A_665, %sign3A_668 : i32
        %sign3A_670 = arith.constant 0 : i32
        %sign3A_671 = arith.cmpi sgt, %jit3A_661, %sign3A_670 : i32
        %sign3A_672 = arith.extui %sign3A_671 : i1 to i32
        %sign3A_673 = arith.constant 0 : i32
        %sign3A_674 = arith.cmpi slt, %jit3A_661, %sign3A_673 : i32
        %sign3A_675 = arith.extui %sign3A_674 : i1 to i32
        %sign3A_676 = arith.subi %sign3A_672, %sign3A_675 : i32
        %ne3A_677 = arith.cmpi ne, %sign3A_669, %sign3A_676 : i32
        %rem3A_678 = arith.remsi %sub3A_660, %jit3A_661 : i32
        %ne3A_679 = arith.constant 0 : i32
        %ne3A_680 = arith.cmpi ne, %rem3A_678, %ne3A_679 : i32
        %and3A_681 = arith.andi %ne3A_677, %ne3A_680 : i1
        %sub3A_682 = arith.constant 1 : i32
        %sub3A_683 = arith.subi %div3A_662, %sub3A_682 : i32
        %select_n3A_684 = arith.select %and3A_681, %sub3A_683, %div3A_662 : i32
        %jit3A_685 = arith.constant 10 : i32
        %eq3A_686 = arith.constant 0 : i32
        %eq3A_687 = arith.cmpi eq, %jit3A_685, %eq3A_686 : i32
        %jit3A_688 = arith.constant 1 : i32
        %select_n3A_689 = arith.select %eq3A_687, %jit3A_688, %jit3A_685 : i32
        %rem3A_690 = arith.remsi %sub3A_660, %select_n3A_689 : i32
        %ne3A_691 = arith.constant 0 : i32
        %ne3A_692 = arith.cmpi ne, %rem3A_690, %ne3A_691 : i32
        %lt3A_693 = arith.constant 0 : i32
        %lt3A_694 = arith.cmpi slt, %rem3A_690, %lt3A_693 : i32
        %lt3A_695 = arith.constant 0 : i32
        %lt3A_696 = arith.cmpi slt, %select_n3A_689, %lt3A_695 : i32
        %ne3A_697 = arith.xori %lt3A_694, %lt3A_696 : i1
        %and3A_698 = arith.andi %ne3A_697, %ne3A_692 : i1
        %add3A_699 = arith.addi %rem3A_690, %select_n3A_689 : i32
        %select_n3A_700 = arith.select %and3A_698, %add3A_699, %rem3A_690 : i32
        %eq3A_701 = arith.constant 0 : i32
        %eq3A_702 = arith.cmpi eq, %select_n3A_700, %eq3A_701 : i32
        %convert_element_type3A_703 = arith.extui %eq3A_702 : i1 to i32
        %cond3A_704 = arith.constant 0 : i32
        %cond3A_705 = arith.cmpi ne, %convert_element_type3A_703, %cond3A_704 : i32
        scf.if %cond3A_705 {
          %jit3A_764 = arith.constant 2 : i32
          %eq3A_765 = arith.constant 0 : i32
          %eq3A_766 = arith.cmpi eq, %jit3A_764, %eq3A_765 : i32
          %jit3A_767 = arith.constant 1 : i32
          %select_n3A_768 = arith.select %eq3A_766, %jit3A_767, %jit3A_764 : i32
          %rem3A_769 = arith.remsi %select_n3A_684, %select_n3A_768 : i32
          %ne3A_770 = arith.constant 0 : i32
          %ne3A_771 = arith.cmpi ne, %rem3A_769, %ne3A_770 : i32
          %lt3A_772 = arith.constant 0 : i32
          %lt3A_773 = arith.cmpi slt, %rem3A_769, %lt3A_772 : i32
          %lt3A_774 = arith.constant 0 : i32
          %lt3A_775 = arith.cmpi slt, %select_n3A_768, %lt3A_774 : i32
          %ne3A_776 = arith.xori %lt3A_773, %lt3A_775 : i1
          %and3A_777 = arith.andi %ne3A_776, %ne3A_771 : i1
          %add3A_778 = arith.addi %rem3A_769, %select_n3A_768 : i32
          %select_n3A_779 = arith.select %and3A_777, %add3A_778, %rem3A_769 : i32
          %dma_wait3A_780 = arith.constant 0 : i32
          %dma_wait3A_781 = arith.constant 0 : i32
          %dma_wait3A_782 = arith.constant 0 : i32
          %dma_wait3A_783 = tpu.memref_slice %arg5[%select_n3A_779, %dma_wait3A_781, %dma_wait3A_782] : memref<2x10x50xi32, #tpu.memory_space<vmem>> -> memref<1x10x50xi32, #tpu.memory_space<vmem>>
          %dma_wait3A_784 = tpu.memref_squeeze %dma_wait3A_783 : memref<1x10x50xi32, #tpu.memory_space<vmem>> -> memref<10x50xi32, #tpu.memory_space<vmem>>
          %dma_wait3A_785 = arith.constant 0 : i32
          %dma_wait3A_786 = arith.constant 0 : i32
          %dma_wait3A_787 = tpu.memref_slice %arg3[%dma_wait3A_780, %add3A, %select_n3A_684, %dma_wait3A_785, %dma_wait3A_786] : memref<2x32x20x10x50xi32, #tpu.memory_space<hbm>> -> memref<1x1x1x10x50xi32, #tpu.memory_space<hbm>>
          %dma_wait3A_788 = tpu.memref_squeeze %dma_wait3A_787 : memref<1x1x1x10x50xi32, #tpu.memory_space<hbm>> -> memref<10x50xi32, #tpu.memory_space<hbm>>
          %dma_wait3A_789 = arith.constant 0 : i32
          %dma_wait3A_790 = arith.constant 0 : i32
          %dma_wait3A_791 = tpu.memref_slice %arg5[%select_n3A_779, %dma_wait3A_789, %dma_wait3A_790] : memref<2x10x50xi32, #tpu.memory_space<vmem>> -> memref<1x10x50xi32, #tpu.memory_space<vmem>>
          %dma_wait3A_792 = tpu.memref_squeeze %dma_wait3A_791 : memref<1x10x50xi32, #tpu.memory_space<vmem>> -> memref<10x50xi32, #tpu.memory_space<vmem>>
          %dma_wait3A_793 = arith.constant 0 : i32
          %dma_wait3A_794 = arith.constant 0 : i32
          %dma_wait3A_795 = tpu.memref_slice %arg3[%dma_wait3A_780, %add3A, %select_n3A_684, %dma_wait3A_793, %dma_wait3A_794] : memref<2x32x20x10x50xi32, #tpu.memory_space<hbm>> -> memref<1x1x1x10x50xi32, #tpu.memory_space<hbm>>
          %dma_wait3A_796 = tpu.memref_squeeze %dma_wait3A_795 : memref<1x1x1x10x50xi32, #tpu.memory_space<hbm>> -> memref<10x50xi32, #tpu.memory_space<hbm>>
          tpu.wait_dma2 semaphore(%arg11 : memref<!tpu.dma_semaphore, #tpu.memory_space<semaphore_mem>>) src(%dma_wait3A_796 : memref<10x50xi32, #tpu.memory_space<hbm>>) dst(%dma_wait3A_792 : memref<10x50xi32, #tpu.memory_space<vmem>>)
          %jit3A_797 = arith.constant 2 : i32
          %eq3A_798 = arith.constant 0 : i32
          %eq3A_799 = arith.cmpi eq, %jit3A_797, %eq3A_798 : i32
          %jit3A_800 = arith.constant 1 : i32
          %select_n3A_801 = arith.select %eq3A_799, %jit3A_800, %jit3A_797 : i32
          %rem3A_802 = arith.remsi %select_n3A_684, %select_n3A_801 : i32
          %ne3A_803 = arith.constant 0 : i32
          %ne3A_804 = arith.cmpi ne, %rem3A_802, %ne3A_803 : i32
          %lt3A_805 = arith.constant 0 : i32
          %lt3A_806 = arith.cmpi slt, %rem3A_802, %lt3A_805 : i32
          %lt3A_807 = arith.constant 0 : i32
          %lt3A_808 = arith.cmpi slt, %select_n3A_801, %lt3A_807 : i32
          %ne3A_809 = arith.xori %lt3A_806, %lt3A_808 : i1
          %and3A_810 = arith.andi %ne3A_809, %ne3A_804 : i1
          %add3A_811 = arith.addi %rem3A_802, %select_n3A_801 : i32
          %select_n3A_812 = arith.select %and3A_810, %add3A_811, %rem3A_802 : i32
          %dma_wait3A_813 = arith.constant 1 : i32
          %dma_wait3A_814 = arith.constant 0 : i32
          %dma_wait3A_815 = arith.constant 0 : i32
          %dma_wait3A_816 = tpu.memref_slice %arg6[%select_n3A_812, %dma_wait3A_814, %dma_wait3A_815] : memref<2x10x50xi32, #tpu.memory_space<vmem>> -> memref<1x10x50xi32, #tpu.memory_space<vmem>>
          %dma_wait3A_817 = tpu.memref_squeeze %dma_wait3A_816 : memref<1x10x50xi32, #tpu.memory_space<vmem>> -> memref<10x50xi32, #tpu.memory_space<vmem>>
          %dma_wait3A_818 = arith.constant 0 : i32
          %dma_wait3A_819 = arith.constant 0 : i32
          %dma_wait3A_820 = tpu.memref_slice %arg3[%dma_wait3A_813, %add3A, %select_n3A_684, %dma_wait3A_818, %dma_wait3A_819] : memref<2x32x20x10x50xi32, #tpu.memory_space<hbm>> -> memref<1x1x1x10x50xi32, #tpu.memory_space<hbm>>
          %dma_wait3A_821 = tpu.memref_squeeze %dma_wait3A_820 : memref<1x1x1x10x50xi32, #tpu.memory_space<hbm>> -> memref<10x50xi32, #tpu.memory_space<hbm>>
          %dma_wait3A_822 = arith.constant 0 : i32
          %dma_wait3A_823 = arith.constant 0 : i32
          %dma_wait3A_824 = tpu.memref_slice %arg6[%select_n3A_812, %dma_wait3A_822, %dma_wait3A_823] : memref<2x10x50xi32, #tpu.memory_space<vmem>> -> memref<1x10x50xi32, #tpu.memory_space<vmem>>
          %dma_wait3A_825 = tpu.memref_squeeze %dma_wait3A_824 : memref<1x10x50xi32, #tpu.memory_space<vmem>> -> memref<10x50xi32, #tpu.memory_space<vmem>>
          %dma_wait3A_826 = arith.constant 0 : i32
          %dma_wait3A_827 = arith.constant 0 : i32
          %dma_wait3A_828 = tpu.memref_slice %arg3[%dma_wait3A_813, %add3A, %select_n3A_684, %dma_wait3A_826, %dma_wait3A_827] : memref<2x32x20x10x50xi32, #tpu.memory_space<hbm>> -> memref<1x1x1x10x50xi32, #tpu.memory_space<hbm>>
          %dma_wait3A_829 = tpu.memref_squeeze %dma_wait3A_828 : memref<1x1x1x10x50xi32, #tpu.memory_space<hbm>> -> memref<10x50xi32, #tpu.memory_space<hbm>>
          tpu.wait_dma2 semaphore(%arg11 : memref<!tpu.dma_semaphore, #tpu.memory_space<semaphore_mem>>) src(%dma_wait3A_829 : memref<10x50xi32, #tpu.memory_space<hbm>>) dst(%dma_wait3A_825 : memref<10x50xi32, #tpu.memory_space<vmem>>)
        } else {
        }
        %jit3A_706 = arith.constant 2 : i32
        %eq3A_707 = arith.constant 0 : i32
        %eq3A_708 = arith.cmpi eq, %jit3A_706, %eq3A_707 : i32
        %jit3A_709 = arith.constant 1 : i32
        %select_n3A_710 = arith.select %eq3A_708, %jit3A_709, %jit3A_706 : i32
        %rem3A_711 = arith.remsi %select_n3A_684, %select_n3A_710 : i32
        %ne3A_712 = arith.constant 0 : i32
        %ne3A_713 = arith.cmpi ne, %rem3A_711, %ne3A_712 : i32
        %lt3A_714 = arith.constant 0 : i32
        %lt3A_715 = arith.cmpi slt, %rem3A_711, %lt3A_714 : i32
        %lt3A_716 = arith.constant 0 : i32
        %lt3A_717 = arith.cmpi slt, %select_n3A_710, %lt3A_716 : i32
        %ne3A_718 = arith.xori %lt3A_715, %lt3A_717 : i1
        %and3A_719 = arith.andi %ne3A_718, %ne3A_713 : i1
        %add3A_720 = arith.addi %rem3A_711, %select_n3A_710 : i32
        %select_n3A_721 = arith.select %and3A_719, %add3A_720, %rem3A_711 : i32
        %jit3A_722 = arith.constant 10 : i32
        %eq3A_723 = arith.constant 0 : i32
        %eq3A_724 = arith.cmpi eq, %jit3A_722, %eq3A_723 : i32
        %jit3A_725 = arith.constant 1 : i32
        %select_n3A_726 = arith.select %eq3A_724, %jit3A_725, %jit3A_722 : i32
        %rem3A_727 = arith.remsi %sub3A_660, %select_n3A_726 : i32
        %ne3A_728 = arith.constant 0 : i32
        %ne3A_729 = arith.cmpi ne, %rem3A_727, %ne3A_728 : i32
        %lt3A_730 = arith.constant 0 : i32
        %lt3A_731 = arith.cmpi slt, %rem3A_727, %lt3A_730 : i32
        %lt3A_732 = arith.constant 0 : i32
        %lt3A_733 = arith.cmpi slt, %select_n3A_726, %lt3A_732 : i32
        %ne3A_734 = arith.xori %lt3A_731, %lt3A_733 : i1
        %and3A_735 = arith.andi %ne3A_734, %ne3A_729 : i1
        %add3A_736 = arith.addi %rem3A_727, %select_n3A_726 : i32
        %select_n3A_737 = arith.select %and3A_735, %add3A_736, %rem3A_727 : i32
        %jit3A_738 = arith.constant 5 : i32
        %eq3A_739 = arith.constant 0 : i32
        %eq3A_740 = arith.cmpi eq, %jit3A_738, %eq3A_739 : i32
        %jit3A_741 = arith.constant 1 : i32
        %select_n3A_742 = arith.select %eq3A_740, %jit3A_741, %jit3A_738 : i32
        %rem3A_743 = arith.remsi %sub3A_660, %select_n3A_742 : i32
        %ne3A_744 = arith.constant 0 : i32
        %ne3A_745 = arith.cmpi ne, %rem3A_743, %ne3A_744 : i32
        %lt3A_746 = arith.constant 0 : i32
        %lt3A_747 = arith.cmpi slt, %rem3A_743, %lt3A_746 : i32
        %lt3A_748 = arith.constant 0 : i32
        %lt3A_749 = arith.cmpi slt, %select_n3A_742, %lt3A_748 : i32
        %ne3A_750 = arith.xori %lt3A_747, %lt3A_749 : i1
        %and3A_751 = arith.andi %ne3A_750, %ne3A_745 : i1
        %add3A_752 = arith.addi %rem3A_743, %select_n3A_742 : i32
        %select_n3A_753 = arith.select %and3A_751, %add3A_752, %rem3A_743 : i32
        %dma_start3A_754 = arith.constant 0 : i32
        %dma_start3A_755 = arith.constant 0 : i32
        %dma_start3A_756 = tpu.memref_slice %arg7[%select_n3A_753, %dma_start3A_754, %dma_start3A_755] : memref<5x50x128xf32, #tpu.memory_space<vmem>> -> memref<1x50x128xf32, #tpu.memory_space<vmem>>
        %dma_start3A_757 = tpu.memref_squeeze %dma_start3A_756 : memref<1x50x128xf32, #tpu.memory_space<vmem>> -> memref<50x128xf32, #tpu.memory_space<vmem>>
        %dma_start3A_758 = arith.constant 0 : i32
        %dma_start3A_759 = tpu.memref_slice %arg5[%select_n3A_721, %select_n3A_737, %dma_start3A_758] : memref<2x10x50xi32, #tpu.memory_space<vmem>> -> memref<1x1x50xi32, #tpu.memory_space<vmem>>
        %dma_start3A_760 = tpu.memref_squeeze %dma_start3A_759 : memref<1x1x50xi32, #tpu.memory_space<vmem>> -> memref<50xi32, #tpu.memory_space<vmem>>
        %dma_start3A_761 = arith.constant 0 : i32
        %dma_start3A_762 = arith.constant 0 : i32
        %dma_start3A_763 = tpu.memref_slice %arg2[%dma_start3A_761, %dma_start3A_762] : memref<10000x128xf32, #tpu.memory_space<hbm>> -> memref<10000x128xf32, #tpu.memory_space<hbm>>
        tpu.enqueue_indirect_dma source(%dma_start3A_763 : memref<10000x128xf32, #tpu.memory_space<hbm>>) target(%dma_start3A_757 : memref<50x128xf32, #tpu.memory_space<vmem>>) offsets(%dma_start3A_760 : memref<50xi32, #tpu.memory_space<vmem>>) semaphore(%arg9 : memref<!tpu.dma_semaphore, #tpu.memory_space<semaphore_mem>>)
      } else {
      }
      %jit3A_615 = arith.constant 2 : i32
      %eq3A_616 = arith.constant 0 : i32
      %eq3A_617 = arith.cmpi eq, %jit3A_615, %eq3A_616 : i32
      %jit3A_618 = arith.constant 1 : i32
      %select_n3A_619 = arith.select %eq3A_617, %jit3A_618, %jit3A_615 : i32
      %rem3A_620 = arith.remsi %select_n3A_530, %select_n3A_619 : i32
      %ne3A_621 = arith.constant 0 : i32
      %ne3A_622 = arith.cmpi ne, %rem3A_620, %ne3A_621 : i32
      %lt3A_623 = arith.constant 0 : i32
      %lt3A_624 = arith.cmpi slt, %rem3A_620, %lt3A_623 : i32
      %lt3A_625 = arith.constant 0 : i32
      %lt3A_626 = arith.cmpi slt, %select_n3A_619, %lt3A_625 : i32
      %ne3A_627 = arith.xori %lt3A_624, %lt3A_626 : i1
      %and3A_628 = arith.andi %ne3A_627, %ne3A_622 : i1
      %add3A_629 = arith.addi %rem3A_620, %select_n3A_619 : i32
      %select_n3A_630 = arith.select %and3A_628, %add3A_629, %rem3A_620 : i32
      %jit3A_631 = arith.constant 10 : i32
      %eq3A_632 = arith.constant 0 : i32
      %eq3A_633 = arith.cmpi eq, %jit3A_631, %eq3A_632 : i32
      %jit3A_634 = arith.constant 1 : i32
      %select_n3A_635 = arith.select %eq3A_633, %jit3A_634, %jit3A_631 : i32
      %rem3A_636 = arith.remsi %scan3A_499, %select_n3A_635 : i32
      %ne3A_637 = arith.constant 0 : i32
      %ne3A_638 = arith.cmpi ne, %rem3A_636, %ne3A_637 : i32
      %lt3A_639 = arith.constant 0 : i32
      %lt3A_640 = arith.cmpi slt, %rem3A_636, %lt3A_639 : i32
      %lt3A_641 = arith.constant 0 : i32
      %lt3A_642 = arith.cmpi slt, %select_n3A_635, %lt3A_641 : i32
      %ne3A_643 = arith.xori %lt3A_640, %lt3A_642 : i1
      %and3A_644 = arith.andi %ne3A_643, %ne3A_638 : i1
      %add3A_645 = arith.addi %rem3A_636, %select_n3A_635 : i32
      %select_n3A_646 = arith.select %and3A_644, %add3A_645, %rem3A_636 : i32
      %dma_start3A_647 = arith.constant 0 : i32
      %dma_start3A_648 = arith.constant 0 : i32
      %dma_start3A_649 = tpu.memref_slice %arg7[%select_n3A_509, %dma_start3A_647, %dma_start3A_648] : memref<5x50x128xf32, #tpu.memory_space<vmem>> -> memref<1x50x128xf32, #tpu.memory_space<vmem>>
      %dma_start3A_650 = tpu.memref_squeeze %dma_start3A_649 : memref<1x50x128xf32, #tpu.memory_space<vmem>> -> memref<50x128xf32, #tpu.memory_space<vmem>>
      %dma_start3A_651 = arith.constant 0 : i32
      %dma_start3A_652 = tpu.memref_slice %arg6[%select_n3A_630, %select_n3A_646, %dma_start3A_651] : memref<2x10x50xi32, #tpu.memory_space<vmem>> -> memref<1x1x50xi32, #tpu.memory_space<vmem>>
      %dma_start3A_653 = tpu.memref_squeeze %dma_start3A_652 : memref<1x1x50xi32, #tpu.memory_space<vmem>> -> memref<50xi32, #tpu.memory_space<vmem>>
      %dma_start3A_654 = arith.constant 0 : i32
      %dma_start3A_655 = arith.constant 0 : i32
      %dma_start3A_656 = tpu.memref_slice %arg8[%dma_start3A_654, %dma_start3A_655] : memref<10000x128xf32, #tpu.memory_space<vmem_shared>> -> memref<10000x128xf32, #tpu.memory_space<vmem_shared>>
      tpu.enqueue_indirect_dma source(%dma_start3A_650 : memref<50x128xf32, #tpu.memory_space<vmem>>) target(%dma_start3A_656 : memref<10000x128xf32, #tpu.memory_space<vmem_shared>>) offsets(%dma_start3A_653 : memref<50xi32, #tpu.memory_space<vmem>>) semaphore(%arg10 : memref<!tpu.dma_semaphore, #tpu.memory_space<semaphore_mem>>) {add = true}
    }
    %scan3A_477 = arith.constant 200 : i32
    %dma_wait3A_478 = arith.constant 4 : i32
    %dma_wait3A_479 = arith.constant 1 : i32
    %dma_wait3A_480 = arith.constant 9 : i32
    %dma_wait3A_481 = arith.constant 0 : i32
    %dma_wait3A_482 = arith.constant 0 : i32
    %dma_wait3A_483 = tpu.memref_slice %arg7[%dma_wait3A_478, %dma_wait3A_481, %dma_wait3A_482] : memref<5x50x128xf32, #tpu.memory_space<vmem>> -> memref<1x50x128xf32, #tpu.memory_space<vmem>>
    %dma_wait3A_484 = tpu.memref_squeeze %dma_wait3A_483 : memref<1x50x128xf32, #tpu.memory_space<vmem>> -> memref<50x128xf32, #tpu.memory_space<vmem>>
    %dma_wait3A_485 = arith.constant 0 : i32
    %dma_wait3A_486 = tpu.memref_slice %arg6[%dma_wait3A_479, %dma_wait3A_480, %dma_wait3A_485] : memref<2x10x50xi32, #tpu.memory_space<vmem>> -> memref<1x1x50xi32, #tpu.memory_space<vmem>>
    %dma_wait3A_487 = tpu.memref_squeeze %dma_wait3A_486 : memref<1x1x50xi32, #tpu.memory_space<vmem>> -> memref<50xi32, #tpu.memory_space<vmem>>
    %dma_wait3A_488 = arith.constant 0 : i32
    %dma_wait3A_489 = arith.constant 0 : i32
    %dma_wait3A_490 = tpu.memref_slice %arg8[%dma_wait3A_488, %dma_wait3A_489] : memref<10000x128xf32, #tpu.memory_space<vmem_shared>> -> memref<10000x128xf32, #tpu.memory_space<vmem_shared>>
    tpu.wait_indirect_dma semaphore(%arg10 : memref<!tpu.dma_semaphore, #tpu.memory_space<semaphore_mem>>) src(%dma_wait3A_484 : memref<50x128xf32, #tpu.memory_space<vmem>>) dst(%dma_wait3A_490 : memref<10000x128xf32, #tpu.memory_space<vmem_shared>>)
    %barrier3A_491 = arith.constant 0 : index
    tpu.barrier barrier_id(%barrier3A_491)
    %mul3A_492 = arith.constant 624 : i32
    %mul3A_493 = arith.muli %arg1, %mul3A_492 : i32
    "tpu.region"() ({
      %run_scoped3A_499 = tpu.sem_alloc : memref<!tpu.dma_semaphore, #tpu.memory_space<semaphore_mem>>
      %dma_start3A_500 = arith.constant 0 : i32
      %dma_start3A_501 = tpu.memref_slice %arg4[%arg0, %mul3A_493, %dma_start3A_500] : memref<2x10000x128xf32, #tpu.memory_space<hbm>> -> memref<1x624x128xf32, #tpu.memory_space<hbm>>
      %dma_start3A_502 = tpu.memref_squeeze %dma_start3A_501 : memref<1x624x128xf32, #tpu.memory_space<hbm>> -> memref<624x128xf32, #tpu.memory_space<hbm>>
      %dma_start3A_503 = arith.constant 0 : i32
      %dma_start3A_504 = tpu.memref_slice %arg8[%mul3A_493, %dma_start3A_503] : memref<10000x128xf32, #tpu.memory_space<vmem_shared>> -> memref<624x128xf32, #tpu.memory_space<vmem_shared>>
      tpu.enqueue_dma source(%dma_start3A_504 : memref<624x128xf32, #tpu.memory_space<vmem_shared>>) target(%dma_start3A_502 : memref<624x128xf32, #tpu.memory_space<hbm>>) target_semaphore(%run_scoped3A_499 : memref<!tpu.dma_semaphore, #tpu.memory_space<semaphore_mem>>)
      %dma_wait3A_505 = arith.constant 0 : i32
      %dma_wait3A_506 = tpu.memref_slice %arg4[%arg0, %mul3A_493, %dma_wait3A_505] : memref<2x10000x128xf32, #tpu.memory_space<hbm>> -> memref<1x624x128xf32, #tpu.memory_space<hbm>>
      %dma_wait3A_507 = tpu.memref_squeeze %dma_wait3A_506 : memref<1x624x128xf32, #tpu.memory_space<hbm>> -> memref<624x128xf32, #tpu.memory_space<hbm>>
      %dma_wait3A_508 = arith.constant 0 : i32
      %dma_wait3A_509 = tpu.memref_slice %arg8[%mul3A_493, %dma_wait3A_508] : memref<10000x128xf32, #tpu.memory_space<vmem_shared>> -> memref<624x128xf32, #tpu.memory_space<vmem_shared>>
      tpu.wait_dma2 semaphore(%run_scoped3A_499 : memref<!tpu.dma_semaphore, #tpu.memory_space<semaphore_mem>>) src(%dma_wait3A_509 : memref<624x128xf32, #tpu.memory_space<vmem_shared>>) dst(%dma_wait3A_507 : memref<624x128xf32, #tpu.memory_space<hbm>>)
      tpu.yield
    }) : () -> ()
    %eq3A_494 = arith.constant 15 : i32
    %eq3A_495 = arith.cmpi eq, %arg1, %eq3A_494 : i32
    %convert_element_type3A_496 = arith.extui %eq3A_495 : i1 to i32
    %cond3A_497 = arith.constant 0 : i32
    %cond3A_498 = arith.cmpi ne, %convert_element_type3A_496, %cond3A_497 : i32
    scf.if %cond3A_498 {
      "tpu.region"() ({
        %run_scoped3A_499 = tpu.sem_alloc : memref<!tpu.dma_semaphore, #tpu.memory_space<semaphore_mem>>
        %dma_start3A_500 = arith.constant 9984 : i32
        %dma_start3A_501 = arith.constant 0 : i32
        %dma_start3A_502 = tpu.memref_slice %arg4[%arg0, %dma_start3A_500, %dma_start3A_501] : memref<2x10000x128xf32, #tpu.memory_space<hbm>> -> memref<1x16x128xf32, #tpu.memory_space<hbm>>
        %dma_start3A_503 = tpu.memref_squeeze %dma_start3A_502 : memref<1x16x128xf32, #tpu.memory_space<hbm>> -> memref<16x128xf32, #tpu.memory_space<hbm>>
        %dma_start3A_504 = arith.constant 9984 : i32
        %dma_start3A_505 = arith.constant 0 : i32
        %dma_start3A_506 = tpu.memref_slice %arg8[%dma_start3A_504, %dma_start3A_505] : memref<10000x128xf32, #tpu.memory_space<vmem_shared>> -> memref<16x128xf32, #tpu.memory_space<vmem_shared>>
        tpu.enqueue_dma source(%dma_start3A_506 : memref<16x128xf32, #tpu.memory_space<vmem_shared>>) target(%dma_start3A_503 : memref<16x128xf32, #tpu.memory_space<hbm>>) target_semaphore(%run_scoped3A_499 : memref<!tpu.dma_semaphore, #tpu.memory_space<semaphore_mem>>)
        %dma_wait3A_507 = arith.constant 9984 : i32
        %dma_wait3A_508 = arith.constant 0 : i32
        %dma_wait3A_509 = tpu.memref_slice %arg4[%arg0, %dma_wait3A_507, %dma_wait3A_508] : memref<2x10000x128xf32, #tpu.memory_space<hbm>> -> memref<1x16x128xf32, #tpu.memory_space<hbm>>
        %dma_wait3A_510 = tpu.memref_squeeze %dma_wait3A_509 : memref<1x16x128xf32, #tpu.memory_space<hbm>> -> memref<16x128xf32, #tpu.memory_space<hbm>>
        %dma_wait3A_511 = arith.constant 9984 : i32
        %dma_wait3A_512 = arith.constant 0 : i32
        %dma_wait3A_513 = tpu.memref_slice %arg8[%dma_wait3A_511, %dma_wait3A_512] : memref<10000x128xf32, #tpu.memory_space<vmem_shared>> -> memref<16x128xf32, #tpu.memory_space<vmem_shared>>
        tpu.wait_dma2 semaphore(%run_scoped3A_499 : memref<!tpu.dma_semaphore, #tpu.memory_space<semaphore_mem>>) src(%dma_wait3A_513 : memref<16x128xf32, #tpu.memory_space<vmem_shared>>) dst(%dma_wait3A_510 : memref<16x128xf32, #tpu.memory_space<hbm>>)
        tpu.yield
      }) : () -> ()
    } else {
    }
    return
  }
}

#map = affine_map<(d0, d1) -> (0, 0)>
#map1 = affine_map<(d0, d1) -> (0, 0, 0, 0, 0)>
#map2 = affine_map<(d0, d1) -> (0, 0, 0)>
module attributes {stable_mosaic.version = 14 : i64} {
  func.func @agg_kernel(%arg0: i32, %arg1: i32, %arg2: memref<10000x128xf32, #tpu.memory_space<hbm>>, %arg3: memref<2x32x20x10x50xi32, #tpu.memory_space<hbm>>, %arg4: memref<2x10000x128xf32, #tpu.memory_space<hbm>>, %arg5: memref<2x10x50xi32, #tpu.memory_space<vmem>>, %arg6: memref<2x10x50xi32, #tpu.memory_space<vmem>>, %arg7: memref<5x50x128xf32, #tpu.memory_space<vmem>>, %arg8: memref<10000x128xf32, #tpu.memory_space<vmem_shared>>, %arg9: memref<!tpu.dma_semaphore, #tpu.memory_space<semaphore_mem>>, %arg10: memref<!tpu.dma_semaphore, #tpu.memory_space<semaphore_mem>>, %arg11: memref<!tpu.dma_semaphore, #tpu.memory_space<semaphore_mem>>, %arg12: memref<!tpu.dma_semaphore, #tpu.memory_space<semaphore_mem>>) attributes {dimension_semantics = [#tpu.dimension_semantics<core_parallel>, #tpu.dimension_semantics<subcore_parallel>], iteration_bounds = array<i64: 2, 16>, scalar_prefetch = 0 : i64, scratch_operands = 8 : i64, tpu.core_type = #tpu.core_type<sc_vector_subcore>, window_params = [{transform_indices = #map}, {transform_indices = #map1}, {transform_indices = #map2}]} {
    %mul3A = arith.constant 2 : i32
    %mul3A_0 = arith.muli %arg1, %mul3A : i32
    %add3A = arith.addi %mul3A_0, %arg0 : i32
    %scan3A = arith.constant 0 : i32
    %scan3A_1 = arith.constant 0 : i32
    %scan3A_2 = arith.constant 400 : i32
    %scan3A_3 = arith.addi %scan3A_1, %scan3A_2 : i32
    %scan3A_4 = arith.constant 1 : i32
    scf.for %scan3A_499 = %scan3A_1 to %scan3A_3 step %scan3A_4  : i32 {
      %broadcast_in_dim3A = arith.constant 0.000000e+00 : f32
      %broadcast_in_dim3A_500 = vector.broadcast %broadcast_in_dim3A : f32 to vector<16xf32>
      %jit3A = arith.constant 8 : i32
      %div3A = arith.divsi %scan3A_499, %jit3A : i32
      %sign3A = arith.constant 0 : i32
      %sign3A_501 = arith.cmpi sgt, %scan3A_499, %sign3A : i32
      %sign3A_502 = arith.extui %sign3A_501 : i1 to i32
      %sign3A_503 = arith.constant 0 : i32
      %sign3A_504 = arith.cmpi slt, %scan3A_499, %sign3A_503 : i32
      %sign3A_505 = arith.extui %sign3A_504 : i1 to i32
      %sign3A_506 = arith.subi %sign3A_502, %sign3A_505 : i32
      %sign3A_507 = arith.constant 0 : i32
      %sign3A_508 = arith.cmpi sgt, %jit3A, %sign3A_507 : i32
      %sign3A_509 = arith.extui %sign3A_508 : i1 to i32
      %sign3A_510 = arith.constant 0 : i32
      %sign3A_511 = arith.cmpi slt, %jit3A, %sign3A_510 : i32
      %sign3A_512 = arith.extui %sign3A_511 : i1 to i32
      %sign3A_513 = arith.subi %sign3A_509, %sign3A_512 : i32
      %ne3A = arith.cmpi ne, %sign3A_506, %sign3A_513 : i32
      %rem3A = arith.remsi %scan3A_499, %jit3A : i32
      %ne3A_514 = arith.constant 0 : i32
      %ne3A_515 = arith.cmpi ne, %rem3A, %ne3A_514 : i32
      %and3A = arith.andi %ne3A, %ne3A_515 : i1
      %sub3A = arith.constant 1 : i32
      %sub3A_516 = arith.subi %div3A, %sub3A : i32
      %select_n3A = arith.select %and3A, %sub3A_516, %div3A : i32
      %jit3A_517 = arith.constant 8 : i32
      %eq3A_518 = arith.constant 0 : i32
      %eq3A_519 = arith.cmpi eq, %jit3A_517, %eq3A_518 : i32
      %jit3A_520 = arith.constant 1 : i32
      %select_n3A_521 = arith.select %eq3A_519, %jit3A_520, %jit3A_517 : i32
      %rem3A_522 = arith.remsi %scan3A_499, %select_n3A_521 : i32
      %ne3A_523 = arith.constant 0 : i32
      %ne3A_524 = arith.cmpi ne, %rem3A_522, %ne3A_523 : i32
      %lt3A = arith.constant 0 : i32
      %lt3A_525 = arith.cmpi slt, %rem3A_522, %lt3A : i32
      %lt3A_526 = arith.constant 0 : i32
      %lt3A_527 = arith.cmpi slt, %select_n3A_521, %lt3A_526 : i32
      %ne3A_528 = arith.xori %lt3A_525, %lt3A_527 : i1
      %and3A_529 = arith.andi %ne3A_528, %ne3A_524 : i1
      %add3A_530 = arith.addi %rem3A_522, %select_n3A_521 : i32
      %select_n3A_531 = arith.select %and3A_529, %add3A_530, %rem3A_522 : i32
      %mul3A_532 = arith.constant 16 : i32
      %mul3A_533 = arith.muli %select_n3A_531, %mul3A_532 : i32
      %swap3A = arith.constant 0 : i32
      %swap3A_534 = arith.index_cast %swap3A : i32 to index
      %swap3A_535 = arith.index_cast %select_n3A : i32 to index
      %swap3A_536 = arith.index_cast %mul3A_533 : i32 to index
      %swap3A_537 = tpu.vector_load %arg7[%swap3A_534, %swap3A_535, %swap3A_536] {strides = array<i32>} : memref<5x50x128xf32, #tpu.memory_space<vmem>>, vector<1x1x16xf32>,
      %swap3A_538 = vector.shape_cast %swap3A_537 : vector<1x1x16xf32> to vector<16xf32>
      %swap3A_539 = vector.shape_cast %broadcast_in_dim3A_500 : vector<16xf32> to vector<1x1x16xf32>
      tpu.vector_store %arg7[%swap3A_534, %swap3A_535, %swap3A_536], %swap3A_539 {strides = array<i32>} : memref<5x50x128xf32, #tpu.memory_space<vmem>>, vector<1x1x16xf32>,
    }
    %scan3A_5 = arith.constant 400 : i32
    %mul3A_6 = arith.constant 624 : i32
    %mul3A_7 = arith.muli %arg1, %mul3A_6 : i32
    %add3A_8 = arith.constant 0 : i32
    %add3A_9 = arith.addi %mul3A_7, %add3A_8 : i32
    %dma_start3A = arith.constant 0 : i32
    %dma_start3A_10 = arith.constant 0 : i32
    %dma_start3A_11 = arith.constant 0 : i32
    %dma_start3A_12 = tpu.memref_slice %arg7[%dma_start3A, %dma_start3A_10, %dma_start3A_11] : memref<5x50x128xf32, #tpu.memory_space<vmem>> -> memref<1x50x128xf32, #tpu.memory_space<vmem>>
    %dma_start3A_13 = tpu.memref_squeeze %dma_start3A_12 : memref<1x50x128xf32, #tpu.memory_space<vmem>> -> memref<50x128xf32, #tpu.memory_space<vmem>>
    %dma_start3A_14 = arith.constant 0 : i32
    %dma_start3A_15 = tpu.memref_slice %arg8[%add3A_9, %dma_start3A_14] : memref<10000x128xf32, #tpu.memory_space<vmem_shared>> -> memref<50x128xf32, #tpu.memory_space<vmem_shared>>
    %dma_start3A_16 = arith.constant 0 : i32
    %dma_start3A_17 = tpu.memref_slice %arg8[%add3A_9, %dma_start3A_16] : memref<10000x128xf32, #tpu.memory_space<vmem_shared>> -> memref<50x128xf32, #tpu.memory_space<vmem_shared>>
    %dma_start3A_18 = arith.constant 0 : i32
    %dma_start3A_19 = arith.constant 0 : i32
    %dma_start3A_20 = tpu.memref_slice %arg7[%dma_start3A, %dma_start3A_18, %dma_start3A_19] : memref<5x50x128xf32, #tpu.memory_space<vmem>> -> memref<1x50x128xf32, #tpu.memory_space<vmem>>
    %dma_start3A_21 = tpu.memref_squeeze %dma_start3A_20 : memref<1x50x128xf32, #tpu.memory_space<vmem>> -> memref<50x128xf32, #tpu.memory_space<vmem>>
    tpu.enqueue_dma source(%dma_start3A_21 : memref<50x128xf32, #tpu.memory_space<vmem>>) target(%dma_start3A_17 : memref<50x128xf32, #tpu.memory_space<vmem_shared>>) target_semaphore(%arg12 : memref<!tpu.dma_semaphore, #tpu.memory_space<semaphore_mem>>)
    %add3A_22 = arith.constant 50 : i32
    %add3A_23 = arith.addi %mul3A_7, %add3A_22 : i32
    %dma_start3A_24 = arith.constant 0 : i32
    %dma_start3A_25 = arith.constant 0 : i32
    %dma_start3A_26 = arith.constant 0 : i32
    %dma_start3A_27 = tpu.memref_slice %arg7[%dma_start3A_24, %dma_start3A_25, %dma_start3A_26] : memref<5x50x128xf32, #tpu.memory_space<vmem>> -> memref<1x50x128xf32, #tpu.memory_space<vmem>>
    %dma_start3A_28 = tpu.memref_squeeze %dma_start3A_27 : memref<1x50x128xf32, #tpu.memory_space<vmem>> -> memref<50x128xf32, #tpu.memory_space<vmem>>
    %dma_start3A_29 = arith.constant 0 : i32
    %dma_start3A_30 = tpu.memref_slice %arg8[%add3A_23, %dma_start3A_29] : memref<10000x128xf32, #tpu.memory_space<vmem_shared>> -> memref<50x128xf32, #tpu.memory_space<vmem_shared>>
    %dma_start3A_31 = arith.constant 0 : i32
    %dma_start3A_32 = tpu.memref_slice %arg8[%add3A_23, %dma_start3A_31] : memref<10000x128xf32, #tpu.memory_space<vmem_shared>> -> memref<50x128xf32, #tpu.memory_space<vmem_shared>>
    %dma_start3A_33 = arith.constant 0 : i32
    %dma_start3A_34 = arith.constant 0 : i32
    %dma_start3A_35 = tpu.memref_slice %arg7[%dma_start3A_24, %dma_start3A_33, %dma_start3A_34] : memref<5x50x128xf32, #tpu.memory_space<vmem>> -> memref<1x50x128xf32, #tpu.memory_space<vmem>>
    %dma_start3A_36 = tpu.memref_squeeze %dma_start3A_35 : memref<1x50x128xf32, #tpu.memory_space<vmem>> -> memref<50x128xf32, #tpu.memory_space<vmem>>
    tpu.enqueue_dma source(%dma_start3A_36 : memref<50x128xf32, #tpu.memory_space<vmem>>) target(%dma_start3A_32 : memref<50x128xf32, #tpu.memory_space<vmem_shared>>) target_semaphore(%arg12 : memref<!tpu.dma_semaphore, #tpu.memory_space<semaphore_mem>>)
    %add3A_37 = arith.constant 100 : i32
    %add3A_38 = arith.addi %mul3A_7, %add3A_37 : i32
    %dma_start3A_39 = arith.constant 0 : i32
    %dma_start3A_40 = arith.constant 0 : i32
    %dma_start3A_41 = arith.constant 0 : i32
    %dma_start3A_42 = tpu.memref_slice %arg7[%dma_start3A_39, %dma_start3A_40, %dma_start3A_41] : memref<5x50x128xf32, #tpu.memory_space<vmem>> -> memref<1x50x128xf32, #tpu.memory_space<vmem>>
    %dma_start3A_43 = tpu.memref_squeeze %dma_start3A_42 : memref<1x50x128xf32, #tpu.memory_space<vmem>> -> memref<50x128xf32, #tpu.memory_space<vmem>>
    %dma_start3A_44 = arith.constant 0 : i32
    %dma_start3A_45 = tpu.memref_slice %arg8[%add3A_38, %dma_start3A_44] : memref<10000x128xf32, #tpu.memory_space<vmem_shared>> -> memref<50x128xf32, #tpu.memory_space<vmem_shared>>
    %dma_start3A_46 = arith.constant 0 : i32
    %dma_start3A_47 = tpu.memref_slice %arg8[%add3A_38, %dma_start3A_46] : memref<10000x128xf32, #tpu.memory_space<vmem_shared>> -> memref<50x128xf32, #tpu.memory_space<vmem_shared>>
    %dma_start3A_48 = arith.constant 0 : i32
    %dma_start3A_49 = arith.constant 0 : i32
    %dma_start3A_50 = tpu.memref_slice %arg7[%dma_start3A_39, %dma_start3A_48, %dma_start3A_49] : memref<5x50x128xf32, #tpu.memory_space<vmem>> -> memref<1x50x128xf32, #tpu.memory_space<vmem>>
    %dma_start3A_51 = tpu.memref_squeeze %dma_start3A_50 : memref<1x50x128xf32, #tpu.memory_space<vmem>> -> memref<50x128xf32, #tpu.memory_space<vmem>>
    tpu.enqueue_dma source(%dma_start3A_51 : memref<50x128xf32, #tpu.memory_space<vmem>>) target(%dma_start3A_47 : memref<50x128xf32, #tpu.memory_space<vmem_shared>>) target_semaphore(%arg12 : memref<!tpu.dma_semaphore, #tpu.memory_space<semaphore_mem>>)
    %add3A_52 = arith.constant 150 : i32
    %add3A_53 = arith.addi %mul3A_7, %add3A_52 : i32
    %dma_start3A_54 = arith.constant 0 : i32
    %dma_start3A_55 = arith.constant 0 : i32
    %dma_start3A_56 = arith.constant 0 : i32
    %dma_start3A_57 = tpu.memref_slice %arg7[%dma_start3A_54, %dma_start3A_55, %dma_start3A_56] : memref<5x50x128xf32, #tpu.memory_space<vmem>> -> memref<1x50x128xf32, #tpu.memory_space<vmem>>
    %dma_start3A_58 = tpu.memref_squeeze %dma_start3A_57 : memref<1x50x128xf32, #tpu.memory_space<vmem>> -> memref<50x128xf32, #tpu.memory_space<vmem>>
    %dma_start3A_59 = arith.constant 0 : i32
    %dma_start3A_60 = tpu.memref_slice %arg8[%add3A_53, %dma_start3A_59] : memref<10000x128xf32, #tpu.memory_space<vmem_shared>> -> memref<50x128xf32, #tpu.memory_space<vmem_shared>>
    %dma_start3A_61 = arith.constant 0 : i32
    %dma_start3A_62 = tpu.memref_slice %arg8[%add3A_53, %dma_start3A_61] : memref<10000x128xf32, #tpu.memory_space<vmem_shared>> -> memref<50x128xf32, #tpu.memory_space<vmem_shared>>
    %dma_start3A_63 = arith.constant 0 : i32
    %dma_start3A_64 = arith.constant 0 : i32
    %dma_start3A_65 = tpu.memref_slice %arg7[%dma_start3A_54, %dma_start3A_63, %dma_start3A_64] : memref<5x50x128xf32, #tpu.memory_space<vmem>> -> memref<1x50x128xf32, #tpu.memory_space<vmem>>
    %dma_start3A_66 = tpu.memref_squeeze %dma_start3A_65 : memref<1x50x128xf32, #tpu.memory_space<vmem>> -> memref<50x128xf32, #tpu.memory_space<vmem>>
    tpu.enqueue_dma source(%dma_start3A_66 : memref<50x128xf32, #tpu.memory_space<vmem>>) target(%dma_start3A_62 : memref<50x128xf32, #tpu.memory_space<vmem_shared>>) target_semaphore(%arg12 : memref<!tpu.dma_semaphore, #tpu.memory_space<semaphore_mem>>)
    %add3A_67 = arith.constant 200 : i32
    %add3A_68 = arith.addi %mul3A_7, %add3A_67 : i32
    %dma_start3A_69 = arith.constant 0 : i32
    %dma_start3A_70 = arith.constant 0 : i32
    %dma_start3A_71 = arith.constant 0 : i32
    %dma_start3A_72 = tpu.memref_slice %arg7[%dma_start3A_69, %dma_start3A_70, %dma_start3A_71] : memref<5x50x128xf32, #tpu.memory_space<vmem>> -> memref<1x50x128xf32, #tpu.memory_space<vmem>>
    %dma_start3A_73 = tpu.memref_squeeze %dma_start3A_72 : memref<1x50x128xf32, #tpu.memory_space<vmem>> -> memref<50x128xf32, #tpu.memory_space<vmem>>
    %dma_start3A_74 = arith.constant 0 : i32
    %dma_start3A_75 = tpu.memref_slice %arg8[%add3A_68, %dma_start3A_74] : memref<10000x128xf32, #tpu.memory_space<vmem_shared>> -> memref<50x128xf32, #tpu.memory_space<vmem_shared>>
    %dma_start3A_76 = arith.constant 0 : i32
    %dma_start3A_77 = tpu.memref_slice %arg8[%add3A_68, %dma_start3A_76] : memref<10000x128xf32, #tpu.memory_space<vmem_shared>> -> memref<50x128xf32, #tpu.memory_space<vmem_shared>>
    %dma_start3A_78 = arith.constant 0 : i32
    %dma_start3A_79 = arith.constant 0 : i32
    %dma_start3A_80 = tpu.memref_slice %arg7[%dma_start3A_69, %dma_start3A_78, %dma_start3A_79] : memref<5x50x128xf32, #tpu.memory_space<vmem>> -> memref<1x50x128xf32, #tpu.memory_space<vmem>>
    %dma_start3A_81 = tpu.memref_squeeze %dma_start3A_80 : memref<1x50x128xf32, #tpu.memory_space<vmem>> -> memref<50x128xf32, #tpu.memory_space<vmem>>
    tpu.enqueue_dma source(%dma_start3A_81 : memref<50x128xf32, #tpu.memory_space<vmem>>) target(%dma_start3A_77 : memref<50x128xf32, #tpu.memory_space<vmem_shared>>) target_semaphore(%arg12 : memref<!tpu.dma_semaphore, #tpu.memory_space<semaphore_mem>>)
    %add3A_82 = arith.constant 250 : i32
    %add3A_83 = arith.addi %mul3A_7, %add3A_82 : i32
    %dma_start3A_84 = arith.constant 0 : i32
    %dma_start3A_85 = arith.constant 0 : i32
    %dma_start3A_86 = arith.constant 0 : i32
    %dma_start3A_87 = tpu.memref_slice %arg7[%dma_start3A_84, %dma_start3A_85, %dma_start3A_86] : memref<5x50x128xf32, #tpu.memory_space<vmem>> -> memref<1x50x128xf32, #tpu.memory_space<vmem>>
    %dma_start3A_88 = tpu.memref_squeeze %dma_start3A_87 : memref<1x50x128xf32, #tpu.memory_space<vmem>> -> memref<50x128xf32, #tpu.memory_space<vmem>>
    %dma_start3A_89 = arith.constant 0 : i32
    %dma_start3A_90 = tpu.memref_slice %arg8[%add3A_83, %dma_start3A_89] : memref<10000x128xf32, #tpu.memory_space<vmem_shared>> -> memref<50x128xf32, #tpu.memory_space<vmem_shared>>
    %dma_start3A_91 = arith.constant 0 : i32
    %dma_start3A_92 = tpu.memref_slice %arg8[%add3A_83, %dma_start3A_91] : memref<10000x128xf32, #tpu.memory_space<vmem_shared>> -> memref<50x128xf32, #tpu.memory_space<vmem_shared>>
    %dma_start3A_93 = arith.constant 0 : i32
    %dma_start3A_94 = arith.constant 0 : i32
    %dma_start3A_95 = tpu.memref_slice %arg7[%dma_start3A_84, %dma_start3A_93, %dma_start3A_94] : memref<5x50x128xf32, #tpu.memory_space<vmem>> -> memref<1x50x128xf32, #tpu.memory_space<vmem>>
    %dma_start3A_96 = tpu.memref_squeeze %dma_start3A_95 : memref<1x50x128xf32, #tpu.memory_space<vmem>> -> memref<50x128xf32, #tpu.memory_space<vmem>>
    tpu.enqueue_dma source(%dma_start3A_96 : memref<50x128xf32, #tpu.memory_space<vmem>>) target(%dma_start3A_92 : memref<50x128xf32, #tpu.memory_space<vmem_shared>>) target_semaphore(%arg12 : memref<!tpu.dma_semaphore, #tpu.memory_space<semaphore_mem>>)
    %add3A_97 = arith.constant 300 : i32
    %add3A_98 = arith.addi %mul3A_7, %add3A_97 : i32
    %dma_start3A_99 = arith.constant 0 : i32
    %dma_start3A_100 = arith.constant 0 : i32
    %dma_start3A_101 = arith.constant 0 : i32
    %dma_start3A_102 = tpu.memref_slice %arg7[%dma_start3A_99, %dma_start3A_100, %dma_start3A_101] : memref<5x50x128xf32, #tpu.memory_space<vmem>> -> memref<1x50x128xf32, #tpu.memory_space<vmem>>
    %dma_start3A_103 = tpu.memref_squeeze %dma_start3A_102 : memref<1x50x128xf32, #tpu.memory_space<vmem>> -> memref<50x128xf32, #tpu.memory_space<vmem>>
    %dma_start3A_104 = arith.constant 0 : i32
    %dma_start3A_105 = tpu.memref_slice %arg8[%add3A_98, %dma_start3A_104] : memref<10000x128xf32, #tpu.memory_space<vmem_shared>> -> memref<50x128xf32, #tpu.memory_space<vmem_shared>>
    %dma_start3A_106 = arith.constant 0 : i32
    %dma_start3A_107 = tpu.memref_slice %arg8[%add3A_98, %dma_start3A_106] : memref<10000x128xf32, #tpu.memory_space<vmem_shared>> -> memref<50x128xf32, #tpu.memory_space<vmem_shared>>
    %dma_start3A_108 = arith.constant 0 : i32
    %dma_start3A_109 = arith.constant 0 : i32
    %dma_start3A_110 = tpu.memref_slice %arg7[%dma_start3A_99, %dma_start3A_108, %dma_start3A_109] : memref<5x50x128xf32, #tpu.memory_space<vmem>> -> memref<1x50x128xf32, #tpu.memory_space<vmem>>
    %dma_start3A_111 = tpu.memref_squeeze %dma_start3A_110 : memref<1x50x128xf32, #tpu.memory_space<vmem>> -> memref<50x128xf32, #tpu.memory_space<vmem>>
    tpu.enqueue_dma source(%dma_start3A_111 : memref<50x128xf32, #tpu.memory_space<vmem>>) target(%dma_start3A_107 : memref<50x128xf32, #tpu.memory_space<vmem_shared>>) target_semaphore(%arg12 : memref<!tpu.dma_semaphore, #tpu.memory_space<semaphore_mem>>)
    %add3A_112 = arith.constant 350 : i32
    %add3A_113 = arith.addi %mul3A_7, %add3A_112 : i32
    %dma_start3A_114 = arith.constant 0 : i32
    %dma_start3A_115 = arith.constant 0 : i32
    %dma_start3A_116 = arith.constant 0 : i32
    %dma_start3A_117 = tpu.memref_slice %arg7[%dma_start3A_114, %dma_start3A_115, %dma_start3A_116] : memref<5x50x128xf32, #tpu.memory_space<vmem>> -> memref<1x50x128xf32, #tpu.memory_space<vmem>>
    %dma_start3A_118 = tpu.memref_squeeze %dma_start3A_117 : memref<1x50x128xf32, #tpu.memory_space<vmem>> -> memref<50x128xf32, #tpu.memory_space<vmem>>
    %dma_start3A_119 = arith.constant 0 : i32
    %dma_start3A_120 = tpu.memref_slice %arg8[%add3A_113, %dma_start3A_119] : memref<10000x128xf32, #tpu.memory_space<vmem_shared>> -> memref<50x128xf32, #tpu.memory_space<vmem_shared>>
    %dma_start3A_121 = arith.constant 0 : i32
    %dma_start3A_122 = tpu.memref_slice %arg8[%add3A_113, %dma_start3A_121] : memref<10000x128xf32, #tpu.memory_space<vmem_shared>> -> memref<50x128xf32, #tpu.memory_space<vmem_shared>>
    %dma_start3A_123 = arith.constant 0 : i32
    %dma_start3A_124 = arith.constant 0 : i32
    %dma_start3A_125 = tpu.memref_slice %arg7[%dma_start3A_114, %dma_start3A_123, %dma_start3A_124] : memref<5x50x128xf32, #tpu.memory_space<vmem>> -> memref<1x50x128xf32, #tpu.memory_space<vmem>>
    %dma_start3A_126 = tpu.memref_squeeze %dma_start3A_125 : memref<1x50x128xf32, #tpu.memory_space<vmem>> -> memref<50x128xf32, #tpu.memory_space<vmem>>
    tpu.enqueue_dma source(%dma_start3A_126 : memref<50x128xf32, #tpu.memory_space<vmem>>) target(%dma_start3A_122 : memref<50x128xf32, #tpu.memory_space<vmem_shared>>) target_semaphore(%arg12 : memref<!tpu.dma_semaphore, #tpu.memory_space<semaphore_mem>>)
    %add3A_127 = arith.constant 400 : i32
    %add3A_128 = arith.addi %mul3A_7, %add3A_127 : i32
    %dma_start3A_129 = arith.constant 0 : i32
    %dma_start3A_130 = arith.constant 0 : i32
    %dma_start3A_131 = arith.constant 0 : i32
    %dma_start3A_132 = tpu.memref_slice %arg7[%dma_start3A_129, %dma_start3A_130, %dma_start3A_131] : memref<5x50x128xf32, #tpu.memory_space<vmem>> -> memref<1x50x128xf32, #tpu.memory_space<vmem>>
    %dma_start3A_133 = tpu.memref_squeeze %dma_start3A_132 : memref<1x50x128xf32, #tpu.memory_space<vmem>> -> memref<50x128xf32, #tpu.memory_space<vmem>>
    %dma_start3A_134 = arith.constant 0 : i32
    %dma_start3A_135 = tpu.memref_slice %arg8[%add3A_128, %dma_start3A_134] : memref<10000x128xf32, #tpu.memory_space<vmem_shared>> -> memref<50x128xf32, #tpu.memory_space<vmem_shared>>
    %dma_start3A_136 = arith.constant 0 : i32
    %dma_start3A_137 = tpu.memref_slice %arg8[%add3A_128, %dma_start3A_136] : memref<10000x128xf32, #tpu.memory_space<vmem_shared>> -> memref<50x128xf32, #tpu.memory_space<vmem_shared>>
    %dma_start3A_138 = arith.constant 0 : i32
    %dma_start3A_139 = arith.constant 0 : i32
    %dma_start3A_140 = tpu.memref_slice %arg7[%dma_start3A_129, %dma_start3A_138, %dma_start3A_139] : memref<5x50x128xf32, #tpu.memory_space<vmem>> -> memref<1x50x128xf32, #tpu.memory_space<vmem>>
    %dma_start3A_141 = tpu.memref_squeeze %dma_start3A_140 : memref<1x50x128xf32, #tpu.memory_space<vmem>> -> memref<50x128xf32, #tpu.memory_space<vmem>>
    tpu.enqueue_dma source(%dma_start3A_141 : memref<50x128xf32, #tpu.memory_space<vmem>>) target(%dma_start3A_137 : memref<50x128xf32, #tpu.memory_space<vmem_shared>>) target_semaphore(%arg12 : memref<!tpu.dma_semaphore, #tpu.memory_space<semaphore_mem>>)
    %add3A_142 = arith.constant 450 : i32
    %add3A_143 = arith.addi %mul3A_7, %add3A_142 : i32
    %dma_start3A_144 = arith.constant 0 : i32
    %dma_start3A_145 = arith.constant 0 : i32
    %dma_start3A_146 = arith.constant 0 : i32
    %dma_start3A_147 = tpu.memref_slice %arg7[%dma_start3A_144, %dma_start3A_145, %dma_start3A_146] : memref<5x50x128xf32, #tpu.memory_space<vmem>> -> memref<1x50x128xf32, #tpu.memory_space<vmem>>
    %dma_start3A_148 = tpu.memref_squeeze %dma_start3A_147 : memref<1x50x128xf32, #tpu.memory_space<vmem>> -> memref<50x128xf32, #tpu.memory_space<vmem>>
    %dma_start3A_149 = arith.constant 0 : i32
    %dma_start3A_150 = tpu.memref_slice %arg8[%add3A_143, %dma_start3A_149] : memref<10000x128xf32, #tpu.memory_space<vmem_shared>> -> memref<50x128xf32, #tpu.memory_space<vmem_shared>>
    %dma_start3A_151 = arith.constant 0 : i32
    %dma_start3A_152 = tpu.memref_slice %arg8[%add3A_143, %dma_start3A_151] : memref<10000x128xf32, #tpu.memory_space<vmem_shared>> -> memref<50x128xf32, #tpu.memory_space<vmem_shared>>
    %dma_start3A_153 = arith.constant 0 : i32
    %dma_start3A_154 = arith.constant 0 : i32
    %dma_start3A_155 = tpu.memref_slice %arg7[%dma_start3A_144, %dma_start3A_153, %dma_start3A_154] : memref<5x50x128xf32, #tpu.memory_space<vmem>> -> memref<1x50x128xf32, #tpu.memory_space<vmem>>
    %dma_start3A_156 = tpu.memref_squeeze %dma_start3A_155 : memref<1x50x128xf32, #tpu.memory_space<vmem>> -> memref<50x128xf32, #tpu.memory_space<vmem>>
    tpu.enqueue_dma source(%dma_start3A_156 : memref<50x128xf32, #tpu.memory_space<vmem>>) target(%dma_start3A_152 : memref<50x128xf32, #tpu.memory_space<vmem_shared>>) target_semaphore(%arg12 : memref<!tpu.dma_semaphore, #tpu.memory_space<semaphore_mem>>)
    %add3A_157 = arith.constant 500 : i32
    %add3A_158 = arith.addi %mul3A_7, %add3A_157 : i32
    %dma_start3A_159 = arith.constant 0 : i32
    %dma_start3A_160 = arith.constant 0 : i32
    %dma_start3A_161 = arith.constant 0 : i32
    %dma_start3A_162 = tpu.memref_slice %arg7[%dma_start3A_159, %dma_start3A_160, %dma_start3A_161] : memref<5x50x128xf32, #tpu.memory_space<vmem>> -> memref<1x50x128xf32, #tpu.memory_space<vmem>>
    %dma_start3A_163 = tpu.memref_squeeze %dma_start3A_162 : memref<1x50x128xf32, #tpu.memory_space<vmem>> -> memref<50x128xf32, #tpu.memory_space<vmem>>
    %dma_start3A_164 = arith.constant 0 : i32
    %dma_start3A_165 = tpu.memref_slice %arg8[%add3A_158, %dma_start3A_164] : memref<10000x128xf32, #tpu.memory_space<vmem_shared>> -> memref<50x128xf32, #tpu.memory_space<vmem_shared>>
    %dma_start3A_166 = arith.constant 0 : i32
    %dma_start3A_167 = tpu.memref_slice %arg8[%add3A_158, %dma_start3A_166] : memref<10000x128xf32, #tpu.memory_space<vmem_shared>> -> memref<50x128xf32, #tpu.memory_space<vmem_shared>>
    %dma_start3A_168 = arith.constant 0 : i32
    %dma_start3A_169 = arith.constant 0 : i32
    %dma_start3A_170 = tpu.memref_slice %arg7[%dma_start3A_159, %dma_start3A_168, %dma_start3A_169] : memref<5x50x128xf32, #tpu.memory_space<vmem>> -> memref<1x50x128xf32, #tpu.memory_space<vmem>>
    %dma_start3A_171 = tpu.memref_squeeze %dma_start3A_170 : memref<1x50x128xf32, #tpu.memory_space<vmem>> -> memref<50x128xf32, #tpu.memory_space<vmem>>
    tpu.enqueue_dma source(%dma_start3A_171 : memref<50x128xf32, #tpu.memory_space<vmem>>) target(%dma_start3A_167 : memref<50x128xf32, #tpu.memory_space<vmem_shared>>) target_semaphore(%arg12 : memref<!tpu.dma_semaphore, #tpu.memory_space<semaphore_mem>>)
    %add3A_172 = arith.constant 550 : i32
    %add3A_173 = arith.addi %mul3A_7, %add3A_172 : i32
    %dma_start3A_174 = arith.constant 0 : i32
    %dma_start3A_175 = arith.constant 0 : i32
    %dma_start3A_176 = arith.constant 0 : i32
    %dma_start3A_177 = tpu.memref_slice %arg7[%dma_start3A_174, %dma_start3A_175, %dma_start3A_176] : memref<5x50x128xf32, #tpu.memory_space<vmem>> -> memref<1x50x128xf32, #tpu.memory_space<vmem>>
    %dma_start3A_178 = tpu.memref_squeeze %dma_start3A_177 : memref<1x50x128xf32, #tpu.memory_space<vmem>> -> memref<50x128xf32, #tpu.memory_space<vmem>>
    %dma_start3A_179 = arith.constant 0 : i32
    %dma_start3A_180 = tpu.memref_slice %arg8[%add3A_173, %dma_start3A_179] : memref<10000x128xf32, #tpu.memory_space<vmem_shared>> -> memref<50x128xf32, #tpu.memory_space<vmem_shared>>
    %dma_start3A_181 = arith.constant 0 : i32
    %dma_start3A_182 = tpu.memref_slice %arg8[%add3A_173, %dma_start3A_181] : memref<10000x128xf32, #tpu.memory_space<vmem_shared>> -> memref<50x128xf32, #tpu.memory_space<vmem_shared>>
    %dma_start3A_183 = arith.constant 0 : i32
    %dma_start3A_184 = arith.constant 0 : i32
    %dma_start3A_185 = tpu.memref_slice %arg7[%dma_start3A_174, %dma_start3A_183, %dma_start3A_184] : memref<5x50x128xf32, #tpu.memory_space<vmem>> -> memref<1x50x128xf32, #tpu.memory_space<vmem>>
    %dma_start3A_186 = tpu.memref_squeeze %dma_start3A_185 : memref<1x50x128xf32, #tpu.memory_space<vmem>> -> memref<50x128xf32, #tpu.memory_space<vmem>>
    tpu.enqueue_dma source(%dma_start3A_186 : memref<50x128xf32, #tpu.memory_space<vmem>>) target(%dma_start3A_182 : memref<50x128xf32, #tpu.memory_space<vmem_shared>>) target_semaphore(%arg12 : memref<!tpu.dma_semaphore, #tpu.memory_space<semaphore_mem>>)
    %add3A_187 = arith.constant 600 : i32
    %add3A_188 = arith.addi %mul3A_7, %add3A_187 : i32
    %dma_start3A_189 = arith.constant 0 : i32
    %dma_start3A_190 = arith.constant 0 : i32
    %dma_start3A_191 = arith.constant 0 : i32
    %dma_start3A_192 = tpu.memref_slice %arg7[%dma_start3A_189, %dma_start3A_190, %dma_start3A_191] : memref<5x50x128xf32, #tpu.memory_space<vmem>> -> memref<1x24x128xf32, #tpu.memory_space<vmem>>
    %dma_start3A_193 = tpu.memref_squeeze %dma_start3A_192 : memref<1x24x128xf32, #tpu.memory_space<vmem>> -> memref<24x128xf32, #tpu.memory_space<vmem>>
    %dma_start3A_194 = arith.constant 0 : i32
    %dma_start3A_195 = tpu.memref_slice %arg8[%add3A_188, %dma_start3A_194] : memref<10000x128xf32, #tpu.memory_space<vmem_shared>> -> memref<24x128xf32, #tpu.memory_space<vmem_shared>>
    %dma_start3A_196 = arith.constant 0 : i32
    %dma_start3A_197 = tpu.memref_slice %arg8[%add3A_188, %dma_start3A_196] : memref<10000x128xf32, #tpu.memory_space<vmem_shared>> -> memref<24x128xf32, #tpu.memory_space<vmem_shared>>
    %dma_start3A_198 = arith.constant 0 : i32
    %dma_start3A_199 = arith.constant 0 : i32
    %dma_start3A_200 = tpu.memref_slice %arg7[%dma_start3A_189, %dma_start3A_198, %dma_start3A_199] : memref<5x50x128xf32, #tpu.memory_space<vmem>> -> memref<1x24x128xf32, #tpu.memory_space<vmem>>
    %dma_start3A_201 = tpu.memref_squeeze %dma_start3A_200 : memref<1x24x128xf32, #tpu.memory_space<vmem>> -> memref<24x128xf32, #tpu.memory_space<vmem>>
    tpu.enqueue_dma source(%dma_start3A_201 : memref<24x128xf32, #tpu.memory_space<vmem>>) target(%dma_start3A_197 : memref<24x128xf32, #tpu.memory_space<vmem_shared>>) target_semaphore(%arg12 : memref<!tpu.dma_semaphore, #tpu.memory_space<semaphore_mem>>)
    %eq3A = arith.constant 15 : i32
    %eq3A_202 = arith.cmpi eq, %arg1, %eq3A : i32
    %convert_element_type3A = arith.extui %eq3A_202 : i1 to i32
    %cond3A = arith.constant 0 : i32
    %cond3A_203 = arith.cmpi ne, %convert_element_type3A, %cond3A : i32
    scf.if %cond3A_203 {
      %dma_start3A_499 = arith.constant 0 : i32
      %dma_start3A_500 = arith.constant 0 : i32
      %dma_start3A_501 = arith.constant 0 : i32
      %dma_start3A_502 = tpu.memref_slice %arg7[%dma_start3A_499, %dma_start3A_500, %dma_start3A_501] : memref<5x50x128xf32, #tpu.memory_space<vmem>> -> memref<1x16x128xf32, #tpu.memory_space<vmem>>
      %dma_start3A_503 = tpu.memref_squeeze %dma_start3A_502 : memref<1x16x128xf32, #tpu.memory_space<vmem>> -> memref<16x128xf32, #tpu.memory_space<vmem>>
      %dma_start3A_504 = arith.constant 9984 : i32
      %dma_start3A_505 = arith.constant 0 : i32
      %dma_start3A_506 = tpu.memref_slice %arg8[%dma_start3A_504, %dma_start3A_505] : memref<10000x128xf32, #tpu.memory_space<vmem_shared>> -> memref<16x128xf32, #tpu.memory_space<vmem_shared>>
      %dma_start3A_507 = arith.constant 9984 : i32
      %dma_start3A_508 = arith.constant 0 : i32
      %dma_start3A_509 = tpu.memref_slice %arg8[%dma_start3A_507, %dma_start3A_508] : memref<10000x128xf32, #tpu.memory_space<vmem_shared>> -> memref<16x128xf32, #tpu.memory_space<vmem_shared>>
      %dma_start3A_510 = arith.constant 0 : i32
      %dma_start3A_511 = arith.constant 0 : i32
      %dma_start3A_512 = tpu.memref_slice %arg7[%dma_start3A_499, %dma_start3A_510, %dma_start3A_511] : memref<5x50x128xf32, #tpu.memory_space<vmem>> -> memref<1x16x128xf32, #tpu.memory_space<vmem>>
      %dma_start3A_513 = tpu.memref_squeeze %dma_start3A_512 : memref<1x16x128xf32, #tpu.memory_space<vmem>> -> memref<16x128xf32, #tpu.memory_space<vmem>>
      tpu.enqueue_dma source(%dma_start3A_513 : memref<16x128xf32, #tpu.memory_space<vmem>>) target(%dma_start3A_509 : memref<16x128xf32, #tpu.memory_space<vmem_shared>>) target_semaphore(%arg12 : memref<!tpu.dma_semaphore, #tpu.memory_space<semaphore_mem>>)
    } else {
    }
    %dma_wait3A = arith.constant 0 : i32
    %dma_wait3A_204 = arith.constant 0 : i32
    %dma_wait3A_205 = arith.constant 0 : i32
    %dma_wait3A_206 = tpu.memref_slice %arg7[%dma_wait3A, %dma_wait3A_204, %dma_wait3A_205] : memref<5x50x128xf32, #tpu.memory_space<vmem>> -> memref<1x50x128xf32, #tpu.memory_space<vmem>>
    %dma_wait3A_207 = tpu.memref_squeeze %dma_wait3A_206 : memref<1x50x128xf32, #tpu.memory_space<vmem>> -> memref<50x128xf32, #tpu.memory_space<vmem>>
    %dma_wait3A_208 = arith.constant 0 : i32
    %dma_wait3A_209 = tpu.memref_slice %arg8[%mul3A_7, %dma_wait3A_208] : memref<10000x128xf32, #tpu.memory_space<vmem_shared>> -> memref<50x128xf32, #tpu.memory_space<vmem_shared>>
    %dma_wait3A_210 = arith.constant 0 : i32
    %dma_wait3A_211 = tpu.memref_slice %arg8[%mul3A_7, %dma_wait3A_210] : memref<10000x128xf32, #tpu.memory_space<vmem_shared>> -> memref<50x128xf32, #tpu.memory_space<vmem_shared>>
    %dma_wait3A_212 = arith.constant 0 : i32
    %dma_wait3A_213 = arith.constant 0 : i32
    %dma_wait3A_214 = tpu.memref_slice %arg7[%dma_wait3A, %dma_wait3A_212, %dma_wait3A_213] : memref<5x50x128xf32, #tpu.memory_space<vmem>> -> memref<1x50x128xf32, #tpu.memory_space<vmem>>
    %dma_wait3A_215 = tpu.memref_squeeze %dma_wait3A_214 : memref<1x50x128xf32, #tpu.memory_space<vmem>> -> memref<50x128xf32, #tpu.memory_space<vmem>>
    tpu.wait_dma2 semaphore(%arg12 : memref<!tpu.dma_semaphore, #tpu.memory_space<semaphore_mem>>) src(%dma_wait3A_215 : memref<50x128xf32, #tpu.memory_space<vmem>>) dst(%dma_wait3A_211 : memref<50x128xf32, #tpu.memory_space<vmem_shared>>)
    %dma_wait3A_216 = arith.constant 0 : i32
    %dma_wait3A_217 = arith.constant 0 : i32
    %dma_wait3A_218 = arith.constant 0 : i32
    %dma_wait3A_219 = tpu.memref_slice %arg7[%dma_wait3A_216, %dma_wait3A_217, %dma_wait3A_218] : memref<5x50x128xf32, #tpu.memory_space<vmem>> -> memref<1x50x128xf32, #tpu.memory_space<vmem>>
    %dma_wait3A_220 = tpu.memref_squeeze %dma_wait3A_219 : memref<1x50x128xf32, #tpu.memory_space<vmem>> -> memref<50x128xf32, #tpu.memory_space<vmem>>
    %dma_wait3A_221 = arith.constant 0 : i32
    %dma_wait3A_222 = tpu.memref_slice %arg8[%mul3A_7, %dma_wait3A_221] : memref<10000x128xf32, #tpu.memory_space<vmem_shared>> -> memref<50x128xf32, #tpu.memory_space<vmem_shared>>
    %dma_wait3A_223 = arith.constant 0 : i32
    %dma_wait3A_224 = tpu.memref_slice %arg8[%mul3A_7, %dma_wait3A_223] : memref<10000x128xf32, #tpu.memory_space<vmem_shared>> -> memref<50x128xf32, #tpu.memory_space<vmem_shared>>
    %dma_wait3A_225 = arith.constant 0 : i32
    %dma_wait3A_226 = arith.constant 0 : i32
    %dma_wait3A_227 = tpu.memref_slice %arg7[%dma_wait3A_216, %dma_wait3A_225, %dma_wait3A_226] : memref<5x50x128xf32, #tpu.memory_space<vmem>> -> memref<1x50x128xf32, #tpu.memory_space<vmem>>
    %dma_wait3A_228 = tpu.memref_squeeze %dma_wait3A_227 : memref<1x50x128xf32, #tpu.memory_space<vmem>> -> memref<50x128xf32, #tpu.memory_space<vmem>>
    tpu.wait_dma2 semaphore(%arg12 : memref<!tpu.dma_semaphore, #tpu.memory_space<semaphore_mem>>) src(%dma_wait3A_228 : memref<50x128xf32, #tpu.memory_space<vmem>>) dst(%dma_wait3A_224 : memref<50x128xf32, #tpu.memory_space<vmem_shared>>)
    %dma_wait3A_229 = arith.constant 0 : i32
    %dma_wait3A_230 = arith.constant 0 : i32
    %dma_wait3A_231 = arith.constant 0 : i32
    %dma_wait3A_232 = tpu.memref_slice %arg7[%dma_wait3A_229, %dma_wait3A_230, %dma_wait3A_231] : memref<5x50x128xf32, #tpu.memory_space<vmem>> -> memref<1x50x128xf32, #tpu.memory_space<vmem>>
    %dma_wait3A_233 = tpu.memref_squeeze %dma_wait3A_232 : memref<1x50x128xf32, #tpu.memory_space<vmem>> -> memref<50x128xf32, #tpu.memory_space<vmem>>
    %dma_wait3A_234 = arith.constant 0 : i32
    %dma_wait3A_235 = tpu.memref_slice %arg8[%mul3A_7, %dma_wait3A_234] : memref<10000x128xf32, #tpu.memory_space<vmem_shared>> -> memref<50x128xf32, #tpu.memory_space<vmem_shared>>
    %dma_wait3A_236 = arith.constant 0 : i32
    %dma_wait3A_237 = tpu.memref_slice %arg8[%mul3A_7, %dma_wait3A_236] : memref<10000x128xf32, #tpu.memory_space<vmem_shared>> -> memref<50x128xf32, #tpu.memory_space<vmem_shared>>
    %dma_wait3A_238 = arith.constant 0 : i32
    %dma_wait3A_239 = arith.constant 0 : i32
    %dma_wait3A_240 = tpu.memref_slice %arg7[%dma_wait3A_229, %dma_wait3A_238, %dma_wait3A_239] : memref<5x50x128xf32, #tpu.memory_space<vmem>> -> memref<1x50x128xf32, #tpu.memory_space<vmem>>
    %dma_wait3A_241 = tpu.memref_squeeze %dma_wait3A_240 : memref<1x50x128xf32, #tpu.memory_space<vmem>> -> memref<50x128xf32, #tpu.memory_space<vmem>>
    tpu.wait_dma2 semaphore(%arg12 : memref<!tpu.dma_semaphore, #tpu.memory_space<semaphore_mem>>) src(%dma_wait3A_241 : memref<50x128xf32, #tpu.memory_space<vmem>>) dst(%dma_wait3A_237 : memref<50x128xf32, #tpu.memory_space<vmem_shared>>)
    %dma_wait3A_242 = arith.constant 0 : i32
    %dma_wait3A_243 = arith.constant 0 : i32
    %dma_wait3A_244 = arith.constant 0 : i32
    %dma_wait3A_245 = tpu.memref_slice %arg7[%dma_wait3A_242, %dma_wait3A_243, %dma_wait3A_244] : memref<5x50x128xf32, #tpu.memory_space<vmem>> -> memref<1x50x128xf32, #tpu.memory_space<vmem>>
    %dma_wait3A_246 = tpu.memref_squeeze %dma_wait3A_245 : memref<1x50x128xf32, #tpu.memory_space<vmem>> -> memref<50x128xf32, #tpu.memory_space<vmem>>
    %dma_wait3A_247 = arith.constant 0 : i32
    %dma_wait3A_248 = tpu.memref_slice %arg8[%mul3A_7, %dma_wait3A_247] : memref<10000x128xf32, #tpu.memory_space<vmem_shared>> -> memref<50x128xf32, #tpu.memory_space<vmem_shared>>
    %dma_wait3A_249 = arith.constant 0 : i32
    %dma_wait3A_250 = tpu.memref_slice %arg8[%mul3A_7, %dma_wait3A_249] : memref<10000x128xf32, #tpu.memory_space<vmem_shared>> -> memref<50x128xf32, #tpu.memory_space<vmem_shared>>
    %dma_wait3A_251 = arith.constant 0 : i32
    %dma_wait3A_252 = arith.constant 0 : i32
    %dma_wait3A_253 = tpu.memref_slice %arg7[%dma_wait3A_242, %dma_wait3A_251, %dma_wait3A_252] : memref<5x50x128xf32, #tpu.memory_space<vmem>> -> memref<1x50x128xf32, #tpu.memory_space<vmem>>
    %dma_wait3A_254 = tpu.memref_squeeze %dma_wait3A_253 : memref<1x50x128xf32, #tpu.memory_space<vmem>> -> memref<50x128xf32, #tpu.memory_space<vmem>>
    tpu.wait_dma2 semaphore(%arg12 : memref<!tpu.dma_semaphore, #tpu.memory_space<semaphore_mem>>) src(%dma_wait3A_254 : memref<50x128xf32, #tpu.memory_space<vmem>>) dst(%dma_wait3A_250 : memref<50x128xf32, #tpu.memory_space<vmem_shared>>)
    %dma_wait3A_255 = arith.constant 0 : i32
    %dma_wait3A_256 = arith.constant 0 : i32
    %dma_wait3A_257 = arith.constant 0 : i32
    %dma_wait3A_258 = tpu.memref_slice %arg7[%dma_wait3A_255, %dma_wait3A_256, %dma_wait3A_257] : memref<5x50x128xf32, #tpu.memory_space<vmem>> -> memref<1x50x128xf32, #tpu.memory_space<vmem>>
    %dma_wait3A_259 = tpu.memref_squeeze %dma_wait3A_258 : memref<1x50x128xf32, #tpu.memory_space<vmem>> -> memref<50x128xf32, #tpu.memory_space<vmem>>
    %dma_wait3A_260 = arith.constant 0 : i32
    %dma_wait3A_261 = tpu.memref_slice %arg8[%mul3A_7, %dma_wait3A_260] : memref<10000x128xf32, #tpu.memory_space<vmem_shared>> -> memref<50x128xf32, #tpu.memory_space<vmem_shared>>
    %dma_wait3A_262 = arith.constant 0 : i32
    %dma_wait3A_263 = tpu.memref_slice %arg8[%mul3A_7, %dma_wait3A_262] : memref<10000x128xf32, #tpu.memory_space<vmem_shared>> -> memref<50x128xf32, #tpu.memory_space<vmem_shared>>
    %dma_wait3A_264 = arith.constant 0 : i32
    %dma_wait3A_265 = arith.constant 0 : i32
    %dma_wait3A_266 = tpu.memref_slice %arg7[%dma_wait3A_255, %dma_wait3A_264, %dma_wait3A_265] : memref<5x50x128xf32, #tpu.memory_space<vmem>> -> memref<1x50x128xf32, #tpu.memory_space<vmem>>
    %dma_wait3A_267 = tpu.memref_squeeze %dma_wait3A_266 : memref<1x50x128xf32, #tpu.memory_space<vmem>> -> memref<50x128xf32, #tpu.memory_space<vmem>>
    tpu.wait_dma2 semaphore(%arg12 : memref<!tpu.dma_semaphore, #tpu.memory_space<semaphore_mem>>) src(%dma_wait3A_267 : memref<50x128xf32, #tpu.memory_space<vmem>>) dst(%dma_wait3A_263 : memref<50x128xf32, #tpu.memory_space<vmem_shared>>)
    %dma_wait3A_268 = arith.constant 0 : i32
    %dma_wait3A_269 = arith.constant 0 : i32
    %dma_wait3A_270 = arith.constant 0 : i32
    %dma_wait3A_271 = tpu.memref_slice %arg7[%dma_wait3A_268, %dma_wait3A_269, %dma_wait3A_270] : memref<5x50x128xf32, #tpu.memory_space<vmem>> -> memref<1x50x128xf32, #tpu.memory_space<vmem>>
    %dma_wait3A_272 = tpu.memref_squeeze %dma_wait3A_271 : memref<1x50x128xf32, #tpu.memory_space<vmem>> -> memref<50x128xf32, #tpu.memory_space<vmem>>
    %dma_wait3A_273 = arith.constant 0 : i32
    %dma_wait3A_274 = tpu.memref_slice %arg8[%mul3A_7, %dma_wait3A_273] : memref<10000x128xf32, #tpu.memory_space<vmem_shared>> -> memref<50x128xf32, #tpu.memory_space<vmem_shared>>
    %dma_wait3A_275 = arith.constant 0 : i32
    %dma_wait3A_276 = tpu.memref_slice %arg8[%mul3A_7, %dma_wait3A_275] : memref<10000x128xf32, #tpu.memory_space<vmem_shared>> -> memref<50x128xf32, #tpu.memory_space<vmem_shared>>
    %dma_wait3A_277 = arith.constant 0 : i32
    %dma_wait3A_278 = arith.constant 0 : i32
    %dma_wait3A_279 = tpu.memref_slice %arg7[%dma_wait3A_268, %dma_wait3A_277, %dma_wait3A_278] : memref<5x50x128xf32, #tpu.memory_space<vmem>> -> memref<1x50x128xf32, #tpu.memory_space<vmem>>
    %dma_wait3A_280 = tpu.memref_squeeze %dma_wait3A_279 : memref<1x50x128xf32, #tpu.memory_space<vmem>> -> memref<50x128xf32, #tpu.memory_space<vmem>>
    tpu.wait_dma2 semaphore(%arg12 : memref<!tpu.dma_semaphore, #tpu.memory_space<semaphore_mem>>) src(%dma_wait3A_280 : memref<50x128xf32, #tpu.memory_space<vmem>>) dst(%dma_wait3A_276 : memref<50x128xf32, #tpu.memory_space<vmem_shared>>)
    %dma_wait3A_281 = arith.constant 0 : i32
    %dma_wait3A_282 = arith.constant 0 : i32
    %dma_wait3A_283 = arith.constant 0 : i32
    %dma_wait3A_284 = tpu.memref_slice %arg7[%dma_wait3A_281, %dma_wait3A_282, %dma_wait3A_283] : memref<5x50x128xf32, #tpu.memory_space<vmem>> -> memref<1x50x128xf32, #tpu.memory_space<vmem>>
    %dma_wait3A_285 = tpu.memref_squeeze %dma_wait3A_284 : memref<1x50x128xf32, #tpu.memory_space<vmem>> -> memref<50x128xf32, #tpu.memory_space<vmem>>
    %dma_wait3A_286 = arith.constant 0 : i32
    %dma_wait3A_287 = tpu.memref_slice %arg8[%mul3A_7, %dma_wait3A_286] : memref<10000x128xf32, #tpu.memory_space<vmem_shared>> -> memref<50x128xf32, #tpu.memory_space<vmem_shared>>
    %dma_wait3A_288 = arith.constant 0 : i32
    %dma_wait3A_289 = tpu.memref_slice %arg8[%mul3A_7, %dma_wait3A_288] : memref<10000x128xf32, #tpu.memory_space<vmem_shared>> -> memref<50x128xf32, #tpu.memory_space<vmem_shared>>
    %dma_wait3A_290 = arith.constant 0 : i32
    %dma_wait3A_291 = arith.constant 0 : i32
    %dma_wait3A_292 = tpu.memref_slice %arg7[%dma_wait3A_281, %dma_wait3A_290, %dma_wait3A_291] : memref<5x50x128xf32, #tpu.memory_space<vmem>> -> memref<1x50x128xf32, #tpu.memory_space<vmem>>
    %dma_wait3A_293 = tpu.memref_squeeze %dma_wait3A_292 : memref<1x50x128xf32, #tpu.memory_space<vmem>> -> memref<50x128xf32, #tpu.memory_space<vmem>>
    tpu.wait_dma2 semaphore(%arg12 : memref<!tpu.dma_semaphore, #tpu.memory_space<semaphore_mem>>) src(%dma_wait3A_293 : memref<50x128xf32, #tpu.memory_space<vmem>>) dst(%dma_wait3A_289 : memref<50x128xf32, #tpu.memory_space<vmem_shared>>)
    %dma_wait3A_294 = arith.constant 0 : i32
    %dma_wait3A_295 = arith.constant 0 : i32
    %dma_wait3A_296 = arith.constant 0 : i32
    %dma_wait3A_297 = tpu.memref_slice %arg7[%dma_wait3A_294, %dma_wait3A_295, %dma_wait3A_296] : memref<5x50x128xf32, #tpu.memory_space<vmem>> -> memref<1x50x128xf32, #tpu.memory_space<vmem>>
    %dma_wait3A_298 = tpu.memref_squeeze %dma_wait3A_297 : memref<1x50x128xf32, #tpu.memory_space<vmem>> -> memref<50x128xf32, #tpu.memory_space<vmem>>
    %dma_wait3A_299 = arith.constant 0 : i32
    %dma_wait3A_300 = tpu.memref_slice %arg8[%mul3A_7, %dma_wait3A_299] : memref<10000x128xf32, #tpu.memory_space<vmem_shared>> -> memref<50x128xf32, #tpu.memory_space<vmem_shared>>
    %dma_wait3A_301 = arith.constant 0 : i32
    %dma_wait3A_302 = tpu.memref_slice %arg8[%mul3A_7, %dma_wait3A_301] : memref<10000x128xf32, #tpu.memory_space<vmem_shared>> -> memref<50x128xf32, #tpu.memory_space<vmem_shared>>
    %dma_wait3A_303 = arith.constant 0 : i32
    %dma_wait3A_304 = arith.constant 0 : i32
    %dma_wait3A_305 = tpu.memref_slice %arg7[%dma_wait3A_294, %dma_wait3A_303, %dma_wait3A_304] : memref<5x50x128xf32, #tpu.memory_space<vmem>> -> memref<1x50x128xf32, #tpu.memory_space<vmem>>
    %dma_wait3A_306 = tpu.memref_squeeze %dma_wait3A_305 : memref<1x50x128xf32, #tpu.memory_space<vmem>> -> memref<50x128xf32, #tpu.memory_space<vmem>>
    tpu.wait_dma2 semaphore(%arg12 : memref<!tpu.dma_semaphore, #tpu.memory_space<semaphore_mem>>) src(%dma_wait3A_306 : memref<50x128xf32, #tpu.memory_space<vmem>>) dst(%dma_wait3A_302 : memref<50x128xf32, #tpu.memory_space<vmem_shared>>)
    %dma_wait3A_307 = arith.constant 0 : i32
    %dma_wait3A_308 = arith.constant 0 : i32
    %dma_wait3A_309 = arith.constant 0 : i32
    %dma_wait3A_310 = tpu.memref_slice %arg7[%dma_wait3A_307, %dma_wait3A_308, %dma_wait3A_309] : memref<5x50x128xf32, #tpu.memory_space<vmem>> -> memref<1x50x128xf32, #tpu.memory_space<vmem>>
    %dma_wait3A_311 = tpu.memref_squeeze %dma_wait3A_310 : memref<1x50x128xf32, #tpu.memory_space<vmem>> -> memref<50x128xf32, #tpu.memory_space<vmem>>
    %dma_wait3A_312 = arith.constant 0 : i32
    %dma_wait3A_313 = tpu.memref_slice %arg8[%mul3A_7, %dma_wait3A_312] : memref<10000x128xf32, #tpu.memory_space<vmem_shared>> -> memref<50x128xf32, #tpu.memory_space<vmem_shared>>
    %dma_wait3A_314 = arith.constant 0 : i32
    %dma_wait3A_315 = tpu.memref_slice %arg8[%mul3A_7, %dma_wait3A_314] : memref<10000x128xf32, #tpu.memory_space<vmem_shared>> -> memref<50x128xf32, #tpu.memory_space<vmem_shared>>
    %dma_wait3A_316 = arith.constant 0 : i32
    %dma_wait3A_317 = arith.constant 0 : i32
    %dma_wait3A_318 = tpu.memref_slice %arg7[%dma_wait3A_307, %dma_wait3A_316, %dma_wait3A_317] : memref<5x50x128xf32, #tpu.memory_space<vmem>> -> memref<1x50x128xf32, #tpu.memory_space<vmem>>
    %dma_wait3A_319 = tpu.memref_squeeze %dma_wait3A_318 : memref<1x50x128xf32, #tpu.memory_space<vmem>> -> memref<50x128xf32, #tpu.memory_space<vmem>>
    tpu.wait_dma2 semaphore(%arg12 : memref<!tpu.dma_semaphore, #tpu.memory_space<semaphore_mem>>) src(%dma_wait3A_319 : memref<50x128xf32, #tpu.memory_space<vmem>>) dst(%dma_wait3A_315 : memref<50x128xf32, #tpu.memory_space<vmem_shared>>)
    %dma_wait3A_320 = arith.constant 0 : i32
    %dma_wait3A_321 = arith.constant 0 : i32
    %dma_wait3A_322 = arith.constant 0 : i32
    %dma_wait3A_323 = tpu.memref_slice %arg7[%dma_wait3A_320, %dma_wait3A_321, %dma_wait3A_322] : memref<5x50x128xf32, #tpu.memory_space<vmem>> -> memref<1x50x128xf32, #tpu.memory_space<vmem>>
    %dma_wait3A_324 = tpu.memref_squeeze %dma_wait3A_323 : memref<1x50x128xf32, #tpu.memory_space<vmem>> -> memref<50x128xf32, #tpu.memory_space<vmem>>
    %dma_wait3A_325 = arith.constant 0 : i32
    %dma_wait3A_326 = tpu.memref_slice %arg8[%mul3A_7, %dma_wait3A_325] : memref<10000x128xf32, #tpu.memory_space<vmem_shared>> -> memref<50x128xf32, #tpu.memory_space<vmem_shared>>
    %dma_wait3A_327 = arith.constant 0 : i32
    %dma_wait3A_328 = tpu.memref_slice %arg8[%mul3A_7, %dma_wait3A_327] : memref<10000x128xf32, #tpu.memory_space<vmem_shared>> -> memref<50x128xf32, #tpu.memory_space<vmem_shared>>
    %dma_wait3A_329 = arith.constant 0 : i32
    %dma_wait3A_330 = arith.constant 0 : i32
    %dma_wait3A_331 = tpu.memref_slice %arg7[%dma_wait3A_320, %dma_wait3A_329, %dma_wait3A_330] : memref<5x50x128xf32, #tpu.memory_space<vmem>> -> memref<1x50x128xf32, #tpu.memory_space<vmem>>
    %dma_wait3A_332 = tpu.memref_squeeze %dma_wait3A_331 : memref<1x50x128xf32, #tpu.memory_space<vmem>> -> memref<50x128xf32, #tpu.memory_space<vmem>>
    tpu.wait_dma2 semaphore(%arg12 : memref<!tpu.dma_semaphore, #tpu.memory_space<semaphore_mem>>) src(%dma_wait3A_332 : memref<50x128xf32, #tpu.memory_space<vmem>>) dst(%dma_wait3A_328 : memref<50x128xf32, #tpu.memory_space<vmem_shared>>)
    %dma_wait3A_333 = arith.constant 0 : i32
    %dma_wait3A_334 = arith.constant 0 : i32
    %dma_wait3A_335 = arith.constant 0 : i32
    %dma_wait3A_336 = tpu.memref_slice %arg7[%dma_wait3A_333, %dma_wait3A_334, %dma_wait3A_335] : memref<5x50x128xf32, #tpu.memory_space<vmem>> -> memref<1x50x128xf32, #tpu.memory_space<vmem>>
    %dma_wait3A_337 = tpu.memref_squeeze %dma_wait3A_336 : memref<1x50x128xf32, #tpu.memory_space<vmem>> -> memref<50x128xf32, #tpu.memory_space<vmem>>
    %dma_wait3A_338 = arith.constant 0 : i32
    %dma_wait3A_339 = tpu.memref_slice %arg8[%mul3A_7, %dma_wait3A_338] : memref<10000x128xf32, #tpu.memory_space<vmem_shared>> -> memref<50x128xf32, #tpu.memory_space<vmem_shared>>
    %dma_wait3A_340 = arith.constant 0 : i32
    %dma_wait3A_341 = tpu.memref_slice %arg8[%mul3A_7, %dma_wait3A_340] : memref<10000x128xf32, #tpu.memory_space<vmem_shared>> -> memref<50x128xf32, #tpu.memory_space<vmem_shared>>
    %dma_wait3A_342 = arith.constant 0 : i32
    %dma_wait3A_343 = arith.constant 0 : i32
    %dma_wait3A_344 = tpu.memref_slice %arg7[%dma_wait3A_333, %dma_wait3A_342, %dma_wait3A_343] : memref<5x50x128xf32, #tpu.memory_space<vmem>> -> memref<1x50x128xf32, #tpu.memory_space<vmem>>
    %dma_wait3A_345 = tpu.memref_squeeze %dma_wait3A_344 : memref<1x50x128xf32, #tpu.memory_space<vmem>> -> memref<50x128xf32, #tpu.memory_space<vmem>>
    tpu.wait_dma2 semaphore(%arg12 : memref<!tpu.dma_semaphore, #tpu.memory_space<semaphore_mem>>) src(%dma_wait3A_345 : memref<50x128xf32, #tpu.memory_space<vmem>>) dst(%dma_wait3A_341 : memref<50x128xf32, #tpu.memory_space<vmem_shared>>)
    %dma_wait3A_346 = arith.constant 0 : i32
    %dma_wait3A_347 = arith.constant 0 : i32
    %dma_wait3A_348 = arith.constant 0 : i32
    %dma_wait3A_349 = tpu.memref_slice %arg7[%dma_wait3A_346, %dma_wait3A_347, %dma_wait3A_348] : memref<5x50x128xf32, #tpu.memory_space<vmem>> -> memref<1x50x128xf32, #tpu.memory_space<vmem>>
    %dma_wait3A_350 = tpu.memref_squeeze %dma_wait3A_349 : memref<1x50x128xf32, #tpu.memory_space<vmem>> -> memref<50x128xf32, #tpu.memory_space<vmem>>
    %dma_wait3A_351 = arith.constant 0 : i32
    %dma_wait3A_352 = tpu.memref_slice %arg8[%mul3A_7, %dma_wait3A_351] : memref<10000x128xf32, #tpu.memory_space<vmem_shared>> -> memref<50x128xf32, #tpu.memory_space<vmem_shared>>
    %dma_wait3A_353 = arith.constant 0 : i32
    %dma_wait3A_354 = tpu.memref_slice %arg8[%mul3A_7, %dma_wait3A_353] : memref<10000x128xf32, #tpu.memory_space<vmem_shared>> -> memref<50x128xf32, #tpu.memory_space<vmem_shared>>
    %dma_wait3A_355 = arith.constant 0 : i32
    %dma_wait3A_356 = arith.constant 0 : i32
    %dma_wait3A_357 = tpu.memref_slice %arg7[%dma_wait3A_346, %dma_wait3A_355, %dma_wait3A_356] : memref<5x50x128xf32, #tpu.memory_space<vmem>> -> memref<1x50x128xf32, #tpu.memory_space<vmem>>
    %dma_wait3A_358 = tpu.memref_squeeze %dma_wait3A_357 : memref<1x50x128xf32, #tpu.memory_space<vmem>> -> memref<50x128xf32, #tpu.memory_space<vmem>>
    tpu.wait_dma2 semaphore(%arg12 : memref<!tpu.dma_semaphore, #tpu.memory_space<semaphore_mem>>) src(%dma_wait3A_358 : memref<50x128xf32, #tpu.memory_space<vmem>>) dst(%dma_wait3A_354 : memref<50x128xf32, #tpu.memory_space<vmem_shared>>)
    %dma_wait3A_359 = arith.constant 0 : i32
    %dma_wait3A_360 = arith.constant 0 : i32
    %dma_wait3A_361 = arith.constant 0 : i32
    %dma_wait3A_362 = tpu.memref_slice %arg7[%dma_wait3A_359, %dma_wait3A_360, %dma_wait3A_361] : memref<5x50x128xf32, #tpu.memory_space<vmem>> -> memref<1x24x128xf32, #tpu.memory_space<vmem>>
    %dma_wait3A_363 = tpu.memref_squeeze %dma_wait3A_362 : memref<1x24x128xf32, #tpu.memory_space<vmem>> -> memref<24x128xf32, #tpu.memory_space<vmem>>
    %dma_wait3A_364 = arith.constant 0 : i32
    %dma_wait3A_365 = tpu.memref_slice %arg8[%mul3A_7, %dma_wait3A_364] : memref<10000x128xf32, #tpu.memory_space<vmem_shared>> -> memref<24x128xf32, #tpu.memory_space<vmem_shared>>
    %dma_wait3A_366 = arith.constant 0 : i32
    %dma_wait3A_367 = tpu.memref_slice %arg8[%mul3A_7, %dma_wait3A_366] : memref<10000x128xf32, #tpu.memory_space<vmem_shared>> -> memref<24x128xf32, #tpu.memory_space<vmem_shared>>
    %dma_wait3A_368 = arith.constant 0 : i32
    %dma_wait3A_369 = arith.constant 0 : i32
    %dma_wait3A_370 = tpu.memref_slice %arg7[%dma_wait3A_359, %dma_wait3A_368, %dma_wait3A_369] : memref<5x50x128xf32, #tpu.memory_space<vmem>> -> memref<1x24x128xf32, #tpu.memory_space<vmem>>
    %dma_wait3A_371 = tpu.memref_squeeze %dma_wait3A_370 : memref<1x24x128xf32, #tpu.memory_space<vmem>> -> memref<24x128xf32, #tpu.memory_space<vmem>>
    tpu.wait_dma2 semaphore(%arg12 : memref<!tpu.dma_semaphore, #tpu.memory_space<semaphore_mem>>) src(%dma_wait3A_371 : memref<24x128xf32, #tpu.memory_space<vmem>>) dst(%dma_wait3A_367 : memref<24x128xf32, #tpu.memory_space<vmem_shared>>)
    %eq3A_372 = arith.constant 15 : i32
    %eq3A_373 = arith.cmpi eq, %arg1, %eq3A_372 : i32
    %convert_element_type3A_374 = arith.extui %eq3A_373 : i1 to i32
    %cond3A_375 = arith.constant 0 : i32
    %cond3A_376 = arith.cmpi ne, %convert_element_type3A_374, %cond3A_375 : i32
    scf.if %cond3A_376 {
      %dma_wait3A_499 = arith.constant 0 : i32
      %dma_wait3A_500 = arith.constant 0 : i32
      %dma_wait3A_501 = arith.constant 0 : i32
      %dma_wait3A_502 = tpu.memref_slice %arg7[%dma_wait3A_499, %dma_wait3A_500, %dma_wait3A_501] : memref<5x50x128xf32, #tpu.memory_space<vmem>> -> memref<1x16x128xf32, #tpu.memory_space<vmem>>
      %dma_wait3A_503 = tpu.memref_squeeze %dma_wait3A_502 : memref<1x16x128xf32, #tpu.memory_space<vmem>> -> memref<16x128xf32, #tpu.memory_space<vmem>>
      %dma_wait3A_504 = arith.constant 0 : i32
      %dma_wait3A_505 = arith.constant 0 : i32
      %dma_wait3A_506 = tpu.memref_slice %arg8[%dma_wait3A_504, %dma_wait3A_505] : memref<10000x128xf32, #tpu.memory_space<vmem_shared>> -> memref<16x128xf32, #tpu.memory_space<vmem_shared>>
      %dma_wait3A_507 = arith.constant 0 : i32
      %dma_wait3A_508 = arith.constant 0 : i32
      %dma_wait3A_509 = tpu.memref_slice %arg8[%dma_wait3A_507, %dma_wait3A_508] : memref<10000x128xf32, #tpu.memory_space<vmem_shared>> -> memref<16x128xf32, #tpu.memory_space<vmem_shared>>
      %dma_wait3A_510 = arith.constant 0 : i32
      %dma_wait3A_511 = arith.constant 0 : i32
      %dma_wait3A_512 = tpu.memref_slice %arg7[%dma_wait3A_499, %dma_wait3A_510, %dma_wait3A_511] : memref<5x50x128xf32, #tpu.memory_space<vmem>> -> memref<1x16x128xf32, #tpu.memory_space<vmem>>
      %dma_wait3A_513 = tpu.memref_squeeze %dma_wait3A_512 : memref<1x16x128xf32, #tpu.memory_space<vmem>> -> memref<16x128xf32, #tpu.memory_space<vmem>>
      tpu.wait_dma2 semaphore(%arg12 : memref<!tpu.dma_semaphore, #tpu.memory_space<semaphore_mem>>) src(%dma_wait3A_513 : memref<16x128xf32, #tpu.memory_space<vmem>>) dst(%dma_wait3A_509 : memref<16x128xf32, #tpu.memory_space<vmem_shared>>)
    } else {
    }
    %run_scoped3A = arith.constant 0 : i32
    %run_scoped3A_377 = arith.constant 0 : i32
    %run_scoped3A_378 = arith.constant 0 : i32
    "tpu.region"() ({
      %run_scoped3A_499 = tpu.sem_alloc : memref<!tpu.dma_semaphore, #tpu.memory_space<semaphore_mem>>
      %dma_start3A_500 = arith.constant 0 : i32
      %dma_start3A_501 = arith.constant 0 : i32
      %dma_start3A_502 = tpu.memref_slice %arg5[%run_scoped3A_378, %dma_start3A_500, %dma_start3A_501] : memref<2x10x50xi32, #tpu.memory_space<vmem>> -> memref<1x10x50xi32, #tpu.memory_space<vmem>>
      %dma_start3A_503 = tpu.memref_squeeze %dma_start3A_502 : memref<1x10x50xi32, #tpu.memory_space<vmem>> -> memref<10x50xi32, #tpu.memory_space<vmem>>
      %dma_start3A_504 = arith.constant 0 : i32
      %dma_start3A_505 = arith.constant 0 : i32
      %dma_start3A_506 = tpu.memref_slice %arg3[%run_scoped3A, %add3A, %run_scoped3A_377, %dma_start3A_504, %dma_start3A_505] : memref<2x32x20x10x50xi32, #tpu.memory_space<hbm>> -> memref<1x1x1x10x50xi32, #tpu.memory_space<hbm>>
      %dma_start3A_507 = tpu.memref_squeeze %dma_start3A_506 : memref<1x1x1x10x50xi32, #tpu.memory_space<hbm>> -> memref<10x50xi32, #tpu.memory_space<hbm>>
      %dma_start3A_508 = arith.constant 0 : i32
      %dma_start3A_509 = arith.constant 0 : i32
      %dma_start3A_510 = tpu.memref_slice %arg5[%run_scoped3A_378, %dma_start3A_508, %dma_start3A_509] : memref<2x10x50xi32, #tpu.memory_space<vmem>> -> memref<1x10x50xi32, #tpu.memory_space<vmem>>
      %dma_start3A_511 = tpu.memref_squeeze %dma_start3A_510 : memref<1x10x50xi32, #tpu.memory_space<vmem>> -> memref<10x50xi32, #tpu.memory_space<vmem>>
      %dma_start3A_512 = arith.constant 0 : i32
      %dma_start3A_513 = arith.constant 0 : i32
      %dma_start3A_514 = tpu.memref_slice %arg3[%run_scoped3A, %add3A, %run_scoped3A_377, %dma_start3A_512, %dma_start3A_513] : memref<2x32x20x10x50xi32, #tpu.memory_space<hbm>> -> memref<1x1x1x10x50xi32, #tpu.memory_space<hbm>>
      %dma_start3A_515 = tpu.memref_squeeze %dma_start3A_514 : memref<1x1x1x10x50xi32, #tpu.memory_space<hbm>> -> memref<10x50xi32, #tpu.memory_space<hbm>>
      tpu.enqueue_dma source(%dma_start3A_515 : memref<10x50xi32, #tpu.memory_space<hbm>>) target(%dma_start3A_511 : memref<10x50xi32, #tpu.memory_space<vmem>>) target_semaphore(%run_scoped3A_499 : memref<!tpu.dma_semaphore, #tpu.memory_space<semaphore_mem>>)
      %dma_wait3A_516 = arith.constant 0 : i32
      %dma_wait3A_517 = arith.constant 0 : i32
      %dma_wait3A_518 = tpu.memref_slice %arg5[%run_scoped3A_378, %dma_wait3A_516, %dma_wait3A_517] : memref<2x10x50xi32, #tpu.memory_space<vmem>> -> memref<1x10x50xi32, #tpu.memory_space<vmem>>
      %dma_wait3A_519 = tpu.memref_squeeze %dma_wait3A_518 : memref<1x10x50xi32, #tpu.memory_space<vmem>> -> memref<10x50xi32, #tpu.memory_space<vmem>>
      %dma_wait3A_520 = arith.constant 0 : i32
      %dma_wait3A_521 = arith.constant 0 : i32
      %dma_wait3A_522 = tpu.memref_slice %arg3[%run_scoped3A, %add3A, %run_scoped3A_377, %dma_wait3A_520, %dma_wait3A_521] : memref<2x32x20x10x50xi32, #tpu.memory_space<hbm>> -> memref<1x1x1x10x50xi32, #tpu.memory_space<hbm>>
      %dma_wait3A_523 = tpu.memref_squeeze %dma_wait3A_522 : memref<1x1x1x10x50xi32, #tpu.memory_space<hbm>> -> memref<10x50xi32, #tpu.memory_space<hbm>>
      %dma_wait3A_524 = arith.constant 0 : i32
      %dma_wait3A_525 = arith.constant 0 : i32
      %dma_wait3A_526 = tpu.memref_slice %arg5[%run_scoped3A_378, %dma_wait3A_524, %dma_wait3A_525] : memref<2x10x50xi32, #tpu.memory_space<vmem>> -> memref<1x10x50xi32, #tpu.memory_space<vmem>>
      %dma_wait3A_527 = tpu.memref_squeeze %dma_wait3A_526 : memref<1x10x50xi32, #tpu.memory_space<vmem>> -> memref<10x50xi32, #tpu.memory_space<vmem>>
      %dma_wait3A_528 = arith.constant 0 : i32
      %dma_wait3A_529 = arith.constant 0 : i32
      %dma_wait3A_530 = tpu.memref_slice %arg3[%run_scoped3A, %add3A, %run_scoped3A_377, %dma_wait3A_528, %dma_wait3A_529] : memref<2x32x20x10x50xi32, #tpu.memory_space<hbm>> -> memref<1x1x1x10x50xi32, #tpu.memory_space<hbm>>
      %dma_wait3A_531 = tpu.memref_squeeze %dma_wait3A_530 : memref<1x1x1x10x50xi32, #tpu.memory_space<hbm>> -> memref<10x50xi32, #tpu.memory_space<hbm>>
      tpu.wait_dma2 semaphore(%run_scoped3A_499 : memref<!tpu.dma_semaphore, #tpu.memory_space<semaphore_mem>>) src(%dma_wait3A_531 : memref<10x50xi32, #tpu.memory_space<hbm>>) dst(%dma_wait3A_527 : memref<10x50xi32, #tpu.memory_space<vmem>>)
      tpu.yield
    }) : () -> ()
    %run_scoped3A_379 = arith.constant 1 : i32
    %run_scoped3A_380 = arith.constant 0 : i32
    %run_scoped3A_381 = arith.constant 0 : i32
    "tpu.region"() ({
      %run_scoped3A_499 = tpu.sem_alloc : memref<!tpu.dma_semaphore, #tpu.memory_space<semaphore_mem>>
      %dma_start3A_500 = arith.constant 0 : i32
      %dma_start3A_501 = arith.constant 0 : i32
      %dma_start3A_502 = tpu.memref_slice %arg6[%run_scoped3A_381, %dma_start3A_500, %dma_start3A_501] : memref<2x10x50xi32, #tpu.memory_space<vmem>> -> memref<1x10x50xi32, #tpu.memory_space<vmem>>
      %dma_start3A_503 = tpu.memref_squeeze %dma_start3A_502 : memref<1x10x50xi32, #tpu.memory_space<vmem>> -> memref<10x50xi32, #tpu.memory_space<vmem>>
      %dma_start3A_504 = arith.constant 0 : i32
      %dma_start3A_505 = arith.constant 0 : i32
      %dma_start3A_506 = tpu.memref_slice %arg3[%run_scoped3A_379, %add3A, %run_scoped3A_380, %dma_start3A_504, %dma_start3A_505] : memref<2x32x20x10x50xi32, #tpu.memory_space<hbm>> -> memref<1x1x1x10x50xi32, #tpu.memory_space<hbm>>
      %dma_start3A_507 = tpu.memref_squeeze %dma_start3A_506 : memref<1x1x1x10x50xi32, #tpu.memory_space<hbm>> -> memref<10x50xi32, #tpu.memory_space<hbm>>
      %dma_start3A_508 = arith.constant 0 : i32
      %dma_start3A_509 = arith.constant 0 : i32
      %dma_start3A_510 = tpu.memref_slice %arg6[%run_scoped3A_381, %dma_start3A_508, %dma_start3A_509] : memref<2x10x50xi32, #tpu.memory_space<vmem>> -> memref<1x10x50xi32, #tpu.memory_space<vmem>>
      %dma_start3A_511 = tpu.memref_squeeze %dma_start3A_510 : memref<1x10x50xi32, #tpu.memory_space<vmem>> -> memref<10x50xi32, #tpu.memory_space<vmem>>
      %dma_start3A_512 = arith.constant 0 : i32
      %dma_start3A_513 = arith.constant 0 : i32
      %dma_start3A_514 = tpu.memref_slice %arg3[%run_scoped3A_379, %add3A, %run_scoped3A_380, %dma_start3A_512, %dma_start3A_513] : memref<2x32x20x10x50xi32, #tpu.memory_space<hbm>> -> memref<1x1x1x10x50xi32, #tpu.memory_space<hbm>>
      %dma_start3A_515 = tpu.memref_squeeze %dma_start3A_514 : memref<1x1x1x10x50xi32, #tpu.memory_space<hbm>> -> memref<10x50xi32, #tpu.memory_space<hbm>>
      tpu.enqueue_dma source(%dma_start3A_515 : memref<10x50xi32, #tpu.memory_space<hbm>>) target(%dma_start3A_511 : memref<10x50xi32, #tpu.memory_space<vmem>>) target_semaphore(%run_scoped3A_499 : memref<!tpu.dma_semaphore, #tpu.memory_space<semaphore_mem>>)
      %dma_wait3A_516 = arith.constant 0 : i32
      %dma_wait3A_517 = arith.constant 0 : i32
      %dma_wait3A_518 = tpu.memref_slice %arg6[%run_scoped3A_381, %dma_wait3A_516, %dma_wait3A_517] : memref<2x10x50xi32, #tpu.memory_space<vmem>> -> memref<1x10x50xi32, #tpu.memory_space<vmem>>
      %dma_wait3A_519 = tpu.memref_squeeze %dma_wait3A_518 : memref<1x10x50xi32, #tpu.memory_space<vmem>> -> memref<10x50xi32, #tpu.memory_space<vmem>>
      %dma_wait3A_520 = arith.constant 0 : i32
      %dma_wait3A_521 = arith.constant 0 : i32
      %dma_wait3A_522 = tpu.memref_slice %arg3[%run_scoped3A_379, %add3A, %run_scoped3A_380, %dma_wait3A_520, %dma_wait3A_521] : memref<2x32x20x10x50xi32, #tpu.memory_space<hbm>> -> memref<1x1x1x10x50xi32, #tpu.memory_space<hbm>>
      %dma_wait3A_523 = tpu.memref_squeeze %dma_wait3A_522 : memref<1x1x1x10x50xi32, #tpu.memory_space<hbm>> -> memref<10x50xi32, #tpu.memory_space<hbm>>
      %dma_wait3A_524 = arith.constant 0 : i32
      %dma_wait3A_525 = arith.constant 0 : i32
      %dma_wait3A_526 = tpu.memref_slice %arg6[%run_scoped3A_381, %dma_wait3A_524, %dma_wait3A_525] : memref<2x10x50xi32, #tpu.memory_space<vmem>> -> memref<1x10x50xi32, #tpu.memory_space<vmem>>
      %dma_wait3A_527 = tpu.memref_squeeze %dma_wait3A_526 : memref<1x10x50xi32, #tpu.memory_space<vmem>> -> memref<10x50xi32, #tpu.memory_space<vmem>>
      %dma_wait3A_528 = arith.constant 0 : i32
      %dma_wait3A_529 = arith.constant 0 : i32
      %dma_wait3A_530 = tpu.memref_slice %arg3[%run_scoped3A_379, %add3A, %run_scoped3A_380, %dma_wait3A_528, %dma_wait3A_529] : memref<2x32x20x10x50xi32, #tpu.memory_space<hbm>> -> memref<1x1x1x10x50xi32, #tpu.memory_space<hbm>>
      %dma_wait3A_531 = tpu.memref_squeeze %dma_wait3A_530 : memref<1x1x1x10x50xi32, #tpu.memory_space<hbm>> -> memref<10x50xi32, #tpu.memory_space<hbm>>
      tpu.wait_dma2 semaphore(%run_scoped3A_499 : memref<!tpu.dma_semaphore, #tpu.memory_space<semaphore_mem>>) src(%dma_wait3A_531 : memref<10x50xi32, #tpu.memory_space<hbm>>) dst(%dma_wait3A_527 : memref<10x50xi32, #tpu.memory_space<vmem>>)
      tpu.yield
    }) : () -> ()
    %dma_start3A_382 = arith.constant 0 : i32
    %dma_start3A_383 = arith.constant 1 : i32
    %dma_start3A_384 = arith.constant 1 : i32
    %dma_start3A_385 = arith.constant 0 : i32
    %dma_start3A_386 = arith.constant 0 : i32
    %dma_start3A_387 = tpu.memref_slice %arg5[%dma_start3A_384, %dma_start3A_385, %dma_start3A_386] : memref<2x10x50xi32, #tpu.memory_space<vmem>> -> memref<1x10x50xi32, #tpu.memory_space<vmem>>
    %dma_start3A_388 = tpu.memref_squeeze %dma_start3A_387 : memref<1x10x50xi32, #tpu.memory_space<vmem>> -> memref<10x50xi32, #tpu.memory_space<vmem>>
    %dma_start3A_389 = arith.constant 0 : i32
    %dma_start3A_390 = arith.constant 0 : i32
    %dma_start3A_391 = tpu.memref_slice %arg3[%dma_start3A_382, %add3A, %dma_start3A_383, %dma_start3A_389, %dma_start3A_390] : memref<2x32x20x10x50xi32, #tpu.memory_space<hbm>> -> memref<1x1x1x10x50xi32, #tpu.memory_space<hbm>>
    %dma_start3A_392 = tpu.memref_squeeze %dma_start3A_391 : memref<1x1x1x10x50xi32, #tpu.memory_space<hbm>> -> memref<10x50xi32, #tpu.memory_space<hbm>>
    %dma_start3A_393 = arith.constant 0 : i32
    %dma_start3A_394 = arith.constant 0 : i32
    %dma_start3A_395 = tpu.memref_slice %arg5[%dma_start3A_384, %dma_start3A_393, %dma_start3A_394] : memref<2x10x50xi32, #tpu.memory_space<vmem>> -> memref<1x10x50xi32, #tpu.memory_space<vmem>>
    %dma_start3A_396 = tpu.memref_squeeze %dma_start3A_395 : memref<1x10x50xi32, #tpu.memory_space<vmem>> -> memref<10x50xi32, #tpu.memory_space<vmem>>
    %dma_start3A_397 = arith.constant 0 : i32
    %dma_start3A_398 = arith.constant 0 : i32
    %dma_start3A_399 = tpu.memref_slice %arg3[%dma_start3A_382, %add3A, %dma_start3A_383, %dma_start3A_397, %dma_start3A_398] : memref<2x32x20x10x50xi32, #tpu.memory_space<hbm>> -> memref<1x1x1x10x50xi32, #tpu.memory_space<hbm>>
    %dma_start3A_400 = tpu.memref_squeeze %dma_start3A_399 : memref<1x1x1x10x50xi32, #tpu.memory_space<hbm>> -> memref<10x50xi32, #tpu.memory_space<hbm>>
    tpu.enqueue_dma source(%dma_start3A_400 : memref<10x50xi32, #tpu.memory_space<hbm>>) target(%dma_start3A_396 : memref<10x50xi32, #tpu.memory_space<vmem>>) target_semaphore(%arg11 : memref<!tpu.dma_semaphore, #tpu.memory_space<semaphore_mem>>)
    %dma_start3A_401 = arith.constant 1 : i32
    %dma_start3A_402 = arith.constant 1 : i32
    %dma_start3A_403 = arith.constant 1 : i32
    %dma_start3A_404 = arith.constant 0 : i32
    %dma_start3A_405 = arith.constant 0 : i32
    %dma_start3A_406 = tpu.memref_slice %arg6[%dma_start3A_403, %dma_start3A_404, %dma_start3A_405] : memref<2x10x50xi32, #tpu.memory_space<vmem>> -> memref<1x10x50xi32, #tpu.memory_space<vmem>>
    %dma_start3A_407 = tpu.memref_squeeze %dma_start3A_406 : memref<1x10x50xi32, #tpu.memory_space<vmem>> -> memref<10x50xi32, #tpu.memory_space<vmem>>
    %dma_start3A_408 = arith.constant 0 : i32
    %dma_start3A_409 = arith.constant 0 : i32
    %dma_start3A_410 = tpu.memref_slice %arg3[%dma_start3A_401, %add3A, %dma_start3A_402, %dma_start3A_408, %dma_start3A_409] : memref<2x32x20x10x50xi32, #tpu.memory_space<hbm>> -> memref<1x1x1x10x50xi32, #tpu.memory_space<hbm>>
    %dma_start3A_411 = tpu.memref_squeeze %dma_start3A_410 : memref<1x1x1x10x50xi32, #tpu.memory_space<hbm>> -> memref<10x50xi32, #tpu.memory_space<hbm>>
    %dma_start3A_412 = arith.constant 0 : i32
    %dma_start3A_413 = arith.constant 0 : i32
    %dma_start3A_414 = tpu.memref_slice %arg6[%dma_start3A_403, %dma_start3A_412, %dma_start3A_413] : memref<2x10x50xi32, #tpu.memory_space<vmem>> -> memref<1x10x50xi32, #tpu.memory_space<vmem>>
    %dma_start3A_415 = tpu.memref_squeeze %dma_start3A_414 : memref<1x10x50xi32, #tpu.memory_space<vmem>> -> memref<10x50xi32, #tpu.memory_space<vmem>>
    %dma_start3A_416 = arith.constant 0 : i32
    %dma_start3A_417 = arith.constant 0 : i32
    %dma_start3A_418 = tpu.memref_slice %arg3[%dma_start3A_401, %add3A, %dma_start3A_402, %dma_start3A_416, %dma_start3A_417] : memref<2x32x20x10x50xi32, #tpu.memory_space<hbm>> -> memref<1x1x1x10x50xi32, #tpu.memory_space<hbm>>
    %dma_start3A_419 = tpu.memref_squeeze %dma_start3A_418 : memref<1x1x1x10x50xi32, #tpu.memory_space<hbm>> -> memref<10x50xi32, #tpu.memory_space<hbm>>
    tpu.enqueue_dma source(%dma_start3A_419 : memref<10x50xi32, #tpu.memory_space<hbm>>) target(%dma_start3A_415 : memref<10x50xi32, #tpu.memory_space<vmem>>) target_semaphore(%arg11 : memref<!tpu.dma_semaphore, #tpu.memory_space<semaphore_mem>>)
    %dma_start3A_420 = arith.constant 0 : i32
    %dma_start3A_421 = arith.constant 0 : i32
    %dma_start3A_422 = arith.constant 0 : i32
    %dma_start3A_423 = arith.constant 0 : i32
    %dma_start3A_424 = arith.constant 0 : i32
    %dma_start3A_425 = tpu.memref_slice %arg7[%dma_start3A_422, %dma_start3A_423, %dma_start3A_424] : memref<5x50x128xf32, #tpu.memory_space<vmem>> -> memref<1x50x128xf32, #tpu.memory_space<vmem>>
    %dma_start3A_426 = tpu.memref_squeeze %dma_start3A_425 : memref<1x50x128xf32, #tpu.memory_space<vmem>> -> memref<50x128xf32, #tpu.memory_space<vmem>>
    %dma_start3A_427 = arith.constant 0 : i32
    %dma_start3A_428 = tpu.memref_slice %arg5[%dma_start3A_420, %dma_start3A_421, %dma_start3A_427] : memref<2x10x50xi32, #tpu.memory_space<vmem>> -> memref<1x1x50xi32, #tpu.memory_space<vmem>>
    %dma_start3A_429 = tpu.memref_squeeze %dma_start3A_428 : memref<1x1x50xi32, #tpu.memory_space<vmem>> -> memref<50xi32, #tpu.memory_space<vmem>>
    %dma_start3A_430 = arith.constant 0 : i32
    %dma_start3A_431 = arith.constant 0 : i32
    %dma_start3A_432 = tpu.memref_slice %arg2[%dma_start3A_430, %dma_start3A_431] : memref<10000x128xf32, #tpu.memory_space<hbm>> -> memref<10000x128xf32, #tpu.memory_space<hbm>>
    tpu.enqueue_indirect_dma source(%dma_start3A_432 : memref<10000x128xf32, #tpu.memory_space<hbm>>) target(%dma_start3A_426 : memref<50x128xf32, #tpu.memory_space<vmem>>) offsets(%dma_start3A_429 : memref<50xi32, #tpu.memory_space<vmem>>) semaphore(%arg9 : memref<!tpu.dma_semaphore, #tpu.memory_space<semaphore_mem>>)
    %dma_start3A_433 = arith.constant 0 : i32
    %dma_start3A_434 = arith.constant 1 : i32
    %dma_start3A_435 = arith.constant 1 : i32
    %dma_start3A_436 = arith.constant 0 : i32
    %dma_start3A_437 = arith.constant 0 : i32
    %dma_start3A_438 = tpu.memref_slice %arg7[%dma_start3A_435, %dma_start3A_436, %dma_start3A_437] : memref<5x50x128xf32, #tpu.memory_space<vmem>> -> memref<1x50x128xf32, #tpu.memory_space<vmem>>
    %dma_start3A_439 = tpu.memref_squeeze %dma_start3A_438 : memref<1x50x128xf32, #tpu.memory_space<vmem>> -> memref<50x128xf32, #tpu.memory_space<vmem>>
    %dma_start3A_440 = arith.constant 0 : i32
    %dma_start3A_441 = tpu.memref_slice %arg5[%dma_start3A_433, %dma_start3A_434, %dma_start3A_440] : memref<2x10x50xi32, #tpu.memory_space<vmem>> -> memref<1x1x50xi32, #tpu.memory_space<vmem>>
    %dma_start3A_442 = tpu.memref_squeeze %dma_start3A_441 : memref<1x1x50xi32, #tpu.memory_space<vmem>> -> memref<50xi32, #tpu.memory_space<vmem>>
    %dma_start3A_443 = arith.constant 0 : i32
    %dma_start3A_444 = arith.constant 0 : i32
    %dma_start3A_445 = tpu.memref_slice %arg2[%dma_start3A_443, %dma_start3A_444] : memref<10000x128xf32, #tpu.memory_space<hbm>> -> memref<10000x128xf32, #tpu.memory_space<hbm>>
    tpu.enqueue_indirect_dma source(%dma_start3A_445 : memref<10000x128xf32, #tpu.memory_space<hbm>>) target(%dma_start3A_439 : memref<50x128xf32, #tpu.memory_space<vmem>>) offsets(%dma_start3A_442 : memref<50xi32, #tpu.memory_space<vmem>>) semaphore(%arg9 : memref<!tpu.dma_semaphore, #tpu.memory_space<semaphore_mem>>)
    %dma_start3A_446 = arith.constant 0 : i32
    %dma_start3A_447 = arith.constant 2 : i32
    %dma_start3A_448 = arith.constant 2 : i32
    %dma_start3A_449 = arith.constant 0 : i32
    %dma_start3A_450 = arith.constant 0 : i32
    %dma_start3A_451 = tpu.memref_slice %arg7[%dma_start3A_448, %dma_start3A_449, %dma_start3A_450] : memref<5x50x128xf32, #tpu.memory_space<vmem>> -> memref<1x50x128xf32, #tpu.memory_space<vmem>>
    %dma_start3A_452 = tpu.memref_squeeze %dma_start3A_451 : memref<1x50x128xf32, #tpu.memory_space<vmem>> -> memref<50x128xf32, #tpu.memory_space<vmem>>
    %dma_start3A_453 = arith.constant 0 : i32
    %dma_start3A_454 = tpu.memref_slice %arg5[%dma_start3A_446, %dma_start3A_447, %dma_start3A_453] : memref<2x10x50xi32, #tpu.memory_space<vmem>> -> memref<1x1x50xi32, #tpu.memory_space<vmem>>
    %dma_start3A_455 = tpu.memref_squeeze %dma_start3A_454 : memref<1x1x50xi32, #tpu.memory_space<vmem>> -> memref<50xi32, #tpu.memory_space<vmem>>
    %dma_start3A_456 = arith.constant 0 : i32
    %dma_start3A_457 = arith.constant 0 : i32
    %dma_start3A_458 = tpu.memref_slice %arg2[%dma_start3A_456, %dma_start3A_457] : memref<10000x128xf32, #tpu.memory_space<hbm>> -> memref<10000x128xf32, #tpu.memory_space<hbm>>
    tpu.enqueue_indirect_dma source(%dma_start3A_458 : memref<10000x128xf32, #tpu.memory_space<hbm>>) target(%dma_start3A_452 : memref<50x128xf32, #tpu.memory_space<vmem>>) offsets(%dma_start3A_455 : memref<50xi32, #tpu.memory_space<vmem>>) semaphore(%arg9 : memref<!tpu.dma_semaphore, #tpu.memory_space<semaphore_mem>>)
    %dma_start3A_459 = arith.constant 0 : i32
    %dma_start3A_460 = arith.constant 3 : i32
    %dma_start3A_461 = arith.constant 3 : i32
    %dma_start3A_462 = arith.constant 0 : i32
    %dma_start3A_463 = arith.constant 0 : i32
    %dma_start3A_464 = tpu.memref_slice %arg7[%dma_start3A_461, %dma_start3A_462, %dma_start3A_463] : memref<5x50x128xf32, #tpu.memory_space<vmem>> -> memref<1x50x128xf32, #tpu.memory_space<vmem>>
    %dma_start3A_465 = tpu.memref_squeeze %dma_start3A_464 : memref<1x50x128xf32, #tpu.memory_space<vmem>> -> memref<50x128xf32, #tpu.memory_space<vmem>>
    %dma_start3A_466 = arith.constant 0 : i32
    %dma_start3A_467 = tpu.memref_slice %arg5[%dma_start3A_459, %dma_start3A_460, %dma_start3A_466] : memref<2x10x50xi32, #tpu.memory_space<vmem>> -> memref<1x1x50xi32, #tpu.memory_space<vmem>>
    %dma_start3A_468 = tpu.memref_squeeze %dma_start3A_467 : memref<1x1x50xi32, #tpu.memory_space<vmem>> -> memref<50xi32, #tpu.memory_space<vmem>>
    %dma_start3A_469 = arith.constant 0 : i32
    %dma_start3A_470 = arith.constant 0 : i32
    %dma_start3A_471 = tpu.memref_slice %arg2[%dma_start3A_469, %dma_start3A_470] : memref<10000x128xf32, #tpu.memory_space<hbm>> -> memref<10000x128xf32, #tpu.memory_space<hbm>>
    tpu.enqueue_indirect_dma source(%dma_start3A_471 : memref<10000x128xf32, #tpu.memory_space<hbm>>) target(%dma_start3A_465 : memref<50x128xf32, #tpu.memory_space<vmem>>) offsets(%dma_start3A_468 : memref<50xi32, #tpu.memory_space<vmem>>) semaphore(%arg9 : memref<!tpu.dma_semaphore, #tpu.memory_space<semaphore_mem>>)
    %barrier3A = arith.constant 0 : index
    tpu.barrier barrier_id(%barrier3A)
    %scan3A_472 = arith.constant 0 : i32
    %scan3A_473 = arith.constant 0 : i32
    %scan3A_474 = arith.constant 200 : i32
    %scan3A_475 = arith.addi %scan3A_473, %scan3A_474 : i32
    %scan3A_476 = arith.constant 1 : i32
    scf.for %scan3A_499 = %scan3A_473 to %scan3A_475 step %scan3A_476  : i32 {
      %jit3A = arith.constant 5 : i32
      %eq3A_500 = arith.constant 0 : i32
      %eq3A_501 = arith.cmpi eq, %jit3A, %eq3A_500 : i32
      %jit3A_502 = arith.constant 1 : i32
      %select_n3A = arith.select %eq3A_501, %jit3A_502, %jit3A : i32
      %rem3A = arith.remsi %scan3A_499, %select_n3A : i32
      %ne3A = arith.constant 0 : i32
      %ne3A_503 = arith.cmpi ne, %rem3A, %ne3A : i32
      %lt3A = arith.constant 0 : i32
      %lt3A_504 = arith.cmpi slt, %rem3A, %lt3A : i32
      %lt3A_505 = arith.constant 0 : i32
      %lt3A_506 = arith.cmpi slt, %select_n3A, %lt3A_505 : i32
      %ne3A_507 = arith.xori %lt3A_504, %lt3A_506 : i1
      %and3A = arith.andi %ne3A_507, %ne3A_503 : i1
      %add3A_508 = arith.addi %rem3A, %select_n3A : i32
      %select_n3A_509 = arith.select %and3A, %add3A_508, %rem3A : i32
      %jit3A_510 = arith.constant 10 : i32
      %div3A = arith.divsi %scan3A_499, %jit3A_510 : i32
      %sign3A = arith.constant 0 : i32
      %sign3A_511 = arith.cmpi sgt, %scan3A_499, %sign3A : i32
      %sign3A_512 = arith.extui %sign3A_511 : i1 to i32
      %sign3A_513 = arith.constant 0 : i32
      %sign3A_514 = arith.cmpi slt, %scan3A_499, %sign3A_513 : i32
      %sign3A_515 = arith.extui %sign3A_514 : i1 to i32
      %sign3A_516 = arith.subi %sign3A_512, %sign3A_515 : i32
      %sign3A_517 = arith.constant 0 : i32
      %sign3A_518 = arith.cmpi sgt, %jit3A_510, %sign3A_517 : i32
      %sign3A_519 = arith.extui %sign3A_518 : i1 to i32
      %sign3A_520 = arith.constant 0 : i32
      %sign3A_521 = arith.cmpi slt, %jit3A_510, %sign3A_520 : i32
      %sign3A_522 = arith.extui %sign3A_521 : i1 to i32
      %sign3A_523 = arith.subi %sign3A_519, %sign3A_522 : i32
      %ne3A_524 = arith.cmpi ne, %sign3A_516, %sign3A_523 : i32
      %rem3A_525 = arith.remsi %scan3A_499, %jit3A_510 : i32
      %ne3A_526 = arith.constant 0 : i32
      %ne3A_527 = arith.cmpi ne, %rem3A_525, %ne3A_526 : i32
      %and3A_528 = arith.andi %ne3A_524, %ne3A_527 : i1
      %sub3A = arith.constant 1 : i32
      %sub3A_529 = arith.subi %div3A, %sub3A : i32
      %select_n3A_530 = arith.select %and3A_528, %sub3A_529, %div3A : i32
      %jit3A_531 = arith.constant 2 : i32
      %eq3A_532 = arith.constant 0 : i32
      %eq3A_533 = arith.cmpi eq, %jit3A_531, %eq3A_532 : i32
      %jit3A_534 = arith.constant 1 : i32
      %select_n3A_535 = arith.select %eq3A_533, %jit3A_534, %jit3A_531 : i32
      %rem3A_536 = arith.remsi %select_n3A_530, %select_n3A_535 : i32
      %ne3A_537 = arith.constant 0 : i32
      %ne3A_538 = arith.cmpi ne, %rem3A_536, %ne3A_537 : i32
      %lt3A_539 = arith.constant 0 : i32
      %lt3A_540 = arith.cmpi slt, %rem3A_536, %lt3A_539 : i32
      %lt3A_541 = arith.constant 0 : i32
      %lt3A_542 = arith.cmpi slt, %select_n3A_535, %lt3A_541 : i32
      %ne3A_543 = arith.xori %lt3A_540, %lt3A_542 : i1
      %and3A_544 = arith.andi %ne3A_543, %ne3A_538 : i1
      %add3A_545 = arith.addi %rem3A_536, %select_n3A_535 : i32
      %select_n3A_546 = arith.select %and3A_544, %add3A_545, %rem3A_536 : i32
      %jit3A_547 = arith.constant 10 : i32
      %eq3A_548 = arith.constant 0 : i32
      %eq3A_549 = arith.cmpi eq, %jit3A_547, %eq3A_548 : i32
      %jit3A_550 = arith.constant 1 : i32
      %select_n3A_551 = arith.select %eq3A_549, %jit3A_550, %jit3A_547 : i32
      %rem3A_552 = arith.remsi %scan3A_499, %select_n3A_551 : i32
      %ne3A_553 = arith.constant 0 : i32
      %ne3A_554 = arith.cmpi ne, %rem3A_552, %ne3A_553 : i32
      %lt3A_555 = arith.constant 0 : i32
      %lt3A_556 = arith.cmpi slt, %rem3A_552, %lt3A_555 : i32
      %lt3A_557 = arith.constant 0 : i32
      %lt3A_558 = arith.cmpi slt, %select_n3A_551, %lt3A_557 : i32
      %ne3A_559 = arith.xori %lt3A_556, %lt3A_558 : i1
      %and3A_560 = arith.andi %ne3A_559, %ne3A_554 : i1
      %add3A_561 = arith.addi %rem3A_552, %select_n3A_551 : i32
      %select_n3A_562 = arith.select %and3A_560, %add3A_561, %rem3A_552 : i32
      %dma_wait3A_563 = arith.constant 0 : i32
      %dma_wait3A_564 = arith.constant 0 : i32
      %dma_wait3A_565 = tpu.memref_slice %arg7[%select_n3A_509, %dma_wait3A_563, %dma_wait3A_564] : memref<5x50x128xf32, #tpu.memory_space<vmem>> -> memref<1x50x128xf32, #tpu.memory_space<vmem>>
      %dma_wait3A_566 = tpu.memref_squeeze %dma_wait3A_565 : memref<1x50x128xf32, #tpu.memory_space<vmem>> -> memref<50x128xf32, #tpu.memory_space<vmem>>
      %dma_wait3A_567 = arith.constant 0 : i32
      %dma_wait3A_568 = tpu.memref_slice %arg5[%select_n3A_546, %select_n3A_562, %dma_wait3A_567] : memref<2x10x50xi32, #tpu.memory_space<vmem>> -> memref<1x1x50xi32, #tpu.memory_space<vmem>>
      %dma_wait3A_569 = tpu.memref_squeeze %dma_wait3A_568 : memref<1x1x50xi32, #tpu.memory_space<vmem>> -> memref<50xi32, #tpu.memory_space<vmem>>
      %dma_wait3A_570 = arith.constant 0 : i32
      %dma_wait3A_571 = arith.constant 0 : i32
      %dma_wait3A_572 = tpu.memref_slice %arg2[%dma_wait3A_570, %dma_wait3A_571] : memref<10000x128xf32, #tpu.memory_space<hbm>> -> memref<10000x128xf32, #tpu.memory_space<hbm>>
      tpu.wait_indirect_dma semaphore(%arg9 : memref<!tpu.dma_semaphore, #tpu.memory_space<semaphore_mem>>) src(%dma_wait3A_572 : memref<10000x128xf32, #tpu.memory_space<hbm>>) dst(%dma_wait3A_566 : memref<50x128xf32, #tpu.memory_space<vmem>>)
      %ge3A = arith.constant 1 : i32
      %ge3A_573 = arith.cmpi sge, %scan3A_499, %ge3A : i32
      %convert_element_type3A_574 = arith.extui %ge3A_573 : i1 to i32
      %cond3A_575 = arith.constant 0 : i32
      %cond3A_576 = arith.cmpi ne, %convert_element_type3A_574, %cond3A_575 : i32
      scf.if %cond3A_576 {
        %sub3A_657 = arith.constant 1 : i32
        %sub3A_658 = arith.subi %scan3A_499, %sub3A_657 : i32
        %jit3A_659 = arith.constant 10 : i32
        %div3A_660 = arith.divsi %sub3A_658, %jit3A_659 : i32
        %sign3A_661 = arith.constant 0 : i32
        %sign3A_662 = arith.cmpi sgt, %sub3A_658, %sign3A_661 : i32
        %sign3A_663 = arith.extui %sign3A_662 : i1 to i32
        %sign3A_664 = arith.constant 0 : i32
        %sign3A_665 = arith.cmpi slt, %sub3A_658, %sign3A_664 : i32
        %sign3A_666 = arith.extui %sign3A_665 : i1 to i32
        %sign3A_667 = arith.subi %sign3A_663, %sign3A_666 : i32
        %sign3A_668 = arith.constant 0 : i32
        %sign3A_669 = arith.cmpi sgt, %jit3A_659, %sign3A_668 : i32
        %sign3A_670 = arith.extui %sign3A_669 : i1 to i32
        %sign3A_671 = arith.constant 0 : i32
        %sign3A_672 = arith.cmpi slt, %jit3A_659, %sign3A_671 : i32
        %sign3A_673 = arith.extui %sign3A_672 : i1 to i32
        %sign3A_674 = arith.subi %sign3A_670, %sign3A_673 : i32
        %ne3A_675 = arith.cmpi ne, %sign3A_667, %sign3A_674 : i32
        %rem3A_676 = arith.remsi %sub3A_658, %jit3A_659 : i32
        %ne3A_677 = arith.constant 0 : i32
        %ne3A_678 = arith.cmpi ne, %rem3A_676, %ne3A_677 : i32
        %and3A_679 = arith.andi %ne3A_675, %ne3A_678 : i1
        %sub3A_680 = arith.constant 1 : i32
        %sub3A_681 = arith.subi %div3A_660, %sub3A_680 : i32
        %select_n3A_682 = arith.select %and3A_679, %sub3A_681, %div3A_660 : i32
        %sub3A_683 = arith.constant 1 : i32
        %sub3A_684 = arith.subi %scan3A_499, %sub3A_683 : i32
        %jit3A_685 = arith.constant 5 : i32
        %eq3A_686 = arith.constant 0 : i32
        %eq3A_687 = arith.cmpi eq, %jit3A_685, %eq3A_686 : i32
        %jit3A_688 = arith.constant 1 : i32
        %select_n3A_689 = arith.select %eq3A_687, %jit3A_688, %jit3A_685 : i32
        %rem3A_690 = arith.remsi %sub3A_684, %select_n3A_689 : i32
        %ne3A_691 = arith.constant 0 : i32
        %ne3A_692 = arith.cmpi ne, %rem3A_690, %ne3A_691 : i32
        %lt3A_693 = arith.constant 0 : i32
        %lt3A_694 = arith.cmpi slt, %rem3A_690, %lt3A_693 : i32
        %lt3A_695 = arith.constant 0 : i32
        %lt3A_696 = arith.cmpi slt, %select_n3A_689, %lt3A_695 : i32
        %ne3A_697 = arith.xori %lt3A_694, %lt3A_696 : i1
        %and3A_698 = arith.andi %ne3A_697, %ne3A_692 : i1
        %add3A_699 = arith.addi %rem3A_690, %select_n3A_689 : i32
        %select_n3A_700 = arith.select %and3A_698, %add3A_699, %rem3A_690 : i32
        %jit3A_701 = arith.constant 2 : i32
        %eq3A_702 = arith.constant 0 : i32
        %eq3A_703 = arith.cmpi eq, %jit3A_701, %eq3A_702 : i32
        %jit3A_704 = arith.constant 1 : i32
        %select_n3A_705 = arith.select %eq3A_703, %jit3A_704, %jit3A_701 : i32
        %rem3A_706 = arith.remsi %select_n3A_682, %select_n3A_705 : i32
        %ne3A_707 = arith.constant 0 : i32
        %ne3A_708 = arith.cmpi ne, %rem3A_706, %ne3A_707 : i32
        %lt3A_709 = arith.constant 0 : i32
        %lt3A_710 = arith.cmpi slt, %rem3A_706, %lt3A_709 : i32
        %lt3A_711 = arith.constant 0 : i32
        %lt3A_712 = arith.cmpi slt, %select_n3A_705, %lt3A_711 : i32
        %ne3A_713 = arith.xori %lt3A_710, %lt3A_712 : i1
        %and3A_714 = arith.andi %ne3A_713, %ne3A_708 : i1
        %add3A_715 = arith.addi %rem3A_706, %select_n3A_705 : i32
        %select_n3A_716 = arith.select %and3A_714, %add3A_715, %rem3A_706 : i32
        %sub3A_717 = arith.constant 1 : i32
        %sub3A_718 = arith.subi %scan3A_499, %sub3A_717 : i32
        %jit3A_719 = arith.constant 10 : i32
        %eq3A_720 = arith.constant 0 : i32
        %eq3A_721 = arith.cmpi eq, %jit3A_719, %eq3A_720 : i32
        %jit3A_722 = arith.constant 1 : i32
        %select_n3A_723 = arith.select %eq3A_721, %jit3A_722, %jit3A_719 : i32
        %rem3A_724 = arith.remsi %sub3A_718, %select_n3A_723 : i32
        %ne3A_725 = arith.constant 0 : i32
        %ne3A_726 = arith.cmpi ne, %rem3A_724, %ne3A_725 : i32
        %lt3A_727 = arith.constant 0 : i32
        %lt3A_728 = arith.cmpi slt, %rem3A_724, %lt3A_727 : i32
        %lt3A_729 = arith.constant 0 : i32
        %lt3A_730 = arith.cmpi slt, %select_n3A_723, %lt3A_729 : i32
        %ne3A_731 = arith.xori %lt3A_728, %lt3A_730 : i1
        %and3A_732 = arith.andi %ne3A_731, %ne3A_726 : i1
        %add3A_733 = arith.addi %rem3A_724, %select_n3A_723 : i32
        %select_n3A_734 = arith.select %and3A_732, %add3A_733, %rem3A_724 : i32
        %dma_wait3A_735 = arith.constant 0 : i32
        %dma_wait3A_736 = arith.constant 0 : i32
        %dma_wait3A_737 = tpu.memref_slice %arg7[%select_n3A_700, %dma_wait3A_735, %dma_wait3A_736] : memref<5x50x128xf32, #tpu.memory_space<vmem>> -> memref<1x50x128xf32, #tpu.memory_space<vmem>>
        %dma_wait3A_738 = tpu.memref_squeeze %dma_wait3A_737 : memref<1x50x128xf32, #tpu.memory_space<vmem>> -> memref<50x128xf32, #tpu.memory_space<vmem>>
        %dma_wait3A_739 = arith.constant 0 : i32
        %dma_wait3A_740 = tpu.memref_slice %arg6[%select_n3A_716, %select_n3A_734, %dma_wait3A_739] : memref<2x10x50xi32, #tpu.memory_space<vmem>> -> memref<1x1x50xi32, #tpu.memory_space<vmem>>
        %dma_wait3A_741 = tpu.memref_squeeze %dma_wait3A_740 : memref<1x1x50xi32, #tpu.memory_space<vmem>> -> memref<50xi32, #tpu.memory_space<vmem>>
        %dma_wait3A_742 = arith.constant 0 : i32
        %dma_wait3A_743 = arith.constant 0 : i32
        %dma_wait3A_744 = tpu.memref_slice %arg8[%dma_wait3A_742, %dma_wait3A_743] : memref<10000x128xf32, #tpu.memory_space<vmem_shared>> -> memref<10000x128xf32, #tpu.memory_space<vmem_shared>>
        tpu.wait_indirect_dma semaphore(%arg10 : memref<!tpu.dma_semaphore, #tpu.memory_space<semaphore_mem>>) src(%dma_wait3A_738 : memref<50x128xf32, #tpu.memory_space<vmem>>) dst(%dma_wait3A_744 : memref<10000x128xf32, #tpu.memory_space<vmem_shared>>)
      } else {
      }
      %jit3A_577 = arith.constant 10 : i32
      %eq3A_578 = arith.constant 0 : i32
      %eq3A_579 = arith.cmpi eq, %jit3A_577, %eq3A_578 : i32
      %jit3A_580 = arith.constant 1 : i32
      %select_n3A_581 = arith.select %eq3A_579, %jit3A_580, %jit3A_577 : i32
      %rem3A_582 = arith.remsi %scan3A_499, %select_n3A_581 : i32
      %ne3A_583 = arith.constant 0 : i32
      %ne3A_584 = arith.cmpi ne, %rem3A_582, %ne3A_583 : i32
      %lt3A_585 = arith.constant 0 : i32
      %lt3A_586 = arith.cmpi slt, %rem3A_582, %lt3A_585 : i32
      %lt3A_587 = arith.constant 0 : i32
      %lt3A_588 = arith.cmpi slt, %select_n3A_581, %lt3A_587 : i32
      %ne3A_589 = arith.xori %lt3A_586, %lt3A_588 : i1
      %and3A_590 = arith.andi %ne3A_589, %ne3A_584 : i1
      %add3A_591 = arith.addi %rem3A_582, %select_n3A_581 : i32
      %select_n3A_592 = arith.select %and3A_590, %add3A_591, %rem3A_582 : i32
      %eq3A_593 = arith.constant 4 : i32
      %eq3A_594 = arith.cmpi eq, %select_n3A_592, %eq3A_593 : i32
      %ge3A_595 = arith.constant 1 : i32
      %ge3A_596 = arith.cmpi sge, %select_n3A_530, %ge3A_595 : i32
      %add3A_597 = arith.constant 1 : i32
      %add3A_598 = arith.addi %select_n3A_530, %add3A_597 : i32
      %lt3A_599 = arith.constant 20 : i32
      %lt3A_600 = arith.cmpi slt, %add3A_598, %lt3A_599 : i32
      %and3A_601 = arith.andi %ge3A_596, %lt3A_600 : i1
      %and3A_602 = arith.andi %eq3A_594, %and3A_601 : i1
      %convert_element_type3A_603 = arith.extui %and3A_602 : i1 to i32
      %cond3A_604 = arith.constant 0 : i32
      %cond3A_605 = arith.cmpi ne, %convert_element_type3A_603, %cond3A_604 : i32
      scf.if %cond3A_605 {
        %add3A_657 = arith.constant 1 : i32
        %add3A_658 = arith.addi %select_n3A_530, %add3A_657 : i32
        %add3A_659 = arith.constant 1 : i32
        %add3A_660 = arith.addi %select_n3A_530, %add3A_659 : i32
        %jit3A_661 = arith.constant 2 : i32
        %eq3A_662 = arith.constant 0 : i32
        %eq3A_663 = arith.cmpi eq, %jit3A_661, %eq3A_662 : i32
        %jit3A_664 = arith.constant 1 : i32
        %select_n3A_665 = arith.select %eq3A_663, %jit3A_664, %jit3A_661 : i32
        %rem3A_666 = arith.remsi %add3A_660, %select_n3A_665 : i32
        %ne3A_667 = arith.constant 0 : i32
        %ne3A_668 = arith.cmpi ne, %rem3A_666, %ne3A_667 : i32
        %lt3A_669 = arith.constant 0 : i32
        %lt3A_670 = arith.cmpi slt, %rem3A_666, %lt3A_669 : i32
        %lt3A_671 = arith.constant 0 : i32
        %lt3A_672 = arith.cmpi slt, %select_n3A_665, %lt3A_671 : i32
        %ne3A_673 = arith.xori %lt3A_670, %lt3A_672 : i1
        %and3A_674 = arith.andi %ne3A_673, %ne3A_668 : i1
        %add3A_675 = arith.addi %rem3A_666, %select_n3A_665 : i32
        %select_n3A_676 = arith.select %and3A_674, %add3A_675, %rem3A_666 : i32
        %dma_start3A_677 = arith.constant 0 : i32
        %dma_start3A_678 = arith.constant 0 : i32
        %dma_start3A_679 = arith.constant 0 : i32
        %dma_start3A_680 = tpu.memref_slice %arg5[%select_n3A_676, %dma_start3A_678, %dma_start3A_679] : memref<2x10x50xi32, #tpu.memory_space<vmem>> -> memref<1x10x50xi32, #tpu.memory_space<vmem>>
        %dma_start3A_681 = tpu.memref_squeeze %dma_start3A_680 : memref<1x10x50xi32, #tpu.memory_space<vmem>> -> memref<10x50xi32, #tpu.memory_space<vmem>>
        %dma_start3A_682 = arith.constant 0 : i32
        %dma_start3A_683 = arith.constant 0 : i32
        %dma_start3A_684 = tpu.memref_slice %arg3[%dma_start3A_677, %add3A, %add3A_658, %dma_start3A_682, %dma_start3A_683] : memref<2x32x20x10x50xi32, #tpu.memory_space<hbm>> -> memref<1x1x1x10x50xi32, #tpu.memory_space<hbm>>
        %dma_start3A_685 = tpu.memref_squeeze %dma_start3A_684 : memref<1x1x1x10x50xi32, #tpu.memory_space<hbm>> -> memref<10x50xi32, #tpu.memory_space<hbm>>
        %dma_start3A_686 = arith.constant 0 : i32
        %dma_start3A_687 = arith.constant 0 : i32
        %dma_start3A_688 = tpu.memref_slice %arg5[%select_n3A_676, %dma_start3A_686, %dma_start3A_687] : memref<2x10x50xi32, #tpu.memory_space<vmem>> -> memref<1x10x50xi32, #tpu.memory_space<vmem>>
        %dma_start3A_689 = tpu.memref_squeeze %dma_start3A_688 : memref<1x10x50xi32, #tpu.memory_space<vmem>> -> memref<10x50xi32, #tpu.memory_space<vmem>>
        %dma_start3A_690 = arith.constant 0 : i32
        %dma_start3A_691 = arith.constant 0 : i32
        %dma_start3A_692 = tpu.memref_slice %arg3[%dma_start3A_677, %add3A, %add3A_658, %dma_start3A_690, %dma_start3A_691] : memref<2x32x20x10x50xi32, #tpu.memory_space<hbm>> -> memref<1x1x1x10x50xi32, #tpu.memory_space<hbm>>
        %dma_start3A_693 = tpu.memref_squeeze %dma_start3A_692 : memref<1x1x1x10x50xi32, #tpu.memory_space<hbm>> -> memref<10x50xi32, #tpu.memory_space<hbm>>
        tpu.enqueue_dma source(%dma_start3A_693 : memref<10x50xi32, #tpu.memory_space<hbm>>) target(%dma_start3A_689 : memref<10x50xi32, #tpu.memory_space<vmem>>) target_semaphore(%arg11 : memref<!tpu.dma_semaphore, #tpu.memory_space<semaphore_mem>>)
        %add3A_694 = arith.constant 1 : i32
        %add3A_695 = arith.addi %select_n3A_530, %add3A_694 : i32
        %add3A_696 = arith.constant 1 : i32
        %add3A_697 = arith.addi %select_n3A_530, %add3A_696 : i32
        %jit3A_698 = arith.constant 2 : i32
        %eq3A_699 = arith.constant 0 : i32
        %eq3A_700 = arith.cmpi eq, %jit3A_698, %eq3A_699 : i32
        %jit3A_701 = arith.constant 1 : i32
        %select_n3A_702 = arith.select %eq3A_700, %jit3A_701, %jit3A_698 : i32
        %rem3A_703 = arith.remsi %add3A_697, %select_n3A_702 : i32
        %ne3A_704 = arith.constant 0 : i32
        %ne3A_705 = arith.cmpi ne, %rem3A_703, %ne3A_704 : i32
        %lt3A_706 = arith.constant 0 : i32
        %lt3A_707 = arith.cmpi slt, %rem3A_703, %lt3A_706 : i32
        %lt3A_708 = arith.constant 0 : i32
        %lt3A_709 = arith.cmpi slt, %select_n3A_702, %lt3A_708 : i32
        %ne3A_710 = arith.xori %lt3A_707, %lt3A_709 : i1
        %and3A_711 = arith.andi %ne3A_710, %ne3A_705 : i1
        %add3A_712 = arith.addi %rem3A_703, %select_n3A_702 : i32
        %select_n3A_713 = arith.select %and3A_711, %add3A_712, %rem3A_703 : i32
        %dma_start3A_714 = arith.constant 1 : i32
        %dma_start3A_715 = arith.constant 0 : i32
        %dma_start3A_716 = arith.constant 0 : i32
        %dma_start3A_717 = tpu.memref_slice %arg6[%select_n3A_713, %dma_start3A_715, %dma_start3A_716] : memref<2x10x50xi32, #tpu.memory_space<vmem>> -> memref<1x10x50xi32, #tpu.memory_space<vmem>>
        %dma_start3A_718 = tpu.memref_squeeze %dma_start3A_717 : memref<1x10x50xi32, #tpu.memory_space<vmem>> -> memref<10x50xi32, #tpu.memory_space<vmem>>
        %dma_start3A_719 = arith.constant 0 : i32
        %dma_start3A_720 = arith.constant 0 : i32
        %dma_start3A_721 = tpu.memref_slice %arg3[%dma_start3A_714, %add3A, %add3A_695, %dma_start3A_719, %dma_start3A_720] : memref<2x32x20x10x50xi32, #tpu.memory_space<hbm>> -> memref<1x1x1x10x50xi32, #tpu.memory_space<hbm>>
        %dma_start3A_722 = tpu.memref_squeeze %dma_start3A_721 : memref<1x1x1x10x50xi32, #tpu.memory_space<hbm>> -> memref<10x50xi32, #tpu.memory_space<hbm>>
        %dma_start3A_723 = arith.constant 0 : i32
        %dma_start3A_724 = arith.constant 0 : i32
        %dma_start3A_725 = tpu.memref_slice %arg6[%select_n3A_713, %dma_start3A_723, %dma_start3A_724] : memref<2x10x50xi32, #tpu.memory_space<vmem>> -> memref<1x10x50xi32, #tpu.memory_space<vmem>>
        %dma_start3A_726 = tpu.memref_squeeze %dma_start3A_725 : memref<1x10x50xi32, #tpu.memory_space<vmem>> -> memref<10x50xi32, #tpu.memory_space<vmem>>
        %dma_start3A_727 = arith.constant 0 : i32
        %dma_start3A_728 = arith.constant 0 : i32
        %dma_start3A_729 = tpu.memref_slice %arg3[%dma_start3A_714, %add3A, %add3A_695, %dma_start3A_727, %dma_start3A_728] : memref<2x32x20x10x50xi32, #tpu.memory_space<hbm>> -> memref<1x1x1x10x50xi32, #tpu.memory_space<hbm>>
        %dma_start3A_730 = tpu.memref_squeeze %dma_start3A_729 : memref<1x1x1x10x50xi32, #tpu.memory_space<hbm>> -> memref<10x50xi32, #tpu.memory_space<hbm>>
        tpu.enqueue_dma source(%dma_start3A_730 : memref<10x50xi32, #tpu.memory_space<hbm>>) target(%dma_start3A_726 : memref<10x50xi32, #tpu.memory_space<vmem>>) target_semaphore(%arg11 : memref<!tpu.dma_semaphore, #tpu.memory_space<semaphore_mem>>)
      } else {
      }
      %add3A_606 = arith.constant 5 : i32
      %add3A_607 = arith.addi %scan3A_499, %add3A_606 : i32
      %sub3A_608 = arith.constant 1 : i32
      %sub3A_609 = arith.subi %add3A_607, %sub3A_608 : i32
      %lt3A_610 = arith.constant 200 : i32
      %lt3A_611 = arith.cmpi slt, %sub3A_609, %lt3A_610 : i32
      %convert_element_type3A_612 = arith.extui %lt3A_611 : i1 to i32
      %cond3A_613 = arith.constant 0 : i32
      %cond3A_614 = arith.cmpi ne, %convert_element_type3A_612, %cond3A_613 : i32
      scf.if %cond3A_614 {
        %add3A_657 = arith.constant 5 : i32
        %add3A_658 = arith.addi %scan3A_499, %add3A_657 : i32
        %sub3A_659 = arith.constant 1 : i32
        %sub3A_660 = arith.subi %add3A_658, %sub3A_659 : i32
        %jit3A_661 = arith.constant 10 : i32
        %div3A_662 = arith.divsi %sub3A_660, %jit3A_661 : i32
        %sign3A_663 = arith.constant 0 : i32
        %sign3A_664 = arith.cmpi sgt, %sub3A_660, %sign3A_663 : i32
        %sign3A_665 = arith.extui %sign3A_664 : i1 to i32
        %sign3A_666 = arith.constant 0 : i32
        %sign3A_667 = arith.cmpi slt, %sub3A_660, %sign3A_666 : i32
        %sign3A_668 = arith.extui %sign3A_667 : i1 to i32
        %sign3A_669 = arith.subi %sign3A_665, %sign3A_668 : i32
        %sign3A_670 = arith.constant 0 : i32
        %sign3A_671 = arith.cmpi sgt, %jit3A_661, %sign3A_670 : i32
        %sign3A_672 = arith.extui %sign3A_671 : i1 to i32
        %sign3A_673 = arith.constant 0 : i32
        %sign3A_674 = arith.cmpi slt, %jit3A_661, %sign3A_673 : i32
        %sign3A_675 = arith.extui %sign3A_674 : i1 to i32
        %sign3A_676 = arith.subi %sign3A_672, %sign3A_675 : i32
        %ne3A_677 = arith.cmpi ne, %sign3A_669, %sign3A_676 : i32
        %rem3A_678 = arith.remsi %sub3A_660, %jit3A_661 : i32
        %ne3A_679 = arith.constant 0 : i32
        %ne3A_680 = arith.cmpi ne, %rem3A_678, %ne3A_679 : i32
        %and3A_681 = arith.andi %ne3A_677, %ne3A_680 : i1
        %sub3A_682 = arith.constant 1 : i32
        %sub3A_683 = arith.subi %div3A_662, %sub3A_682 : i32
        %select_n3A_684 = arith.select %and3A_681, %sub3A_683, %div3A_662 : i32
        %jit3A_685 = arith.constant 10 : i32
        %eq3A_686 = arith.constant 0 : i32
        %eq3A_687 = arith.cmpi eq, %jit3A_685, %eq3A_686 : i32
        %jit3A_688 = arith.constant 1 : i32
        %select_n3A_689 = arith.select %eq3A_687, %jit3A_688, %jit3A_685 : i32
        %rem3A_690 = arith.remsi %sub3A_660, %select_n3A_689 : i32
        %ne3A_691 = arith.constant 0 : i32
        %ne3A_692 = arith.cmpi ne, %rem3A_690, %ne3A_691 : i32
        %lt3A_693 = arith.constant 0 : i32
        %lt3A_694 = arith.cmpi slt, %rem3A_690, %lt3A_693 : i32
        %lt3A_695 = arith.constant 0 : i32
        %lt3A_696 = arith.cmpi slt, %select_n3A_689, %lt3A_695 : i32
        %ne3A_697 = arith.xori %lt3A_694, %lt3A_696 : i1
        %and3A_698 = arith.andi %ne3A_697, %ne3A_692 : i1
        %add3A_699 = arith.addi %rem3A_690, %select_n3A_689 : i32
        %select_n3A_700 = arith.select %and3A_698, %add3A_699, %rem3A_690 : i32
        %eq3A_701 = arith.constant 0 : i32
        %eq3A_702 = arith.cmpi eq, %select_n3A_700, %eq3A_701 : i32
        %convert_element_type3A_703 = arith.extui %eq3A_702 : i1 to i32
        %cond3A_704 = arith.constant 0 : i32
        %cond3A_705 = arith.cmpi ne, %convert_element_type3A_703, %cond3A_704 : i32
        scf.if %cond3A_705 {
          %jit3A_764 = arith.constant 2 : i32
          %eq3A_765 = arith.constant 0 : i32
          %eq3A_766 = arith.cmpi eq, %jit3A_764, %eq3A_765 : i32
          %jit3A_767 = arith.constant 1 : i32
          %select_n3A_768 = arith.select %eq3A_766, %jit3A_767, %jit3A_764 : i32
          %rem3A_769 = arith.remsi %select_n3A_684, %select_n3A_768 : i32
          %ne3A_770 = arith.constant 0 : i32
          %ne3A_771 = arith.cmpi ne, %rem3A_769, %ne3A_770 : i32
          %lt3A_772 = arith.constant 0 : i32
          %lt3A_773 = arith.cmpi slt, %rem3A_769, %lt3A_772 : i32
          %lt3A_774 = arith.constant 0 : i32
          %lt3A_775 = arith.cmpi slt, %select_n3A_768, %lt3A_774 : i32
          %ne3A_776 = arith.xori %lt3A_773, %lt3A_775 : i1
          %and3A_777 = arith.andi %ne3A_776, %ne3A_771 : i1
          %add3A_778 = arith.addi %rem3A_769, %select_n3A_768 : i32
          %select_n3A_779 = arith.select %and3A_777, %add3A_778, %rem3A_769 : i32
          %dma_wait3A_780 = arith.constant 0 : i32
          %dma_wait3A_781 = arith.constant 0 : i32
          %dma_wait3A_782 = arith.constant 0 : i32
          %dma_wait3A_783 = tpu.memref_slice %arg5[%select_n3A_779, %dma_wait3A_781, %dma_wait3A_782] : memref<2x10x50xi32, #tpu.memory_space<vmem>> -> memref<1x10x50xi32, #tpu.memory_space<vmem>>
          %dma_wait3A_784 = tpu.memref_squeeze %dma_wait3A_783 : memref<1x10x50xi32, #tpu.memory_space<vmem>> -> memref<10x50xi32, #tpu.memory_space<vmem>>
          %dma_wait3A_785 = arith.constant 0 : i32
          %dma_wait3A_786 = arith.constant 0 : i32
          %dma_wait3A_787 = tpu.memref_slice %arg3[%dma_wait3A_780, %add3A, %select_n3A_684, %dma_wait3A_785, %dma_wait3A_786] : memref<2x32x20x10x50xi32, #tpu.memory_space<hbm>> -> memref<1x1x1x10x50xi32, #tpu.memory_space<hbm>>
          %dma_wait3A_788 = tpu.memref_squeeze %dma_wait3A_787 : memref<1x1x1x10x50xi32, #tpu.memory_space<hbm>> -> memref<10x50xi32, #tpu.memory_space<hbm>>
          %dma_wait3A_789 = arith.constant 0 : i32
          %dma_wait3A_790 = arith.constant 0 : i32
          %dma_wait3A_791 = tpu.memref_slice %arg5[%select_n3A_779, %dma_wait3A_789, %dma_wait3A_790] : memref<2x10x50xi32, #tpu.memory_space<vmem>> -> memref<1x10x50xi32, #tpu.memory_space<vmem>>
          %dma_wait3A_792 = tpu.memref_squeeze %dma_wait3A_791 : memref<1x10x50xi32, #tpu.memory_space<vmem>> -> memref<10x50xi32, #tpu.memory_space<vmem>>
          %dma_wait3A_793 = arith.constant 0 : i32
          %dma_wait3A_794 = arith.constant 0 : i32
          %dma_wait3A_795 = tpu.memref_slice %arg3[%dma_wait3A_780, %add3A, %select_n3A_684, %dma_wait3A_793, %dma_wait3A_794] : memref<2x32x20x10x50xi32, #tpu.memory_space<hbm>> -> memref<1x1x1x10x50xi32, #tpu.memory_space<hbm>>
          %dma_wait3A_796 = tpu.memref_squeeze %dma_wait3A_795 : memref<1x1x1x10x50xi32, #tpu.memory_space<hbm>> -> memref<10x50xi32, #tpu.memory_space<hbm>>
          tpu.wait_dma2 semaphore(%arg11 : memref<!tpu.dma_semaphore, #tpu.memory_space<semaphore_mem>>) src(%dma_wait3A_796 : memref<10x50xi32, #tpu.memory_space<hbm>>) dst(%dma_wait3A_792 : memref<10x50xi32, #tpu.memory_space<vmem>>)
          %jit3A_797 = arith.constant 2 : i32
          %eq3A_798 = arith.constant 0 : i32
          %eq3A_799 = arith.cmpi eq, %jit3A_797, %eq3A_798 : i32
          %jit3A_800 = arith.constant 1 : i32
          %select_n3A_801 = arith.select %eq3A_799, %jit3A_800, %jit3A_797 : i32
          %rem3A_802 = arith.remsi %select_n3A_684, %select_n3A_801 : i32
          %ne3A_803 = arith.constant 0 : i32
          %ne3A_804 = arith.cmpi ne, %rem3A_802, %ne3A_803 : i32
          %lt3A_805 = arith.constant 0 : i32
          %lt3A_806 = arith.cmpi slt, %rem3A_802, %lt3A_805 : i32
          %lt3A_807 = arith.constant 0 : i32
          %lt3A_808 = arith.cmpi slt, %select_n3A_801, %lt3A_807 : i32
          %ne3A_809 = arith.xori %lt3A_806, %lt3A_808 : i1
          %and3A_810 = arith.andi %ne3A_809, %ne3A_804 : i1
          %add3A_811 = arith.addi %rem3A_802, %select_n3A_801 : i32
          %select_n3A_812 = arith.select %and3A_810, %add3A_811, %rem3A_802 : i32
          %dma_wait3A_813 = arith.constant 1 : i32
          %dma_wait3A_814 = arith.constant 0 : i32
          %dma_wait3A_815 = arith.constant 0 : i32
          %dma_wait3A_816 = tpu.memref_slice %arg6[%select_n3A_812, %dma_wait3A_814, %dma_wait3A_815] : memref<2x10x50xi32, #tpu.memory_space<vmem>> -> memref<1x10x50xi32, #tpu.memory_space<vmem>>
          %dma_wait3A_817 = tpu.memref_squeeze %dma_wait3A_816 : memref<1x10x50xi32, #tpu.memory_space<vmem>> -> memref<10x50xi32, #tpu.memory_space<vmem>>
          %dma_wait3A_818 = arith.constant 0 : i32
          %dma_wait3A_819 = arith.constant 0 : i32
          %dma_wait3A_820 = tpu.memref_slice %arg3[%dma_wait3A_813, %add3A, %select_n3A_684, %dma_wait3A_818, %dma_wait3A_819] : memref<2x32x20x10x50xi32, #tpu.memory_space<hbm>> -> memref<1x1x1x10x50xi32, #tpu.memory_space<hbm>>
          %dma_wait3A_821 = tpu.memref_squeeze %dma_wait3A_820 : memref<1x1x1x10x50xi32, #tpu.memory_space<hbm>> -> memref<10x50xi32, #tpu.memory_space<hbm>>
          %dma_wait3A_822 = arith.constant 0 : i32
          %dma_wait3A_823 = arith.constant 0 : i32
          %dma_wait3A_824 = tpu.memref_slice %arg6[%select_n3A_812, %dma_wait3A_822, %dma_wait3A_823] : memref<2x10x50xi32, #tpu.memory_space<vmem>> -> memref<1x10x50xi32, #tpu.memory_space<vmem>>
          %dma_wait3A_825 = tpu.memref_squeeze %dma_wait3A_824 : memref<1x10x50xi32, #tpu.memory_space<vmem>> -> memref<10x50xi32, #tpu.memory_space<vmem>>
          %dma_wait3A_826 = arith.constant 0 : i32
          %dma_wait3A_827 = arith.constant 0 : i32
          %dma_wait3A_828 = tpu.memref_slice %arg3[%dma_wait3A_813, %add3A, %select_n3A_684, %dma_wait3A_826, %dma_wait3A_827] : memref<2x32x20x10x50xi32, #tpu.memory_space<hbm>> -> memref<1x1x1x10x50xi32, #tpu.memory_space<hbm>>
          %dma_wait3A_829 = tpu.memref_squeeze %dma_wait3A_828 : memref<1x1x1x10x50xi32, #tpu.memory_space<hbm>> -> memref<10x50xi32, #tpu.memory_space<hbm>>
          tpu.wait_dma2 semaphore(%arg11 : memref<!tpu.dma_semaphore, #tpu.memory_space<semaphore_mem>>) src(%dma_wait3A_829 : memref<10x50xi32, #tpu.memory_space<hbm>>) dst(%dma_wait3A_825 : memref<10x50xi32, #tpu.memory_space<vmem>>)
        } else {
        }
        %jit3A_706 = arith.constant 2 : i32
        %eq3A_707 = arith.constant 0 : i32
        %eq3A_708 = arith.cmpi eq, %jit3A_706, %eq3A_707 : i32
        %jit3A_709 = arith.constant 1 : i32
        %select_n3A_710 = arith.select %eq3A_708, %jit3A_709, %jit3A_706 : i32
        %rem3A_711 = arith.remsi %select_n3A_684, %select_n3A_710 : i32
        %ne3A_712 = arith.constant 0 : i32
        %ne3A_713 = arith.cmpi ne, %rem3A_711, %ne3A_712 : i32
        %lt3A_714 = arith.constant 0 : i32
        %lt3A_715 = arith.cmpi slt, %rem3A_711, %lt3A_714 : i32
        %lt3A_716 = arith.constant 0 : i32
        %lt3A_717 = arith.cmpi slt, %select_n3A_710, %lt3A_716 : i32
        %ne3A_718 = arith.xori %lt3A_715, %lt3A_717 : i1
        %and3A_719 = arith.andi %ne3A_718, %ne3A_713 : i1
        %add3A_720 = arith.addi %rem3A_711, %select_n3A_710 : i32
        %select_n3A_721 = arith.select %and3A_719, %add3A_720, %rem3A_711 : i32
        %jit3A_722 = arith.constant 10 : i32
        %eq3A_723 = arith.constant 0 : i32
        %eq3A_724 = arith.cmpi eq, %jit3A_722, %eq3A_723 : i32
        %jit3A_725 = arith.constant 1 : i32
        %select_n3A_726 = arith.select %eq3A_724, %jit3A_725, %jit3A_722 : i32
        %rem3A_727 = arith.remsi %sub3A_660, %select_n3A_726 : i32
        %ne3A_728 = arith.constant 0 : i32
        %ne3A_729 = arith.cmpi ne, %rem3A_727, %ne3A_728 : i32
        %lt3A_730 = arith.constant 0 : i32
        %lt3A_731 = arith.cmpi slt, %rem3A_727, %lt3A_730 : i32
        %lt3A_732 = arith.constant 0 : i32
        %lt3A_733 = arith.cmpi slt, %select_n3A_726, %lt3A_732 : i32
        %ne3A_734 = arith.xori %lt3A_731, %lt3A_733 : i1
        %and3A_735 = arith.andi %ne3A_734, %ne3A_729 : i1
        %add3A_736 = arith.addi %rem3A_727, %select_n3A_726 : i32
        %select_n3A_737 = arith.select %and3A_735, %add3A_736, %rem3A_727 : i32
        %jit3A_738 = arith.constant 5 : i32
        %eq3A_739 = arith.constant 0 : i32
        %eq3A_740 = arith.cmpi eq, %jit3A_738, %eq3A_739 : i32
        %jit3A_741 = arith.constant 1 : i32
        %select_n3A_742 = arith.select %eq3A_740, %jit3A_741, %jit3A_738 : i32
        %rem3A_743 = arith.remsi %sub3A_660, %select_n3A_742 : i32
        %ne3A_744 = arith.constant 0 : i32
        %ne3A_745 = arith.cmpi ne, %rem3A_743, %ne3A_744 : i32
        %lt3A_746 = arith.constant 0 : i32
        %lt3A_747 = arith.cmpi slt, %rem3A_743, %lt3A_746 : i32
        %lt3A_748 = arith.constant 0 : i32
        %lt3A_749 = arith.cmpi slt, %select_n3A_742, %lt3A_748 : i32
        %ne3A_750 = arith.xori %lt3A_747, %lt3A_749 : i1
        %and3A_751 = arith.andi %ne3A_750, %ne3A_745 : i1
        %add3A_752 = arith.addi %rem3A_743, %select_n3A_742 : i32
        %select_n3A_753 = arith.select %and3A_751, %add3A_752, %rem3A_743 : i32
        %dma_start3A_754 = arith.constant 0 : i32
        %dma_start3A_755 = arith.constant 0 : i32
        %dma_start3A_756 = tpu.memref_slice %arg7[%select_n3A_753, %dma_start3A_754, %dma_start3A_755] : memref<5x50x128xf32, #tpu.memory_space<vmem>> -> memref<1x50x128xf32, #tpu.memory_space<vmem>>
        %dma_start3A_757 = tpu.memref_squeeze %dma_start3A_756 : memref<1x50x128xf32, #tpu.memory_space<vmem>> -> memref<50x128xf32, #tpu.memory_space<vmem>>
        %dma_start3A_758 = arith.constant 0 : i32
        %dma_start3A_759 = tpu.memref_slice %arg5[%select_n3A_721, %select_n3A_737, %dma_start3A_758] : memref<2x10x50xi32, #tpu.memory_space<vmem>> -> memref<1x1x50xi32, #tpu.memory_space<vmem>>
        %dma_start3A_760 = tpu.memref_squeeze %dma_start3A_759 : memref<1x1x50xi32, #tpu.memory_space<vmem>> -> memref<50xi32, #tpu.memory_space<vmem>>
        %dma_start3A_761 = arith.constant 0 : i32
        %dma_start3A_762 = arith.constant 0 : i32
        %dma_start3A_763 = tpu.memref_slice %arg2[%dma_start3A_761, %dma_start3A_762] : memref<10000x128xf32, #tpu.memory_space<hbm>> -> memref<10000x128xf32, #tpu.memory_space<hbm>>
        tpu.enqueue_indirect_dma source(%dma_start3A_763 : memref<10000x128xf32, #tpu.memory_space<hbm>>) target(%dma_start3A_757 : memref<50x128xf32, #tpu.memory_space<vmem>>) offsets(%dma_start3A_760 : memref<50xi32, #tpu.memory_space<vmem>>) semaphore(%arg9 : memref<!tpu.dma_semaphore, #tpu.memory_space<semaphore_mem>>)
      } else {
      }
      %jit3A_615 = arith.constant 2 : i32
      %eq3A_616 = arith.constant 0 : i32
      %eq3A_617 = arith.cmpi eq, %jit3A_615, %eq3A_616 : i32
      %jit3A_618 = arith.constant 1 : i32
      %select_n3A_619 = arith.select %eq3A_617, %jit3A_618, %jit3A_615 : i32
      %rem3A_620 = arith.remsi %select_n3A_530, %select_n3A_619 : i32
      %ne3A_621 = arith.constant 0 : i32
      %ne3A_622 = arith.cmpi ne, %rem3A_620, %ne3A_621 : i32
      %lt3A_623 = arith.constant 0 : i32
      %lt3A_624 = arith.cmpi slt, %rem3A_620, %lt3A_623 : i32
      %lt3A_625 = arith.constant 0 : i32
      %lt3A_626 = arith.cmpi slt, %select_n3A_619, %lt3A_625 : i32
      %ne3A_627 = arith.xori %lt3A_624, %lt3A_626 : i1
      %and3A_628 = arith.andi %ne3A_627, %ne3A_622 : i1
      %add3A_629 = arith.addi %rem3A_620, %select_n3A_619 : i32
      %select_n3A_630 = arith.select %and3A_628, %add3A_629, %rem3A_620 : i32
      %jit3A_631 = arith.constant 10 : i32
      %eq3A_632 = arith.constant 0 : i32
      %eq3A_633 = arith.cmpi eq, %jit3A_631, %eq3A_632 : i32
      %jit3A_634 = arith.constant 1 : i32
      %select_n3A_635 = arith.select %eq3A_633, %jit3A_634, %jit3A_631 : i32
      %rem3A_636 = arith.remsi %scan3A_499, %select_n3A_635 : i32
      %ne3A_637 = arith.constant 0 : i32
      %ne3A_638 = arith.cmpi ne, %rem3A_636, %ne3A_637 : i32
      %lt3A_639 = arith.constant 0 : i32
      %lt3A_640 = arith.cmpi slt, %rem3A_636, %lt3A_639 : i32
      %lt3A_641 = arith.constant 0 : i32
      %lt3A_642 = arith.cmpi slt, %select_n3A_635, %lt3A_641 : i32
      %ne3A_643 = arith.xori %lt3A_640, %lt3A_642 : i1
      %and3A_644 = arith.andi %ne3A_643, %ne3A_638 : i1
      %add3A_645 = arith.addi %rem3A_636, %select_n3A_635 : i32
      %select_n3A_646 = arith.select %and3A_644, %add3A_645, %rem3A_636 : i32
      %dma_start3A_647 = arith.constant 0 : i32
      %dma_start3A_648 = arith.constant 0 : i32
      %dma_start3A_649 = tpu.memref_slice %arg7[%select_n3A_509, %dma_start3A_647, %dma_start3A_648] : memref<5x50x128xf32, #tpu.memory_space<vmem>> -> memref<1x50x128xf32, #tpu.memory_space<vmem>>
      %dma_start3A_650 = tpu.memref_squeeze %dma_start3A_649 : memref<1x50x128xf32, #tpu.memory_space<vmem>> -> memref<50x128xf32, #tpu.memory_space<vmem>>
      %dma_start3A_651 = arith.constant 0 : i32
      %dma_start3A_652 = tpu.memref_slice %arg6[%select_n3A_630, %select_n3A_646, %dma_start3A_651] : memref<2x10x50xi32, #tpu.memory_space<vmem>> -> memref<1x1x50xi32, #tpu.memory_space<vmem>>
      %dma_start3A_653 = tpu.memref_squeeze %dma_start3A_652 : memref<1x1x50xi32, #tpu.memory_space<vmem>> -> memref<50xi32, #tpu.memory_space<vmem>>
      %dma_start3A_654 = arith.constant 0 : i32
      %dma_start3A_655 = arith.constant 0 : i32
      %dma_start3A_656 = tpu.memref_slice %arg8[%dma_start3A_654, %dma_start3A_655] : memref<10000x128xf32, #tpu.memory_space<vmem_shared>> -> memref<10000x128xf32, #tpu.memory_space<vmem_shared>>
      tpu.enqueue_indirect_dma source(%dma_start3A_650 : memref<50x128xf32, #tpu.memory_space<vmem>>) target(%dma_start3A_656 : memref<10000x128xf32, #tpu.memory_space<vmem_shared>>) offsets(%dma_start3A_653 : memref<50xi32, #tpu.memory_space<vmem>>) semaphore(%arg10 : memref<!tpu.dma_semaphore, #tpu.memory_space<semaphore_mem>>) {add = true}
    }
    %scan3A_477 = arith.constant 200 : i32
    %dma_wait3A_478 = arith.constant 4 : i32
    %dma_wait3A_479 = arith.constant 1 : i32
    %dma_wait3A_480 = arith.constant 9 : i32
    %dma_wait3A_481 = arith.constant 0 : i32
    %dma_wait3A_482 = arith.constant 0 : i32
    %dma_wait3A_483 = tpu.memref_slice %arg7[%dma_wait3A_478, %dma_wait3A_481, %dma_wait3A_482] : memref<5x50x128xf32, #tpu.memory_space<vmem>> -> memref<1x50x128xf32, #tpu.memory_space<vmem>>
    %dma_wait3A_484 = tpu.memref_squeeze %dma_wait3A_483 : memref<1x50x128xf32, #tpu.memory_space<vmem>> -> memref<50x128xf32, #tpu.memory_space<vmem>>
    %dma_wait3A_485 = arith.constant 0 : i32
    %dma_wait3A_486 = tpu.memref_slice %arg6[%dma_wait3A_479, %dma_wait3A_480, %dma_wait3A_485] : memref<2x10x50xi32, #tpu.memory_space<vmem>> -> memref<1x1x50xi32, #tpu.memory_space<vmem>>
    %dma_wait3A_487 = tpu.memref_squeeze %dma_wait3A_486 : memref<1x1x50xi32, #tpu.memory_space<vmem>> -> memref<50xi32, #tpu.memory_space<vmem>>
    %dma_wait3A_488 = arith.constant 0 : i32
    %dma_wait3A_489 = arith.constant 0 : i32
    %dma_wait3A_490 = tpu.memref_slice %arg8[%dma_wait3A_488, %dma_wait3A_489] : memref<10000x128xf32, #tpu.memory_space<vmem_shared>> -> memref<10000x128xf32, #tpu.memory_space<vmem_shared>>
    tpu.wait_indirect_dma semaphore(%arg10 : memref<!tpu.dma_semaphore, #tpu.memory_space<semaphore_mem>>) src(%dma_wait3A_484 : memref<50x128xf32, #tpu.memory_space<vmem>>) dst(%dma_wait3A_490 : memref<10000x128xf32, #tpu.memory_space<vmem_shared>>)
    %barrier3A_491 = arith.constant 0 : index
    tpu.barrier barrier_id(%barrier3A_491)
    %mul3A_492 = arith.constant 624 : i32
    %mul3A_493 = arith.muli %arg1, %mul3A_492 : i32
    "tpu.region"() ({
      %run_scoped3A_499 = tpu.sem_alloc : memref<!tpu.dma_semaphore, #tpu.memory_space<semaphore_mem>>
      %dma_start3A_500 = arith.constant 0 : i32
      %dma_start3A_501 = tpu.memref_slice %arg4[%arg0, %mul3A_493, %dma_start3A_500] : memref<2x10000x128xf32, #tpu.memory_space<hbm>> -> memref<1x624x128xf32, #tpu.memory_space<hbm>>
      %dma_start3A_502 = tpu.memref_squeeze %dma_start3A_501 : memref<1x624x128xf32, #tpu.memory_space<hbm>> -> memref<624x128xf32, #tpu.memory_space<hbm>>
      %dma_start3A_503 = arith.constant 0 : i32
      %dma_start3A_504 = tpu.memref_slice %arg8[%mul3A_493, %dma_start3A_503] : memref<10000x128xf32, #tpu.memory_space<vmem_shared>> -> memref<624x128xf32, #tpu.memory_space<vmem_shared>>
      tpu.enqueue_dma source(%dma_start3A_504 : memref<624x128xf32, #tpu.memory_space<vmem_shared>>) target(%dma_start3A_502 : memref<624x128xf32, #tpu.memory_space<hbm>>) target_semaphore(%run_scoped3A_499 : memref<!tpu.dma_semaphore, #tpu.memory_space<semaphore_mem>>)
      %dma_wait3A_505 = arith.constant 0 : i32
      %dma_wait3A_506 = tpu.memref_slice %arg4[%arg0, %mul3A_493, %dma_wait3A_505] : memref<2x10000x128xf32, #tpu.memory_space<hbm>> -> memref<1x624x128xf32, #tpu.memory_space<hbm>>
      %dma_wait3A_507 = tpu.memref_squeeze %dma_wait3A_506 : memref<1x624x128xf32, #tpu.memory_space<hbm>> -> memref<624x128xf32, #tpu.memory_space<hbm>>
      %dma_wait3A_508 = arith.constant 0 : i32
      %dma_wait3A_509 = tpu.memref_slice %arg8[%mul3A_493, %dma_wait3A_508] : memref<10000x128xf32, #tpu.memory_space<vmem_shared>> -> memref<624x128xf32, #tpu.memory_space<vmem_shared>>
      tpu.wait_dma2 semaphore(%run_scoped3A_499 : memref<!tpu.dma_semaphore, #tpu.memory_space<semaphore_mem>>) src(%dma_wait3A_509 : memref<624x128xf32, #tpu.memory_space<vmem_shared>>) dst(%dma_wait3A_507 : memref<624x128xf32, #tpu.memory_space<hbm>>)
      tpu.yield
    }) : () -> ()
    %eq3A_494 = arith.constant 15 : i32
    %eq3A_495 = arith.cmpi eq, %arg1, %eq3A_494 : i32
    %convert_element_type3A_496 = arith.extui %eq3A_495 : i1 to i32
    %cond3A_497 = arith.constant 0 : i32
    %cond3A_498 = arith.cmpi ne, %convert_element_type3A_496, %cond3A_497 : i32
    scf.if %cond3A_498 {
      "tpu.region"() ({
        %run_scoped3A_499 = tpu.sem_alloc : memref<!tpu.dma_semaphore, #tpu.memory_space<semaphore_mem>>
        %dma_start3A_500 = arith.constant 9984 : i32
        %dma_start3A_501 = arith.constant 0 : i32
        %dma_start3A_502 = tpu.memref_slice %arg4[%arg0, %dma_start3A_500, %dma_start3A_501] : memref<2x10000x128xf32, #tpu.memory_space<hbm>> -> memref<1x16x128xf32, #tpu.memory_space<hbm>>
        %dma_start3A_503 = tpu.memref_squeeze %dma_start3A_502 : memref<1x16x128xf32, #tpu.memory_space<hbm>> -> memref<16x128xf32, #tpu.memory_space<hbm>>
        %dma_start3A_504 = arith.constant 9984 : i32
        %dma_start3A_505 = arith.constant 0 : i32
        %dma_start3A_506 = tpu.memref_slice %arg8[%dma_start3A_504, %dma_start3A_505] : memref<10000x128xf32, #tpu.memory_space<vmem_shared>> -> memref<16x128xf32, #tpu.memory_space<vmem_shared>>
        tpu.enqueue_dma source(%dma_start3A_506 : memref<16x128xf32, #tpu.memory_space<vmem_shared>>) target(%dma_start3A_503 : memref<16x128xf32, #tpu.memory_space<hbm>>) target_semaphore(%run_scoped3A_499 : memref<!tpu.dma_semaphore, #tpu.memory_space<semaphore_mem>>)
        %dma_wait3A_507 = arith.constant 9984 : i32
        %dma_wait3A_508 = arith.constant 0 : i32
        %dma_wait3A_509 = tpu.memref_slice %arg4[%arg0, %dma_wait3A_507, %dma_wait3A_508] : memref<2x10000x128xf32, #tpu.memory_space<hbm>> -> memref<1x16x128xf32, #tpu.memory_space<hbm>>
        %dma_wait3A_510 = tpu.memref_squeeze %dma_wait3A_509 : memref<1x16x128xf32, #tpu.memory_space<hbm>> -> memref<16x128xf32, #tpu.memory_space<hbm>>
        %dma_wait3A_511 = arith.constant 9984 : i32
        %dma_wait3A_512 = arith.constant 0 : i32
        %dma_wait3A_513 = tpu.memref_slice %arg8[%dma_wait3A_511, %dma_wait3A_512] : memref<10000x128xf32, #tpu.memory_space<vmem_shared>> -> memref<16x128xf32, #tpu.memory_space<vmem_shared>>
        tpu.wait_dma2 semaphore(%run_scoped3A_499 : memref<!tpu.dma_semaphore, #tpu.memory_space<semaphore_mem>>) src(%dma_wait3A_513 : memref<16x128xf32, #tpu.memory_space<vmem_shared>>) dst(%dma_wait3A_510 : memref<16x128xf32, #tpu.memory_space<hbm>>)
        tpu.yield
      }) : () -> ()
    } else {
    }
    return
  }
}

module attributes {stable_mosaic.version = 14 : i64} {
  func.func @body(%arg0: memref<10000x128xf32, #tpu.memory_space<vmem>>, %arg1: memref<2x10000x128xf32, #tpu.memory_space<vmem>>, %arg2: memref<128x128xf32, #tpu.memory_space<vmem>>, %arg3: memref<1x128xf32, #tpu.memory_space<vmem>>, %arg4: memref<128x128xf32, #tpu.memory_space<vmem>>, %arg5: memref<1x128xf32, #tpu.memory_space<vmem>>, %arg6: memref<1x128xf32, #tpu.memory_space<vmem>>, %arg7: memref<1x128xf32, #tpu.memory_space<vmem>>, %arg8: memref<10000x128xf32, #tpu.memory_space<vmem>>) attributes {dimension_semantics = [], scalar_prefetch = 0 : i64, scratch_operands = 0 : i64, tpu.core_type = #tpu.core_type<tc>} {
    %get3A = arith.constant 0 : index
    %get3A_0 = arith.constant 0 : index
    %get3A_1 = vector.load %arg0[%get3A, %get3A_0] : memref<10000x128xf32, #tpu.memory_space<vmem>>, vector<10000x128xf32>
    %get3A_2 = arith.constant 0 : index
    %get3A_3 = arith.constant 0 : index
    %get3A_4 = arith.constant 0 : index
    %get3A_5 = vector.load %arg1[%get3A_2, %get3A_3, %get3A_4] : memref<2x10000x128xf32, #tpu.memory_space<vmem>>, vector<1x10000x128xf32>
    %get3A_6 = vector.shape_cast %get3A_5 : vector<1x10000x128xf32> to vector<10000x128xf32>
    %add3A = arith.addf %get3A_1, %get3A_6 : vector<10000x128xf32>
    %get3A_7 = arith.constant 1 : index
    %get3A_8 = arith.constant 0 : index
    %get3A_9 = arith.constant 0 : index
    %get3A_10 = vector.load %arg1[%get3A_7, %get3A_8, %get3A_9] : memref<2x10000x128xf32, #tpu.memory_space<vmem>>, vector<1x10000x128xf32>
    %get3A_11 = vector.shape_cast %get3A_10 : vector<1x10000x128xf32> to vector<10000x128xf32>
    %add3A_12 = arith.addf %add3A, %get3A_11 : vector<10000x128xf32>
    %get3A_13 = arith.constant 0 : index
    %get3A_14 = arith.constant 0 : index
    %get3A_15 = vector.load %arg2[%get3A_13, %get3A_14] : memref<128x128xf32, #tpu.memory_space<vmem>>, vector<128x128xf32>
    %dot_general3A = arith.constant dense<0.000000e+00> : vector<10000x128xf32>
    %dot_general3A_16 = tpu.matmul %add3A_12, %get3A_15, %dot_general3A {dimension_numbers = #tpu.dot_dimension_numbers<[1], [0], [0], [1], [0, 0, 1, 1], [], []>, transpose_lhs_hint = false} : vector<10000x128xf32>, vector<128x128xf32>, vector<10000x128xf32> -> vector<10000x128xf32>
    %get3A_17 = arith.constant 0 : index
    %get3A_18 = arith.constant 0 : index
    %get3A_19 = vector.load %arg3[%get3A_17, %get3A_18] : memref<1x128xf32, #tpu.memory_space<vmem>>, vector<1x128xf32>
    %add3A_20 = vector.broadcast %get3A_19 : vector<1x128xf32> to vector<10000x128xf32>
    %add3A_21 = arith.addf %dot_general3A_16, %add3A_20 : vector<10000x128xf32>
    %max3A = arith.constant 0.000000e+00 : f32
    %max3A_22 = vector.broadcast %max3A : f32 to vector<10000x128xf32>
    %max3A_23 = arith.maximumf %add3A_21, %max3A_22 : vector<10000x128xf32>
    %get3A_24 = arith.constant 0 : index
    %get3A_25 = arith.constant 0 : index
    %get3A_26 = vector.load %arg4[%get3A_24, %get3A_25] : memref<128x128xf32, #tpu.memory_space<vmem>>, vector<128x128xf32>
    %dot_general3A_27 = arith.constant dense<0.000000e+00> : vector<10000x128xf32>
    %dot_general3A_28 = tpu.matmul %max3A_23, %get3A_26, %dot_general3A_27 {dimension_numbers = #tpu.dot_dimension_numbers<[1], [0], [0], [1], [0, 0, 1, 1], [], []>, transpose_lhs_hint = false} : vector<10000x128xf32>, vector<128x128xf32>, vector<10000x128xf32> -> vector<10000x128xf32>
    %get3A_29 = arith.constant 0 : index
    %get3A_30 = arith.constant 0 : index
    %get3A_31 = vector.load %arg5[%get3A_29, %get3A_30] : memref<1x128xf32, #tpu.memory_space<vmem>>, vector<1x128xf32>
    %add3A_32 = vector.broadcast %get3A_31 : vector<1x128xf32> to vector<10000x128xf32>
    %add3A_33 = arith.addf %dot_general3A_28, %add3A_32 : vector<10000x128xf32>
    %reduce_sum3A = arith.constant dense<0.000000e+00> : vector<128xf32>
    %reduce_sum3A_34 = vector.multi_reduction <add>, %add3A_33, %reduce_sum3A [0] : vector<10000x128xf32> to vector<128xf32>
    %broadcast_in_dim3A = vector.shape_cast %reduce_sum3A_34 : vector<128xf32> to vector<1x128xf32>
    %div3A = arith.constant 1.000000e+04 : f32
    %div3A_35 = vector.broadcast %div3A : f32 to vector<1x128xf32>
    %div3A_36 = arith.divf %broadcast_in_dim3A, %div3A_35 : vector<1x128xf32>
    %sub3A = vector.broadcast %div3A_36 : vector<1x128xf32> to vector<10000x128xf32>
    %sub3A_37 = arith.subf %add3A_33, %sub3A : vector<10000x128xf32>
    %mul3A = arith.mulf %sub3A_37, %sub3A_37 : vector<10000x128xf32>
    %reduce_sum3A_38 = arith.constant dense<0.000000e+00> : vector<128xf32>
    %reduce_sum3A_39 = vector.multi_reduction <add>, %mul3A, %reduce_sum3A_38 [0] : vector<10000x128xf32> to vector<128xf32>
    %broadcast_in_dim3A_40 = vector.shape_cast %reduce_sum3A_39 : vector<128xf32> to vector<1x128xf32>
    %div3A_41 = arith.constant 1.000000e+04 : f32
    %div3A_42 = vector.broadcast %div3A_41 : f32 to vector<1x128xf32>
    %div3A_43 = arith.divf %broadcast_in_dim3A_40, %div3A_42 : vector<1x128xf32>
    %add3A_44 = arith.constant 9.99999974E-6 : f32
    %add3A_45 = vector.broadcast %add3A_44 : f32 to vector<1x128xf32>
    %add3A_46 = arith.addf %div3A_43, %add3A_45 : vector<1x128xf32>
    %rsqrt3A = math.rsqrt %add3A_46 : vector<1x128xf32>
    %mul3A_47 = vector.broadcast %rsqrt3A : vector<1x128xf32> to vector<10000x128xf32>
    %mul3A_48 = arith.mulf %sub3A_37, %mul3A_47 : vector<10000x128xf32>
    %get3A_49 = arith.constant 0 : index
    %get3A_50 = arith.constant 0 : index
    %get3A_51 = vector.load %arg6[%get3A_49, %get3A_50] : memref<1x128xf32, #tpu.memory_space<vmem>>, vector<1x128xf32>
    %mul3A_52 = vector.broadcast %get3A_51 : vector<1x128xf32> to vector<10000x128xf32>
    %mul3A_53 = arith.mulf %mul3A_48, %mul3A_52 : vector<10000x128xf32>
    %get3A_54 = arith.constant 0 : index
    %get3A_55 = arith.constant 0 : index
    %get3A_56 = vector.load %arg7[%get3A_54, %get3A_55] : memref<1x128xf32, #tpu.memory_space<vmem>>, vector<1x128xf32>
    %add3A_57 = vector.broadcast %get3A_56 : vector<1x128xf32> to vector<10000x128xf32>
    %add3A_58 = arith.addf %mul3A_53, %add3A_57 : vector<10000x128xf32>
    %max3A_59 = arith.constant 0.000000e+00 : f32
    %max3A_60 = vector.broadcast %max3A_59 : f32 to vector<10000x128xf32>
    %max3A_61 = arith.maximumf %add3A_58, %max3A_60 : vector<10000x128xf32>
    %swap3A = arith.constant 0 : index
    %swap3A_62 = arith.constant 0 : index
    %swap3A_63 = vector.load %arg8[%swap3A, %swap3A_62] : memref<10000x128xf32, #tpu.memory_space<vmem>>, vector<10000x128xf32>
    tpu.vector_store %arg8[%swap3A, %swap3A_62], %max3A_61 {strides = array<i32>} : memref<10000x128xf32, #tpu.memory_space<vmem>>, vector<10000x128xf32>,
    return
  }
}

module attributes {stable_mosaic.version = 14 : i64} {
  func.func @body(%arg0: memref<10000x128xf32, #tpu.memory_space<vmem>>, %arg1: memref<2x10000x128xf32, #tpu.memory_space<vmem>>, %arg2: memref<128x128xf32, #tpu.memory_space<vmem>>, %arg3: memref<1x128xf32, #tpu.memory_space<vmem>>, %arg4: memref<128x128xf32, #tpu.memory_space<vmem>>, %arg5: memref<1x128xf32, #tpu.memory_space<vmem>>, %arg6: memref<1x128xf32, #tpu.memory_space<vmem>>, %arg7: memref<1x128xf32, #tpu.memory_space<vmem>>, %arg8: memref<1x10000xi32, #tpu.memory_space<vmem>>, %arg9: memref<128x64xf32, #tpu.memory_space<vmem>>, %arg10: memref<1x64xf32, #tpu.memory_space<vmem>>, %arg11: memref<128x64xf32, #tpu.memory_space<vmem>>, %arg12: memref<1x64xf32, #tpu.memory_space<vmem>>, %arg13: memref<256x64xf32, #tpu.memory_space<vmem>>, %arg14: memref<256x64xf32, #tpu.memory_space<vmem>>) attributes {dimension_semantics = [], scalar_prefetch = 0 : i64, scratch_operands = 0 : i64, tpu.core_type = #tpu.core_type<tc>} {
    %get3A = arith.constant 0 : index
    %get3A_0 = arith.constant 0 : index
    %get3A_1 = vector.load %arg0[%get3A, %get3A_0] : memref<10000x128xf32, #tpu.memory_space<vmem>>, vector<10000x128xf32>
    %get3A_2 = arith.constant 0 : index
    %get3A_3 = arith.constant 0 : index
    %get3A_4 = arith.constant 0 : index
    %get3A_5 = vector.load %arg1[%get3A_2, %get3A_3, %get3A_4] : memref<2x10000x128xf32, #tpu.memory_space<vmem>>, vector<1x10000x128xf32>
    %get3A_6 = vector.shape_cast %get3A_5 : vector<1x10000x128xf32> to vector<10000x128xf32>
    %add3A = arith.addf %get3A_1, %get3A_6 : vector<10000x128xf32>
    %get3A_7 = arith.constant 1 : index
    %get3A_8 = arith.constant 0 : index
    %get3A_9 = arith.constant 0 : index
    %get3A_10 = vector.load %arg1[%get3A_7, %get3A_8, %get3A_9] : memref<2x10000x128xf32, #tpu.memory_space<vmem>>, vector<1x10000x128xf32>
    %get3A_11 = vector.shape_cast %get3A_10 : vector<1x10000x128xf32> to vector<10000x128xf32>
    %add3A_12 = arith.addf %add3A, %get3A_11 : vector<10000x128xf32>
    %get3A_13 = arith.constant 0 : index
    %get3A_14 = arith.constant 0 : index
    %get3A_15 = vector.load %arg2[%get3A_13, %get3A_14] : memref<128x128xf32, #tpu.memory_space<vmem>>, vector<128x128xf32>
    %dot_general3A = arith.constant dense<0.000000e+00> : vector<10000x128xf32>
    %dot_general3A_16 = tpu.matmul %add3A_12, %get3A_15, %dot_general3A {dimension_numbers = #tpu.dot_dimension_numbers<[1], [0], [0], [1], [0, 0, 1, 1], [], []>, transpose_lhs_hint = false} : vector<10000x128xf32>, vector<128x128xf32>, vector<10000x128xf32> -> vector<10000x128xf32>
    %get3A_17 = arith.constant 0 : index
    %get3A_18 = arith.constant 0 : index
    %get3A_19 = vector.load %arg3[%get3A_17, %get3A_18] : memref<1x128xf32, #tpu.memory_space<vmem>>, vector<1x128xf32>
    %add3A_20 = vector.broadcast %get3A_19 : vector<1x128xf32> to vector<10000x128xf32>
    %add3A_21 = arith.addf %dot_general3A_16, %add3A_20 : vector<10000x128xf32>
    %max3A = arith.constant 0.000000e+00 : f32
    %max3A_22 = vector.broadcast %max3A : f32 to vector<10000x128xf32>
    %max3A_23 = arith.maximumf %add3A_21, %max3A_22 : vector<10000x128xf32>
    %get3A_24 = arith.constant 0 : index
    %get3A_25 = arith.constant 0 : index
    %get3A_26 = vector.load %arg4[%get3A_24, %get3A_25] : memref<128x128xf32, #tpu.memory_space<vmem>>, vector<128x128xf32>
    %dot_general3A_27 = arith.constant dense<0.000000e+00> : vector<10000x128xf32>
    %dot_general3A_28 = tpu.matmul %max3A_23, %get3A_26, %dot_general3A_27 {dimension_numbers = #tpu.dot_dimension_numbers<[1], [0], [0], [1], [0, 0, 1, 1], [], []>, transpose_lhs_hint = false} : vector<10000x128xf32>, vector<128x128xf32>, vector<10000x128xf32> -> vector<10000x128xf32>
    %get3A_29 = arith.constant 0 : index
    %get3A_30 = arith.constant 0 : index
    %get3A_31 = vector.load %arg5[%get3A_29, %get3A_30] : memref<1x128xf32, #tpu.memory_space<vmem>>, vector<1x128xf32>
    %add3A_32 = vector.broadcast %get3A_31 : vector<1x128xf32> to vector<10000x128xf32>
    %add3A_33 = arith.addf %dot_general3A_28, %add3A_32 : vector<10000x128xf32>
    %reduce_sum3A = arith.constant dense<0.000000e+00> : vector<128xf32>
    %reduce_sum3A_34 = vector.multi_reduction <add>, %add3A_33, %reduce_sum3A [0] : vector<10000x128xf32> to vector<128xf32>
    %broadcast_in_dim3A = vector.shape_cast %reduce_sum3A_34 : vector<128xf32> to vector<1x128xf32>
    %div3A = arith.constant 1.000000e+04 : f32
    %div3A_35 = vector.broadcast %div3A : f32 to vector<1x128xf32>
    %div3A_36 = arith.divf %broadcast_in_dim3A, %div3A_35 : vector<1x128xf32>
    %sub3A = vector.broadcast %div3A_36 : vector<1x128xf32> to vector<10000x128xf32>
    %sub3A_37 = arith.subf %add3A_33, %sub3A : vector<10000x128xf32>
    %mul3A = arith.mulf %sub3A_37, %sub3A_37 : vector<10000x128xf32>
    %reduce_sum3A_38 = arith.constant dense<0.000000e+00> : vector<128xf32>
    %reduce_sum3A_39 = vector.multi_reduction <add>, %mul3A, %reduce_sum3A_38 [0] : vector<10000x128xf32> to vector<128xf32>
    %broadcast_in_dim3A_40 = vector.shape_cast %reduce_sum3A_39 : vector<128xf32> to vector<1x128xf32>
    %div3A_41 = arith.constant 1.000000e+04 : f32
    %div3A_42 = vector.broadcast %div3A_41 : f32 to vector<1x128xf32>
    %div3A_43 = arith.divf %broadcast_in_dim3A_40, %div3A_42 : vector<1x128xf32>
    %add3A_44 = arith.constant 9.99999974E-6 : f32
    %add3A_45 = vector.broadcast %add3A_44 : f32 to vector<1x128xf32>
    %add3A_46 = arith.addf %div3A_43, %add3A_45 : vector<1x128xf32>
    %rsqrt3A = math.rsqrt %add3A_46 : vector<1x128xf32>
    %mul3A_47 = vector.broadcast %rsqrt3A : vector<1x128xf32> to vector<10000x128xf32>
    %mul3A_48 = arith.mulf %sub3A_37, %mul3A_47 : vector<10000x128xf32>
    %get3A_49 = arith.constant 0 : index
    %get3A_50 = arith.constant 0 : index
    %get3A_51 = vector.load %arg6[%get3A_49, %get3A_50] : memref<1x128xf32, #tpu.memory_space<vmem>>, vector<1x128xf32>
    %mul3A_52 = vector.broadcast %get3A_51 : vector<1x128xf32> to vector<10000x128xf32>
    %mul3A_53 = arith.mulf %mul3A_48, %mul3A_52 : vector<10000x128xf32>
    %get3A_54 = arith.constant 0 : index
    %get3A_55 = arith.constant 0 : index
    %get3A_56 = vector.load %arg7[%get3A_54, %get3A_55] : memref<1x128xf32, #tpu.memory_space<vmem>>, vector<1x128xf32>
    %add3A_57 = vector.broadcast %get3A_56 : vector<1x128xf32> to vector<10000x128xf32>
    %add3A_58 = arith.addf %mul3A_53, %add3A_57 : vector<10000x128xf32>
    %max3A_59 = arith.constant 0.000000e+00 : f32
    %max3A_60 = vector.broadcast %max3A_59 : f32 to vector<10000x128xf32>
    %max3A_61 = arith.maximumf %add3A_58, %max3A_60 : vector<10000x128xf32>
    %get3A_62 = arith.constant 0 : index
    %get3A_63 = arith.constant 0 : index
    %get3A_64 = vector.load %arg8[%get3A_62, %get3A_63] : memref<1x10000xi32, #tpu.memory_space<vmem>>, vector<1x10000xi32>
    %iota3A = tpu.iota {dimensions = array<i32: 0>} : vector<256x10000xi32>
    %eq3A = vector.broadcast %get3A_64 : vector<1x10000xi32> to vector<256x10000xi32>
    %eq3A_65 = arith.cmpi eq, %eq3A, %iota3A : vector<256x10000xi32>
    %convert_element_type3A = arith.extui %eq3A_65 : vector<256x10000xi1> to vector<256x10000xi32>
    %convert_element_type3A_66 = arith.sitofp %convert_element_type3A : vector<256x10000xi32> to vector<256x10000xf32>
    %reduce_sum3A_67 = arith.constant dense<0.000000e+00> : vector<256xf32>
    %reduce_sum3A_68 = vector.multi_reduction <add>, %convert_element_type3A_66, %reduce_sum3A_67 [1] : vector<256x10000xf32> to vector<256xf32>
    %broadcast_in_dim3A_69 = vector.shape_cast %reduce_sum3A_68 : vector<256xf32> to vector<256x1xf32>
    %dot_general3A_70 = arith.constant dense<0.000000e+00> : vector<256x128xf32>
    %dot_general3A_71 = tpu.matmul %convert_element_type3A_66, %max3A_61, %dot_general3A_70 {dimension_numbers = #tpu.dot_dimension_numbers<[1], [0], [0], [1], [0, 0, 1, 1], [], []>, transpose_lhs_hint = false} : vector<256x10000xf32>, vector<10000x128xf32>, vector<256x128xf32> -> vector<256x128xf32>
    %max3A_72 = arith.constant 1.000000e+00 : f32
    %max3A_73 = vector.broadcast %max3A_72 : f32 to vector<256x1xf32>
    %max3A_74 = arith.maximumf %broadcast_in_dim3A_69, %max3A_73 : vector<256x1xf32>
    %div3A_75 = vector.broadcast %max3A_74 : vector<256x1xf32> to vector<256x128xf32>
    %div3A_76 = arith.divf %dot_general3A_71, %div3A_75 : vector<256x128xf32>
    %get3A_77 = arith.constant 0 : index
    %get3A_78 = arith.constant 0 : index
    %get3A_79 = vector.load %arg9[%get3A_77, %get3A_78] : memref<128x64xf32, #tpu.memory_space<vmem>>, vector<128x64xf32>
    %dot_general3A_80 = arith.constant dense<0.000000e+00> : vector<256x64xf32>
    %dot_general3A_81 = tpu.matmul %div3A_76, %get3A_79, %dot_general3A_80 {dimension_numbers = #tpu.dot_dimension_numbers<[1], [0], [0], [1], [0, 0, 1, 1], [], []>, transpose_lhs_hint = false} : vector<256x128xf32>, vector<128x64xf32>, vector<256x64xf32> -> vector<256x64xf32>
    %get3A_82 = arith.constant 0 : index
    %get3A_83 = arith.constant 0 : index
    %get3A_84 = vector.load %arg10[%get3A_82, %get3A_83] : memref<1x64xf32, #tpu.memory_space<vmem>>, vector<1x64xf32>
    %add3A_85 = vector.broadcast %get3A_84 : vector<1x64xf32> to vector<256x64xf32>
    %add3A_86 = arith.addf %dot_general3A_81, %add3A_85 : vector<256x64xf32>
    %swap3A = arith.constant 0 : index
    %swap3A_87 = arith.constant 0 : index
    %swap3A_88 = vector.load %arg13[%swap3A, %swap3A_87] : memref<256x64xf32, #tpu.memory_space<vmem>>, vector<256x64xf32>
    tpu.vector_store %arg13[%swap3A, %swap3A_87], %add3A_86 {strides = array<i32>} : memref<256x64xf32, #tpu.memory_space<vmem>>, vector<256x64xf32>,
    %get3A_89 = arith.constant 0 : index
    %get3A_90 = arith.constant 0 : index
    %get3A_91 = vector.load %arg11[%get3A_89, %get3A_90] : memref<128x64xf32, #tpu.memory_space<vmem>>, vector<128x64xf32>
    %dot_general3A_92 = arith.constant dense<0.000000e+00> : vector<256x64xf32>
    %dot_general3A_93 = tpu.matmul %div3A_76, %get3A_91, %dot_general3A_92 {dimension_numbers = #tpu.dot_dimension_numbers<[1], [0], [0], [1], [0, 0, 1, 1], [], []>, transpose_lhs_hint = false} : vector<256x128xf32>, vector<128x64xf32>, vector<256x64xf32> -> vector<256x64xf32>
    %get3A_94 = arith.constant 0 : index
    %get3A_95 = arith.constant 0 : index
    %get3A_96 = vector.load %arg12[%get3A_94, %get3A_95] : memref<1x64xf32, #tpu.memory_space<vmem>>, vector<1x64xf32>
    %add3A_97 = vector.broadcast %get3A_96 : vector<1x64xf32> to vector<256x64xf32>
    %add3A_98 = arith.addf %dot_general3A_93, %add3A_97 : vector<256x64xf32>
    %swap3A_99 = arith.constant 0 : index
    %swap3A_100 = arith.constant 0 : index
    %swap3A_101 = vector.load %arg14[%swap3A_99, %swap3A_100] : memref<256x64xf32, #tpu.memory_space<vmem>>, vector<256x64xf32>
    tpu.vector_store %arg14[%swap3A_99, %swap3A_100], %add3A_98 {strides = array<i32>} : memref<256x64xf32, #tpu.memory_space<vmem>>, vector<256x64xf32>,
    return
  }
}

</mosaic_0001>

<sc_bundles>
// kernel: kernel.11.cloned.1.call-start
scs
__scs_entry_jumppad:
0x0: {  	(pc) =	sbr.rel $0x88, $3  }
0x1: {  	(tag) =	ssettag $0x0;
	lr =	simm.s32 $0x1  }
0x2: {  	[smem:$0x3F88] =	sst lr;
	_ =	strace $0xD0000000  }
0x3: {  	_ = 	snop  }
0x4: {  	_ = 	snop  }
0x5: {  	_ = 	snop  }
0x6: {  	_ = 	snop  }
0x7: {  	_ = 	snop  }
__scs_overlays_trampoline_lowered:
0x8: {  	[smem:$0x3F97] =	sst s0  }
0x9: {  	[smem:$0x3F98] =	sst s1  }
0xa: {  	[smem:$0x3F99] =	sst s2  }
0xb: {  	[smem:$0x3F9A] =	sst s3  }
0xc: {  	[smem:$0x3F9B] =	sst s4  }
0xd: {  	[smem:$0x3F9C] =	sst s5  }
0xe: {  	[smem:$0x3F9D] =	sst s6  }
0xf: {  	[smem:$0x3F9E] =	sst s7  }
0x10: {  	[smem:$0x3F9F] =	sst s8  }
0x11: {  	[smem:$0x3FA0] =	sst s9;
	s0 =	simm.s32 @!p0 $0x0  }
0x12: {  	s1 =	sld [smem:$0x3F86];
	s0 =	simm.s32 @p0 $0x1  }
0x13: {  	[smem:$0x3FA1] =	sst s0;
	s0 =	simm.s32 @!p1 $0x0  }
0x14: {  	s2 =	sld [smem:$0x3F85];
	s0 =	simm.s32 @p1 $0x1  }
0x15: {  	[smem:$0x3FA2] =	sst s0;
	s0 =	simm.s32 @!p2 $0x0  }
0x16: {  	s3 =	sld [smem:$0x3FDB];
	s0 =	simm.s32 @p2 $0x1  }
0x17: {  	s4 =	simm.s32 $0x1BF5;
	[smem:$0x3FA4] =	sst s0  }
0x18: {  	s0 =	sld [smem:$0x3F87];
	_ =	swait.ge [sflag:s4], $0x0  }
0x19: {  	s7 =	sld [smem:$0x3F88]  }
0x1a: {  	s8 =	sadd.s32 $0xFFFFE003, lr  }
0x1b: {  	s9 =	sadd.s32 $0xFFFFFEF7, lr;
	s5 =	simm.s32 $0xFFFFFFFF;
	p2 =	slt.u32 s8, $0xFFFFF086  }
0x1c: {  	p1 =	slt.u32 s9, $0xF7A;
	s5 =	simm.s32 @!p2 $0x0  }
0x1d: {  	s5 =	simm.s32 @p1 $0x1;
	p0 =	seq.s32 s7, s2  }
0x1e: {  	s7 =	smul.u32 @!p0 $0xF7A, s2;
	p2 =	seq.s32 @!p0 s5, $0x0  }
0x1f: {  	s9 =	smul.u32 $0xF7A, s1;
	s8 =	simm.s32 @!p0 $0x1BF5;
	p2 =	por !p2, p0  }
0x20: {  	[sflag:s8] =	ssyncset.s32 @!p0 $0xFFFFF086;
	s6 =	sadd.s32 @!p0 s3, s7;
	s7 =	simm.s32 @!p0 $0x108  }
0x21: {  	s3 =	sadd.s32 s3, s9;
	s6 =	sadd.s32 @!p0 $0x88, s6;
	s7 =	simm.s32 @p2 $0x1082  }
0x22: {  	[simem:s7], [sflag:s8] =	dma.local @!p0 [hbm:s6], $0xF7A  }
0x23: {  	s9 =	sor.u32 $0xD0000000, s2;
	s6 =	simm.s32 $0x108;
	_ =	swait.ge @!p0 [sflag:s8], $0x0  }
0x24: {  	s3 =	sadd.s32 $0x88, s3;
	s6 =	simm.s32 @!p1 $0x1082;
	[sflag:s4] =	ssyncset.s32 $0xFFFFF086  }
0x25: {  	[simem:s6], [sflag:s4] =	dma.local [hbm:s3], $0xF7A  }
0x26: {  	[smem:$0x3F88] =	sst s1;
	(tag) =	ssettag s2;
	_ =	strace s9  }
0x27: {  	s1 =	sld [smem:$0x3F98]  }
0x28: {  	s2 =	sld [smem:$0x3F99]  }
0x29: {  	s4 =	sld [smem:$0x3F9B]  }
0x2a: {  	p0 =	seq.s32 s5, $0x0;
	s5 =	sld [smem:$0x3F9C]  }
0x2b: {  	s6 =	sld [smem:$0x3F9D]  }
0x2c: {  	s7 =	sld [smem:$0x3F9E]  }
0x2d: {  	s3 =	simm.s32 $0x108;
	s8 =	sld [smem:$0x3F9F]  }
0x2e: {  	s3 =	simm.s32 @!p0 $0x1082;
	s9 =	sld [smem:$0x3FA0]  }
0x2f: {  	lr =	sadd.s32 s0, s3;
	s0 =	sld [smem:$0x3F97]  }
0x30: {  	s3 =	sld [smem:$0x3F9A]  }
0x31: {  	[smem:$0x3FA3] =	sst s10  }
0x32: {  	s10 =	sld [smem:$0x3FA1];
	_ =	sdelay $0x3  }
0x33: {  	p0 =	seq.s32 s10, $0x1;
	s10 =	sld [smem:$0x3FA3];
	_ =	sdelay $0x3  }
0x34: {  	[smem:$0x3FA3] =	sst s10  }
0x35: {  	s10 =	sld [smem:$0x3FA2];
	_ =	sdelay $0x3  }
0x36: {  	p1 =	seq.s32 s10, $0x1;
	s10 =	sld [smem:$0x3FA3];
	_ =	sdelay $0x3  }
0x37: {  	[smem:$0x3FA3] =	sst s10  }
0x38: {  	s10 =	sld [smem:$0x3FA4]  }
0x39: {  	_ = 	snop;
	(pc) =	sbr.ind lr, $3  }
0x3a: {  	_ = 	snop  }
0x3b: {  	_ = 	snop  }
0x3c: {  	p2 =	seq.s32 s10, $0x1;
	s10 =	sld [smem:$0x3FA3]  }
0x3d: {  	_ =	shalt  }
0x3e: {  	_ =	shalt  }
0x3f: {  	_ =	shalt  }
0x40: {  	_ =	shalt  }
0x41: {  	_ =	shalt  }
0x42: {  	_ =	shalt  }
0x43: {  	_ =	shalt  }
0x44: {  	_ =	shalt  }
0x45: {  	_ =	shalt  }
0x46: {  	_ =	shalt  }
0x47: {  	_ =	shalt  }
0x48: {  	_ =	shalt  }
0x49: {  	_ =	shalt  }
0x4a: {  	_ =	shalt  }
0x4b: {  	_ =	shalt  }
0x4c: {  	_ =	shalt  }
0x4d: {  	_ =	shalt  }
0x4e: {  	_ =	shalt  }
0x4f: {  	_ =	shalt  }
0x50: {  	_ =	shalt  }
0x51: {  	_ =	shalt  }
0x52: {  	_ =	shalt  }
0x53: {  	_ =	shalt  }
0x54: {  	_ =	shalt  }
0x55: {  	_ =	shalt  }
0x56: {  	_ =	shalt  }
0x57: {  	_ =	shalt  }
0x58: {  	_ =	shalt  }
0x59: {  	_ =	shalt  }
0x5a: {  	_ =	shalt  }
0x5b: {  	_ =	shalt  }
0x5c: {  	_ =	shalt  }
0x5d: {  	_ =	shalt  }
0x5e: {  	_ =	shalt  }
0x5f: {  	_ =	shalt  }
0x60: {  	_ =	shalt  }
0x61: {  	_ =	shalt  }
0x62: {  	_ =	shalt  }
0x63: {  	_ =	shalt  }
0x64: {  	_ =	shalt  }
0x65: {  	_ =	shalt  }
0x66: {  	_ =	shalt  }
0x67: {  	_ =	shalt  }
0x68: {  	_ =	shalt  }
0x69: {  	_ =	shalt  }
0x6a: {  	_ =	shalt  }
0x6b: {  	_ =	shalt  }
0x6c: {  	_ =	shalt  }
0x6d: {  	_ =	shalt  }
0x6e: {  	_ =	shalt  }
0x6f: {  	_ =	shalt  }
0x70: {  	_ =	shalt  }
0x71: {  	_ =	shalt  }
0x72: {  	_ =	shalt  }
0x73: {  	_ =	shalt  }
0x74: {  	_ =	shalt  }
0x75: {  	_ =	shalt  }
0x76: {  	_ =	shalt  }
0x77: {  	_ =	shalt  }
0x78: {  	_ =	shalt  }
0x79: {  	_ =	shalt  }
0x7a: {  	_ =	shalt  }
0x7b: {  	_ =	shalt  }
0x7c: {  	_ =	shalt  }
0x7d: {  	_ =	shalt  }
0x7e: {  	_ =	shalt  }
0x7f: {  	_ =	shalt  }
0x80: {  	_ =	shalt  }
0x81: {  	_ =	shalt  }
0x82: {  	_ =	shalt  }
0x83: {  	_ =	shalt  }
0x84: {  	_ =	shalt  }
0x85: {  	_ =	shalt  }
0x86: {  	_ =	shalt  }
0x87: {  	_ =	shalt  }
.Lfunc_end0:
.L_simem_size_0:
called_computation.1_lowered:
.L_overlay_start_0:
0x88: {  	s2 =	sld [smem:$0x3FD9]  }
0x89: {  	s3 =	sld [smem:$0x3FFE];
	_ =	sdelay $0x1  }
0x8a: {  	s1 =	srdreg.scid  }
0x8b: {  	s0 =	sand.u32 $0x1, s1  }
0x8c: {  	s16 =	sshll.u32 s0, $0xA;
	s2 =	sadd.s32 s3, s2  }
0x8d: {  	s2 =	sadd.s32 s2, s16  }
0x8e: {  	[smem:$0x3FAF] =	sst s2  }
0x8f: {  	_ = 	snop  }
0x90: {  	(tm) =	ssettm $0x1  }
0x91: {  	s17 =	sld [smem:$0x3FFB];
	_ =	sdelay $0x3  }
0x92: {  	_ =	strace s17  }
0x93: {  	s2 =	sld [smem:$0x3FFC];
	_ =	sdelay $0x3  }
0x94: {  	_ =	strace s2  }
0x95: {  	s2 =	sld [smem:$0x3FFD];
	_ =	sdelay $0x3  }
0x96: {  	_ =	strace s2  }
0x97: {  	_ =	strace $0x8FFFFFFF  }
0x98: {  	s18 =	sld [smem:$0x3FDB];
	_ =	sdelay $0x1  }
0x99: {  	s19 =	simm.s32 $_scs_section_size  }
0x9a: {  	s4 =	simm.s32 $_size__tile_overlayer_lowered;
	s5 =	simm.s32 $_tile_overlayer_lowered  }
0x9b: {  	s22 =	simm.s32 $0x1BFF;
	s21 =	sshll.u32 s5, $0x1;
	s2 =	sadd.s32 s19, s18  }
0x9c: {  	s6 =	simm.s32 $0x0;
	s20 =	sshll.u32 s4, $0x1;
	s4 =	sadd.s32 s21, s2  }
0x9d: {  	[timem:s6], [sflag:s22] =	dma.local [hbm:s4], s20  }
0x9e: {  	_ =	swait.ge [sflag:s22], s20  }
0x9f: {  	s3 =	ssub.s32 $0x0, s20;
	[sflag:s22] =	ssyncset.done $0x0  }
0xa0: {  	[sflag:s22] =	ssyncadd.s32 s3;
	_ =	sdelay $0x1  }
0xa1: {  	s23 =	simm.s32 $0x1B8B  }
0xa2: {  	_ =	swait.ge [sflag:s23], $0x1  }
0xa3: {  	[sflag:s23] =	ssyncset.done $0x0  }
0xa4: {  	s25 =	simm.s32 $0x1B8E;
	s24 =	sld [smem:$0x3FFE];
	[sflag:s23] =	ssyncadd.s32 $0xFFFFFFFF  }
0xa5: {  	s26 =	simm.s32 $execute0_lowered;
	[smem:$0x3FD2] =	sst s25  }
0xa6: {  	s4 =	sshll.u32 s26, $0x1;
	_ =	strace $0x80000049;
	[dreg:$0x1] =	wrdreg $0xFFFFFFFF  }
0xa7: {  	s28 =	simm.s32 $_size_execute0_lowered;
	s2 =	sadd.s32 s2, s4;
	[dreg:$0x0] =	wrdreg $0x0  }
0xa8: {  	s4 =	sshll.u32 s28, $0x1;
	[dreg:$0x2] =	wrdreg s2  }
0xa9: {  	[dreg:$0x3] =	wrdreg s4  }
0xaa: {  	[dreg:$0x4] =	wrdreg $0xC0  }
0xab: {  	_ =	task [dreg:s6], $0x5FFFF  }
0xac: {  	[dreg:$0x1] =	wrdreg $0xFFFFFFFF  }
0xad: {  	[dreg:$0x0] =	wrdreg $0x60  }
0xae: {  	[dreg:$0x2] =	wrdreg s24  }
0xaf: {  	[dreg:$0x3] =	wrdreg $0xAC000  }
0xb0: {  	[dreg:$0x4] =	wrdreg $0x9  }
0xb1: {  	_ =	task.clear_ibuf [dreg:s6], $0x5FFFF;
	_ =	strace $0x90000049  }
0xb2: {  	s29 =	simm.s32 $0x9;
	_ =	strace $0x8000004B  }
0xb3: {  	_ =	swait.ge [sflag:s29], $0x1  }
0xb4: {  	[sflag:s29] =	ssyncadd.s32 $0xFFFFFFFF  }
0xb5: {  	_ =	strace $0x9000004B  }
0xb6: {  	_ =	sfence  }
0xb7: {  	s30 =	sld [smem:$0x0];
	_ =	sdelay $0x2  }
0xb8: {  	s31 =	sshll.u32 s1, $0xD;
	s1 =	sshrl.u32 s1, $0x2  }
0xb9: {  	s3 =	sand.u32 $0x4000, s31;
	s1 =	sadd.s32 s1, s30  }
0xba: {  	s0 =	sor.u32 s3, s0;
	s1 =	sshll.u32 s1, $0x11  }
0xbb: {  	s0 =	sor.u32 s1, s0  }
0xbc: {  	s0 =	sadd.s32 $0x8F2B, s0  }
0xbd: {  	[sflag:s0] =	ssyncadd.remote.s32 $0x1  }
0xbe: {  	_ =	sfence.sel $0xFFFF  }
0xbf: {  	[dreg:$0x0] =	wrdreg $0xFFFFFFFF;
	(pc) =	sbr.abs _section_cstart, $3  }
0xc0: {  	[dreg:$0x1] =	wrdreg $0xFFFFFFFF  }
0xc1: {  	_ =	task.clear_ibuf [dreg:s6], $0x2FFFF;
	_ =	strace $0x9FFFFFFF  }
0xc2: {  	(tm) =	ssettm $0x7FFFFFFF  }
0xc3: {  	_ =	shalt  }
tec
execute0_lowered:
.L_overlay_start_1:
0x0: {  	(tag) =	ssettag $0x1  }
0x1: {  	s0 =	rddreg [dreg:$0x0]  }
0x2: {  	s1 =	rddreg [dreg:$0x1]  }
0x3: {  	s2 =	simm.s32 $0x0;
	s17 =	srdreg.scid;
	s9 =	stileid.u32  }
0x4: {  	[smem:$0x7FF] =	sst s2;
	s2 =	sand.u32 $0x1, s17;
	s3 =	smul.u32 $0x4E000, s9  }
0x5: {  	s29 =	simm.s32 $0x2000;
	s30 =	simm.s32 $0x4;
	s6 =	ssub.s32 $0x2, s2  }
0x6: {  	s31 =	simm.s32 $0x5;
	s7 =	sshrl.u32 s6, $0x1;
	s3 =	sshrl.u32 s3, $0x2  }
0x7: {  	s4 =	sadd.s32 $0x55200, s0;
	s7 =	ssub.s32 s6, s7;
	s6 =	sadd.s32 s3, s1  }
0x8: {  	s5 =	sadd.s32 $0x5200, s0;
	s0 =	sadd.s32 $0x7C400, s0;
	s3 =	sadd.s32 $0x1900, s6  }
0x9: {  	_ =	strace $0x8000004A;
	s18 =	sadd.s32 $0x3200, s6;
	[dreg:$0x3] =	wrdreg s3  }
0xa: {  	s8 =	sshll.u32 s9, $0x1;
	s19 =	sadd.s32 $0x4B00, s6;
	[dreg:$0x4] =	wrdreg s18  }
0xb: {  	s26 =	smul.u32 $0x13800, s9;
	s20 =	sadd.s32 $0x6400, s6;
	[dreg:$0x5] =	wrdreg s19  }
0xc: {  	p0 =	sne.s32 s9, $0xF;
	s21 =	sadd.s32 $0x7D00, s6;
	[dreg:$0x6] =	wrdreg s20  }
0xd: {  	s8 =	sor.u32 s2, s8;
	s22 =	sadd.s32 $0x9600, s6;
	[dreg:$0x7] =	wrdreg s21  }
0xe: {  	s2 =	smul.u32 $0x138800, s2;
	s23 =	sadd.s32 $0xAF00, s6;
	[dreg:$0x8] =	wrdreg s22  }
0xf: {  	s12 =	smul.u32 $0xA000, s8;
	s24 =	sadd.s32 $0xC800, s6;
	[dreg:$0x9] =	wrdreg s23  }
0x10: {  	s25 =	sadd.s32 $0xE100, s6;
	s17 =	sadd.s32 $0xFA00, s6;
	[dreg:$0xa] =	wrdreg s24  }
0x11: {  	s8 =	sshrl.u32 s12, $0x3;
	[dreg:$0xb] =	wrdreg s25;
	s18 =	sadd.s32 $0x11300, s6  }
0x12: {  	s19 =	sadd.s32 $0x12C00, s6;
	s20 =	sadd.s32 $0x138000, s1;
	s3 =	sadd.s32 s26, s2  }
.Ltmp0:
0x13: {  	s21 =	sadd.s32 s5, s8;
	s2 =	sshrl.u32 s2, $0x3;
	(pc) =	sbr.rel .LBB2_1-.Ltmp0, $4  }
0x14: {  	s25 =	smax.u32 s7, $0x1;
	s7 =	simm.s32 $0x0;
	s3 =	sshrl.u32 s3, $0x3  }
0x15: {  	s23 =	sadd.s32 $0x28000, s21;
	s26 =	sadd.s32 $0x100, s21;
	s28 =	sadd.s32 $0x28100, s21  }
0x16: {  	s22 =	sadd.s32 s0, s3;
	s0 =	sadd.s32 s0, s2;
	s2 =	simm.s32 $0x32  }
0x17: {  	v0 =	vimm.f32 $0.0e+00;
	s3 =	simm.s32 $0x2;
	s24 =	sadd.s32 $0x27000, s0;
	s0 =	simm.s32 $0x1  }
.LBB2_10:
0x18: {  	_ =	swait.ge [sflag:s3], $0x1900  }
0x19: {  	s8 =	stileid.u32;
	[sflag:s3] =	ssyncset.done $0x0  }
0x1a: {  	s8 =	sshll.u32 s8, $0x6;
	[sflag:s3] =	ssyncadd.s32 $0xFFFFE700  }
0x1b: {  	s9 =	sshrl.u32 s6, $0x3;
	s8 =	sor.u32 $0x1C05, s8;
	[bflag:$0x0] =	sbarrier.arrive $0xFFFF  }
0x1c: {  	[hbm:s22], [sflag:s8] =	dma.local [spmem:s9], $0x2700  }
0x1d: {  	_ =	swait.ge [sflag:s31], $0x2700  }
0x1e: {  	s7 =	sadd.s32 $0x1, s7;
	[sflag:s31] =	ssyncset.done $0x0  }
0x1f: {  	p1 =	sne.s32 s7, s25;
	s9 =	sshrl.u32 @!p0 s20, $0x3;
	[sflag:s31] =	ssyncadd.s32 $0xFFFFD900  }
0x20: {  	[hbm:s24], [sflag:s8] =	dma.local @!p0 [spmem:s9], $0x100  }
.Ltmp1:
0x21: {  	_ = 	snop;
	(pc) =	sbr.rel @!p1 .LBB2_11-.Ltmp1, $4  }
0x22: {  	s8 =	simm.s32 @!p0 $0x5  }
0x23: {  	_ =	swait.ge @!p0 [sflag:s8], $0x100  }
0x24: {  	[sflag:s8] =	ssyncset.done @!p0 $0x0  }
0x25: {  	[sflag:s8] =	ssyncadd.s32 @!p0 $0xFFFFFF00  }
.LBB2_1:
0x26: {  	s9 =	simm.s32 $0x0  }
0x27: {  	s8 =	sand.u32 $0x7E00, s9  }
0x28: {  	s9 =	sand.u32 $0x70, s9;
	s10 =	sshrl.u32 s8, $0x2  }
0x29: {  	s8 =	simm.s32 $0x40;
	s10 =	sor.u32 s9, s10;
	s9 =	simm.s32 $0x0  }
.LBB2_2:
0x2a: {  	p1 =	sne.s32 s8, $0x63C0  }
0x2b: {  	[tilespmem:s10+$0x2000] =	vst v0;
	s9 =	sadd.s32 $0x10, s9;
	s10 =	smov.u32 s8;
	s8 =	sadd.s32 $0x40, s8  }
.Ltmp2:
0x2c: {  	(pc) =	sbr.rel @p1 .LBB2_2-.Ltmp2, $4  }
0x2d: {  	_ = 	snop  }
0x2e: {  	s10 =	sand.u32 $0x7E00, s10  }
0x2f: {  	s11 =	sand.u32 $0x70, s9;
	s10 =	sshrl.u32 s10, $0x2  }
0x30: {  	s10 =	sor.u32 s11, s10  }
0x31: {  	[tilespmem:s10+$0x2000] =	vst v0  }
0x32: {  	[spmem:s6] =	stream.linear.scatter [tilespmem:s29], [sflag:$0x4], $0x1900, $0x38;
	[tilespmem:$0x1E480] =	vst v63  }
0x33: {  	s8 =	rddreg [dreg:$0x3]  }
0x34: {  	[spmem:s8] =	stream.linear.scatter [tilespmem:s29], [sflag:$0x4], $0x1900, $0x38;
	[tilespmem:$0x1E480] =	vst v63  }
0x35: {  	s14 =	rddreg [dreg:$0x4]  }
0x36: {  	[spmem:s14] =	stream.linear.scatter [tilespmem:s29], [sflag:$0x4], $0x1900, $0x38;
	[tilespmem:$0x1E480] =	vst v63  }
0x37: {  	s15 =	rddreg [dreg:$0x5]  }
0x38: {  	[spmem:s15] =	stream.linear.scatter [tilespmem:s29], [sflag:$0x4], $0x1900, $0x38;
	[tilespmem:$0x1E480] =	vst v63  }
0x39: {  	s16 =	rddreg [dreg:$0x6]  }
0x3a: {  	[spmem:s16] =	stream.linear.scatter [tilespmem:s29], [sflag:$0x4], $0x1900, $0x38;
	[tilespmem:$0x1E480] =	vst v63  }
0x3b: {  	s9 =	rddreg [dreg:$0x7]  }
0x3c: {  	[spmem:s9] =	stream.linear.scatter [tilespmem:s29], [sflag:$0x4], $0x1900, $0x38;
	[tilespmem:$0x1E480] =	vst v63  }
0x3d: {  	s10 =	rddreg [dreg:$0x8]  }
0x3e: {  	[spmem:s10] =	stream.linear.scatter [tilespmem:s29], [sflag:$0x4], $0x1900, $0x38;
	[tilespmem:$0x1E480] =	vst v63  }
0x3f: {  	s11 =	rddreg [dreg:$0x9]  }
0x40: {  	[spmem:s11] =	stream.linear.scatter [tilespmem:s29], [sflag:$0x4], $0x1900, $0x38;
	[tilespmem:$0x1E480] =	vst v63  }
0x41: {  	s13 =	rddreg [dreg:$0xa]  }
0x42: {  	[spmem:s13] =	stream.linear.scatter [tilespmem:s29], [sflag:$0x4], $0x1900, $0x38;
	[tilespmem:$0x1E480] =	vst v63  }
0x43: {  	s14 =	rddreg [dreg:$0xb]  }
0x44: {  	[spmem:s14] =	stream.linear.scatter [tilespmem:s29], [sflag:$0x4], $0x1900, $0x38;
	[tilespmem:$0x1E480] =	vst v63  }
0x45: {  	_ = 	snop  }
0x46: {  	[spmem:s17] =	stream.linear.scatter [tilespmem:s29], [sflag:$0x4], $0x1900, $0x38;
	[tilespmem:$0x1E480] =	vst v63  }
0x47: {  	_ = 	snop  }
0x48: {  	[spmem:s18] =	stream.linear.scatter [tilespmem:s29], [sflag:$0x4], $0x1900, $0x38;
	[tilespmem:$0x1E480] =	vst v63  }
0x49: {  	_ = 	snop  }
0x4a: {  	[spmem:s19] =	stream.linear.scatter [tilespmem:s29], [sflag:$0x4], $0xC00, $0x38;
	[tilespmem:$0x1E480] =	vst v63  }
0x4b: {  	s8 =	simm.s32 @!p0 $0x2000  }
0x4c: {  	[spmem:s20] =	stream.linear.scatter @!p0 [tilespmem:s8], [sflag:$0x4], $0x800, $0x38;
	[tilespmem:$0x1E480] =	vst v63  }
0x4d: {  	_ =	swait.ge [sflag:s30], $0x1900  }
0x4e: {  	[sflag:s30] =	ssyncset.done $0x0  }
0x4f: {  	[sflag:s30] =	ssyncadd.s32 $0xFFFFE700  }
0x50: {  	_ =	swait.ge [sflag:s30], $0x1900  }
0x51: {  	[sflag:s30] =	ssyncset.done $0x0  }
0x52: {  	[sflag:s30] =	ssyncadd.s32 $0xFFFFE700  }
0x53: {  	_ =	swait.ge [sflag:s30], $0x1900  }
0x54: {  	[sflag:s30] =	ssyncset.done $0x0  }
0x55: {  	[sflag:s30] =	ssyncadd.s32 $0xFFFFE700  }
0x56: {  	_ =	swait.ge [sflag:s30], $0x1900  }
0x57: {  	[sflag:s30] =	ssyncset.done $0x0  }
0x58: {  	[sflag:s30] =	ssyncadd.s32 $0xFFFFE700  }
0x59: {  	_ =	swait.ge [sflag:s30], $0x1900  }
0x5a: {  	[sflag:s30] =	ssyncset.done $0x0  }
0x5b: {  	[sflag:s30] =	ssyncadd.s32 $0xFFFFE700  }
0x5c: {  	_ =	swait.ge [sflag:s30], $0x1900  }
0x5d: {  	[sflag:s30] =	ssyncset.done $0x0  }
0x5e: {  	[sflag:s30] =	ssyncadd.s32 $0xFFFFE700  }
0x5f: {  	_ =	swait.ge [sflag:s30], $0x1900  }
0x60: {  	[sflag:s30] =	ssyncset.done $0x0  }
0x61: {  	[sflag:s30] =	ssyncadd.s32 $0xFFFFE700  }
0x62: {  	_ =	swait.ge [sflag:s30], $0x1900  }
0x63: {  	[sflag:s30] =	ssyncset.done $0x0  }
0x64: {  	[sflag:s30] =	ssyncadd.s32 $0xFFFFE700  }
0x65: {  	_ =	swait.ge [sflag:s30], $0x1900  }
0x66: {  	[sflag:s30] =	ssyncset.done $0x0  }
0x67: {  	[sflag:s30] =	ssyncadd.s32 $0xFFFFE700  }
0x68: {  	_ =	swait.ge [sflag:s30], $0x1900  }
0x69: {  	[sflag:s30] =	ssyncset.done $0x0  }
0x6a: {  	[sflag:s30] =	ssyncadd.s32 $0xFFFFE700  }
0x6b: {  	_ =	swait.ge [sflag:s30], $0x1900  }
0x6c: {  	[sflag:s30] =	ssyncset.done $0x0  }
0x6d: {  	[sflag:s30] =	ssyncadd.s32 $0xFFFFE700  }
0x6e: {  	_ =	swait.ge [sflag:s30], $0x1900  }
0x6f: {  	[sflag:s30] =	ssyncset.done $0x0  }
0x70: {  	[sflag:s30] =	ssyncadd.s32 $0xFFFFE700  }
0x71: {  	_ =	swait.ge [sflag:s30], $0xC00  }
0x72: {  	[sflag:s30] =	ssyncset.done $0x0  }
0x73: {  	s8 =	simm.s32 @!p0 $0x4;
	[sflag:s30] =	ssyncadd.s32 $0xFFFFF400  }
0x74: {  	_ =	swait.ge @!p0 [sflag:s8], $0x800  }
0x75: {  	[sflag:s8] =	ssyncset.done @!p0 $0x0  }
0x76: {  	[sflag:s8] =	ssyncadd.s32 @!p0 $0xFFFFF800;
	s8 =	simm.s32 $0x0  }
0x77: {  	[tilespmem:s8], [sflag:$0x5] =	stream.linear.gather [hbm4b:s21+s8], $0x500, $0x38;
	[tilespmem:$0x1E480] =	vst v63  }
0x78: {  	_ =	swait.ge [sflag:s31], $0x500  }
0x79: {  	[sflag:s31] =	ssyncset.done $0x0  }
0x7a: {  	s9 =	simm.s32 $0x1000;
	[sflag:s31] =	ssyncadd.s32 $0xFFFFFB00  }
0x7b: {  	[tilespmem:s9], [sflag:$0x5] =	stream.linear.gather [hbm4b:s23+s8], $0x500, $0x38;
	[tilespmem:$0x1E480] =	vst v63  }
0x7c: {  	_ =	swait.ge [sflag:s31], $0x500  }
0x7d: {  	[sflag:s31] =	ssyncset.done $0x0  }
0x7e: {  	s15 =	simm.s32 $0x800;
	[sflag:s31] =	ssyncadd.s32 $0xFFFFFB00  }
0x7f: {  	[tilespmem:s15], [sflag:$0x3] =	stream.linear.gather [hbm4b:s26+s8], $0x500, $0x38;
	[tilespmem:$0x1E480] =	vst v63  }
0x80: {  	s16 =	simm.s32 $0x1800  }
0x81: {  	[tilespmem:s16], [sflag:$0x3] =	stream.linear.gather [hbm4b:s28+s8], $0x500, $0x38;
	[tilespmem:$0x1E480] =	vst v63  }
0x82: {  	_ = 	snop  }
0x83: {  	[tilespmem:s29], [sflag:$0x1] =	stream.indirect.gather [hbm4b:s4+s2], $0x80, s8, s2, $0xb8;
	[tilespmem:$0x1E480] =	vst v63  }
0x84: {  	s10 =	simm.s32 $0x80;
	s11 =	simm.s32 $0x3C00  }
0x85: {  	[tilespmem:s11], [sflag:$0x1] =	stream.indirect.gather [hbm4b:s4+s2], $0x80, s10, s2, $0xb8;
	[tilespmem:$0x1E480] =	vst v63  }
0x86: {  	s13 =	simm.s32 $0x100;
	s14 =	simm.s32 $0x5800  }
0x87: {  	[tilespmem:s14], [sflag:$0x1] =	stream.indirect.gather [hbm4b:s4+s2], $0x80, s13, s2, $0xb8;
	[tilespmem:$0x1E480] =	vst v63  }
.Ltmp3:
0x88: {  	_ = 	snop;
	(pc) =	sbr.rel .LBB2_4-.Ltmp3, $3  }
0x89: {  	s15 =	simm.s32 $0x180;
	s16 =	simm.s32 $0x7400  }
0x8a: {  	[tilespmem:s16], [sflag:$0x1] =	stream.indirect.gather [hbm4b:s4+s2], $0x80, s15, s2, $0xb8;
	[tilespmem:$0x1E480] =	vst v63  }
0x8b: {  	[bflag:$0x0] =	sbarrier.arrive $0xFFFF;
	_ =	sdelay $0x1  }
.LBB2_5:
0x8c: {  	s13 =	simm.s32 $0x4;
	s14 =	simm.s32 $0x0;
	s15 =	simm.s32 $0x4  }
.LBB2_8:
0x8d: {  	s16 =	smul.u32 $0xCD, s15;
	_ =	sdelay $0x1  }
0x8e: {  	s16 =	sshrl.u32 s16, $0xA  }
0x8f: {  	s16 =	sand.u32 $0x3F, s16  }
0x90: {  	s16 =	smul.u32 $0x5, s16;
	_ =	sdelay $0x1  }
0x91: {  	s16 =	ssub.s32 s15, s16  }
0x92: {  	s15 =	sand.u32 $0xFF, s16  }
0x93: {  	s15 =	smul.u32 $0x7000, s15  }
0x94: {  	s14 =	sshll.u32 s14, $0xB  }
0x95: {  	s13 =	sshll.u32 s13, $0x7;
	s14 =	sand.u32 $0x800, s14;
	s15 =	sshrl.u32 s15, $0x2  }
0x96: {  	s13 =	sadd.s32 s13, s14;
	s15 =	sadd.s32 $0x2000, s15  }
0x97: {  	[tilespmem:s15], [sflag:$0x1] =	stream.indirect.gather [hbm4b:s4+s2], $0x80, s13, s2, $0xb8;
	[tilespmem:$0x1E480] =	vst v63  }
.LBB2_9:
0x98: {  	s11 =	sshrl.u32 s11, $0xA  }
0x99: {  	s11 =	sand.u32 $0x3F, s11  }
0x9a: {  	s11 =	smul.u32 $0x5, s11;
	_ =	sdelay $0x1  }
0x9b: {  	s11 =	ssub.s32 s8, s11  }
0x9c: {  	s8 =	sadd.s32 $0x1, s8;
	s11 =	sand.u32 $0xFF, s11  }
0x9d: {  	p1 =	sne.s32 s8, $0xC8;
	s11 =	smul.u32 $0x7000, s11  }
.Ltmp4:
0x9e: {  	s9 =	sshll.u32 s9, $0xB;
	(pc) =	sbr.rel @!p1 .LBB2_10-.Ltmp4, $4  }
0x9f: {  	s10 =	sshll.u32 s10, $0x7;
	s9 =	sand.u32 $0x800, s9  }
0xa0: {  	s9 =	sadd.s32 s10, s9;
	s11 =	sshrl.u32 s11, $0x2  }
0xa1: {  	s9 =	sadd.s32 $0x1000, s9;
	s16 =	sadd.s32 $0x2000, s11  }
0xa2: {  	[spmem:s1] =	stream.indirect.scatter.add.f32 [tilespmem:s16], [sflag:$0x2], $0x80, s9, s2, $0xb8;
	[tilespmem:$0x1E480] =	vst v63  }
.LBB2_4:
0xa3: {  	s11 =	smul.u32 $0xCD, s8;
	_ =	sdelay $0x1  }
0xa4: {  	p1 =	seq.s32 s8, $0x0;
	s9 =	sshrl.u32 s11, $0xB  }
.Ltmp5:
0xa5: {  	s9 =	sand.u32 $0x1F, s9;
	(pc) =	sbr.rel @p1 .LBB2_5-.Ltmp5, $4  }
0xa6: {  	s10 =	smul.u32 $0xA, s9  }
0xa7: {  	_ =	swait.ge [sflag:s0], $0x1900  }
0xa8: {  	[sflag:s0] =	ssyncset.done $0x0;
	s10 =	ssub.s32 s8, s10  }
0xa9: {  	[sflag:s0] =	ssyncadd.s32 $0xFFFFE700;
	s10 =	sand.u32 $0xFF, s10  }
0xaa: {  	p1 =	sne.s32 s10, $0x4;
	s13 =	sadd.s32 $0xFFFFFFFF, s9  }
0xab: {  	p2 =	sgt.u32 @!p1 s13, $0x11  }
0xac: {  	p1 =	por p2, p1  }
0xad: {  	s13 =	sshll.u32 @!p1 s9, $0xB  }
0xae: {  	_ =	swait.ge [sflag:s3], $0x1900;
	s13 =	sadd.s32 @!p1 $0x800, s13  }
0xaf: {  	[sflag:s3] =	ssyncset.done $0x0;
	s14 =	sadd.s32 @!p1 s12, s13  }
0xb0: {  	[sflag:s3] =	ssyncadd.s32 $0xFFFFE700;
	s14 =	sshrl.u32 @!p1 s14, $0x3  }
0xb1: {  	s15 =	simm.s32 @!p1 $0x0;
	s13 =	sand.u32 @!p1 $0x800, s13;
	s14 =	sadd.s32 @!p1 s5, s14  }
0xb2: {  	[tilespmem:s13], [sflag:$0x3] =	stream.linear.gather @!p1 [hbm4b:s14+s15], $0x500, $0x38;
	[tilespmem:$0x1E480] =	vst v63  }
0xb3: {  	s13 =	sor.u32 @!p1 $0x1000, s13;
	s14 =	sadd.s32 @!p1 $0x28000, s14  }
0xb4: {  	[tilespmem:s13], [sflag:$0x3] =	stream.linear.gather @!p1 [hbm4b:s14+s15], $0x500, $0x38;
	[tilespmem:$0x1E480] =	vst v63  }
0xb5: {  	p1 =	sgt.u32 s8, $0xC3  }
.Ltmp6:
0xb6: {  	_ = 	snop;
	(pc) =	sbr.rel @p1 .LBB2_9-.Ltmp6, $1  }
0xb7: {  	_ =	sdelay $0x3  }
0xb8: {  	s15 =	sadd.s32 $0x4, s8  }
0xb9: {  	s13 =	smul.u32 $0xCD, s15;
	_ =	sdelay $0x1  }
0xba: {  	s13 =	sshrl.u32 s13, $0xB  }
0xbb: {  	s14 =	sand.u32 $0x1F, s13  }
0xbc: {  	s13 =	smul.u32 $0xA, s14;
	_ =	sdelay $0x1  }
0xbd: {  	s13 =	ssub.s32 s15, s13  }
0xbe: {  	s13 =	sand.u32 $0xFF, s13  }
0xbf: {  	p1 =	sne.s32 s13, $0x0  }
0xc0: {  	s16 =	simm.s32 @!p1 $0x3  }
0xc1: {  	_ =	swait.ge @!p1 [sflag:s16], $0x500  }
.Ltmp7:
0xc2: {  	[sflag:s16] =	ssyncset.done @!p1 $0x0;
	(pc) =	sbr.rel .LBB2_8-.Ltmp7, $4  }
0xc3: {  	[sflag:s16] =	ssyncadd.s32 @!p1 $0xFFFFFB00  }
0xc4: {  	_ =	swait.ge @!p1 [sflag:s16], $0x500  }
0xc5: {  	[sflag:s16] =	ssyncset.done @!p1 $0x0  }
0xc6: {  	s13 =	simm.s32 @!p1 $0x0;
	[sflag:s16] =	ssyncadd.s32 @!p1 $0xFFFFFB00  }
.LBB2_11:
0xc7: {  	_ =	sfence.sel $0x180000  }
0xc8: {  	[bflag:$0x0] =	sbarrier.arrive $0xFFFF  }
0xc9: {  	_ =	strace $0x9000004A  }
0xca: {  	s0 =	stileid.u32;
	[bflag:$0x2] =	sbarrier.arrive $0xFFFF  }
0xcb: {  	p0 =	sne.s32 s0, $0x0;
	s0 =	rddreg [dreg:$0x2]  }
0xcc: {  	s0 =	sadd.s32 @!p0 $0x100000, s0  }
0xcd: {  	[sflag:s0] =	ssyncadd.tile.s32 @!p0 $0x1;
	_ =	shalt  }
.Lfunc_end2:
_tile_overlayer_lowered:
.L_overlay_start_2:
0xce: {  	(tag) =	ssettag $0x2  }
0xcf: {  	s0 =	rddreg [dreg:$0x0];
	s2 =	stileid.u32  }
0xd0: {  	s1 =	rddreg [dreg:$0x1];
	p0 =	sne.s32 s2, $0x0  }
0xd1: {  	s3 =	rddreg [dreg:$0x2];
	[bflag:$0x3] =	sbarrier.arrive $0xFFFF;
	s2 =	simm.s32 @!p0 $0x1C05  }
0xd2: {  	[timem:s3], [sflag:s2] =	dma.local @!p0 [hbm:s0], s1  }
0xd3: {  	s0 =	simm.s32 @!p0 $0x5  }
0xd4: {  	_ =	swait.ge @!p0 [sflag:s0], s1  }
0xd5: {  	s1 =	ssub.s32 @!p0 $0x0, s1;
	[sflag:s0] =	ssyncset.done @!p0 $0x0  }
0xd6: {  	[sflag:s0] =	ssyncadd.s32 @!p0 s1  }
0xd7: {  	[bflag:$0x3] =	sbarrier.arrive $0xFFFF  }
0xd8: {  	_ =	shalt  }

// kernel: kernel.14.cloned.1.call-start
scs
__scs_entry_jumppad:
0x0: {  	(pc) =	sbr.rel $0x88, $3  }
0x1: {  	(tag) =	ssettag $0x0;
	lr =	simm.s32 $0x1  }
0x2: {  	[smem:$0x3F88] =	sst lr;
	_ =	strace $0xD0000000  }
0x3: {  	_ = 	snop  }
0x4: {  	_ = 	snop  }
0x5: {  	_ = 	snop  }
0x6: {  	_ = 	snop  }
0x7: {  	_ = 	snop  }
__scs_overlays_trampoline_lowered:
0x8: {  	[smem:$0x3F97] =	sst s0  }
0x9: {  	[smem:$0x3F98] =	sst s1  }
0xa: {  	[smem:$0x3F99] =	sst s2  }
0xb: {  	[smem:$0x3F9A] =	sst s3  }
0xc: {  	[smem:$0x3F9B] =	sst s4  }
0xd: {  	[smem:$0x3F9C] =	sst s5  }
0xe: {  	[smem:$0x3F9D] =	sst s6  }
0xf: {  	[smem:$0x3F9E] =	sst s7  }
0x10: {  	[smem:$0x3F9F] =	sst s8  }
0x11: {  	[smem:$0x3FA0] =	sst s9;
	s0 =	simm.s32 @!p0 $0x0  }
0x12: {  	s1 =	sld [smem:$0x3F86];
	s0 =	simm.s32 @p0 $0x1  }
0x13: {  	[smem:$0x3FA1] =	sst s0;
	s0 =	simm.s32 @!p1 $0x0  }
0x14: {  	s2 =	sld [smem:$0x3F85];
	s0 =	simm.s32 @p1 $0x1  }
0x15: {  	[smem:$0x3FA2] =	sst s0;
	s0 =	simm.s32 @!p2 $0x0  }
0x16: {  	s3 =	sld [smem:$0x3FDB];
	s0 =	simm.s32 @p2 $0x1  }
0x17: {  	s4 =	simm.s32 $0x1BF5;
	[smem:$0x3FA4] =	sst s0  }
0x18: {  	s0 =	sld [smem:$0x3F87];
	_ =	swait.ge [sflag:s4], $0x0  }
0x19: {  	s7 =	sld [smem:$0x3F88]  }
0x1a: {  	s8 =	sadd.s32 $0xFFFFE003, lr  }
0x1b: {  	s9 =	sadd.s32 $0xFFFFFEF7, lr;
	s5 =	simm.s32 $0xFFFFFFFF;
	p2 =	slt.u32 s8, $0xFFFFF086  }
0x1c: {  	p1 =	slt.u32 s9, $0xF7A;
	s5 =	simm.s32 @!p2 $0x0  }
0x1d: {  	s5 =	simm.s32 @p1 $0x1;
	p0 =	seq.s32 s7, s2  }
0x1e: {  	s7 =	smul.u32 @!p0 $0xF7A, s2;
	p2 =	seq.s32 @!p0 s5, $0x0  }
0x1f: {  	s9 =	smul.u32 $0xF7A, s1;
	s8 =	simm.s32 @!p0 $0x1BF5;
	p2 =	por !p2, p0  }
0x20: {  	[sflag:s8] =	ssyncset.s32 @!p0 $0xFFFFF086;
	s6 =	sadd.s32 @!p0 s3, s7;
	s7 =	simm.s32 @!p0 $0x108  }
0x21: {  	s3 =	sadd.s32 s3, s9;
	s6 =	sadd.s32 @!p0 $0x88, s6;
	s7 =	simm.s32 @p2 $0x1082  }
0x22: {  	[simem:s7], [sflag:s8] =	dma.local @!p0 [hbm:s6], $0xF7A  }
0x23: {  	s9 =	sor.u32 $0xD0000000, s2;
	s6 =	simm.s32 $0x108;
	_ =	swait.ge @!p0 [sflag:s8], $0x0  }
0x24: {  	s3 =	sadd.s32 $0x88, s3;
	s6 =	simm.s32 @!p1 $0x1082;
	[sflag:s4] =	ssyncset.s32 $0xFFFFF086  }
0x25: {  	[simem:s6], [sflag:s4] =	dma.local [hbm:s3], $0xF7A  }
0x26: {  	[smem:$0x3F88] =	sst s1;
	(tag) =	ssettag s2;
	_ =	strace s9  }
0x27: {  	s1 =	sld [smem:$0x3F98]  }
0x28: {  	s2 =	sld [smem:$0x3F99]  }
0x29: {  	s4 =	sld [smem:$0x3F9B]  }
0x2a: {  	p0 =	seq.s32 s5, $0x0;
	s5 =	sld [smem:$0x3F9C]  }
0x2b: {  	s6 =	sld [smem:$0x3F9D]  }
0x2c: {  	s7 =	sld [smem:$0x3F9E]  }
0x2d: {  	s3 =	simm.s32 $0x108;
	s8 =	sld [smem:$0x3F9F]  }
0x2e: {  	s3 =	simm.s32 @!p0 $0x1082;
	s9 =	sld [smem:$0x3FA0]  }
0x2f: {  	lr =	sadd.s32 s0, s3;
	s0 =	sld [smem:$0x3F97]  }
0x30: {  	s3 =	sld [smem:$0x3F9A]  }
0x31: {  	[smem:$0x3FA3] =	sst s10  }
0x32: {  	s10 =	sld [smem:$0x3FA1];
	_ =	sdelay $0x3  }
0x33: {  	p0 =	seq.s32 s10, $0x1;
	s10 =	sld [smem:$0x3FA3];
	_ =	sdelay $0x3  }
0x34: {  	[smem:$0x3FA3] =	sst s10  }
0x35: {  	s10 =	sld [smem:$0x3FA2];
	_ =	sdelay $0x3  }
0x36: {  	p1 =	seq.s32 s10, $0x1;
	s10 =	sld [smem:$0x3FA3];
	_ =	sdelay $0x3  }
0x37: {  	[smem:$0x3FA3] =	sst s10  }
0x38: {  	s10 =	sld [smem:$0x3FA4]  }
0x39: {  	_ = 	snop;
	(pc) =	sbr.ind lr, $3  }
0x3a: {  	_ = 	snop  }
0x3b: {  	_ = 	snop  }
0x3c: {  	p2 =	seq.s32 s10, $0x1;
	s10 =	sld [smem:$0x3FA3]  }
0x3d: {  	_ =	shalt  }
0x3e: {  	_ =	shalt  }
0x3f: {  	_ =	shalt  }
0x40: {  	_ =	shalt  }
0x41: {  	_ =	shalt  }
0x42: {  	_ =	shalt  }
0x43: {  	_ =	shalt  }
0x44: {  	_ =	shalt  }
0x45: {  	_ =	shalt  }
0x46: {  	_ =	shalt  }
0x47: {  	_ =	shalt  }
0x48: {  	_ =	shalt  }
0x49: {  	_ =	shalt  }
0x4a: {  	_ =	shalt  }
0x4b: {  	_ =	shalt  }
0x4c: {  	_ =	shalt  }
0x4d: {  	_ =	shalt  }
0x4e: {  	_ =	shalt  }
0x4f: {  	_ =	shalt  }
0x50: {  	_ =	shalt  }
0x51: {  	_ =	shalt  }
0x52: {  	_ =	shalt  }
0x53: {  	_ =	shalt  }
0x54: {  	_ =	shalt  }
0x55: {  	_ =	shalt  }
0x56: {  	_ =	shalt  }
0x57: {  	_ =	shalt  }
0x58: {  	_ =	shalt  }
0x59: {  	_ =	shalt  }
0x5a: {  	_ =	shalt  }
0x5b: {  	_ =	shalt  }
0x5c: {  	_ =	shalt  }
0x5d: {  	_ =	shalt  }
0x5e: {  	_ =	shalt  }
0x5f: {  	_ =	shalt  }
0x60: {  	_ =	shalt  }
0x61: {  	_ =	shalt  }
0x62: {  	_ =	shalt  }
0x63: {  	_ =	shalt  }
0x64: {  	_ =	shalt  }
0x65: {  	_ =	shalt  }
0x66: {  	_ =	shalt  }
0x67: {  	_ =	shalt  }
0x68: {  	_ =	shalt  }
0x69: {  	_ =	shalt  }
0x6a: {  	_ =	shalt  }
0x6b: {  	_ =	shalt  }
0x6c: {  	_ =	shalt  }
0x6d: {  	_ =	shalt  }
0x6e: {  	_ =	shalt  }
0x6f: {  	_ =	shalt  }
0x70: {  	_ =	shalt  }
0x71: {  	_ =	shalt  }
0x72: {  	_ =	shalt  }
0x73: {  	_ =	shalt  }
0x74: {  	_ =	shalt  }
0x75: {  	_ =	shalt  }
0x76: {  	_ =	shalt  }
0x77: {  	_ =	shalt  }
0x78: {  	_ =	shalt  }
0x79: {  	_ =	shalt  }
0x7a: {  	_ =	shalt  }
0x7b: {  	_ =	shalt  }
0x7c: {  	_ =	shalt  }
0x7d: {  	_ =	shalt  }
0x7e: {  	_ =	shalt  }
0x7f: {  	_ =	shalt  }
0x80: {  	_ =	shalt  }
0x81: {  	_ =	shalt  }
0x82: {  	_ =	shalt  }
0x83: {  	_ =	shalt  }
0x84: {  	_ =	shalt  }
0x85: {  	_ =	shalt  }
0x86: {  	_ =	shalt  }
0x87: {  	_ =	shalt  }
.Lfunc_end0:
.L_simem_size_0:
called_computation.2_lowered:
.L_overlay_start_0:
0x88: {  	s2 =	sld [smem:$0x3FD9]  }
0x89: {  	s3 =	sld [smem:$0x3FFE];
	_ =	sdelay $0x1  }
0x8a: {  	s1 =	srdreg.scid  }
0x8b: {  	s0 =	sand.u32 $0x1, s1  }
0x8c: {  	s16 =	sshll.u32 s0, $0xA;
	s2 =	sadd.s32 s3, s2  }
0x8d: {  	s2 =	sadd.s32 s2, s16  }
0x8e: {  	[smem:$0x3FAF] =	sst s2  }
0x8f: {  	_ = 	snop  }
0x90: {  	(tm) =	ssettm $0x1  }
0x91: {  	s17 =	sld [smem:$0x3FFB];
	_ =	sdelay $0x3  }
0x92: {  	_ =	strace s17  }
0x93: {  	s2 =	sld [smem:$0x3FFC];
	_ =	sdelay $0x3  }
0x94: {  	_ =	strace s2  }
0x95: {  	s2 =	sld [smem:$0x3FFD];
	_ =	sdelay $0x3  }
0x96: {  	_ =	strace s2  }
0x97: {  	_ =	strace $0x8FFFFFFF  }
0x98: {  	s18 =	sld [smem:$0x3FDB];
	_ =	sdelay $0x1  }
0x99: {  	s19 =	simm.s32 $_scs_section_size  }
0x9a: {  	s4 =	simm.s32 $_size__tile_overlayer_lowered;
	s5 =	simm.s32 $_tile_overlayer_lowered  }
0x9b: {  	s22 =	simm.s32 $0x1BFF;
	s21 =	sshll.u32 s5, $0x1;
	s2 =	sadd.s32 s19, s18  }
0x9c: {  	s6 =	simm.s32 $0x0;
	s20 =	sshll.u32 s4, $0x1;
	s4 =	sadd.s32 s21, s2  }
0x9d: {  	[timem:s6], [sflag:s22] =	dma.local [hbm:s4], s20  }
0x9e: {  	_ =	swait.ge [sflag:s22], s20  }
0x9f: {  	s3 =	ssub.s32 $0x0, s20;
	[sflag:s22] =	ssyncset.done $0x0  }
0xa0: {  	[sflag:s22] =	ssyncadd.s32 s3;
	_ =	sdelay $0x1  }
0xa1: {  	s23 =	simm.s32 $0x1B8B  }
0xa2: {  	_ =	swait.ge [sflag:s23], $0x1  }
0xa3: {  	[sflag:s23] =	ssyncset.done $0x0  }
0xa4: {  	s25 =	simm.s32 $0x1B8E;
	s24 =	sld [smem:$0x3FFE];
	[sflag:s23] =	ssyncadd.s32 $0xFFFFFFFF  }
0xa5: {  	s26 =	simm.s32 $execute0_lowered;
	[smem:$0x3FD2] =	sst s25  }
0xa6: {  	s4 =	sshll.u32 s26, $0x1;
	_ =	strace $0x8000004C;
	[dreg:$0x1] =	wrdreg $0xFFFFFFFF  }
0xa7: {  	s28 =	simm.s32 $_size_execute0_lowered;
	s2 =	sadd.s32 s2, s4;
	[dreg:$0x0] =	wrdreg $0x0  }
0xa8: {  	s4 =	sshll.u32 s28, $0x1;
	[dreg:$0x2] =	wrdreg s2  }
0xa9: {  	[dreg:$0x3] =	wrdreg s4  }
0xaa: {  	[dreg:$0x4] =	wrdreg $0xC0  }
0xab: {  	_ =	task [dreg:s6], $0x5FFFF  }
0xac: {  	[dreg:$0x1] =	wrdreg $0xFFFFFFFF  }
0xad: {  	[dreg:$0x0] =	wrdreg $0x60  }
0xae: {  	[dreg:$0x2] =	wrdreg s24  }
0xaf: {  	[dreg:$0x3] =	wrdreg $0xAC000  }
0xb0: {  	[dreg:$0x4] =	wrdreg $0x9  }
0xb1: {  	_ =	task.clear_ibuf [dreg:s6], $0x5FFFF;
	_ =	strace $0x9000004C  }
0xb2: {  	s29 =	simm.s32 $0x9;
	_ =	strace $0x8000004E  }
0xb3: {  	_ =	swait.ge [sflag:s29], $0x1  }
0xb4: {  	[sflag:s29] =	ssyncadd.s32 $0xFFFFFFFF  }
0xb5: {  	_ =	strace $0x9000004E  }
0xb6: {  	_ =	sfence  }
0xb7: {  	s30 =	sld [smem:$0x0];
	_ =	sdelay $0x2  }
0xb8: {  	s31 =	sshll.u32 s1, $0xD;
	s1 =	sshrl.u32 s1, $0x2  }
0xb9: {  	s3 =	sand.u32 $0x4000, s31;
	s1 =	sadd.s32 s1, s30  }
0xba: {  	s0 =	sor.u32 s3, s0;
	s1 =	sshll.u32 s1, $0x11  }
0xbb: {  	s0 =	sor.u32 s1, s0  }
0xbc: {  	s0 =	sadd.s32 $0x8F2B, s0  }
0xbd: {  	[sflag:s0] =	ssyncadd.remote.s32 $0x1  }
0xbe: {  	_ =	sfence.sel $0xFFFF  }
0xbf: {  	[dreg:$0x0] =	wrdreg $0xFFFFFFFF;
	(pc) =	sbr.abs _section_cstart, $3  }
0xc0: {  	[dreg:$0x1] =	wrdreg $0xFFFFFFFF  }
0xc1: {  	_ =	task.clear_ibuf [dreg:s6], $0x2FFFF;
	_ =	strace $0x9FFFFFFF  }
0xc2: {  	(tm) =	ssettm $0x7FFFFFFF  }
0xc3: {  	_ =	shalt  }
tec
execute0_lowered:
.L_overlay_start_1:
0x0: {  	(tag) =	ssettag $0x1  }
0x1: {  	s0 =	rddreg [dreg:$0x0]  }
0x2: {  	s1 =	rddreg [dreg:$0x1]  }
0x3: {  	s2 =	simm.s32 $0x0;
	s17 =	srdreg.scid;
	s9 =	stileid.u32  }
0x4: {  	[smem:$0x7FF] =	sst s2;
	s2 =	sand.u32 $0x1, s17;
	s3 =	smul.u32 $0x4E000, s9  }
0x5: {  	s29 =	simm.s32 $0x2000;
	s30 =	simm.s32 $0x4;
	s6 =	ssub.s32 $0x2, s2  }
0x6: {  	s31 =	simm.s32 $0x5;
	s7 =	sshrl.u32 s6, $0x1;
	s3 =	sshrl.u32 s3, $0x2  }
0x7: {  	s4 =	sadd.s32 $0x55200, s0;
	s7 =	ssub.s32 s6, s7;
	s6 =	sadd.s32 s3, s1  }
0x8: {  	s5 =	sadd.s32 $0x5200, s0;
	s0 =	sadd.s32 $0x7C400, s0;
	s3 =	sadd.s32 $0x1900, s6  }
0x9: {  	_ =	strace $0x8000004D;
	s18 =	sadd.s32 $0x3200, s6;
	[dreg:$0x3] =	wrdreg s3  }
0xa: {  	s8 =	sshll.u32 s9, $0x1;
	s19 =	sadd.s32 $0x4B00, s6;
	[dreg:$0x4] =	wrdreg s18  }
0xb: {  	s26 =	smul.u32 $0x13800, s9;
	s20 =	sadd.s32 $0x6400, s6;
	[dreg:$0x5] =	wrdreg s19  }
0xc: {  	p0 =	sne.s32 s9, $0xF;
	s21 =	sadd.s32 $0x7D00, s6;
	[dreg:$0x6] =	wrdreg s20  }
0xd: {  	s8 =	sor.u32 s2, s8;
	s22 =	sadd.s32 $0x9600, s6;
	[dreg:$0x7] =	wrdreg s21  }
0xe: {  	s2 =	smul.u32 $0x138800, s2;
	s23 =	sadd.s32 $0xAF00, s6;
	[dreg:$0x8] =	wrdreg s22  }
0xf: {  	s12 =	smul.u32 $0xA000, s8;
	s24 =	sadd.s32 $0xC800, s6;
	[dreg:$0x9] =	wrdreg s23  }
0x10: {  	s25 =	sadd.s32 $0xE100, s6;
	s17 =	sadd.s32 $0xFA00, s6;
	[dreg:$0xa] =	wrdreg s24  }
0x11: {  	s8 =	sshrl.u32 s12, $0x3;
	[dreg:$0xb] =	wrdreg s25;
	s18 =	sadd.s32 $0x11300, s6  }
0x12: {  	s19 =	sadd.s32 $0x12C00, s6;
	s20 =	sadd.s32 $0x138000, s1;
	s3 =	sadd.s32 s26, s2  }
.Ltmp0:
0x13: {  	s21 =	sadd.s32 s5, s8;
	s2 =	sshrl.u32 s2, $0x3;
	(pc) =	sbr.rel .LBB2_1-.Ltmp0, $4  }
0x14: {  	s25 =	smax.u32 s7, $0x1;
	s7 =	simm.s32 $0x0;
	s3 =	sshrl.u32 s3, $0x3  }
0x15: {  	s23 =	sadd.s32 $0x28000, s21;
	s26 =	sadd.s32 $0x100, s21;
	s28 =	sadd.s32 $0x28100, s21  }
0x16: {  	s22 =	sadd.s32 s0, s3;
	s0 =	sadd.s32 s0, s2;
	s2 =	simm.s32 $0x32  }
0x17: {  	v0 =	vimm.f32 $0.0e+00;
	s3 =	simm.s32 $0x2;
	s24 =	sadd.s32 $0x27000, s0;
	s0 =	simm.s32 $0x1  }
.LBB2_10:
0x18: {  	_ =	swait.ge [sflag:s3], $0x1900  }
0x19: {  	s8 =	stileid.u32;
	[sflag:s3] =	ssyncset.done $0x0  }
0x1a: {  	s8 =	sshll.u32 s8, $0x6;
	[sflag:s3] =	ssyncadd.s32 $0xFFFFE700  }
0x1b: {  	s9 =	sshrl.u32 s6, $0x3;
	s8 =	sor.u32 $0x1C05, s8;
	[bflag:$0x0] =	sbarrier.arrive $0xFFFF  }
0x1c: {  	[hbm:s22], [sflag:s8] =	dma.local [spmem:s9], $0x2700  }
0x1d: {  	_ =	swait.ge [sflag:s31], $0x2700  }
0x1e: {  	s7 =	sadd.s32 $0x1, s7;
	[sflag:s31] =	ssyncset.done $0x0  }
0x1f: {  	p1 =	sne.s32 s7, s25;
	s9 =	sshrl.u32 @!p0 s20, $0x3;
	[sflag:s31] =	ssyncadd.s32 $0xFFFFD900  }
0x20: {  	[hbm:s24], [sflag:s8] =	dma.local @!p0 [spmem:s9], $0x100  }
.Ltmp1:
0x21: {  	_ = 	snop;
	(pc) =	sbr.rel @!p1 .LBB2_11-.Ltmp1, $4  }
0x22: {  	s8 =	simm.s32 @!p0 $0x5  }
0x23: {  	_ =	swait.ge @!p0 [sflag:s8], $0x100  }
0x24: {  	[sflag:s8] =	ssyncset.done @!p0 $0x0  }
0x25: {  	[sflag:s8] =	ssyncadd.s32 @!p0 $0xFFFFFF00  }
.LBB2_1:
0x26: {  	s9 =	simm.s32 $0x0  }
0x27: {  	s8 =	sand.u32 $0x7E00, s9  }
0x28: {  	s9 =	sand.u32 $0x70, s9;
	s10 =	sshrl.u32 s8, $0x2  }
0x29: {  	s8 =	simm.s32 $0x40;
	s10 =	sor.u32 s9, s10;
	s9 =	simm.s32 $0x0  }
.LBB2_2:
0x2a: {  	p1 =	sne.s32 s8, $0x63C0  }
0x2b: {  	[tilespmem:s10+$0x2000] =	vst v0;
	s9 =	sadd.s32 $0x10, s9;
	s10 =	smov.u32 s8;
	s8 =	sadd.s32 $0x40, s8  }
.Ltmp2:
0x2c: {  	(pc) =	sbr.rel @p1 .LBB2_2-.Ltmp2, $4  }
0x2d: {  	_ = 	snop  }
0x2e: {  	s10 =	sand.u32 $0x7E00, s10  }
0x2f: {  	s11 =	sand.u32 $0x70, s9;
	s10 =	sshrl.u32 s10, $0x2  }
0x30: {  	s10 =	sor.u32 s11, s10  }
0x31: {  	[tilespmem:s10+$0x2000] =	vst v0  }
0x32: {  	[spmem:s6] =	stream.linear.scatter [tilespmem:s29], [sflag:$0x4], $0x1900, $0x38;
	[tilespmem:$0x1E480] =	vst v63  }
0x33: {  	s8 =	rddreg [dreg:$0x3]  }
0x34: {  	[spmem:s8] =	stream.linear.scatter [tilespmem:s29], [sflag:$0x4], $0x1900, $0x38;
	[tilespmem:$0x1E480] =	vst v63  }
0x35: {  	s14 =	rddreg [dreg:$0x4]  }
0x36: {  	[spmem:s14] =	stream.linear.scatter [tilespmem:s29], [sflag:$0x4], $0x1900, $0x38;
	[tilespmem:$0x1E480] =	vst v63  }
0x37: {  	s15 =	rddreg [dreg:$0x5]  }
0x38: {  	[spmem:s15] =	stream.linear.scatter [tilespmem:s29], [sflag:$0x4], $0x1900, $0x38;
	[tilespmem:$0x1E480] =	vst v63  }
0x39: {  	s16 =	rddreg [dreg:$0x6]  }
0x3a: {  	[spmem:s16] =	stream.linear.scatter [tilespmem:s29], [sflag:$0x4], $0x1900, $0x38;
	[tilespmem:$0x1E480] =	vst v63  }
0x3b: {  	s9 =	rddreg [dreg:$0x7]  }
0x3c: {  	[spmem:s9] =	stream.linear.scatter [tilespmem:s29], [sflag:$0x4], $0x1900, $0x38;
	[tilespmem:$0x1E480] =	vst v63  }
0x3d: {  	s10 =	rddreg [dreg:$0x8]  }
0x3e: {  	[spmem:s10] =	stream.linear.scatter [tilespmem:s29], [sflag:$0x4], $0x1900, $0x38;
	[tilespmem:$0x1E480] =	vst v63  }
0x3f: {  	s11 =	rddreg [dreg:$0x9]  }
0x40: {  	[spmem:s11] =	stream.linear.scatter [tilespmem:s29], [sflag:$0x4], $0x1900, $0x38;
	[tilespmem:$0x1E480] =	vst v63  }
0x41: {  	s13 =	rddreg [dreg:$0xa]  }
0x42: {  	[spmem:s13] =	stream.linear.scatter [tilespmem:s29], [sflag:$0x4], $0x1900, $0x38;
	[tilespmem:$0x1E480] =	vst v63  }
0x43: {  	s14 =	rddreg [dreg:$0xb]  }
0x44: {  	[spmem:s14] =	stream.linear.scatter [tilespmem:s29], [sflag:$0x4], $0x1900, $0x38;
	[tilespmem:$0x1E480] =	vst v63  }
0x45: {  	_ = 	snop  }
0x46: {  	[spmem:s17] =	stream.linear.scatter [tilespmem:s29], [sflag:$0x4], $0x1900, $0x38;
	[tilespmem:$0x1E480] =	vst v63  }
0x47: {  	_ = 	snop  }
0x48: {  	[spmem:s18] =	stream.linear.scatter [tilespmem:s29], [sflag:$0x4], $0x1900, $0x38;
	[tilespmem:$0x1E480] =	vst v63  }
0x49: {  	_ = 	snop  }
0x4a: {  	[spmem:s19] =	stream.linear.scatter [tilespmem:s29], [sflag:$0x4], $0xC00, $0x38;
	[tilespmem:$0x1E480] =	vst v63  }
0x4b: {  	s8 =	simm.s32 @!p0 $0x2000  }
0x4c: {  	[spmem:s20] =	stream.linear.scatter @!p0 [tilespmem:s8], [sflag:$0x4], $0x800, $0x38;
	[tilespmem:$0x1E480] =	vst v63  }
0x4d: {  	_ =	swait.ge [sflag:s30], $0x1900  }
0x4e: {  	[sflag:s30] =	ssyncset.done $0x0  }
0x4f: {  	[sflag:s30] =	ssyncadd.s32 $0xFFFFE700  }
0x50: {  	_ =	swait.ge [sflag:s30], $0x1900  }
0x51: {  	[sflag:s30] =	ssyncset.done $0x0  }
0x52: {  	[sflag:s30] =	ssyncadd.s32 $0xFFFFE700  }
0x53: {  	_ =	swait.ge [sflag:s30], $0x1900  }
0x54: {  	[sflag:s30] =	ssyncset.done $0x0  }
0x55: {  	[sflag:s30] =	ssyncadd.s32 $0xFFFFE700  }
0x56: {  	_ =	swait.ge [sflag:s30], $0x1900  }
0x57: {  	[sflag:s30] =	ssyncset.done $0x0  }
0x58: {  	[sflag:s30] =	ssyncadd.s32 $0xFFFFE700  }
0x59: {  	_ =	swait.ge [sflag:s30], $0x1900  }
0x5a: {  	[sflag:s30] =	ssyncset.done $0x0  }
0x5b: {  	[sflag:s30] =	ssyncadd.s32 $0xFFFFE700  }
0x5c: {  	_ =	swait.ge [sflag:s30], $0x1900  }
0x5d: {  	[sflag:s30] =	ssyncset.done $0x0  }
0x5e: {  	[sflag:s30] =	ssyncadd.s32 $0xFFFFE700  }
0x5f: {  	_ =	swait.ge [sflag:s30], $0x1900  }
0x60: {  	[sflag:s30] =	ssyncset.done $0x0  }
0x61: {  	[sflag:s30] =	ssyncadd.s32 $0xFFFFE700  }
0x62: {  	_ =	swait.ge [sflag:s30], $0x1900  }
0x63: {  	[sflag:s30] =	ssyncset.done $0x0  }
0x64: {  	[sflag:s30] =	ssyncadd.s32 $0xFFFFE700  }
0x65: {  	_ =	swait.ge [sflag:s30], $0x1900  }
0x66: {  	[sflag:s30] =	ssyncset.done $0x0  }
0x67: {  	[sflag:s30] =	ssyncadd.s32 $0xFFFFE700  }
0x68: {  	_ =	swait.ge [sflag:s30], $0x1900  }
0x69: {  	[sflag:s30] =	ssyncset.done $0x0  }
0x6a: {  	[sflag:s30] =	ssyncadd.s32 $0xFFFFE700  }
0x6b: {  	_ =	swait.ge [sflag:s30], $0x1900  }
0x6c: {  	[sflag:s30] =	ssyncset.done $0x0  }
0x6d: {  	[sflag:s30] =	ssyncadd.s32 $0xFFFFE700  }
0x6e: {  	_ =	swait.ge [sflag:s30], $0x1900  }
0x6f: {  	[sflag:s30] =	ssyncset.done $0x0  }
0x70: {  	[sflag:s30] =	ssyncadd.s32 $0xFFFFE700  }
0x71: {  	_ =	swait.ge [sflag:s30], $0xC00  }
0x72: {  	[sflag:s30] =	ssyncset.done $0x0  }
0x73: {  	s8 =	simm.s32 @!p0 $0x4;
	[sflag:s30] =	ssyncadd.s32 $0xFFFFF400  }
0x74: {  	_ =	swait.ge @!p0 [sflag:s8], $0x800  }
0x75: {  	[sflag:s8] =	ssyncset.done @!p0 $0x0  }
0x76: {  	[sflag:s8] =	ssyncadd.s32 @!p0 $0xFFFFF800;
	s8 =	simm.s32 $0x0  }
0x77: {  	[tilespmem:s8], [sflag:$0x5] =	stream.linear.gather [hbm4b:s21+s8], $0x500, $0x38;
	[tilespmem:$0x1E480] =	vst v63  }
0x78: {  	_ =	swait.ge [sflag:s31], $0x500  }
0x79: {  	[sflag:s31] =	ssyncset.done $0x0  }
0x7a: {  	s9 =	simm.s32 $0x1000;
	[sflag:s31] =	ssyncadd.s32 $0xFFFFFB00  }
0x7b: {  	[tilespmem:s9], [sflag:$0x5] =	stream.linear.gather [hbm4b:s23+s8], $0x500, $0x38;
	[tilespmem:$0x1E480] =	vst v63  }
0x7c: {  	_ =	swait.ge [sflag:s31], $0x500  }
0x7d: {  	[sflag:s31] =	ssyncset.done $0x0  }
0x7e: {  	s15 =	simm.s32 $0x800;
	[sflag:s31] =	ssyncadd.s32 $0xFFFFFB00  }
0x7f: {  	[tilespmem:s15], [sflag:$0x3] =	stream.linear.gather [hbm4b:s26+s8], $0x500, $0x38;
	[tilespmem:$0x1E480] =	vst v63  }
0x80: {  	s16 =	simm.s32 $0x1800  }
0x81: {  	[tilespmem:s16], [sflag:$0x3] =	stream.linear.gather [hbm4b:s28+s8], $0x500, $0x38;
	[tilespmem:$0x1E480] =	vst v63  }
0x82: {  	_ = 	snop  }
0x83: {  	[tilespmem:s29], [sflag:$0x1] =	stream.indirect.gather [hbm4b:s4+s2], $0x80, s8, s2, $0xb8;
	[tilespmem:$0x1E480] =	vst v63  }
0x84: {  	s10 =	simm.s32 $0x80;
	s11 =	simm.s32 $0x3C00  }
0x85: {  	[tilespmem:s11], [sflag:$0x1] =	stream.indirect.gather [hbm4b:s4+s2], $0x80, s10, s2, $0xb8;
	[tilespmem:$0x1E480] =	vst v63  }
0x86: {  	s13 =	simm.s32 $0x100;
	s14 =	simm.s32 $0x5800  }
0x87: {  	[tilespmem:s14], [sflag:$0x1] =	stream.indirect.gather [hbm4b:s4+s2], $0x80, s13, s2, $0xb8;
	[tilespmem:$0x1E480] =	vst v63  }
.Ltmp3:
0x88: {  	_ = 	snop;
	(pc) =	sbr.rel .LBB2_4-.Ltmp3, $3  }
0x89: {  	s15 =	simm.s32 $0x180;
	s16 =	simm.s32 $0x7400  }
0x8a: {  	[tilespmem:s16], [sflag:$0x1] =	stream.indirect.gather [hbm4b:s4+s2], $0x80, s15, s2, $0xb8;
	[tilespmem:$0x1E480] =	vst v63  }
0x8b: {  	[bflag:$0x0] =	sbarrier.arrive $0xFFFF;
	_ =	sdelay $0x1  }
.LBB2_5:
0x8c: {  	s13 =	simm.s32 $0x4;
	s14 =	simm.s32 $0x0;
	s15 =	simm.s32 $0x4  }
.LBB2_8:
0x8d: {  	s16 =	smul.u32 $0xCD, s15;
	_ =	sdelay $0x1  }
0x8e: {  	s16 =	sshrl.u32 s16, $0xA  }
0x8f: {  	s16 =	sand.u32 $0x3F, s16  }
0x90: {  	s16 =	smul.u32 $0x5, s16;
	_ =	sdelay $0x1  }
0x91: {  	s16 =	ssub.s32 s15, s16  }
0x92: {  	s15 =	sand.u32 $0xFF, s16  }
0x93: {  	s15 =	smul.u32 $0x7000, s15  }
0x94: {  	s14 =	sshll.u32 s14, $0xB  }
0x95: {  	s13 =	sshll.u32 s13, $0x7;
	s14 =	sand.u32 $0x800, s14;
	s15 =	sshrl.u32 s15, $0x2  }
0x96: {  	s13 =	sadd.s32 s13, s14;
	s15 =	sadd.s32 $0x2000, s15  }
0x97: {  	[tilespmem:s15], [sflag:$0x1] =	stream.indirect.gather [hbm4b:s4+s2], $0x80, s13, s2, $0xb8;
	[tilespmem:$0x1E480] =	vst v63  }
.LBB2_9:
0x98: {  	s11 =	sshrl.u32 s11, $0xA  }
0x99: {  	s11 =	sand.u32 $0x3F, s11  }
0x9a: {  	s11 =	smul.u32 $0x5, s11;
	_ =	sdelay $0x1  }
0x9b: {  	s11 =	ssub.s32 s8, s11  }
0x9c: {  	s8 =	sadd.s32 $0x1, s8;
	s11 =	sand.u32 $0xFF, s11  }
0x9d: {  	p1 =	sne.s32 s8, $0xC8;
	s11 =	smul.u32 $0x7000, s11  }
.Ltmp4:
0x9e: {  	s9 =	sshll.u32 s9, $0xB;
	(pc) =	sbr.rel @!p1 .LBB2_10-.Ltmp4, $4  }
0x9f: {  	s10 =	sshll.u32 s10, $0x7;
	s9 =	sand.u32 $0x800, s9  }
0xa0: {  	s9 =	sadd.s32 s10, s9;
	s11 =	sshrl.u32 s11, $0x2  }
0xa1: {  	s9 =	sadd.s32 $0x1000, s9;
	s16 =	sadd.s32 $0x2000, s11  }
0xa2: {  	[spmem:s1] =	stream.indirect.scatter.add.f32 [tilespmem:s16], [sflag:$0x2], $0x80, s9, s2, $0xb8;
	[tilespmem:$0x1E480] =	vst v63  }
.LBB2_4:
0xa3: {  	s11 =	smul.u32 $0xCD, s8;
	_ =	sdelay $0x1  }
0xa4: {  	p1 =	seq.s32 s8, $0x0;
	s9 =	sshrl.u32 s11, $0xB  }
.Ltmp5:
0xa5: {  	s9 =	sand.u32 $0x1F, s9;
	(pc) =	sbr.rel @p1 .LBB2_5-.Ltmp5, $4  }
0xa6: {  	s10 =	smul.u32 $0xA, s9  }
0xa7: {  	_ =	swait.ge [sflag:s0], $0x1900  }
0xa8: {  	[sflag:s0] =	ssyncset.done $0x0;
	s10 =	ssub.s32 s8, s10  }
0xa9: {  	[sflag:s0] =	ssyncadd.s32 $0xFFFFE700;
	s10 =	sand.u32 $0xFF, s10  }
0xaa: {  	p1 =	sne.s32 s10, $0x4;
	s13 =	sadd.s32 $0xFFFFFFFF, s9  }
0xab: {  	p2 =	sgt.u32 @!p1 s13, $0x11  }
0xac: {  	p1 =	por p2, p1  }
0xad: {  	s13 =	sshll.u32 @!p1 s9, $0xB  }
0xae: {  	_ =	swait.ge [sflag:s3], $0x1900;
	s13 =	sadd.s32 @!p1 $0x800, s13  }
0xaf: {  	[sflag:s3] =	ssyncset.done $0x0;
	s14 =	sadd.s32 @!p1 s12, s13  }
0xb0: {  	[sflag:s3] =	ssyncadd.s32 $0xFFFFE700;
	s14 =	sshrl.u32 @!p1 s14, $0x3  }
0xb1: {  	s15 =	simm.s32 @!p1 $0x0;
	s13 =	sand.u32 @!p1 $0x800, s13;
	s14 =	sadd.s32 @!p1 s5, s14  }
0xb2: {  	[tilespmem:s13], [sflag:$0x3] =	stream.linear.gather @!p1 [hbm4b:s14+s15], $0x500, $0x38;
	[tilespmem:$0x1E480] =	vst v63  }
0xb3: {  	s13 =	sor.u32 @!p1 $0x1000, s13;
	s14 =	sadd.s32 @!p1 $0x28000, s14  }
0xb4: {  	[tilespmem:s13], [sflag:$0x3] =	stream.linear.gather @!p1 [hbm4b:s14+s15], $0x500, $0x38;
	[tilespmem:$0x1E480] =	vst v63  }
0xb5: {  	p1 =	sgt.u32 s8, $0xC3  }
.Ltmp6:
0xb6: {  	_ = 	snop;
	(pc) =	sbr.rel @p1 .LBB2_9-.Ltmp6, $1  }
0xb7: {  	_ =	sdelay $0x3  }
0xb8: {  	s15 =	sadd.s32 $0x4, s8  }
0xb9: {  	s13 =	smul.u32 $0xCD, s15;
	_ =	sdelay $0x1  }
0xba: {  	s13 =	sshrl.u32 s13, $0xB  }
0xbb: {  	s14 =	sand.u32 $0x1F, s13  }
0xbc: {  	s13 =	smul.u32 $0xA, s14;
	_ =	sdelay $0x1  }
0xbd: {  	s13 =	ssub.s32 s15, s13  }
0xbe: {  	s13 =	sand.u32 $0xFF, s13  }
0xbf: {  	p1 =	sne.s32 s13, $0x0  }
0xc0: {  	s16 =	simm.s32 @!p1 $0x3  }
0xc1: {  	_ =	swait.ge @!p1 [sflag:s16], $0x500  }
.Ltmp7:
0xc2: {  	[sflag:s16] =	ssyncset.done @!p1 $0x0;
	(pc) =	sbr.rel .LBB2_8-.Ltmp7, $4  }
0xc3: {  	[sflag:s16] =	ssyncadd.s32 @!p1 $0xFFFFFB00  }
0xc4: {  	_ =	swait.ge @!p1 [sflag:s16], $0x500  }
0xc5: {  	[sflag:s16] =	ssyncset.done @!p1 $0x0  }
0xc6: {  	s13 =	simm.s32 @!p1 $0x0;
	[sflag:s16] =	ssyncadd.s32 @!p1 $0xFFFFFB00  }
.LBB2_11:
0xc7: {  	_ =	sfence.sel $0x180000  }
0xc8: {  	[bflag:$0x0] =	sbarrier.arrive $0xFFFF  }
0xc9: {  	_ =	strace $0x9000004D  }
0xca: {  	s0 =	stileid.u32;
	[bflag:$0x2] =	sbarrier.arrive $0xFFFF  }
0xcb: {  	p0 =	sne.s32 s0, $0x0;
	s0 =	rddreg [dreg:$0x2]  }
0xcc: {  	s0 =	sadd.s32 @!p0 $0x100000, s0  }
0xcd: {  	[sflag:s0] =	ssyncadd.tile.s32 @!p0 $0x1;
	_ =	shalt  }
.Lfunc_end2:
_tile_overlayer_lowered:
.L_overlay_start_2:
0xce: {  	(tag) =	ssettag $0x2  }
0xcf: {  	s0 =	rddreg [dreg:$0x0];
	s2 =	stileid.u32  }
0xd0: {  	s1 =	rddreg [dreg:$0x1];
	p0 =	sne.s32 s2, $0x0  }
0xd1: {  	s3 =	rddreg [dreg:$0x2];
	[bflag:$0x3] =	sbarrier.arrive $0xFFFF;
	s2 =	simm.s32 @!p0 $0x1C05  }
0xd2: {  	[timem:s3], [sflag:s2] =	dma.local @!p0 [hbm:s0], s1  }
0xd3: {  	s0 =	simm.s32 @!p0 $0x5  }
0xd4: {  	_ =	swait.ge @!p0 [sflag:s0], s1  }
0xd5: {  	s1 =	ssub.s32 @!p0 $0x0, s1;
	[sflag:s0] =	ssyncset.done @!p0 $0x0  }
0xd6: {  	[sflag:s0] =	ssyncadd.s32 @!p0 s1  }
0xd7: {  	[bflag:$0x3] =	sbarrier.arrive $0xFFFF  }
0xd8: {  	_ =	shalt  }

// kernel: kernel.8.cloned.1.call-start
scs
__scs_entry_jumppad:
0x0: {  	(pc) =	sbr.rel $0x88, $3  }
0x1: {  	(tag) =	ssettag $0x0;
	lr =	simm.s32 $0x1  }
0x2: {  	[smem:$0x3F88] =	sst lr;
	_ =	strace $0xD0000000  }
0x3: {  	_ = 	snop  }
0x4: {  	_ = 	snop  }
0x5: {  	_ = 	snop  }
0x6: {  	_ = 	snop  }
0x7: {  	_ = 	snop  }
__scs_overlays_trampoline_lowered:
0x8: {  	[smem:$0x3F97] =	sst s0  }
0x9: {  	[smem:$0x3F98] =	sst s1  }
0xa: {  	[smem:$0x3F99] =	sst s2  }
0xb: {  	[smem:$0x3F9A] =	sst s3  }
0xc: {  	[smem:$0x3F9B] =	sst s4  }
0xd: {  	[smem:$0x3F9C] =	sst s5  }
0xe: {  	[smem:$0x3F9D] =	sst s6  }
0xf: {  	[smem:$0x3F9E] =	sst s7  }
0x10: {  	[smem:$0x3F9F] =	sst s8  }
0x11: {  	[smem:$0x3FA0] =	sst s9;
	s0 =	simm.s32 @!p0 $0x0  }
0x12: {  	s1 =	sld [smem:$0x3F86];
	s0 =	simm.s32 @p0 $0x1  }
0x13: {  	[smem:$0x3FA1] =	sst s0;
	s0 =	simm.s32 @!p1 $0x0  }
0x14: {  	s2 =	sld [smem:$0x3F85];
	s0 =	simm.s32 @p1 $0x1  }
0x15: {  	[smem:$0x3FA2] =	sst s0;
	s0 =	simm.s32 @!p2 $0x0  }
0x16: {  	s3 =	sld [smem:$0x3FDB];
	s0 =	simm.s32 @p2 $0x1  }
0x17: {  	s4 =	simm.s32 $0x1BF5;
	[smem:$0x3FA4] =	sst s0  }
0x18: {  	s0 =	sld [smem:$0x3F87];
	_ =	swait.ge [sflag:s4], $0x0  }
0x19: {  	s7 =	sld [smem:$0x3F88]  }
0x1a: {  	s8 =	sadd.s32 $0xFFFFE003, lr  }
0x1b: {  	s9 =	sadd.s32 $0xFFFFFEF7, lr;
	s5 =	simm.s32 $0xFFFFFFFF;
	p2 =	slt.u32 s8, $0xFFFFF086  }
0x1c: {  	p1 =	slt.u32 s9, $0xF7A;
	s5 =	simm.s32 @!p2 $0x0  }
0x1d: {  	s5 =	simm.s32 @p1 $0x1;
	p0 =	seq.s32 s7, s2  }
0x1e: {  	s7 =	smul.u32 @!p0 $0xF7A, s2;
	p2 =	seq.s32 @!p0 s5, $0x0  }
0x1f: {  	s9 =	smul.u32 $0xF7A, s1;
	s8 =	simm.s32 @!p0 $0x1BF5;
	p2 =	por !p2, p0  }
0x20: {  	[sflag:s8] =	ssyncset.s32 @!p0 $0xFFFFF086;
	s6 =	sadd.s32 @!p0 s3, s7;
	s7 =	simm.s32 @!p0 $0x108  }
0x21: {  	s3 =	sadd.s32 s3, s9;
	s6 =	sadd.s32 @!p0 $0x88, s6;
	s7 =	simm.s32 @p2 $0x1082  }
0x22: {  	[simem:s7], [sflag:s8] =	dma.local @!p0 [hbm:s6], $0xF7A  }
0x23: {  	s9 =	sor.u32 $0xD0000000, s2;
	s6 =	simm.s32 $0x108;
	_ =	swait.ge @!p0 [sflag:s8], $0x0  }
0x24: {  	s3 =	sadd.s32 $0x88, s3;
	s6 =	simm.s32 @!p1 $0x1082;
	[sflag:s4] =	ssyncset.s32 $0xFFFFF086  }
0x25: {  	[simem:s6], [sflag:s4] =	dma.local [hbm:s3], $0xF7A  }
0x26: {  	[smem:$0x3F88] =	sst s1;
	(tag) =	ssettag s2;
	_ =	strace s9  }
0x27: {  	s1 =	sld [smem:$0x3F98]  }
0x28: {  	s2 =	sld [smem:$0x3F99]  }
0x29: {  	s4 =	sld [smem:$0x3F9B]  }
0x2a: {  	p0 =	seq.s32 s5, $0x0;
	s5 =	sld [smem:$0x3F9C]  }
0x2b: {  	s6 =	sld [smem:$0x3F9D]  }
0x2c: {  	s7 =	sld [smem:$0x3F9E]  }
0x2d: {  	s3 =	simm.s32 $0x108;
	s8 =	sld [smem:$0x3F9F]  }
0x2e: {  	s3 =	simm.s32 @!p0 $0x1082;
	s9 =	sld [smem:$0x3FA0]  }
0x2f: {  	lr =	sadd.s32 s0, s3;
	s0 =	sld [smem:$0x3F97]  }
0x30: {  	s3 =	sld [smem:$0x3F9A]  }
0x31: {  	[smem:$0x3FA3] =	sst s10  }
0x32: {  	s10 =	sld [smem:$0x3FA1];
	_ =	sdelay $0x3  }
0x33: {  	p0 =	seq.s32 s10, $0x1;
	s10 =	sld [smem:$0x3FA3];
	_ =	sdelay $0x3  }
0x34: {  	[smem:$0x3FA3] =	sst s10  }
0x35: {  	s10 =	sld [smem:$0x3FA2];
	_ =	sdelay $0x3  }
0x36: {  	p1 =	seq.s32 s10, $0x1;
	s10 =	sld [smem:$0x3FA3];
	_ =	sdelay $0x3  }
0x37: {  	[smem:$0x3FA3] =	sst s10  }
0x38: {  	s10 =	sld [smem:$0x3FA4]  }
0x39: {  	_ = 	snop;
	(pc) =	sbr.ind lr, $3  }
0x3a: {  	_ = 	snop  }
0x3b: {  	_ = 	snop  }
0x3c: {  	p2 =	seq.s32 s10, $0x1;
	s10 =	sld [smem:$0x3FA3]  }
0x3d: {  	_ =	shalt  }
0x3e: {  	_ =	shalt  }
0x3f: {  	_ =	shalt  }
0x40: {  	_ =	shalt  }
0x41: {  	_ =	shalt  }
0x42: {  	_ =	shalt  }
0x43: {  	_ =	shalt  }
0x44: {  	_ =	shalt  }
0x45: {  	_ =	shalt  }
0x46: {  	_ =	shalt  }
0x47: {  	_ =	shalt  }
0x48: {  	_ =	shalt  }
0x49: {  	_ =	shalt  }
0x4a: {  	_ =	shalt  }
0x4b: {  	_ =	shalt  }
0x4c: {  	_ =	shalt  }
0x4d: {  	_ =	shalt  }
0x4e: {  	_ =	shalt  }
0x4f: {  	_ =	shalt  }
0x50: {  	_ =	shalt  }
0x51: {  	_ =	shalt  }
0x52: {  	_ =	shalt  }
0x53: {  	_ =	shalt  }
0x54: {  	_ =	shalt  }
0x55: {  	_ =	shalt  }
0x56: {  	_ =	shalt  }
0x57: {  	_ =	shalt  }
0x58: {  	_ =	shalt  }
0x59: {  	_ =	shalt  }
0x5a: {  	_ =	shalt  }
0x5b: {  	_ =	shalt  }
0x5c: {  	_ =	shalt  }
0x5d: {  	_ =	shalt  }
0x5e: {  	_ =	shalt  }
0x5f: {  	_ =	shalt  }
0x60: {  	_ =	shalt  }
0x61: {  	_ =	shalt  }
0x62: {  	_ =	shalt  }
0x63: {  	_ =	shalt  }
0x64: {  	_ =	shalt  }
0x65: {  	_ =	shalt  }
0x66: {  	_ =	shalt  }
0x67: {  	_ =	shalt  }
0x68: {  	_ =	shalt  }
0x69: {  	_ =	shalt  }
0x6a: {  	_ =	shalt  }
0x6b: {  	_ =	shalt  }
0x6c: {  	_ =	shalt  }
0x6d: {  	_ =	shalt  }
0x6e: {  	_ =	shalt  }
0x6f: {  	_ =	shalt  }
0x70: {  	_ =	shalt  }
0x71: {  	_ =	shalt  }
0x72: {  	_ =	shalt  }
0x73: {  	_ =	shalt  }
0x74: {  	_ =	shalt  }
0x75: {  	_ =	shalt  }
0x76: {  	_ =	shalt  }
0x77: {  	_ =	shalt  }
0x78: {  	_ =	shalt  }
0x79: {  	_ =	shalt  }
0x7a: {  	_ =	shalt  }
0x7b: {  	_ =	shalt  }
0x7c: {  	_ =	shalt  }
0x7d: {  	_ =	shalt  }
0x7e: {  	_ =	shalt  }
0x7f: {  	_ =	shalt  }
0x80: {  	_ =	shalt  }
0x81: {  	_ =	shalt  }
0x82: {  	_ =	shalt  }
0x83: {  	_ =	shalt  }
0x84: {  	_ =	shalt  }
0x85: {  	_ =	shalt  }
0x86: {  	_ =	shalt  }
0x87: {  	_ =	shalt  }
.Lfunc_end0:
.L_simem_size_0:
called_computation_lowered:
.L_overlay_start_0:
0x88: {  	s2 =	sld [smem:$0x3FD9]  }
0x89: {  	s3 =	sld [smem:$0x3FFE];
	_ =	sdelay $0x1  }
0x8a: {  	s1 =	srdreg.scid  }
0x8b: {  	s0 =	sand.u32 $0x1, s1  }
0x8c: {  	s17 =	sshll.u32 s0, $0xA;
	s2 =	sadd.s32 s3, s2  }
0x8d: {  	s2 =	sadd.s32 s2, s17  }
0x8e: {  	[smem:$0x3FAF] =	sst s2  }
0x8f: {  	_ = 	snop  }
0x90: {  	s2 =	sld [smem:$0x3FC9];
	(tm) =	ssettm $0x1  }
0x91: {  	s18 =	sld [smem:$0x3FFB];
	_ =	sdelay $0x3  }
0x92: {  	_ =	strace s18  }
0x93: {  	s3 =	sld [smem:$0x3FFC];
	_ =	sdelay $0x3  }
0x94: {  	_ =	strace s3  }
0x95: {  	s3 =	sld [smem:$0x3FFD];
	_ =	sdelay $0x3  }
0x96: {  	_ =	strace s3  }
0x97: {  	_ =	strace $0x8FFFFFFF  }
0x98: {  	s19 =	sld [smem:$0x3FDB];
	_ =	sdelay $0x1  }
0x99: {  	s4 =	simm.s32 $_scs_section_size  }
0x9a: {  	s5 =	simm.s32 $_size__tile_overlayer_lowered;
	s6 =	simm.s32 $_tile_overlayer_lowered  }
0x9b: {  	s22 =	simm.s32 $0x1BFF;
	s21 =	sshll.u32 s6, $0x1;
	s3 =	sadd.s32 s4, s19  }
0x9c: {  	s7 =	simm.s32 $0x0;
	s20 =	sshll.u32 s5, $0x1;
	s5 =	sadd.s32 s21, s3  }
0x9d: {  	[timem:s7], [sflag:s22] =	dma.local [hbm:s5], s20  }
0x9e: {  	_ =	swait.ge [sflag:s22], s20  }
0x9f: {  	s4 =	ssub.s32 $0x0, s20;
	[sflag:s22] =	ssyncset.done $0x0  }
0xa0: {  	[sflag:s22] =	ssyncadd.s32 s4;
	_ =	sdelay $0x1  }
0xa1: {  	s23 =	simm.s32 $0x1B8B  }
0xa2: {  	_ =	swait.ge [sflag:s23], $0x1  }
0xa3: {  	[sflag:s23] =	ssyncset.done $0x0  }
0xa4: {  	s25 =	simm.s32 $0x1B8E;
	s24 =	sld [smem:$0x3FFE];
	[sflag:s23] =	ssyncadd.s32 $0xFFFFFFFF  }
0xa5: {  	s26 =	simm.s32 $execute0_lowered;
	[smem:$0x3FD2] =	sst s25  }
0xa6: {  	s5 =	sshll.u32 s26, $0x1;
	_ =	strace $0x80000046;
	[dreg:$0x1] =	wrdreg $0xFFFFFFFF  }
0xa7: {  	s28 =	simm.s32 $_size_execute0_lowered;
	s3 =	sadd.s32 s3, s5;
	[dreg:$0x0] =	wrdreg $0x0  }
0xa8: {  	s5 =	sshll.u32 s28, $0x1;
	[dreg:$0x2] =	wrdreg s3  }
0xa9: {  	[dreg:$0x3] =	wrdreg s5  }
0xaa: {  	[dreg:$0x4] =	wrdreg $0xC0  }
0xab: {  	_ =	task [dreg:s7], $0x5FFFF  }
0xac: {  	[dreg:$0x1] =	wrdreg $0xFFFFFFFF  }
0xad: {  	[dreg:$0x0] =	wrdreg $0x60  }
0xae: {  	[dreg:$0x2] =	wrdreg s2  }
0xaf: {  	[dreg:$0x3] =	wrdreg s24  }
0xb0: {  	[dreg:$0x4] =	wrdreg $0xAC000  }
0xb1: {  	[dreg:$0x5] =	wrdreg $0x9  }
0xb2: {  	_ =	task.clear_ibuf [dreg:s7], $0x6FFFF;
	_ =	strace $0x90000046  }
0xb3: {  	s29 =	simm.s32 $0x9;
	_ =	strace $0x80000048  }
0xb4: {  	_ =	swait.ge [sflag:s29], $0x1  }
0xb5: {  	[sflag:s29] =	ssyncadd.s32 $0xFFFFFFFF  }
0xb6: {  	_ =	strace $0x90000048  }
0xb7: {  	_ =	sfence  }
0xb8: {  	s30 =	sld [smem:$0x0];
	_ =	sdelay $0x2  }
0xb9: {  	s31 =	sshll.u32 s1, $0xD;
	s1 =	sshrl.u32 s1, $0x2  }
0xba: {  	s3 =	sand.u32 $0x4000, s31;
	s1 =	sadd.s32 s1, s30  }
0xbb: {  	s0 =	sor.u32 s3, s0;
	s1 =	sshll.u32 s1, $0x11  }
0xbc: {  	s0 =	sor.u32 s1, s0  }
0xbd: {  	s0 =	sadd.s32 $0x8F2B, s0  }
0xbe: {  	[sflag:s0] =	ssyncadd.remote.s32 $0x1  }
0xbf: {  	_ =	sfence.sel $0xFFFF  }
0xc0: {  	[dreg:$0x0] =	wrdreg $0xFFFFFFFF;
	(pc) =	sbr.abs _section_cstart, $3  }
0xc1: {  	[dreg:$0x1] =	wrdreg $0xFFFFFFFF  }
0xc2: {  	_ =	task.clear_ibuf [dreg:s7], $0x2FFFF;
	_ =	strace $0x9FFFFFFF  }
0xc3: {  	(tm) =	ssettm $0x7FFFFFFF  }
tec
execute0_lowered:
.L_overlay_start_1:
0x0: {  	(tag) =	ssettag $0x1  }
0x1: {  	s1 =	rddreg [dreg:$0x0]  }
0x2: {  	s0 =	rddreg [dreg:$0x1]  }
0x3: {  	s3 =	simm.s32 $0x0;
	s17 =	srdreg.scid;
	s9 =	stileid.u32  }
0x4: {  	[smem:$0x7FF] =	sst s3;
	s3 =	sand.u32 $0x1, s17;
	s4 =	smul.u32 $0x4E000, s9  }
0x5: {  	s2 =	rddreg [dreg:$0x2];
	s29 =	simm.s32 $0x2000;
	s6 =	ssub.s32 $0x2, s3  }
0x6: {  	s30 =	simm.s32 $0x4;
	s7 =	sshrl.u32 s6, $0x1;
	s4 =	sshrl.u32 s4, $0x2  }
0x7: {  	s31 =	simm.s32 $0x5;
	s7 =	ssub.s32 s6, s7;
	s6 =	sadd.s32 s4, s2  }
0x8: {  	s5 =	sadd.s32 $0x5200, s0;
	s0 =	sadd.s32 $0x55200, s0;
	s4 =	sadd.s32 $0x1900, s6  }
0x9: {  	_ =	strace $0x80000047;
	s18 =	sadd.s32 $0x3200, s6;
	[dreg:$0x4] =	wrdreg s4  }
0xa: {  	s8 =	sshll.u32 s9, $0x1;
	s19 =	sadd.s32 $0x4B00, s6;
	[dreg:$0x5] =	wrdreg s18  }
0xb: {  	s26 =	smul.u32 $0x13800, s9;
	s20 =	sadd.s32 $0x6400, s6;
	[dreg:$0x6] =	wrdreg s19  }
0xc: {  	p0 =	sne.s32 s9, $0xF;
	s21 =	sadd.s32 $0x7D00, s6;
	[dreg:$0x7] =	wrdreg s20  }
0xd: {  	s8 =	sor.u32 s3, s8;
	s22 =	sadd.s32 $0x9600, s6;
	[dreg:$0x8] =	wrdreg s21  }
0xe: {  	s3 =	smul.u32 $0x138800, s3;
	s23 =	sadd.s32 $0xAF00, s6;
	[dreg:$0x9] =	wrdreg s22  }
0xf: {  	s12 =	smul.u32 $0xA000, s8;
	s24 =	sadd.s32 $0xC800, s6;
	[dreg:$0xa] =	wrdreg s23  }
0x10: {  	s25 =	sadd.s32 $0xE100, s6;
	s17 =	sadd.s32 $0xFA00, s6;
	[dreg:$0xb] =	wrdreg s24  }
0x11: {  	s8 =	sshrl.u32 s12, $0x3;
	[dreg:$0xc] =	wrdreg s25;
	s18 =	sadd.s32 $0x11300, s6  }
0x12: {  	s19 =	sadd.s32 $0x12C00, s6;
	s20 =	sadd.s32 $0x138000, s2;
	s4 =	sadd.s32 s26, s3  }
.Ltmp0:
0x13: {  	s21 =	sadd.s32 s5, s8;
	s3 =	sshrl.u32 s3, $0x3;
	(pc) =	sbr.rel .LBB2_1-.Ltmp0, $4  }
0x14: {  	s25 =	smax.u32 s7, $0x1;
	s7 =	simm.s32 $0x0;
	s4 =	sshrl.u32 s4, $0x3  }
0x15: {  	s23 =	sadd.s32 $0x28000, s21;
	s26 =	sadd.s32 $0x100, s21;
	s28 =	sadd.s32 $0x28100, s21  }
0x16: {  	s22 =	sadd.s32 s0, s4;
	s0 =	sadd.s32 s0, s3;
	s3 =	simm.s32 $0x32  }
0x17: {  	v0 =	vimm.f32 $0.0e+00;
	s4 =	simm.s32 $0x2;
	s24 =	sadd.s32 $0x27000, s0;
	s0 =	simm.s32 $0x1  }
.LBB2_10:
0x18: {  	_ =	swait.ge [sflag:s4], $0x1900  }
0x19: {  	s8 =	stileid.u32;
	[sflag:s4] =	ssyncset.done $0x0  }
0x1a: {  	s8 =	sshll.u32 s8, $0x6;
	[sflag:s4] =	ssyncadd.s32 $0xFFFFE700  }
0x1b: {  	s9 =	sshrl.u32 s6, $0x3;
	s8 =	sor.u32 $0x1C05, s8;
	[bflag:$0x0] =	sbarrier.arrive $0xFFFF  }
0x1c: {  	[hbm:s22], [sflag:s8] =	dma.local [spmem:s9], $0x2700  }
0x1d: {  	_ =	swait.ge [sflag:s31], $0x2700  }
0x1e: {  	s7 =	sadd.s32 $0x1, s7;
	[sflag:s31] =	ssyncset.done $0x0  }
0x1f: {  	p1 =	sne.s32 s7, s25;
	s9 =	sshrl.u32 @!p0 s20, $0x3;
	[sflag:s31] =	ssyncadd.s32 $0xFFFFD900  }
0x20: {  	[hbm:s24], [sflag:s8] =	dma.local @!p0 [spmem:s9], $0x100  }
.Ltmp1:
0x21: {  	_ = 	snop;
	(pc) =	sbr.rel @!p1 .LBB2_11-.Ltmp1, $4  }
0x22: {  	s8 =	simm.s32 @!p0 $0x5  }
0x23: {  	_ =	swait.ge @!p0 [sflag:s8], $0x100  }
0x24: {  	[sflag:s8] =	ssyncset.done @!p0 $0x0  }
0x25: {  	[sflag:s8] =	ssyncadd.s32 @!p0 $0xFFFFFF00  }
.LBB2_1:
0x26: {  	s9 =	simm.s32 $0x0  }
0x27: {  	s8 =	sand.u32 $0x7E00, s9  }
0x28: {  	s9 =	sand.u32 $0x70, s9;
	s10 =	sshrl.u32 s8, $0x2  }
0x29: {  	s8 =	simm.s32 $0x40;
	s10 =	sor.u32 s9, s10;
	s9 =	simm.s32 $0x0  }
.LBB2_2:
0x2a: {  	p1 =	sne.s32 s8, $0x63C0  }
0x2b: {  	[tilespmem:s10+$0x2000] =	vst v0;
	s9 =	sadd.s32 $0x10, s9;
	s10 =	smov.u32 s8;
	s8 =	sadd.s32 $0x40, s8  }
.Ltmp2:
0x2c: {  	(pc) =	sbr.rel @p1 .LBB2_2-.Ltmp2, $4  }
0x2d: {  	_ = 	snop  }
0x2e: {  	s10 =	sand.u32 $0x7E00, s10  }
0x2f: {  	s11 =	sand.u32 $0x70, s9;
	s10 =	sshrl.u32 s10, $0x2  }
0x30: {  	s10 =	sor.u32 s11, s10  }
0x31: {  	[tilespmem:s10+$0x2000] =	vst v0  }
0x32: {  	[spmem:s6] =	stream.linear.scatter [tilespmem:s29], [sflag:$0x4], $0x1900, $0x38;
	[tilespmem:$0x1E480] =	vst v63  }
0x33: {  	s8 =	rddreg [dreg:$0x4]  }
0x34: {  	[spmem:s8] =	stream.linear.scatter [tilespmem:s29], [sflag:$0x4], $0x1900, $0x38;
	[tilespmem:$0x1E480] =	vst v63  }
0x35: {  	s14 =	rddreg [dreg:$0x5]  }
0x36: {  	[spmem:s14] =	stream.linear.scatter [tilespmem:s29], [sflag:$0x4], $0x1900, $0x38;
	[tilespmem:$0x1E480] =	vst v63  }
0x37: {  	s15 =	rddreg [dreg:$0x6]  }
0x38: {  	[spmem:s15] =	stream.linear.scatter [tilespmem:s29], [sflag:$0x4], $0x1900, $0x38;
	[tilespmem:$0x1E480] =	vst v63  }
0x39: {  	s16 =	rddreg [dreg:$0x7]  }
0x3a: {  	[spmem:s16] =	stream.linear.scatter [tilespmem:s29], [sflag:$0x4], $0x1900, $0x38;
	[tilespmem:$0x1E480] =	vst v63  }
0x3b: {  	s9 =	rddreg [dreg:$0x8]  }
0x3c: {  	[spmem:s9] =	stream.linear.scatter [tilespmem:s29], [sflag:$0x4], $0x1900, $0x38;
	[tilespmem:$0x1E480] =	vst v63  }
0x3d: {  	s10 =	rddreg [dreg:$0x9]  }
0x3e: {  	[spmem:s10] =	stream.linear.scatter [tilespmem:s29], [sflag:$0x4], $0x1900, $0x38;
	[tilespmem:$0x1E480] =	vst v63  }
0x3f: {  	s11 =	rddreg [dreg:$0xa]  }
0x40: {  	[spmem:s11] =	stream.linear.scatter [tilespmem:s29], [sflag:$0x4], $0x1900, $0x38;
	[tilespmem:$0x1E480] =	vst v63  }
0x41: {  	s13 =	rddreg [dreg:$0xb]  }
0x42: {  	[spmem:s13] =	stream.linear.scatter [tilespmem:s29], [sflag:$0x4], $0x1900, $0x38;
	[tilespmem:$0x1E480] =	vst v63  }
0x43: {  	s14 =	rddreg [dreg:$0xc]  }
0x44: {  	[spmem:s14] =	stream.linear.scatter [tilespmem:s29], [sflag:$0x4], $0x1900, $0x38;
	[tilespmem:$0x1E480] =	vst v63  }
0x45: {  	_ = 	snop  }
0x46: {  	[spmem:s17] =	stream.linear.scatter [tilespmem:s29], [sflag:$0x4], $0x1900, $0x38;
	[tilespmem:$0x1E480] =	vst v63  }
0x47: {  	_ = 	snop  }
0x48: {  	[spmem:s18] =	stream.linear.scatter [tilespmem:s29], [sflag:$0x4], $0x1900, $0x38;
	[tilespmem:$0x1E480] =	vst v63  }
0x49: {  	_ = 	snop  }
0x4a: {  	[spmem:s19] =	stream.linear.scatter [tilespmem:s29], [sflag:$0x4], $0xC00, $0x38;
	[tilespmem:$0x1E480] =	vst v63  }
0x4b: {  	s8 =	simm.s32 @!p0 $0x2000  }
0x4c: {  	[spmem:s20] =	stream.linear.scatter @!p0 [tilespmem:s8], [sflag:$0x4], $0x800, $0x38;
	[tilespmem:$0x1E480] =	vst v63  }
0x4d: {  	_ =	swait.ge [sflag:s30], $0x1900  }
0x4e: {  	[sflag:s30] =	ssyncset.done $0x0  }
0x4f: {  	[sflag:s30] =	ssyncadd.s32 $0xFFFFE700  }
0x50: {  	_ =	swait.ge [sflag:s30], $0x1900  }
0x51: {  	[sflag:s30] =	ssyncset.done $0x0  }
0x52: {  	[sflag:s30] =	ssyncadd.s32 $0xFFFFE700  }
0x53: {  	_ =	swait.ge [sflag:s30], $0x1900  }
0x54: {  	[sflag:s30] =	ssyncset.done $0x0  }
0x55: {  	[sflag:s30] =	ssyncadd.s32 $0xFFFFE700  }
0x56: {  	_ =	swait.ge [sflag:s30], $0x1900  }
0x57: {  	[sflag:s30] =	ssyncset.done $0x0  }
0x58: {  	[sflag:s30] =	ssyncadd.s32 $0xFFFFE700  }
0x59: {  	_ =	swait.ge [sflag:s30], $0x1900  }
0x5a: {  	[sflag:s30] =	ssyncset.done $0x0  }
0x5b: {  	[sflag:s30] =	ssyncadd.s32 $0xFFFFE700  }
0x5c: {  	_ =	swait.ge [sflag:s30], $0x1900  }
0x5d: {  	[sflag:s30] =	ssyncset.done $0x0  }
0x5e: {  	[sflag:s30] =	ssyncadd.s32 $0xFFFFE700  }
0x5f: {  	_ =	swait.ge [sflag:s30], $0x1900  }
0x60: {  	[sflag:s30] =	ssyncset.done $0x0  }
0x61: {  	[sflag:s30] =	ssyncadd.s32 $0xFFFFE700  }
0x62: {  	_ =	swait.ge [sflag:s30], $0x1900  }
0x63: {  	[sflag:s30] =	ssyncset.done $0x0  }
0x64: {  	[sflag:s30] =	ssyncadd.s32 $0xFFFFE700  }
0x65: {  	_ =	swait.ge [sflag:s30], $0x1900  }
0x66: {  	[sflag:s30] =	ssyncset.done $0x0  }
0x67: {  	[sflag:s30] =	ssyncadd.s32 $0xFFFFE700  }
0x68: {  	_ =	swait.ge [sflag:s30], $0x1900  }
0x69: {  	[sflag:s30] =	ssyncset.done $0x0  }
0x6a: {  	[sflag:s30] =	ssyncadd.s32 $0xFFFFE700  }
0x6b: {  	_ =	swait.ge [sflag:s30], $0x1900  }
0x6c: {  	[sflag:s30] =	ssyncset.done $0x0  }
0x6d: {  	[sflag:s30] =	ssyncadd.s32 $0xFFFFE700  }
0x6e: {  	_ =	swait.ge [sflag:s30], $0x1900  }
0x6f: {  	[sflag:s30] =	ssyncset.done $0x0  }
0x70: {  	[sflag:s30] =	ssyncadd.s32 $0xFFFFE700  }
0x71: {  	_ =	swait.ge [sflag:s30], $0xC00  }
0x72: {  	[sflag:s30] =	ssyncset.done $0x0  }
0x73: {  	s8 =	simm.s32 @!p0 $0x4;
	[sflag:s30] =	ssyncadd.s32 $0xFFFFF400  }
0x74: {  	_ =	swait.ge @!p0 [sflag:s8], $0x800  }
0x75: {  	[sflag:s8] =	ssyncset.done @!p0 $0x0  }
0x76: {  	[sflag:s8] =	ssyncadd.s32 @!p0 $0xFFFFF800;
	s8 =	simm.s32 $0x0  }
0x77: {  	[tilespmem:s8], [sflag:$0x5] =	stream.linear.gather [hbm4b:s21+s8], $0x500, $0x38;
	[tilespmem:$0x1E480] =	vst v63  }
0x78: {  	_ =	swait.ge [sflag:s31], $0x500  }
0x79: {  	[sflag:s31] =	ssyncset.done $0x0  }
0x7a: {  	s9 =	simm.s32 $0x1000;
	[sflag:s31] =	ssyncadd.s32 $0xFFFFFB00  }
0x7b: {  	[tilespmem:s9], [sflag:$0x5] =	stream.linear.gather [hbm4b:s23+s8], $0x500, $0x38;
	[tilespmem:$0x1E480] =	vst v63  }
0x7c: {  	_ =	swait.ge [sflag:s31], $0x500  }
0x7d: {  	[sflag:s31] =	ssyncset.done $0x0  }
0x7e: {  	s15 =	simm.s32 $0x800;
	[sflag:s31] =	ssyncadd.s32 $0xFFFFFB00  }
0x7f: {  	[tilespmem:s15], [sflag:$0x3] =	stream.linear.gather [hbm4b:s26+s8], $0x500, $0x38;
	[tilespmem:$0x1E480] =	vst v63  }
0x80: {  	s16 =	simm.s32 $0x1800  }
0x81: {  	[tilespmem:s16], [sflag:$0x3] =	stream.linear.gather [hbm4b:s28+s8], $0x500, $0x38;
	[tilespmem:$0x1E480] =	vst v63  }
0x82: {  	_ = 	snop  }
0x83: {  	[tilespmem:s29], [sflag:$0x1] =	stream.indirect.gather [hbm4b:s1+s3], $0x80, s8, s3, $0xb8;
	[tilespmem:$0x1E480] =	vst v63  }
0x84: {  	s10 =	simm.s32 $0x80;
	s11 =	simm.s32 $0x3C00  }
0x85: {  	[tilespmem:s11], [sflag:$0x1] =	stream.indirect.gather [hbm4b:s1+s3], $0x80, s10, s3, $0xb8;
	[tilespmem:$0x1E480] =	vst v63  }
0x86: {  	s13 =	simm.s32 $0x100;
	s14 =	simm.s32 $0x5800  }
0x87: {  	[tilespmem:s14], [sflag:$0x1] =	stream.indirect.gather [hbm4b:s1+s3], $0x80, s13, s3, $0xb8;
	[tilespmem:$0x1E480] =	vst v63  }
.Ltmp3:
0x88: {  	_ = 	snop;
	(pc) =	sbr.rel .LBB2_4-.Ltmp3, $3  }
0x89: {  	s15 =	simm.s32 $0x180;
	s16 =	simm.s32 $0x7400  }
0x8a: {  	[tilespmem:s16], [sflag:$0x1] =	stream.indirect.gather [hbm4b:s1+s3], $0x80, s15, s3, $0xb8;
	[tilespmem:$0x1E480] =	vst v63  }
0x8b: {  	[bflag:$0x0] =	sbarrier.arrive $0xFFFF;
	_ =	sdelay $0x1  }
.LBB2_5:
0x8c: {  	s13 =	simm.s32 $0x4;
	s14 =	simm.s32 $0x0;
	s15 =	simm.s32 $0x4  }
.LBB2_8:
0x8d: {  	s16 =	smul.u32 $0xCD, s15;
	_ =	sdelay $0x1  }
0x8e: {  	s16 =	sshrl.u32 s16, $0xA  }
0x8f: {  	s16 =	sand.u32 $0x3F, s16  }
0x90: {  	s16 =	smul.u32 $0x5, s16;
	_ =	sdelay $0x1  }
0x91: {  	s16 =	ssub.s32 s15, s16  }
0x92: {  	s15 =	sand.u32 $0xFF, s16  }
0x93: {  	s15 =	smul.u32 $0x7000, s15  }
0x94: {  	s14 =	sshll.u32 s14, $0xB  }
0x95: {  	s13 =	sshll.u32 s13, $0x7;
	s14 =	sand.u32 $0x800, s14;
	s15 =	sshrl.u32 s15, $0x2  }
0x96: {  	s13 =	sadd.s32 s13, s14;
	s15 =	sadd.s32 $0x2000, s15  }
0x97: {  	[tilespmem:s15], [sflag:$0x1] =	stream.indirect.gather [hbm4b:s1+s3], $0x80, s13, s3, $0xb8;
	[tilespmem:$0x1E480] =	vst v63  }
.LBB2_9:
0x98: {  	s11 =	sshrl.u32 s11, $0xA  }
0x99: {  	s11 =	sand.u32 $0x3F, s11  }
0x9a: {  	s11 =	smul.u32 $0x5, s11;
	_ =	sdelay $0x1  }
0x9b: {  	s11 =	ssub.s32 s8, s11  }
0x9c: {  	s8 =	sadd.s32 $0x1, s8;
	s11 =	sand.u32 $0xFF, s11  }
0x9d: {  	p1 =	sne.s32 s8, $0xC8;
	s11 =	smul.u32 $0x7000, s11  }
.Ltmp4:
0x9e: {  	s9 =	sshll.u32 s9, $0xB;
	(pc) =	sbr.rel @!p1 .LBB2_10-.Ltmp4, $4  }
0x9f: {  	s10 =	sshll.u32 s10, $0x7;
	s9 =	sand.u32 $0x800, s9  }
0xa0: {  	s9 =	sadd.s32 s10, s9;
	s11 =	sshrl.u32 s11, $0x2  }
0xa1: {  	s9 =	sadd.s32 $0x1000, s9;
	s16 =	sadd.s32 $0x2000, s11  }
0xa2: {  	[spmem:s2] =	stream.indirect.scatter.add.f32 [tilespmem:s16], [sflag:$0x2], $0x80, s9, s3, $0xb8;
	[tilespmem:$0x1E480] =	vst v63  }
.LBB2_4:
0xa3: {  	s11 =	smul.u32 $0xCD, s8;
	_ =	sdelay $0x1  }
0xa4: {  	p1 =	seq.s32 s8, $0x0;
	s9 =	sshrl.u32 s11, $0xB  }
.Ltmp5:
0xa5: {  	s9 =	sand.u32 $0x1F, s9;
	(pc) =	sbr.rel @p1 .LBB2_5-.Ltmp5, $4  }
0xa6: {  	s10 =	smul.u32 $0xA, s9  }
0xa7: {  	_ =	swait.ge [sflag:s0], $0x1900  }
0xa8: {  	[sflag:s0] =	ssyncset.done $0x0;
	s10 =	ssub.s32 s8, s10  }
0xa9: {  	[sflag:s0] =	ssyncadd.s32 $0xFFFFE700;
	s10 =	sand.u32 $0xFF, s10  }
0xaa: {  	p1 =	sne.s32 s10, $0x4;
	s13 =	sadd.s32 $0xFFFFFFFF, s9  }
0xab: {  	p2 =	sgt.u32 @!p1 s13, $0x11  }
0xac: {  	p1 =	por p2, p1  }
0xad: {  	s13 =	sshll.u32 @!p1 s9, $0xB  }
0xae: {  	_ =	swait.ge [sflag:s4], $0x1900;
	s13 =	sadd.s32 @!p1 $0x800, s13  }
0xaf: {  	[sflag:s4] =	ssyncset.done $0x0;
	s14 =	sadd.s32 @!p1 s12, s13  }
0xb0: {  	[sflag:s4] =	ssyncadd.s32 $0xFFFFE700;
	s14 =	sshrl.u32 @!p1 s14, $0x3  }
0xb1: {  	s15 =	simm.s32 @!p1 $0x0;
	s13 =	sand.u32 @!p1 $0x800, s13;
	s14 =	sadd.s32 @!p1 s5, s14  }
0xb2: {  	[tilespmem:s13], [sflag:$0x3] =	stream.linear.gather @!p1 [hbm4b:s14+s15], $0x500, $0x38;
	[tilespmem:$0x1E480] =	vst v63  }
0xb3: {  	s13 =	sor.u32 @!p1 $0x1000, s13;
	s14 =	sadd.s32 @!p1 $0x28000, s14  }
0xb4: {  	[tilespmem:s13], [sflag:$0x3] =	stream.linear.gather @!p1 [hbm4b:s14+s15], $0x500, $0x38;
	[tilespmem:$0x1E480] =	vst v63  }
0xb5: {  	p1 =	sgt.u32 s8, $0xC3  }
.Ltmp6:
0xb6: {  	_ = 	snop;
	(pc) =	sbr.rel @p1 .LBB2_9-.Ltmp6, $1  }
0xb7: {  	_ =	sdelay $0x3  }
0xb8: {  	s15 =	sadd.s32 $0x4, s8  }
0xb9: {  	s13 =	smul.u32 $0xCD, s15;
	_ =	sdelay $0x1  }
0xba: {  	s13 =	sshrl.u32 s13, $0xB  }
0xbb: {  	s14 =	sand.u32 $0x1F, s13  }
0xbc: {  	s13 =	smul.u32 $0xA, s14;
	_ =	sdelay $0x1  }
0xbd: {  	s13 =	ssub.s32 s15, s13  }
0xbe: {  	s13 =	sand.u32 $0xFF, s13  }
0xbf: {  	p1 =	sne.s32 s13, $0x0  }
0xc0: {  	s16 =	simm.s32 @!p1 $0x3  }
0xc1: {  	_ =	swait.ge @!p1 [sflag:s16], $0x500  }
.Ltmp7:
0xc2: {  	[sflag:s16] =	ssyncset.done @!p1 $0x0;
	(pc) =	sbr.rel .LBB2_8-.Ltmp7, $4  }
0xc3: {  	[sflag:s16] =	ssyncadd.s32 @!p1 $0xFFFFFB00  }
0xc4: {  	_ =	swait.ge @!p1 [sflag:s16], $0x500  }
0xc5: {  	[sflag:s16] =	ssyncset.done @!p1 $0x0  }
0xc6: {  	s13 =	simm.s32 @!p1 $0x0;
	[sflag:s16] =	ssyncadd.s32 @!p1 $0xFFFFFB00  }
.LBB2_11:
0xc7: {  	_ =	sfence.sel $0x180000  }
0xc8: {  	[bflag:$0x0] =	sbarrier.arrive $0xFFFF  }
0xc9: {  	_ =	strace $0x90000047  }
0xca: {  	s0 =	stileid.u32;
	[bflag:$0x2] =	sbarrier.arrive $0xFFFF  }
0xcb: {  	p0 =	sne.s32 s0, $0x0;
	s0 =	rddreg [dreg:$0x3]  }
0xcc: {  	s0 =	sadd.s32 @!p0 $0x100000, s0  }
0xcd: {  	[sflag:s0] =	ssyncadd.tile.s32 @!p0 $0x1;
	_ =	shalt  }
.Lfunc_end2:
_tile_overlayer_lowered:
.L_overlay_start_2:
0xce: {  	(tag) =	ssettag $0x2  }
0xcf: {  	s0 =	rddreg [dreg:$0x0];
	s2 =	stileid.u32  }
0xd0: {  	s1 =	rddreg [dreg:$0x1];
	p0 =	sne.s32 s2, $0x0  }
0xd1: {  	s3 =	rddreg [dreg:$0x2];
	[bflag:$0x3] =	sbarrier.arrive $0xFFFF;
	s2 =	simm.s32 @!p0 $0x1C05  }
0xd2: {  	[timem:s3], [sflag:s2] =	dma.local @!p0 [hbm:s0], s1  }
0xd3: {  	s0 =	simm.s32 @!p0 $0x5  }
0xd4: {  	_ =	swait.ge @!p0 [sflag:s0], s1  }
0xd5: {  	s1 =	ssub.s32 @!p0 $0x0, s1;
	[sflag:s0] =	ssyncset.done @!p0 $0x0  }
0xd6: {  	[sflag:s0] =	ssyncadd.s32 @!p0 s1  }
0xd7: {  	[bflag:$0x3] =	sbarrier.arrive $0xFFFF  }
0xd8: {  	_ =	shalt  }

</sc_bundles>
